<compile_context>
chip_gen: v7x
topology: tpu7x:2x2x1
jax: 0.10.2.dev20260603
libtpu: 0.0.44.dev20260713+nightly
codegen_flags: <defaults>
</compile_context>

<pallas_src>
import functools
import jax
import jax.numpy as jnp
from jax import lax
from jax.experimental import pallas as pl
from jax.experimental.pallas import tpu as pltpu, tpu_sc as plsc

N = 10000
E = 320000
P = 65536
D = 128
DH = 256

NC, NS, L = 2, 16, 16
W = 80
EP2 = 327680
NROW = EP2 // W
RB = 32
EPAD = 720896
ECHUNK = 2048
HCH = 1024
NPAD = 10240
SINK = NPAD - 1

_mesh = plsc.VectorSubcoreMesh(core_axis_name="c", subcore_axis_name="s")
_sc_params = pltpu.CompilerParams(needs_layout_passes=False)


@functools.partial(
    pl.kernel,
    out_type=jax.ShapeDtypeStruct((32, 1, NPAD), jnp.float32),
    mesh=_mesh,
    compiler_params=_sc_params,
    scratch_types=[
        pltpu.VMEM((NPAD,), jnp.float32),
        pltpu.VMEM((2, ECHUNK), jnp.int32),
        pltpu.SemaphoreType.DMA,
        pltpu.SemaphoreType.DMA,
    ],
)
def _sc_degrees(s0, d0, s1, d1, dp, deg_v, idx_v, dsem0, dsem1):
    c = lax.axis_index("c")
    s = lax.axis_index("s")
    h = c * 2 + s // 8
    slot = s % 8
    use_dst = s >= 8
    dsems = (dsem0, dsem1)

    @pl.loop(0, NPAD // L)
    def _(i):
        deg_v[pl.ds(i * L, L)] = jnp.zeros((L,), jnp.float32)

    base = slot * (EP2 // 8)
    ones = jnp.ones((L,), jnp.float32)
    nch = EP2 // 8 // ECHUNK

    def fetch(t, k):
        off = base + t * ECHUNK

        @pl.when(jnp.logical_and(c == 0, jnp.logical_not(use_dst)))
        def _():
            pltpu.async_copy(s0.at[pl.ds(off, ECHUNK)], idx_v.at[k], dsems[k])

        @pl.when(jnp.logical_and(c == 0, use_dst))
        def _():
            pltpu.async_copy(d0.at[pl.ds(off, ECHUNK)], idx_v.at[k], dsems[k])

        @pl.when(jnp.logical_and(c == 1, jnp.logical_not(use_dst)))
        def _():
            pltpu.async_copy(s1.at[pl.ds(off, ECHUNK)], idx_v.at[k], dsems[k])

        @pl.when(jnp.logical_and(c == 1, use_dst))
        def _():
            pltpu.async_copy(d1.at[pl.ds(off, ECHUNK)], idx_v.at[k], dsems[k])

    fetch(0, 0)

    @pl.loop(0, nch // 2)
    def _(t2):
        for k in (0, 1):
            t = 2 * t2 + k
            pltpu.make_async_copy(s0.at[pl.ds(0, ECHUNK)], idx_v.at[k],
                                  dsems[k]).wait()

            @pl.when(t + 1 < nch)
            def _():
                fetch(t + 1, 1 - k)

            @pl.loop(0, ECHUNK // L)
            def _(kk):
                idx = idx_v[k, pl.ds(kk * L, L)]
                plsc.addupdate_scatter(deg_v, [idx], ones)

    pltpu.sync_copy(deg_v, dp.at[h * 8 + slot, 0])


@functools.partial(
    pl.kernel,
    out_type=jax.ShapeDtypeStruct((2, NPAD, D), jnp.float32),
    mesh=_mesh,
    compiler_params=_sc_params,
    scratch_types=[
        pltpu.VMEM((32, W), jnp.int32),
        pltpu.VMEM((32, W), jnp.int32),
        pltpu.VMEM((4, W, D), jnp.float32),
        pltpu.VMEM_SHARED((NPAD, D), jnp.float32),
        pltpu.SemaphoreType.DMA,
        pltpu.SemaphoreType.DMA,
        pltpu.SemaphoreType.DMA,
        pltpu.SemaphoreType.DMA,
    ],
)
def _sc_segsum(tt, s03, d03, s13, d13, ag, src_v, dst_v, rows, acc,
               sem0, sem1, sem2, sem3):
    c = lax.axis_index("c")
    s = lax.axis_index("s")
    nsub = NROW // NS

    zrow = rows.at[0]

    @pl.loop(0, W)
    def _(r):
        @pl.loop(0, D // L)
        def _(k):
            zrow[r, pl.ds(k * L, L)] = jnp.zeros((L,), jnp.float32)

    nrows_sub = NPAD // NS

    @pl.loop(0, nrows_sub // W)
    def _(t):
        pltpu.sync_copy(zrow, acc.at[pl.ds(s * nrows_sub + t * W, W)])

    plsc.subcore_barrier()
    sems = (sem0, sem1, sem2, sem3)

    @pl.loop(0, nsub // 32)
    def _(b):
        rbase = s * nsub + b * 32

        @pl.when(c == 0)
        def _():
            pltpu.sync_copy(s03.at[pl.ds(rbase, 32)], src_v)
            pltpu.sync_copy(d03.at[pl.ds(rbase, 32)], dst_v)

        @pl.when(c == 1)
        def _():
            pltpu.sync_copy(s13.at[pl.ds(rbase, 32)], src_v)
            pltpu.sync_copy(d13.at[pl.ds(rbase, 32)], dst_v)

        @pl.loop(0, 32)
        def _(j):
            @pl.loop(0, W // L)
            def _(k):
                src_v[j, pl.ds(k * L, L)] = src_v[j, pl.ds(k * L, L)] + c * NPAD

        for k in range(4):
            pltpu.async_copy(tt.at[src_v.at[k]], rows.at[k], sems[k])

        @pl.loop(0, 8)
        def _(t):
            for k in range(4):
                j = 4 * t + k
                pltpu.make_async_copy(tt.at[src_v.at[j]], rows.at[k],
                                      sems[k]).wait()
                pltpu.sync_copy(rows.at[k], acc.at[dst_v.at[j]], add=True)

                @pl.when(j + 4 < 32)
                def _():
                    pltpu.async_copy(tt.at[src_v.at[j + 4]], rows.at[k],
                                     sems[k])

    plsc.subcore_barrier()
    pltpu.sync_copy(acc.at[pl.ds(s * nrows_sub, nrows_sub)],
                    ag.at[c, pl.ds(s * nrows_sub, nrows_sub)])


@functools.partial(
    pl.kernel,
    out_type=jax.ShapeDtypeStruct((EPAD,), jnp.float32),
    mesh=_mesh,
    compiler_params=_sc_params,
    scratch_types=[
        pltpu.VMEM((NPAD,), jnp.float32),
        pltpu.VMEM((NPAD,), jnp.float32),
        pltpu.VMEM((2, HCH), jnp.int32),
        pltpu.VMEM((2, HCH), jnp.int32),
        pltpu.VMEM((2, HCH), jnp.float32),
        pltpu.VMEM((2, HCH), jnp.float32),
        pltpu.VMEM((L,), jnp.float32),
        pltpu.SemaphoreType.DMA,
        pltpu.SemaphoreType.DMA,
    ],
)
def _sc_head(a_hbm, b_hbm, idxa, idxb, mf, blv, out,
             a_v, b_v, ia_v, ib_v, m_v, o_v, bl_v, hsem0, hsem1):
    c = lax.axis_index("c")
    s = lax.axis_index("s")
    w = s * NC + c
    hsems = (hsem0, hsem1)
    pltpu.sync_copy(a_hbm, a_v)
    pltpu.sync_copy(b_hbm, b_v)
    pltpu.sync_copy(blv, bl_v)
    bl = bl_v[...]
    base = w * (EPAD // (NC * NS))
    nch = EPAD // (NC * NS) // HCH

    def fetch(t, k):
        off = base + t * HCH
        pltpu.async_copy(idxa.at[pl.ds(off, HCH)], ia_v.at[k], hsems[k])
        pltpu.async_copy(idxb.at[pl.ds(off, HCH)], ib_v.at[k], hsems[k])
        pltpu.async_copy(mf.at[pl.ds(off, HCH)], m_v.at[k], hsems[k])

    fetch(0, 0)

    @pl.loop(0, nch // 2)
    def _(t2):
        for k in (0, 1):
            t = 2 * t2 + k
            off = base + t * HCH
            pltpu.make_async_copy(idxa.at[pl.ds(0, HCH)], ia_v.at[k],
                                  hsems[k]).wait()
            pltpu.make_async_copy(idxa.at[pl.ds(0, HCH)], ib_v.at[k],
                                  hsems[k]).wait()
            pltpu.make_async_copy(mf.at[pl.ds(0, HCH)], m_v.at[k],
                                  hsems[k]).wait()

            @pl.when(t + 1 < nch)
            def _():
                fetch(t + 1, 1 - k)

            @pl.loop(0, HCH // L)
            def _(kk):
                ia = ia_v[k, pl.ds(kk * L, L)]
                ib = ib_v[k, pl.ds(kk * L, L)]
                ga = plsc.load_gather(a_v, [ia])
                gb = plsc.load_gather(b_v, [ib])
                z = m_v[k, pl.ds(kk * L, L)] * (ga + gb) + bl
                o_v[k, pl.ds(kk * L, L)] = 1.0 / (1.0 + jnp.exp(-z))

            pltpu.sync_copy(o_v.at[k], out.at[pl.ds(off, HCH)])


_TCB = 1024


def _tc_prep_body(dp_ref, x_ref, g_ref, nor_ref):
    dp = dp_ref[...].reshape(4, 8, _TCB)
    deg = jnp.sum(dp, axis=1)
    nr = lax.rsqrt(jnp.maximum(deg, 1.0))
    ns0, nd0, ns1, nd1 = nr[0], nr[1], nr[2], nr[3]
    x = x_ref[...]
    g_ref[0] = x * ns0[:, None]
    g_ref[1] = x * ns1[:, None]
    nor_ref[...] = jnp.stack([nd0, nd1, ns0, ns1], axis=1)


def _tc_prep(dp, xp):
    return pl.pallas_call(
        _tc_prep_body,
        grid=(NPAD // _TCB,),
        in_specs=[
            pl.BlockSpec((32, 1, _TCB), lambda g: (0, 0, g)),
            pl.BlockSpec((_TCB, D), lambda g: (g, 0)),
        ],
        out_specs=[
            pl.BlockSpec((2, _TCB, D), lambda g: (0, g, 0)),
            pl.BlockSpec((_TCB, 4), lambda g: (g, 0)),
        ],
        out_shape=[
            jax.ShapeDtypeStruct((2, NPAD, D), jnp.float32),
            jax.ShapeDtypeStruct((NPAD, 4), jnp.float32),
        ],
    )(dp, xp)


def _tc_layer1_body(ag_ref, nor_ref, w10_ref, w11_ref, b10_ref, b11_ref,
                    w20_ref, w21_ref, pp_ref):
    nor = nor_ref[...]
    nd0, nd1, ns0, ns1 = nor[:, 0], nor[:, 1], nor[:, 2], nor[:, 3]
    t0 = ag_ref[0] * nd0[:, None]
    t1 = ag_ref[1] * nd1[:, None]
    hpre = (jnp.dot(t0, w10_ref[...], preferred_element_type=jnp.float32)
            + jnp.dot(t1, w11_ref[...], preferred_element_type=jnp.float32)
            + b10_ref[...] + b11_ref[...]) * 0.5
    h = jnp.maximum(hpre, 0.0)
    pp_ref[0] = jnp.dot(h * ns0[:, None], w20_ref[...],
                        preferred_element_type=jnp.float32)
    pp_ref[1] = jnp.dot(h * ns1[:, None], w21_ref[...],
                        preferred_element_type=jnp.float32)


def _tc_layer1(ag, nor, w10, w11, b10, b11, w20, w21):
    full = lambda shape: pl.BlockSpec(shape, lambda g: tuple(0 for _ in shape))
    return pl.pallas_call(
        _tc_layer1_body,
        grid=(NPAD // _TCB,),
        in_specs=[
            pl.BlockSpec((2, _TCB, D), lambda g: (0, g, 0)),
            pl.BlockSpec((_TCB, 4), lambda g: (g, 0)),
            full((D, DH)), full((D, DH)),
            full((1, DH)), full((1, DH)),
            full((DH, D)), full((DH, D)),
        ],
        out_specs=pl.BlockSpec((2, _TCB, D), lambda g: (0, g, 0)),
        out_shape=jax.ShapeDtypeStruct((2, NPAD, D), jnp.float32),
    )(ag, nor, w10, w11, b10, b11, w20, w21)


def _tc_layer2_body(ag_ref, nor_ref, b20_ref, b21_ref, wl_ref, ab_ref):
    nor = nor_ref[...]
    nd0, nd1 = nor[:, 0], nor[:, 1]
    h2 = (ag_ref[0] * nd0[:, None] + ag_ref[1] * nd1[:, None]
          + b20_ref[...] + b21_ref[...]) * 0.5
    r2 = jnp.maximum(h2, 0.0)
    wl = wl_ref[...]
    a = jnp.sum(r2 * wl[0][None, :], axis=1)
    b = jnp.sum(r2 * wl[1][None, :], axis=1)
    ab_ref[...] = jnp.stack([a, b], axis=1)


def _tc_layer2(ag, nor, b20, b21, wl2):
    full = lambda shape: pl.BlockSpec(shape, lambda g: tuple(0 for _ in shape))
    return pl.pallas_call(
        _tc_layer2_body,
        grid=(NPAD // _TCB,),
        in_specs=[
            pl.BlockSpec((2, _TCB, D), lambda g: (0, g, 0)),
            pl.BlockSpec((_TCB, 4), lambda g: (g, 0)),
            full((1, D)), full((1, D)), full((2, D)),
        ],
        out_specs=pl.BlockSpec((_TCB, 2), lambda g: (g, 0)),
        out_shape=jax.ShapeDtypeStruct((NPAD, 2), jnp.float32),
    )(ag, nor, b20, b21, wl2)


def kernel(x, edge_index_rel0, edge_index_rel1, mask_rel0, mask_rel1, n_pairs,
           W1_rel0, W1_rel1, b1_rel0, b1_rel1,
           W2_rel0, W2_rel1, b2_rel0, b2_rel1, Wl, bl):
    src0, dst0 = edge_index_rel0[0], edge_index_rel0[1]
    src1, dst1 = edge_index_rel1[0], edge_index_rel1[1]
    sinkpad = jnp.full((EP2 - E,), SINK, jnp.int32)
    s0p = jnp.concatenate([src0, sinkpad])
    d0p = jnp.concatenate([dst0, sinkpad])
    s1p = jnp.concatenate([src1, sinkpad])
    d1p = jnp.concatenate([dst1, sinkpad])
    s03, d03 = s0p.reshape(NROW, W), d0p.reshape(NROW, W)
    s13, d13 = s1p.reshape(NROW, W), d1p.reshape(NROW, W)

    dp = _sc_degrees(s0p, d0p, s1p, d1p)
    xp = jnp.pad(x, ((0, NPAD - N), (0, 0)))
    g, nor = _tc_prep(dp, xp)

    ag1 = _sc_segsum(g.reshape(2 * NPAD, D), s03, d03, s13, d13)
    pp = _tc_layer1(ag1, nor,
                    W1_rel0, W1_rel1,
                    b1_rel0.reshape(1, DH), b1_rel1.reshape(1, DH),
                    W2_rel0, W2_rel1)
    ag2 = _sc_segsum(pp.reshape(2 * NPAD, D), s03, d03, s13, d13)
    ab = _tc_layer2(ag2, nor,
                    b2_rel0.reshape(1, D), b2_rel1.reshape(1, D),
                    Wl.reshape(2, D))
    a_n, b_n = ab[:, 0], ab[:, 1]

    pad = EPAD - (2 * E + P)
    idxa = jnp.concatenate([src0, src1, n_pairs[:, 0],
                            jnp.zeros((pad,), jnp.int32)])
    idxb = jnp.concatenate([dst0, dst1, n_pairs[:, 1],
                            jnp.zeros((pad,), jnp.int32)])
    mf = jnp.concatenate([mask_rel0.astype(jnp.float32),
                          mask_rel1.astype(jnp.float32),
                          jnp.ones((P,), jnp.float32),
                          jnp.zeros((pad,), jnp.float32)])
    blv = jnp.broadcast_to(bl.astype(jnp.float32).reshape(-1)[:1], (L,))

    out = _sc_head(a_n, b_n, idxa, idxb, mf, blv)
    return out[:2 * E + P, None]

# --- scband reference (transcript-rebuilt; emitter-appended) ---
"""Pipeline reference for scband-bi-gcn-dgl-17119739641944 (READ-ONLY COPY).

The authoritative reference and input builder live on the scoring server;
editing this copy changes nothing except your own understanding.
"""

import jax, jax.numpy as jnp
import numpy as np

N = 10000
E = 320000
P = 65536
D_IN = 128
D_HID = 256
N_CLASSES = 1


def _gconv(h, src, dst, W, b):
    # DGL GraphConv with norm='both': D_dst^{-1/2} A D_src^{-1/2} h W + b
    n = h.shape[0]
    ones = jnp.ones((src.shape[0],), dtype=h.dtype)
    deg_out = jnp.zeros((n,), dtype=h.dtype).at[src].add(ones)
    deg_in = jnp.zeros((n,), dtype=h.dtype).at[dst].add(ones)
    norm_src = jax.lax.rsqrt(jnp.maximum(deg_out, 1.0))
    norm_dst = jax.lax.rsqrt(jnp.maximum(deg_in, 1.0))
    m = h[src] * norm_src[src][:, None]
    agg = jnp.zeros((n, h.shape[1]), dtype=h.dtype).at[dst].add(m)
    return (agg * norm_dst[:, None]) @ W + b


def setup_inputs(seed: int = 0) -> dict:
    key = jax.random.key(seed)
    ks = jax.random.split(key, 16)
    x = jax.random.normal(ks[0], (N, D_IN), dtype=jnp.float32)
    edge_index_rel0 = jax.random.randint(ks[1], (2, E), 0, N, dtype=jnp.int32)
    edge_index_rel1 = jax.random.randint(ks[2], (2, E), 0, N, dtype=jnp.int32)
    mask_rel0 = jnp.ones((E,), dtype=bool)
    mask_rel1 = jnp.ones((E,), dtype=bool)
    n_pairs = jax.random.randint(ks[3], (P, 2), 0, N, dtype=jnp.int32)
    s1 = 1.0 / np.sqrt(D_IN)
    s2 = 1.0 / np.sqrt(D_HID)
    W1_rel0 = jax.random.normal(ks[4], (D_IN, D_HID), dtype=jnp.float32) * s1
    W1_rel1 = jax.random.normal(ks[5], (D_IN, D_HID), dtype=jnp.float32) * s1
    b1_rel0 = jnp.zeros((D_HID,), dtype=jnp.float32)
    b1_rel1 = jnp.zeros((D_HID,), dtype=jnp.float32)
    W2_rel0 = jax.random.normal(ks[6], (D_HID, D_IN), dtype=jnp.float32) * s2
    W2_rel1 = jax.random.normal(ks[7], (D_HID, D_IN), dtype=jnp.float32) * s2
    b2_rel0 = jnp.zeros((D_IN,), dtype=jnp.float32)
    b2_rel1 = jnp.zeros((D_IN,), dtype=jnp.float32)
    Wl = jax.random.normal(ks[8], (2 * D_IN, N_CLASSES), dtype=jnp.float32) * s2
    bl = jnp.zeros((N_CLASSES,), dtype=jnp.float32)
    return {
        "x": x,
        "edge_index_rel0": edge_index_rel0,
        "edge_index_rel1": edge_index_rel1,
        "mask_rel0": mask_rel0,
        "mask_rel1": mask_rel1,
        "n_pairs": n_pairs,
        "W1_rel0": W1_rel0, "W1_rel1": W1_rel1,
        "b1_rel0": b1_rel0, "b1_rel1": b1_rel1,
        "W2_rel0": W2_rel0, "W2_rel1": W2_rel1,
        "b2_rel0": b2_rel0, "b2_rel1": b2_rel1,
        "Wl": Wl, "bl": bl,
    }


def reference(x, edge_index_rel0, edge_index_rel1, mask_rel0, mask_rel1, n_pairs,
              W1_rel0, W1_rel1, b1_rel0, b1_rel1,
              W2_rel0, W2_rel1, b2_rel0, b2_rel1, Wl, bl):
    ei0s, ei0d = edge_index_rel0[0], edge_index_rel0[1]
    ei1s, ei1d = edge_index_rel1[0], edge_index_rel1[1]
    # HeteroGraphConv layer 1, aggregate='mean' over relations
    h = (_gconv(x, ei0s, ei0d, W1_rel0, b1_rel0) + _gconv(x, ei1s, ei1d, W1_rel1, b1_rel1)) / 2.0
    h = jax.nn.relu(h)
    # layer 2
    h2 = (_gconv(h, ei0s, ei0d, W2_rel0, b2_rel0) + _gconv(h, ei1s, ei1d, W2_rel1, b2_rel1)) / 2.0
    parts = []
    for (src, dst, mask) in ((ei0s, ei0d, mask_rel0), (ei1s, ei1d, mask_rel1)):
        he = jnp.concatenate([h2[src], h2[dst]], axis=1)
        he = jnp.where(mask[:, None], he, jnp.zeros_like(he))
        parts.append(he)
    hp = jnp.concatenate([h2[n_pairs[:, 0]], h2[n_pairs[:, 1]]], axis=1)
    parts.append(hp)
    h_cat = jnp.concatenate(parts, axis=0)
    return jax.nn.sigmoid(jax.nn.relu(h_cat) @ Wl + bl)

if __name__ == "__main__":
    import jax
    _d = setup_inputs()
    print(jax.jit(kernel)(*tuple(_d.values())))

</pallas_src>

<mosaic_0001>
#map = affine_map<(d0, d1) -> (0)>
#map1 = affine_map<(d0, d1) -> (0, 0, 0)>
module attributes {stable_mosaic.version = 14 : i64} {
  func.func @_sc_degrees(%arg0: i32, %arg1: i32, %arg2: memref<327680xi32, #tpu.memory_space<hbm>>, %arg3: memref<327680xi32, #tpu.memory_space<hbm>>, %arg4: memref<327680xi32, #tpu.memory_space<hbm>>, %arg5: memref<327680xi32, #tpu.memory_space<hbm>>, %arg6: memref<32x1x10240xf32, #tpu.memory_space<hbm>>, %arg7: memref<10240xf32, #tpu.memory_space<vmem>>, %arg8: memref<2x2048xi32, #tpu.memory_space<vmem>>, %arg9: memref<!tpu.dma_semaphore, #tpu.memory_space<semaphore_mem>>, %arg10: memref<!tpu.dma_semaphore, #tpu.memory_space<semaphore_mem>>) attributes {dimension_semantics = [#tpu.dimension_semantics<core_parallel>, #tpu.dimension_semantics<subcore_parallel>], iteration_bounds = array<i64: 2, 16>, scalar_prefetch = 0 : i64, scratch_operands = 4 : i64, tpu.core_type = #tpu.core_type<sc_vector_subcore>, window_params = [{transform_indices = #map}, {transform_indices = #map}, {transform_indices = #map}, {transform_indices = #map}, {transform_indices = #map1}]} {
    %mul3A = arith.constant 2 : i32
    %mul3A_0 = arith.muli %arg0, %mul3A : i32
    %jit3A = arith.constant 8 : i32
    %div3A = arith.divsi %arg1, %jit3A : i32
    %sign3A = arith.constant 0 : i32
    %sign3A_1 = arith.cmpi sgt, %arg1, %sign3A : i32
    %sign3A_2 = arith.extui %sign3A_1 : i1 to i32
    %sign3A_3 = arith.constant 0 : i32
    %sign3A_4 = arith.cmpi slt, %arg1, %sign3A_3 : i32
    %sign3A_5 = arith.extui %sign3A_4 : i1 to i32
    %sign3A_6 = arith.subi %sign3A_2, %sign3A_5 : i32
    %sign3A_7 = arith.constant 0 : i32
    %sign3A_8 = arith.cmpi sgt, %jit3A, %sign3A_7 : i32
    %sign3A_9 = arith.extui %sign3A_8 : i1 to i32
    %sign3A_10 = arith.constant 0 : i32
    %sign3A_11 = arith.cmpi slt, %jit3A, %sign3A_10 : i32
    %sign3A_12 = arith.extui %sign3A_11 : i1 to i32
    %sign3A_13 = arith.subi %sign3A_9, %sign3A_12 : i32
    %ne3A = arith.cmpi ne, %sign3A_6, %sign3A_13 : i32
    %rem3A = arith.remsi %arg1, %jit3A : i32
    %ne3A_14 = arith.constant 0 : i32
    %ne3A_15 = arith.cmpi ne, %rem3A, %ne3A_14 : i32
    %and3A = arith.andi %ne3A, %ne3A_15 : i1
    %sub3A = arith.constant 1 : i32
    %sub3A_16 = arith.subi %div3A, %sub3A : i32
    %select_n3A = arith.select %and3A, %sub3A_16, %div3A : i32
    %add3A = arith.addi %mul3A_0, %select_n3A : i32
    %jit3A_17 = arith.constant 8 : i32
    %eq3A = arith.constant 0 : i32
    %eq3A_18 = arith.cmpi eq, %jit3A_17, %eq3A : i32
    %jit3A_19 = arith.constant 1 : i32
    %select_n3A_20 = arith.select %eq3A_18, %jit3A_19, %jit3A_17 : i32
    %rem3A_21 = arith.remsi %arg1, %select_n3A_20 : i32
    %ne3A_22 = arith.constant 0 : i32
    %ne3A_23 = arith.cmpi ne, %rem3A_21, %ne3A_22 : i32
    %lt3A = arith.constant 0 : i32
    %lt3A_24 = arith.cmpi slt, %rem3A_21, %lt3A : i32
    %lt3A_25 = arith.constant 0 : i32
    %lt3A_26 = arith.cmpi slt, %select_n3A_20, %lt3A_25 : i32
    %ne3A_27 = arith.xori %lt3A_24, %lt3A_26 : i1
    %and3A_28 = arith.andi %ne3A_27, %ne3A_23 : i1
    %add3A_29 = arith.addi %rem3A_21, %select_n3A_20 : i32
    %select_n3A_30 = arith.select %and3A_28, %add3A_29, %rem3A_21 : i32
    %ge3A = arith.constant 8 : i32
    %ge3A_31 = arith.cmpi sge, %arg1, %ge3A : i32
    %scan3A = arith.constant 0 : i32
    %scan3A_32 = arith.constant 640 : i32
    %scan3A_33 = arith.addi %scan3A, %scan3A_32 : i32
    %scan3A_34 = arith.constant 1 : i32
    scf.for %scan3A_74 = %scan3A to %scan3A_33 step %scan3A_34  : i32 {
      %mul3A_75 = arith.constant 1 : i32
      %mul3A_76 = arith.muli %scan3A_74, %mul3A_75 : i32
      %add3A_77 = arith.constant 0 : i32
      %add3A_78 = arith.addi %add3A_77, %mul3A_76 : i32
      %broadcast_in_dim3A_79 = arith.constant 0.000000e+00 : f32
      %broadcast_in_dim3A_80 = vector.broadcast %broadcast_in_dim3A_79 : f32 to vector<16xf32>
      %mul3A_81 = arith.constant 16 : i32
      %mul3A_82 = arith.muli %add3A_78, %mul3A_81 : i32
      %swap3A = arith.index_cast %mul3A_82 : i32 to index
      %swap3A_83 = tpu.vector_load %arg7[%swap3A] {strides = array<i32>} : memref<10240xf32, #tpu.memory_space<vmem>>, vector<16xf32>,
      tpu.vector_store %arg7[%swap3A], %broadcast_in_dim3A_80 {strides = array<i32>} : memref<10240xf32, #tpu.memory_space<vmem>>, vector<16xf32>,
    }
    %scan3A_35 = arith.constant 640 : i32
    %mul3A_36 = arith.constant 40960 : i32
    %mul3A_37 = arith.muli %select_n3A_30, %mul3A_36 : i32
    %broadcast_in_dim3A = arith.constant 1.000000e+00 : f32
    %broadcast_in_dim3A_38 = vector.broadcast %broadcast_in_dim3A : f32 to vector<16xf32>
    %add3A_39 = arith.constant 0 : i32
    %add3A_40 = arith.addi %mul3A_37, %add3A_39 : i32
    %eq3A_41 = arith.constant 0 : i32
    %eq3A_42 = arith.cmpi eq, %arg0, %eq3A_41 : i32
    %not3A = arith.constant true
    %not3A_43 = arith.xori %ge3A_31, %not3A : i1
    %and3A_44 = arith.andi %eq3A_42, %not3A_43 : i1
    %convert_element_type3A = arith.extui %and3A_44 : i1 to i32
    %cond3A = arith.constant 0 : i32
    %cond3A_45 = arith.cmpi ne, %convert_element_type3A, %cond3A : i32
    scf.if %cond3A_45 {
      %dma_start3A = arith.constant 0 : i32
      %dma_start3A_74 = arith.constant 0 : i32
      %dma_start3A_75 = tpu.memref_slice %arg8[%dma_start3A, %dma_start3A_74] : memref<2x2048xi32, #tpu.memory_space<vmem>> -> memref<1x2048xi32, #tpu.memory_space<vmem>>
      %dma_start3A_76 = tpu.memref_squeeze %dma_start3A_75 : memref<1x2048xi32, #tpu.memory_space<vmem>> -> memref<2048xi32, #tpu.memory_space<vmem>>
      %dma_start3A_77 = tpu.memref_slice %arg2[%add3A_40] : memref<327680xi32, #tpu.memory_space<hbm>> -> memref<2048xi32, #tpu.memory_space<hbm>>
      %dma_start3A_78 = arith.constant 0 : i32
      %dma_start3A_79 = tpu.memref_slice %arg8[%dma_start3A, %dma_start3A_78] : memref<2x2048xi32, #tpu.memory_space<vmem>> -> memref<1x2048xi32, #tpu.memory_space<vmem>>
      %dma_start3A_80 = tpu.memref_squeeze %dma_start3A_79 : memref<1x2048xi32, #tpu.memory_space<vmem>> -> memref<2048xi32, #tpu.memory_space<vmem>>
      %dma_start3A_81 = tpu.memref_slice %arg2[%add3A_40] : memref<327680xi32, #tpu.memory_space<hbm>> -> memref<2048xi32, #tpu.memory_space<hbm>>
      tpu.enqueue_dma source(%dma_start3A_81 : memref<2048xi32, #tpu.memory_space<hbm>>) target(%dma_start3A_80 : memref<2048xi32, #tpu.memory_space<vmem>>) target_semaphore(%arg9 : memref<!tpu.dma_semaphore, #tpu.memory_space<semaphore_mem>>)
    } else {
    }
    %eq3A_46 = arith.constant 0 : i32
    %eq3A_47 = arith.cmpi eq, %arg0, %eq3A_46 : i32
    %and3A_48 = arith.andi %eq3A_47, %ge3A_31 : i1
    %convert_element_type3A_49 = arith.extui %and3A_48 : i1 to i32
    %cond3A_50 = arith.constant 0 : i32
    %cond3A_51 = arith.cmpi ne, %convert_element_type3A_49, %cond3A_50 : i32
    scf.if %cond3A_51 {
      %dma_start3A = arith.constant 0 : i32
      %dma_start3A_74 = arith.constant 0 : i32
      %dma_start3A_75 = tpu.memref_slice %arg8[%dma_start3A, %dma_start3A_74] : memref<2x2048xi32, #tpu.memory_space<vmem>> -> memref<1x2048xi32, #tpu.memory_space<vmem>>
      %dma_start3A_76 = tpu.memref_squeeze %dma_start3A_75 : memref<1x2048xi32, #tpu.memory_space<vmem>> -> memref<2048xi32, #tpu.memory_space<vmem>>
      %dma_start3A_77 = tpu.memref_slice %arg3[%add3A_40] : memref<327680xi32, #tpu.memory_space<hbm>> -> memref<2048xi32, #tpu.memory_space<hbm>>
      %dma_start3A_78 = arith.constant 0 : i32
      %dma_start3A_79 = tpu.memref_slice %arg8[%dma_start3A, %dma_start3A_78] : memref<2x2048xi32, #tpu.memory_space<vmem>> -> memref<1x2048xi32, #tpu.memory_space<vmem>>
      %dma_start3A_80 = tpu.memref_squeeze %dma_start3A_79 : memref<1x2048xi32, #tpu.memory_space<vmem>> -> memref<2048xi32, #tpu.memory_space<vmem>>
      %dma_start3A_81 = tpu.memref_slice %arg3[%add3A_40] : memref<327680xi32, #tpu.memory_space<hbm>> -> memref<2048xi32, #tpu.memory_space<hbm>>
      tpu.enqueue_dma source(%dma_start3A_81 : memref<2048xi32, #tpu.memory_space<hbm>>) target(%dma_start3A_80 : memref<2048xi32, #tpu.memory_space<vmem>>) target_semaphore(%arg9 : memref<!tpu.dma_semaphore, #tpu.memory_space<semaphore_mem>>)
    } else {
    }
    %eq3A_52 = arith.constant 1 : i32
    %eq3A_53 = arith.cmpi eq, %arg0, %eq3A_52 : i32
    %not3A_54 = arith.constant true
    %not3A_55 = arith.xori %ge3A_31, %not3A_54 : i1
    %and3A_56 = arith.andi %eq3A_53, %not3A_55 : i1
    %convert_element_type3A_57 = arith.extui %and3A_56 : i1 to i32
    %cond3A_58 = arith.constant 0 : i32
    %cond3A_59 = arith.cmpi ne, %convert_element_type3A_57, %cond3A_58 : i32
    scf.if %cond3A_59 {
      %dma_start3A = arith.constant 0 : i32
      %dma_start3A_74 = arith.constant 0 : i32
      %dma_start3A_75 = tpu.memref_slice %arg8[%dma_start3A, %dma_start3A_74] : memref<2x2048xi32, #tpu.memory_space<vmem>> -> memref<1x2048xi32, #tpu.memory_space<vmem>>
      %dma_start3A_76 = tpu.memref_squeeze %dma_start3A_75 : memref<1x2048xi32, #tpu.memory_space<vmem>> -> memref<2048xi32, #tpu.memory_space<vmem>>
      %dma_start3A_77 = tpu.memref_slice %arg4[%add3A_40] : memref<327680xi32, #tpu.memory_space<hbm>> -> memref<2048xi32, #tpu.memory_space<hbm>>
      %dma_start3A_78 = arith.constant 0 : i32
      %dma_start3A_79 = tpu.memref_slice %arg8[%dma_start3A, %dma_start3A_78] : memref<2x2048xi32, #tpu.memory_space<vmem>> -> memref<1x2048xi32, #tpu.memory_space<vmem>>
      %dma_start3A_80 = tpu.memref_squeeze %dma_start3A_79 : memref<1x2048xi32, #tpu.memory_space<vmem>> -> memref<2048xi32, #tpu.memory_space<vmem>>
      %dma_start3A_81 = tpu.memref_slice %arg4[%add3A_40] : memref<327680xi32, #tpu.memory_space<hbm>> -> memref<2048xi32, #tpu.memory_space<hbm>>
      tpu.enqueue_dma source(%dma_start3A_81 : memref<2048xi32, #tpu.memory_space<hbm>>) target(%dma_start3A_80 : memref<2048xi32, #tpu.memory_space<vmem>>) target_semaphore(%arg9 : memref<!tpu.dma_semaphore, #tpu.memory_space<semaphore_mem>>)
    } else {
    }
    %eq3A_60 = arith.constant 1 : i32
    %eq3A_61 = arith.cmpi eq, %arg0, %eq3A_60 : i32
    %and3A_62 = arith.andi %eq3A_61, %ge3A_31 : i1
    %convert_element_type3A_63 = arith.extui %and3A_62 : i1 to i32
    %cond3A_64 = arith.constant 0 : i32
    %cond3A_65 = arith.cmpi ne, %convert_element_type3A_63, %cond3A_64 : i32
    scf.if %cond3A_65 {
      %dma_start3A = arith.constant 0 : i32
      %dma_start3A_74 = arith.constant 0 : i32
      %dma_start3A_75 = tpu.memref_slice %arg8[%dma_start3A, %dma_start3A_74] : memref<2x2048xi32, #tpu.memory_space<vmem>> -> memref<1x2048xi32, #tpu.memory_space<vmem>>
      %dma_start3A_76 = tpu.memref_squeeze %dma_start3A_75 : memref<1x2048xi32, #tpu.memory_space<vmem>> -> memref<2048xi32, #tpu.memory_space<vmem>>
      %dma_start3A_77 = tpu.memref_slice %arg5[%add3A_40] : memref<327680xi32, #tpu.memory_space<hbm>> -> memref<2048xi32, #tpu.memory_space<hbm>>
      %dma_start3A_78 = arith.constant 0 : i32
      %dma_start3A_79 = tpu.memref_slice %arg8[%dma_start3A, %dma_start3A_78] : memref<2x2048xi32, #tpu.memory_space<vmem>> -> memref<1x2048xi32, #tpu.memory_space<vmem>>
      %dma_start3A_80 = tpu.memref_squeeze %dma_start3A_79 : memref<1x2048xi32, #tpu.memory_space<vmem>> -> memref<2048xi32, #tpu.memory_space<vmem>>
      %dma_start3A_81 = tpu.memref_slice %arg5[%add3A_40] : memref<327680xi32, #tpu.memory_space<hbm>> -> memref<2048xi32, #tpu.memory_space<hbm>>
      tpu.enqueue_dma source(%dma_start3A_81 : memref<2048xi32, #tpu.memory_space<hbm>>) target(%dma_start3A_80 : memref<2048xi32, #tpu.memory_space<vmem>>) target_semaphore(%arg9 : memref<!tpu.dma_semaphore, #tpu.memory_space<semaphore_mem>>)
    } else {
    }
    %scan3A_66 = arith.constant 0 : i32
    %scan3A_67 = arith.constant 10 : i32
    %scan3A_68 = arith.addi %scan3A_66, %scan3A_67 : i32
    %scan3A_69 = arith.constant 1 : i32
    scf.for %scan3A_74 = %scan3A_66 to %scan3A_68 step %scan3A_69  : i32 {
      %mul3A_75 = arith.constant 1 : i32
      %mul3A_76 = arith.muli %scan3A_74, %mul3A_75 : i32
      %add3A_77 = arith.constant 0 : i32
      %add3A_78 = arith.addi %add3A_77, %mul3A_76 : i32
      %mul3A_79 = arith.constant 2 : i32
      %mul3A_80 = arith.muli %mul3A_79, %add3A_78 : i32
      %add3A_81 = arith.constant 0 : i32
      %add3A_82 = arith.addi %mul3A_80, %add3A_81 : i32
      %dma_wait3A = arith.constant 0 : i32
      %dma_wait3A_83 = arith.constant 0 : i32
      %dma_wait3A_84 = tpu.memref_slice %arg8[%dma_wait3A, %dma_wait3A_83] : memref<2x2048xi32, #tpu.memory_space<vmem>> -> memref<1x2048xi32, #tpu.memory_space<vmem>>
      %dma_wait3A_85 = tpu.memref_squeeze %dma_wait3A_84 : memref<1x2048xi32, #tpu.memory_space<vmem>> -> memref<2048xi32, #tpu.memory_space<vmem>>
      %dma_wait3A_86 = arith.constant 0 : i32
      %dma_wait3A_87 = tpu.memref_slice %arg2[%dma_wait3A_86] : memref<327680xi32, #tpu.memory_space<hbm>> -> memref<2048xi32, #tpu.memory_space<hbm>>
      %dma_wait3A_88 = arith.constant 0 : i32
      %dma_wait3A_89 = tpu.memref_slice %arg8[%dma_wait3A, %dma_wait3A_88] : memref<2x2048xi32, #tpu.memory_space<vmem>> -> memref<1x2048xi32, #tpu.memory_space<vmem>>
      %dma_wait3A_90 = tpu.memref_squeeze %dma_wait3A_89 : memref<1x2048xi32, #tpu.memory_space<vmem>> -> memref<2048xi32, #tpu.memory_space<vmem>>
      %dma_wait3A_91 = arith.constant 0 : i32
      %dma_wait3A_92 = tpu.memref_slice %arg2[%dma_wait3A_91] : memref<327680xi32, #tpu.memory_space<hbm>> -> memref<2048xi32, #tpu.memory_space<hbm>>
      tpu.wait_dma2 semaphore(%arg9 : memref<!tpu.dma_semaphore, #tpu.memory_space<semaphore_mem>>) src(%dma_wait3A_92 : memref<2048xi32, #tpu.memory_space<hbm>>) dst(%dma_wait3A_90 : memref<2048xi32, #tpu.memory_space<vmem>>)
      %add3A_93 = arith.constant 1 : i32
      %add3A_94 = arith.addi %add3A_82, %add3A_93 : i32
      %lt3A_95 = arith.constant 20 : i32
      %lt3A_96 = arith.cmpi slt, %add3A_94, %lt3A_95 : i32
      %convert_element_type3A_97 = arith.extui %lt3A_96 : i1 to i32
      %cond3A_98 = arith.constant 0 : i32
      %cond3A_99 = arith.cmpi ne, %convert_element_type3A_97, %cond3A_98 : i32
      scf.if %cond3A_99 {
        %add3A_132 = arith.constant 1 : i32
        %add3A_133 = arith.addi %add3A_82, %add3A_132 : i32
        %mul3A_134 = arith.constant 2048 : i32
        %mul3A_135 = arith.muli %add3A_133, %mul3A_134 : i32
        %add3A_136 = arith.addi %mul3A_37, %mul3A_135 : i32
        %eq3A_137 = arith.constant 0 : i32
        %eq3A_138 = arith.cmpi eq, %arg0, %eq3A_137 : i32
        %not3A_139 = arith.constant true
        %not3A_140 = arith.xori %ge3A_31, %not3A_139 : i1
        %and3A_141 = arith.andi %eq3A_138, %not3A_140 : i1
        %convert_element_type3A_142 = arith.extui %and3A_141 : i1 to i32
        %cond3A_143 = arith.constant 0 : i32
        %cond3A_144 = arith.cmpi ne, %convert_element_type3A_142, %cond3A_143 : i32
        scf.if %cond3A_144 {
          %dma_start3A = arith.constant 1 : i32
          %dma_start3A_165 = arith.constant 0 : i32
          %dma_start3A_166 = tpu.memref_slice %arg8[%dma_start3A, %dma_start3A_165] : memref<2x2048xi32, #tpu.memory_space<vmem>> -> memref<1x2048xi32, #tpu.memory_space<vmem>>
          %dma_start3A_167 = tpu.memref_squeeze %dma_start3A_166 : memref<1x2048xi32, #tpu.memory_space<vmem>> -> memref<2048xi32, #tpu.memory_space<vmem>>
          %dma_start3A_168 = tpu.memref_slice %arg2[%add3A_136] : memref<327680xi32, #tpu.memory_space<hbm>> -> memref<2048xi32, #tpu.memory_space<hbm>>
          %dma_start3A_169 = arith.constant 0 : i32
          %dma_start3A_170 = tpu.memref_slice %arg8[%dma_start3A, %dma_start3A_169] : memref<2x2048xi32, #tpu.memory_space<vmem>> -> memref<1x2048xi32, #tpu.memory_space<vmem>>
          %dma_start3A_171 = tpu.memref_squeeze %dma_start3A_170 : memref<1x2048xi32, #tpu.memory_space<vmem>> -> memref<2048xi32, #tpu.memory_space<vmem>>
          %dma_start3A_172 = tpu.memref_slice %arg2[%add3A_136] : memref<327680xi32, #tpu.memory_space<hbm>> -> memref<2048xi32, #tpu.memory_space<hbm>>
          tpu.enqueue_dma source(%dma_start3A_172 : memref<2048xi32, #tpu.memory_space<hbm>>) target(%dma_start3A_171 : memref<2048xi32, #tpu.memory_space<vmem>>) target_semaphore(%arg10 : memref<!tpu.dma_semaphore, #tpu.memory_space<semaphore_mem>>)
        } else {
        }
        %eq3A_145 = arith.constant 0 : i32
        %eq3A_146 = arith.cmpi eq, %arg0, %eq3A_145 : i32
        %and3A_147 = arith.andi %eq3A_146, %ge3A_31 : i1
        %convert_element_type3A_148 = arith.extui %and3A_147 : i1 to i32
        %cond3A_149 = arith.constant 0 : i32
        %cond3A_150 = arith.cmpi ne, %convert_element_type3A_148, %cond3A_149 : i32
        scf.if %cond3A_150 {
          %dma_start3A = arith.constant 1 : i32
          %dma_start3A_165 = arith.constant 0 : i32
          %dma_start3A_166 = tpu.memref_slice %arg8[%dma_start3A, %dma_start3A_165] : memref<2x2048xi32, #tpu.memory_space<vmem>> -> memref<1x2048xi32, #tpu.memory_space<vmem>>
          %dma_start3A_167 = tpu.memref_squeeze %dma_start3A_166 : memref<1x2048xi32, #tpu.memory_space<vmem>> -> memref<2048xi32, #tpu.memory_space<vmem>>
          %dma_start3A_168 = tpu.memref_slice %arg3[%add3A_136] : memref<327680xi32, #tpu.memory_space<hbm>> -> memref<2048xi32, #tpu.memory_space<hbm>>
          %dma_start3A_169 = arith.constant 0 : i32
          %dma_start3A_170 = tpu.memref_slice %arg8[%dma_start3A, %dma_start3A_169] : memref<2x2048xi32, #tpu.memory_space<vmem>> -> memref<1x2048xi32, #tpu.memory_space<vmem>>
          %dma_start3A_171 = tpu.memref_squeeze %dma_start3A_170 : memref<1x2048xi32, #tpu.memory_space<vmem>> -> memref<2048xi32, #tpu.memory_space<vmem>>
          %dma_start3A_172 = tpu.memref_slice %arg3[%add3A_136] : memref<327680xi32, #tpu.memory_space<hbm>> -> memref<2048xi32, #tpu.memory_space<hbm>>
          tpu.enqueue_dma source(%dma_start3A_172 : memref<2048xi32, #tpu.memory_space<hbm>>) target(%dma_start3A_171 : memref<2048xi32, #tpu.memory_space<vmem>>) target_semaphore(%arg10 : memref<!tpu.dma_semaphore, #tpu.memory_space<semaphore_mem>>)
        } else {
        }
        %eq3A_151 = arith.constant 1 : i32
        %eq3A_152 = arith.cmpi eq, %arg0, %eq3A_151 : i32
        %not3A_153 = arith.constant true
        %not3A_154 = arith.xori %ge3A_31, %not3A_153 : i1
        %and3A_155 = arith.andi %eq3A_152, %not3A_154 : i1
        %convert_element_type3A_156 = arith.extui %and3A_155 : i1 to i32
        %cond3A_157 = arith.constant 0 : i32
        %cond3A_158 = arith.cmpi ne, %convert_element_type3A_156, %cond3A_157 : i32
        scf.if %cond3A_158 {
          %dma_start3A = arith.constant 1 : i32
          %dma_start3A_165 = arith.constant 0 : i32
          %dma_start3A_166 = tpu.memref_slice %arg8[%dma_start3A, %dma_start3A_165] : memref<2x2048xi32, #tpu.memory_space<vmem>> -> memref<1x2048xi32, #tpu.memory_space<vmem>>
          %dma_start3A_167 = tpu.memref_squeeze %dma_start3A_166 : memref<1x2048xi32, #tpu.memory_space<vmem>> -> memref<2048xi32, #tpu.memory_space<vmem>>
          %dma_start3A_168 = tpu.memref_slice %arg4[%add3A_136] : memref<327680xi32, #tpu.memory_space<hbm>> -> memref<2048xi32, #tpu.memory_space<hbm>>
          %dma_start3A_169 = arith.constant 0 : i32
          %dma_start3A_170 = tpu.memref_slice %arg8[%dma_start3A, %dma_start3A_169] : memref<2x2048xi32, #tpu.memory_space<vmem>> -> memref<1x2048xi32, #tpu.memory_space<vmem>>
          %dma_start3A_171 = tpu.memref_squeeze %dma_start3A_170 : memref<1x2048xi32, #tpu.memory_space<vmem>> -> memref<2048xi32, #tpu.memory_space<vmem>>
          %dma_start3A_172 = tpu.memref_slice %arg4[%add3A_136] : memref<327680xi32, #tpu.memory_space<hbm>> -> memref<2048xi32, #tpu.memory_space<hbm>>
          tpu.enqueue_dma source(%dma_start3A_172 : memref<2048xi32, #tpu.memory_space<hbm>>) target(%dma_start3A_171 : memref<2048xi32, #tpu.memory_space<vmem>>) target_semaphore(%arg10 : memref<!tpu.dma_semaphore, #tpu.memory_space<semaphore_mem>>)
        } else {
        }
        %eq3A_159 = arith.constant 1 : i32
        %eq3A_160 = arith.cmpi eq, %arg0, %eq3A_159 : i32
        %and3A_161 = arith.andi %eq3A_160, %ge3A_31 : i1
        %convert_element_type3A_162 = arith.extui %and3A_161 : i1 to i32
        %cond3A_163 = arith.constant 0 : i32
        %cond3A_164 = arith.cmpi ne, %convert_element_type3A_162, %cond3A_163 : i32
        scf.if %cond3A_164 {
          %dma_start3A = arith.constant 1 : i32
          %dma_start3A_165 = arith.constant 0 : i32
          %dma_start3A_166 = tpu.memref_slice %arg8[%dma_start3A, %dma_start3A_165] : memref<2x2048xi32, #tpu.memory_space<vmem>> -> memref<1x2048xi32, #tpu.memory_space<vmem>>
          %dma_start3A_167 = tpu.memref_squeeze %dma_start3A_166 : memref<1x2048xi32, #tpu.memory_space<vmem>> -> memref<2048xi32, #tpu.memory_space<vmem>>
          %dma_start3A_168 = tpu.memref_slice %arg5[%add3A_136] : memref<327680xi32, #tpu.memory_space<hbm>> -> memref<2048xi32, #tpu.memory_space<hbm>>
          %dma_start3A_169 = arith.constant 0 : i32
          %dma_start3A_170 = tpu.memref_slice %arg8[%dma_start3A, %dma_start3A_169] : memref<2x2048xi32, #tpu.memory_space<vmem>> -> memref<1x2048xi32, #tpu.memory_space<vmem>>
          %dma_start3A_171 = tpu.memref_squeeze %dma_start3A_170 : memref<1x2048xi32, #tpu.memory_space<vmem>> -> memref<2048xi32, #tpu.memory_space<vmem>>
          %dma_start3A_172 = tpu.memref_slice %arg5[%add3A_136] : memref<327680xi32, #tpu.memory_space<hbm>> -> memref<2048xi32, #tpu.memory_space<hbm>>
          tpu.enqueue_dma source(%dma_start3A_172 : memref<2048xi32, #tpu.memory_space<hbm>>) target(%dma_start3A_171 : memref<2048xi32, #tpu.memory_space<vmem>>) target_semaphore(%arg10 : memref<!tpu.dma_semaphore, #tpu.memory_space<semaphore_mem>>)
        } else {
        }
      } else {
      }
      %scan3A_100 = arith.constant 0 : i32
      %scan3A_101 = arith.constant 128 : i32
      %scan3A_102 = arith.addi %scan3A_100, %scan3A_101 : i32
      %scan3A_103 = arith.constant 1 : i32
      scf.for %scan3A_132 = %scan3A_100 to %scan3A_102 step %scan3A_103  : i32 {
        %mul3A_133 = arith.constant 1 : i32
        %mul3A_134 = arith.muli %scan3A_132, %mul3A_133 : i32
        %add3A_135 = arith.constant 0 : i32
        %add3A_136 = arith.addi %add3A_135, %mul3A_134 : i32
        %mul3A_137 = arith.constant 16 : i32
        %mul3A_138 = arith.muli %add3A_136, %mul3A_137 : i32
        %get3A = arith.constant 0 : i32
        %get3A_139 = arith.index_cast %get3A : i32 to index
        %get3A_140 = arith.index_cast %mul3A_138 : i32 to index
        %get3A_141 = tpu.vector_load %arg8[%get3A_139, %get3A_140] {strides = array<i32>} : memref<2x2048xi32, #tpu.memory_space<vmem>>, vector<16xi32>,
        tpu.vector_store_idx %arg7[%get3A_141], %broadcast_in_dim3A_38 {add = true} : memref<10240xf32, #tpu.memory_space<vmem>>[vector<16xi32>], vector<16xf32>,
      }
      %scan3A_104 = arith.constant 128 : i32
      %mul3A_105 = arith.constant 2 : i32
      %mul3A_106 = arith.muli %mul3A_105, %add3A_78 : i32
      %add3A_107 = arith.constant 1 : i32
      %add3A_108 = arith.addi %mul3A_106, %add3A_107 : i32
      %dma_wait3A_109 = arith.constant 1 : i32
      %dma_wait3A_110 = arith.constant 0 : i32
      %dma_wait3A_111 = tpu.memref_slice %arg8[%dma_wait3A_109, %dma_wait3A_110] : memref<2x2048xi32, #tpu.memory_space<vmem>> -> memref<1x2048xi32, #tpu.memory_space<vmem>>
      %dma_wait3A_112 = tpu.memref_squeeze %dma_wait3A_111 : memref<1x2048xi32, #tpu.memory_space<vmem>> -> memref<2048xi32, #tpu.memory_space<vmem>>
      %dma_wait3A_113 = arith.constant 0 : i32
      %dma_wait3A_114 = tpu.memref_slice %arg2[%dma_wait3A_113] : memref<327680xi32, #tpu.memory_space<hbm>> -> memref<2048xi32, #tpu.memory_space<hbm>>
      %dma_wait3A_115 = arith.constant 0 : i32
      %dma_wait3A_116 = tpu.memref_slice %arg8[%dma_wait3A_109, %dma_wait3A_115] : memref<2x2048xi32, #tpu.memory_space<vmem>> -> memref<1x2048xi32, #tpu.memory_space<vmem>>
      %dma_wait3A_117 = tpu.memref_squeeze %dma_wait3A_116 : memref<1x2048xi32, #tpu.memory_space<vmem>> -> memref<2048xi32, #tpu.memory_space<vmem>>
      %dma_wait3A_118 = arith.constant 0 : i32
      %dma_wait3A_119 = tpu.memref_slice %arg2[%dma_wait3A_118] : memref<327680xi32, #tpu.memory_space<hbm>> -> memref<2048xi32, #tpu.memory_space<hbm>>
      tpu.wait_dma2 semaphore(%arg10 : memref<!tpu.dma_semaphore, #tpu.memory_space<semaphore_mem>>) src(%dma_wait3A_119 : memref<2048xi32, #tpu.memory_space<hbm>>) dst(%dma_wait3A_117 : memref<2048xi32, #tpu.memory_space<vmem>>)
      %add3A_120 = arith.constant 1 : i32
      %add3A_121 = arith.addi %add3A_108, %add3A_120 : i32
      %lt3A_122 = arith.constant 20 : i32
      %lt3A_123 = arith.cmpi slt, %add3A_121, %lt3A_122 : i32
      %convert_element_type3A_124 = arith.extui %lt3A_123 : i1 to i32
      %cond3A_125 = arith.constant 0 : i32
      %cond3A_126 = arith.cmpi ne, %convert_element_type3A_124, %cond3A_125 : i32
      scf.if %cond3A_126 {
        %add3A_132 = arith.constant 1 : i32
        %add3A_133 = arith.addi %add3A_108, %add3A_132 : i32
        %mul3A_134 = arith.constant 2048 : i32
        %mul3A_135 = arith.muli %add3A_133, %mul3A_134 : i32
        %add3A_136 = arith.addi %mul3A_37, %mul3A_135 : i32
        %eq3A_137 = arith.constant 0 : i32
        %eq3A_138 = arith.cmpi eq, %arg0, %eq3A_137 : i32
        %not3A_139 = arith.constant true
        %not3A_140 = arith.xori %ge3A_31, %not3A_139 : i1
        %and3A_141 = arith.andi %eq3A_138, %not3A_140 : i1
        %convert_element_type3A_142 = arith.extui %and3A_141 : i1 to i32
        %cond3A_143 = arith.constant 0 : i32
        %cond3A_144 = arith.cmpi ne, %convert_element_type3A_142, %cond3A_143 : i32
        scf.if %cond3A_144 {
          %dma_start3A = arith.constant 0 : i32
          %dma_start3A_165 = arith.constant 0 : i32
          %dma_start3A_166 = tpu.memref_slice %arg8[%dma_start3A, %dma_start3A_165] : memref<2x2048xi32, #tpu.memory_space<vmem>> -> memref<1x2048xi32, #tpu.memory_space<vmem>>
          %dma_start3A_167 = tpu.memref_squeeze %dma_start3A_166 : memref<1x2048xi32, #tpu.memory_space<vmem>> -> memref<2048xi32, #tpu.memory_space<vmem>>
          %dma_start3A_168 = tpu.memref_slice %arg2[%add3A_136] : memref<327680xi32, #tpu.memory_space<hbm>> -> memref<2048xi32, #tpu.memory_space<hbm>>
          %dma_start3A_169 = arith.constant 0 : i32
          %dma_start3A_170 = tpu.memref_slice %arg8[%dma_start3A, %dma_start3A_169] : memref<2x2048xi32, #tpu.memory_space<vmem>> -> memref<1x2048xi32, #tpu.memory_space<vmem>>
          %dma_start3A_171 = tpu.memref_squeeze %dma_start3A_170 : memref<1x2048xi32, #tpu.memory_space<vmem>> -> memref<2048xi32, #tpu.memory_space<vmem>>
          %dma_start3A_172 = tpu.memref_slice %arg2[%add3A_136] : memref<327680xi32, #tpu.memory_space<hbm>> -> memref<2048xi32, #tpu.memory_space<hbm>>
          tpu.enqueue_dma source(%dma_start3A_172 : memref<2048xi32, #tpu.memory_space<hbm>>) target(%dma_start3A_171 : memref<2048xi32, #tpu.memory_space<vmem>>) target_semaphore(%arg9 : memref<!tpu.dma_semaphore, #tpu.memory_space<semaphore_mem>>)
        } else {
        }
        %eq3A_145 = arith.constant 0 : i32
        %eq3A_146 = arith.cmpi eq, %arg0, %eq3A_145 : i32
        %and3A_147 = arith.andi %eq3A_146, %ge3A_31 : i1
        %convert_element_type3A_148 = arith.extui %and3A_147 : i1 to i32
        %cond3A_149 = arith.constant 0 : i32
        %cond3A_150 = arith.cmpi ne, %convert_element_type3A_148, %cond3A_149 : i32
        scf.if %cond3A_150 {
          %dma_start3A = arith.constant 0 : i32
          %dma_start3A_165 = arith.constant 0 : i32
          %dma_start3A_166 = tpu.memref_slice %arg8[%dma_start3A, %dma_start3A_165] : memref<2x2048xi32, #tpu.memory_space<vmem>> -> memref<1x2048xi32, #tpu.memory_space<vmem>>
          %dma_start3A_167 = tpu.memref_squeeze %dma_start3A_166 : memref<1x2048xi32, #tpu.memory_space<vmem>> -> memref<2048xi32, #tpu.memory_space<vmem>>
          %dma_start3A_168 = tpu.memref_slice %arg3[%add3A_136] : memref<327680xi32, #tpu.memory_space<hbm>> -> memref<2048xi32, #tpu.memory_space<hbm>>
          %dma_start3A_169 = arith.constant 0 : i32
          %dma_start3A_170 = tpu.memref_slice %arg8[%dma_start3A, %dma_start3A_169] : memref<2x2048xi32, #tpu.memory_space<vmem>> -> memref<1x2048xi32, #tpu.memory_space<vmem>>
          %dma_start3A_171 = tpu.memref_squeeze %dma_start3A_170 : memref<1x2048xi32, #tpu.memory_space<vmem>> -> memref<2048xi32, #tpu.memory_space<vmem>>
          %dma_start3A_172 = tpu.memref_slice %arg3[%add3A_136] : memref<327680xi32, #tpu.memory_space<hbm>> -> memref<2048xi32, #tpu.memory_space<hbm>>
          tpu.enqueue_dma source(%dma_start3A_172 : memref<2048xi32, #tpu.memory_space<hbm>>) target(%dma_start3A_171 : memref<2048xi32, #tpu.memory_space<vmem>>) target_semaphore(%arg9 : memref<!tpu.dma_semaphore, #tpu.memory_space<semaphore_mem>>)
        } else {
        }
        %eq3A_151 = arith.constant 1 : i32
        %eq3A_152 = arith.cmpi eq, %arg0, %eq3A_151 : i32
        %not3A_153 = arith.constant true
        %not3A_154 = arith.xori %ge3A_31, %not3A_153 : i1
        %and3A_155 = arith.andi %eq3A_152, %not3A_154 : i1
        %convert_element_type3A_156 = arith.extui %and3A_155 : i1 to i32
        %cond3A_157 = arith.constant 0 : i32
        %cond3A_158 = arith.cmpi ne, %convert_element_type3A_156, %cond3A_157 : i32
        scf.if %cond3A_158 {
          %dma_start3A = arith.constant 0 : i32
          %dma_start3A_165 = arith.constant 0 : i32
          %dma_start3A_166 = tpu.memref_slice %arg8[%dma_start3A, %dma_start3A_165] : memref<2x2048xi32, #tpu.memory_space<vmem>> -> memref<1x2048xi32, #tpu.memory_space<vmem>>
          %dma_start3A_167 = tpu.memref_squeeze %dma_start3A_166 : memref<1x2048xi32, #tpu.memory_space<vmem>> -> memref<2048xi32, #tpu.memory_space<vmem>>
          %dma_start3A_168 = tpu.memref_slice %arg4[%add3A_136] : memref<327680xi32, #tpu.memory_space<hbm>> -> memref<2048xi32, #tpu.memory_space<hbm>>
          %dma_start3A_169 = arith.constant 0 : i32
          %dma_start3A_170 = tpu.memref_slice %arg8[%dma_start3A, %dma_start3A_169] : memref<2x2048xi32, #tpu.memory_space<vmem>> -> memref<1x2048xi32, #tpu.memory_space<vmem>>
          %dma_start3A_171 = tpu.memref_squeeze %dma_start3A_170 : memref<1x2048xi32, #tpu.memory_space<vmem>> -> memref<2048xi32, #tpu.memory_space<vmem>>
          %dma_start3A_172 = tpu.memref_slice %arg4[%add3A_136] : memref<327680xi32, #tpu.memory_space<hbm>> -> memref<2048xi32, #tpu.memory_space<hbm>>
          tpu.enqueue_dma source(%dma_start3A_172 : memref<2048xi32, #tpu.memory_space<hbm>>) target(%dma_start3A_171 : memref<2048xi32, #tpu.memory_space<vmem>>) target_semaphore(%arg9 : memref<!tpu.dma_semaphore, #tpu.memory_space<semaphore_mem>>)
        } else {
        }
        %eq3A_159 = arith.constant 1 : i32
        %eq3A_160 = arith.cmpi eq, %arg0, %eq3A_159 : i32
        %and3A_161 = arith.andi %eq3A_160, %ge3A_31 : i1
        %convert_element_type3A_162 = arith.extui %and3A_161 : i1 to i32
        %cond3A_163 = arith.constant 0 : i32
        %cond3A_164 = arith.cmpi ne, %convert_element_type3A_162, %cond3A_163 : i32
        scf.if %cond3A_164 {
          %dma_start3A = arith.constant 0 : i32
          %dma_start3A_165 = arith.constant 0 : i32
          %dma_start3A_166 = tpu.memref_slice %arg8[%dma_start3A, %dma_start3A_165] : memref<2x2048xi32, #tpu.memory_space<vmem>> -> memref<1x2048xi32, #tpu.memory_space<vmem>>
          %dma_start3A_167 = tpu.memref_squeeze %dma_start3A_166 : memref<1x2048xi32, #tpu.memory_space<vmem>> -> memref<2048xi32, #tpu.memory_space<vmem>>
          %dma_start3A_168 = tpu.memref_slice %arg5[%add3A_136] : memref<327680xi32, #tpu.memory_space<hbm>> -> memref<2048xi32, #tpu.memory_space<hbm>>
          %dma_start3A_169 = arith.constant 0 : i32
          %dma_start3A_170 = tpu.memref_slice %arg8[%dma_start3A, %dma_start3A_169] : memref<2x2048xi32, #tpu.memory_space<vmem>> -> memref<1x2048xi32, #tpu.memory_space<vmem>>
          %dma_start3A_171 = tpu.memref_squeeze %dma_start3A_170 : memref<1x2048xi32, #tpu.memory_space<vmem>> -> memref<2048xi32, #tpu.memory_space<vmem>>
          %dma_start3A_172 = tpu.memref_slice %arg5[%add3A_136] : memref<327680xi32, #tpu.memory_space<hbm>> -> memref<2048xi32, #tpu.memory_space<hbm>>
          tpu.enqueue_dma source(%dma_start3A_172 : memref<2048xi32, #tpu.memory_space<hbm>>) target(%dma_start3A_171 : memref<2048xi32, #tpu.memory_space<vmem>>) target_semaphore(%arg9 : memref<!tpu.dma_semaphore, #tpu.memory_space<semaphore_mem>>)
        } else {
        }
      } else {
      }
      %scan3A_127 = arith.constant 0 : i32
      %scan3A_128 = arith.constant 128 : i32
      %scan3A_129 = arith.addi %scan3A_127, %scan3A_128 : i32
      %scan3A_130 = arith.constant 1 : i32
      scf.for %scan3A_132 = %scan3A_127 to %scan3A_129 step %scan3A_130  : i32 {
        %mul3A_133 = arith.constant 1 : i32
        %mul3A_134 = arith.muli %scan3A_132, %mul3A_133 : i32
        %add3A_135 = arith.constant 0 : i32
        %add3A_136 = arith.addi %add3A_135, %mul3A_134 : i32
        %mul3A_137 = arith.constant 16 : i32
        %mul3A_138 = arith.muli %add3A_136, %mul3A_137 : i32
        %get3A = arith.constant 1 : i32
        %get3A_139 = arith.index_cast %get3A : i32 to index
        %get3A_140 = arith.index_cast %mul3A_138 : i32 to index
        %get3A_141 = tpu.vector_load %arg8[%get3A_139, %get3A_140] {strides = array<i32>} : memref<2x2048xi32, #tpu.memory_space<vmem>>, vector<16xi32>,
        tpu.vector_store_idx %arg7[%get3A_141], %broadcast_in_dim3A_38 {add = true} : memref<10240xf32, #tpu.memory_space<vmem>>[vector<16xi32>], vector<16xf32>,
      }
      %scan3A_131 = arith.constant 128 : i32
    }
    %scan3A_70 = arith.constant 10 : i32
    %mul3A_71 = arith.constant 8 : i32
    %mul3A_72 = arith.muli %add3A, %mul3A_71 : i32
    %add3A_73 = arith.addi %mul3A_72, %select_n3A_30 : i32
    %run_scoped3A = arith.constant 0 : i32
    "tpu.region"() ({
      %run_scoped3A_74 = tpu.sem_alloc : memref<!tpu.dma_semaphore, #tpu.memory_space<semaphore_mem>>
      %dma_start3A = arith.constant 0 : i32
      %dma_start3A_75 = tpu.memref_slice %arg6[%add3A_73, %run_scoped3A, %dma_start3A] : memref<32x1x10240xf32, #tpu.memory_space<hbm>> -> memref<1x1x10240xf32, #tpu.memory_space<hbm>>
      %dma_start3A_76 = tpu.memref_squeeze %dma_start3A_75 : memref<1x1x10240xf32, #tpu.memory_space<hbm>> -> memref<10240xf32, #tpu.memory_space<hbm>>
      %dma_start3A_77 = arith.constant 0 : i32
      %dma_start3A_78 = tpu.memref_slice %arg6[%add3A_73, %run_scoped3A, %dma_start3A_77] : memref<32x1x10240xf32, #tpu.memory_space<hbm>> -> memref<1x1x10240xf32, #tpu.memory_space<hbm>>
      %dma_start3A_79 = tpu.memref_squeeze %dma_start3A_78 : memref<1x1x10240xf32, #tpu.memory_space<hbm>> -> memref<10240xf32, #tpu.memory_space<hbm>>
      tpu.enqueue_dma source(%arg7 : memref<10240xf32, #tpu.memory_space<vmem>>) target(%dma_start3A_79 : memref<10240xf32, #tpu.memory_space<hbm>>) target_semaphore(%run_scoped3A_74 : memref<!tpu.dma_semaphore, #tpu.memory_space<semaphore_mem>>)
      %dma_wait3A = arith.constant 0 : i32
      %dma_wait3A_80 = tpu.memref_slice %arg6[%add3A_73, %run_scoped3A, %dma_wait3A] : memref<32x1x10240xf32, #tpu.memory_space<hbm>> -> memref<1x1x10240xf32, #tpu.memory_space<hbm>>
      %dma_wait3A_81 = tpu.memref_squeeze %dma_wait3A_80 : memref<1x1x10240xf32, #tpu.memory_space<hbm>> -> memref<10240xf32, #tpu.memory_space<hbm>>
      %dma_wait3A_82 = arith.constant 0 : i32
      %dma_wait3A_83 = tpu.memref_slice %arg6[%add3A_73, %run_scoped3A, %dma_wait3A_82] : memref<32x1x10240xf32, #tpu.memory_space<hbm>> -> memref<1x1x10240xf32, #tpu.memory_space<hbm>>
      %dma_wait3A_84 = tpu.memref_squeeze %dma_wait3A_83 : memref<1x1x10240xf32, #tpu.memory_space<hbm>> -> memref<10240xf32, #tpu.memory_space<hbm>>
      tpu.wait_dma2 semaphore(%run_scoped3A_74 : memref<!tpu.dma_semaphore, #tpu.memory_space<semaphore_mem>>) src(%arg7 : memref<10240xf32, #tpu.memory_space<vmem>>) dst(%dma_wait3A_84 : memref<10240xf32, #tpu.memory_space<hbm>>)
      tpu.yield
    }) : () -> ()
    return
  }
}

#map = affine_map<(d0, d1) -> (0, 0)>
#map1 = affine_map<(d0, d1) -> (0, 0, 0)>
module attributes {stable_mosaic.version = 14 : i64} {
  func.func @_sc_segsum(%arg0: i32, %arg1: i32, %arg2: memref<20480x128xf32, #tpu.memory_space<hbm>>, %arg3: memref<4096x80xi32, #tpu.memory_space<hbm>>, %arg4: memref<4096x80xi32, #tpu.memory_space<hbm>>, %arg5: memref<4096x80xi32, #tpu.memory_space<hbm>>, %arg6: memref<4096x80xi32, #tpu.memory_space<hbm>>, %arg7: memref<2x10240x128xf32, #tpu.memory_space<hbm>>, %arg8: memref<32x80xi32, #tpu.memory_space<vmem>>, %arg9: memref<32x80xi32, #tpu.memory_space<vmem>>, %arg10: memref<4x80x128xf32, #tpu.memory_space<vmem>>, %arg11: memref<10240x128xf32, #tpu.memory_space<vmem_shared>>, %arg12: memref<!tpu.dma_semaphore, #tpu.memory_space<semaphore_mem>>, %arg13: memref<!tpu.dma_semaphore, #tpu.memory_space<semaphore_mem>>, %arg14: memref<!tpu.dma_semaphore, #tpu.memory_space<semaphore_mem>>, %arg15: memref<!tpu.dma_semaphore, #tpu.memory_space<semaphore_mem>>) attributes {dimension_semantics = [#tpu.dimension_semantics<core_parallel>, #tpu.dimension_semantics<subcore_parallel>], iteration_bounds = array<i64: 2, 16>, scalar_prefetch = 0 : i64, scratch_operands = 8 : i64, tpu.core_type = #tpu.core_type<sc_vector_subcore>, window_params = [{transform_indices = #map}, {transform_indices = #map}, {transform_indices = #map}, {transform_indices = #map}, {transform_indices = #map}, {transform_indices = #map1}]} {
    %scan3A = arith.constant 0 : i32
    %scan3A_0 = arith.constant 0 : i32
    %scan3A_1 = arith.constant 80 : i32
    %scan3A_2 = arith.addi %scan3A_0, %scan3A_1 : i32
    %scan3A_3 = arith.constant 1 : i32
    scf.for %scan3A_20 = %scan3A_0 to %scan3A_2 step %scan3A_3  : i32 {
      %mul3A_21 = arith.constant 1 : i32
      %mul3A_22 = arith.muli %scan3A_20, %mul3A_21 : i32
      %add3A = arith.constant 0 : i32
      %add3A_23 = arith.addi %add3A, %mul3A_22 : i32
      %scan3A_24 = arith.constant 0 : i32
      %scan3A_25 = arith.constant 8 : i32
      %scan3A_26 = arith.addi %scan3A_24, %scan3A_25 : i32
      %scan3A_27 = arith.constant 1 : i32
      scf.for %scan3A_29 = %scan3A_24 to %scan3A_26 step %scan3A_27  : i32 {
        %mul3A_30 = arith.constant 1 : i32
        %mul3A_31 = arith.muli %scan3A_29, %mul3A_30 : i32
        %add3A_32 = arith.constant 0 : i32
        %add3A_33 = arith.addi %add3A_32, %mul3A_31 : i32
        %broadcast_in_dim3A = arith.constant 0.000000e+00 : f32
        %broadcast_in_dim3A_34 = vector.broadcast %broadcast_in_dim3A : f32 to vector<16xf32>
        %mul3A_35 = arith.constant 16 : i32
        %mul3A_36 = arith.muli %add3A_33, %mul3A_35 : i32
        %swap3A = arith.constant 0 : i32
        %swap3A_37 = arith.constant 0 : i32
        %swap3A_38 = tpu.memref_slice %arg10[%scan3A, %swap3A, %swap3A_37] : memref<4x80x128xf32, #tpu.memory_space<vmem>> -> memref<1x80x128xf32, #tpu.memory_space<vmem>>
        %swap3A_39 = tpu.memref_squeeze %swap3A_38 : memref<1x80x128xf32, #tpu.memory_space<vmem>> -> memref<80x128xf32, #tpu.memory_space<vmem>>
        %swap3A_40 = arith.index_cast %add3A_23 : i32 to index
        %swap3A_41 = arith.index_cast %mul3A_36 : i32 to index
        %swap3A_42 = tpu.vector_load %swap3A_39[%swap3A_40, %swap3A_41] {strides = array<i32>} : memref<80x128xf32, #tpu.memory_space<vmem>>, vector<16xf32>,
        tpu.vector_store %swap3A_39[%swap3A_40, %swap3A_41], %broadcast_in_dim3A_34 {strides = array<i32>} : memref<80x128xf32, #tpu.memory_space<vmem>>, vector<16xf32>,
      }
      %scan3A_28 = arith.constant 8 : i32
    }
    %scan3A_4 = arith.constant 80 : i32
    %scan3A_5 = arith.constant 0 : i32
    %scan3A_6 = arith.constant 0 : i32
    %scan3A_7 = arith.constant 8 : i32
    %scan3A_8 = arith.addi %scan3A_6, %scan3A_7 : i32
    %scan3A_9 = arith.constant 1 : i32
    scf.for %scan3A_20 = %scan3A_6 to %scan3A_8 step %scan3A_9  : i32 {
      %mul3A_21 = arith.constant 1 : i32
      %mul3A_22 = arith.muli %scan3A_20, %mul3A_21 : i32
      %add3A = arith.constant 0 : i32
      %add3A_23 = arith.addi %add3A, %mul3A_22 : i32
      %mul3A_24 = arith.constant 640 : i32
      %mul3A_25 = arith.muli %arg1, %mul3A_24 : i32
      %mul3A_26 = arith.constant 80 : i32
      %mul3A_27 = arith.muli %add3A_23, %mul3A_26 : i32
      %add3A_28 = arith.addi %mul3A_25, %mul3A_27 : i32
      "tpu.region"() ({
        %run_scoped3A = tpu.sem_alloc : memref<!tpu.dma_semaphore, #tpu.memory_space<semaphore_mem>>
        %dma_start3A = arith.constant 0 : i32
        %dma_start3A_29 = arith.constant 0 : i32
        %dma_start3A_30 = tpu.memref_slice %arg10[%scan3A_5, %dma_start3A, %dma_start3A_29] : memref<4x80x128xf32, #tpu.memory_space<vmem>> -> memref<1x80x128xf32, #tpu.memory_space<vmem>>
        %dma_start3A_31 = tpu.memref_squeeze %dma_start3A_30 : memref<1x80x128xf32, #tpu.memory_space<vmem>> -> memref<80x128xf32, #tpu.memory_space<vmem>>
        %dma_start3A_32 = arith.constant 0 : i32
        %dma_start3A_33 = tpu.memref_slice %arg11[%add3A_28, %dma_start3A_32] : memref<10240x128xf32, #tpu.memory_space<vmem_shared>> -> memref<80x128xf32, #tpu.memory_space<vmem_shared>>
        %dma_start3A_34 = arith.constant 0 : i32
        %dma_start3A_35 = tpu.memref_slice %arg11[%add3A_28, %dma_start3A_34] : memref<10240x128xf32, #tpu.memory_space<vmem_shared>> -> memref<80x128xf32, #tpu.memory_space<vmem_shared>>
        %dma_start3A_36 = arith.constant 0 : i32
        %dma_start3A_37 = arith.constant 0 : i32
        %dma_start3A_38 = tpu.memref_slice %arg10[%scan3A_5, %dma_start3A_36, %dma_start3A_37] : memref<4x80x128xf32, #tpu.memory_space<vmem>> -> memref<1x80x128xf32, #tpu.memory_space<vmem>>
        %dma_start3A_39 = tpu.memref_squeeze %dma_start3A_38 : memref<1x80x128xf32, #tpu.memory_space<vmem>> -> memref<80x128xf32, #tpu.memory_space<vmem>>
        tpu.enqueue_dma source(%dma_start3A_39 : memref<80x128xf32, #tpu.memory_space<vmem>>) target(%dma_start3A_35 : memref<80x128xf32, #tpu.memory_space<vmem_shared>>) target_semaphore(%run_scoped3A : memref<!tpu.dma_semaphore, #tpu.memory_space<semaphore_mem>>)
        %dma_wait3A = arith.constant 0 : i32
        %dma_wait3A_40 = arith.constant 0 : i32
        %dma_wait3A_41 = tpu.memref_slice %arg10[%scan3A_5, %dma_wait3A, %dma_wait3A_40] : memref<4x80x128xf32, #tpu.memory_space<vmem>> -> memref<1x80x128xf32, #tpu.memory_space<vmem>>
        %dma_wait3A_42 = tpu.memref_squeeze %dma_wait3A_41 : memref<1x80x128xf32, #tpu.memory_space<vmem>> -> memref<80x128xf32, #tpu.memory_space<vmem>>
        %dma_wait3A_43 = arith.constant 0 : i32
        %dma_wait3A_44 = tpu.memref_slice %arg11[%add3A_28, %dma_wait3A_43] : memref<10240x128xf32, #tpu.memory_space<vmem_shared>> -> memref<80x128xf32, #tpu.memory_space<vmem_shared>>
        %dma_wait3A_45 = arith.constant 0 : i32
        %dma_wait3A_46 = tpu.memref_slice %arg11[%add3A_28, %dma_wait3A_45] : memref<10240x128xf32, #tpu.memory_space<vmem_shared>> -> memref<80x128xf32, #tpu.memory_space<vmem_shared>>
        %dma_wait3A_47 = arith.constant 0 : i32
        %dma_wait3A_48 = arith.constant 0 : i32
        %dma_wait3A_49 = tpu.memref_slice %arg10[%scan3A_5, %dma_wait3A_47, %dma_wait3A_48] : memref<4x80x128xf32, #tpu.memory_space<vmem>> -> memref<1x80x128xf32, #tpu.memory_space<vmem>>
        %dma_wait3A_50 = tpu.memref_squeeze %dma_wait3A_49 : memref<1x80x128xf32, #tpu.memory_space<vmem>> -> memref<80x128xf32, #tpu.memory_space<vmem>>
        tpu.wait_dma2 semaphore(%run_scoped3A : memref<!tpu.dma_semaphore, #tpu.memory_space<semaphore_mem>>) src(%dma_wait3A_50 : memref<80x128xf32, #tpu.memory_space<vmem>>) dst(%dma_wait3A_46 : memref<80x128xf32, #tpu.memory_space<vmem_shared>>)
        tpu.yield
      }) : () -> ()
    }
    %scan3A_10 = arith.constant 8 : i32
    %barrier3A = arith.constant 0 : index
    tpu.barrier barrier_id(%barrier3A)
    %scan3A_11 = arith.constant 0 : i32
    %scan3A_12 = arith.constant 8 : i32
    %scan3A_13 = arith.addi %scan3A_11, %scan3A_12 : i32
    %scan3A_14 = arith.constant 1 : i32
    scf.for %scan3A_20 = %scan3A_11 to %scan3A_13 step %scan3A_14  : i32 {
      %mul3A_21 = arith.constant 1 : i32
      %mul3A_22 = arith.muli %scan3A_20, %mul3A_21 : i32
      %add3A = arith.constant 0 : i32
      %add3A_23 = arith.addi %add3A, %mul3A_22 : i32
      %mul3A_24 = arith.constant 256 : i32
      %mul3A_25 = arith.muli %arg1, %mul3A_24 : i32
      %mul3A_26 = arith.constant 32 : i32
      %mul3A_27 = arith.muli %add3A_23, %mul3A_26 : i32
      %add3A_28 = arith.addi %mul3A_25, %mul3A_27 : i32
      %eq3A = arith.constant 0 : i32
      %eq3A_29 = arith.cmpi eq, %arg0, %eq3A : i32
      %convert_element_type3A = arith.extui %eq3A_29 : i1 to i32
      %cond3A = arith.constant 0 : i32
      %cond3A_30 = arith.cmpi ne, %convert_element_type3A, %cond3A : i32
      scf.if %cond3A_30 {
        "tpu.region"() ({
          %run_scoped3A = tpu.sem_alloc : memref<!tpu.dma_semaphore, #tpu.memory_space<semaphore_mem>>
          %dma_start3A_93 = arith.constant 0 : i32
          %dma_start3A_94 = tpu.memref_slice %arg3[%add3A_28, %dma_start3A_93] : memref<4096x80xi32, #tpu.memory_space<hbm>> -> memref<32x80xi32, #tpu.memory_space<hbm>>
          %dma_start3A_95 = arith.constant 0 : i32
          %dma_start3A_96 = tpu.memref_slice %arg3[%add3A_28, %dma_start3A_95] : memref<4096x80xi32, #tpu.memory_space<hbm>> -> memref<32x80xi32, #tpu.memory_space<hbm>>
          tpu.enqueue_dma source(%dma_start3A_96 : memref<32x80xi32, #tpu.memory_space<hbm>>) target(%arg8 : memref<32x80xi32, #tpu.memory_space<vmem>>) target_semaphore(%run_scoped3A : memref<!tpu.dma_semaphore, #tpu.memory_space<semaphore_mem>>)
          %dma_wait3A = arith.constant 0 : i32
          %dma_wait3A_97 = tpu.memref_slice %arg3[%add3A_28, %dma_wait3A] : memref<4096x80xi32, #tpu.memory_space<hbm>> -> memref<32x80xi32, #tpu.memory_space<hbm>>
          %dma_wait3A_98 = arith.constant 0 : i32
          %dma_wait3A_99 = tpu.memref_slice %arg3[%add3A_28, %dma_wait3A_98] : memref<4096x80xi32, #tpu.memory_space<hbm>> -> memref<32x80xi32, #tpu.memory_space<hbm>>
          tpu.wait_dma2 semaphore(%run_scoped3A : memref<!tpu.dma_semaphore, #tpu.memory_space<semaphore_mem>>) src(%dma_wait3A_99 : memref<32x80xi32, #tpu.memory_space<hbm>>) dst(%arg8 : memref<32x80xi32, #tpu.memory_space<vmem>>)
          tpu.yield
        }) : () -> ()
        "tpu.region"() ({
          %run_scoped3A = tpu.sem_alloc : memref<!tpu.dma_semaphore, #tpu.memory_space<semaphore_mem>>
          %dma_start3A_93 = arith.constant 0 : i32
          %dma_start3A_94 = tpu.memref_slice %arg4[%add3A_28, %dma_start3A_93] : memref<4096x80xi32, #tpu.memory_space<hbm>> -> memref<32x80xi32, #tpu.memory_space<hbm>>
          %dma_start3A_95 = arith.constant 0 : i32
          %dma_start3A_96 = tpu.memref_slice %arg4[%add3A_28, %dma_start3A_95] : memref<4096x80xi32, #tpu.memory_space<hbm>> -> memref<32x80xi32, #tpu.memory_space<hbm>>
          tpu.enqueue_dma source(%dma_start3A_96 : memref<32x80xi32, #tpu.memory_space<hbm>>) target(%arg9 : memref<32x80xi32, #tpu.memory_space<vmem>>) target_semaphore(%run_scoped3A : memref<!tpu.dma_semaphore, #tpu.memory_space<semaphore_mem>>)
          %dma_wait3A = arith.constant 0 : i32
          %dma_wait3A_97 = tpu.memref_slice %arg4[%add3A_28, %dma_wait3A] : memref<4096x80xi32, #tpu.memory_space<hbm>> -> memref<32x80xi32, #tpu.memory_space<hbm>>
          %dma_wait3A_98 = arith.constant 0 : i32
          %dma_wait3A_99 = tpu.memref_slice %arg4[%add3A_28, %dma_wait3A_98] : memref<4096x80xi32, #tpu.memory_space<hbm>> -> memref<32x80xi32, #tpu.memory_space<hbm>>
          tpu.wait_dma2 semaphore(%run_scoped3A : memref<!tpu.dma_semaphore, #tpu.memory_space<semaphore_mem>>) src(%dma_wait3A_99 : memref<32x80xi32, #tpu.memory_space<hbm>>) dst(%arg9 : memref<32x80xi32, #tpu.memory_space<vmem>>)
          tpu.yield
        }) : () -> ()
      } else {
      }
      %eq3A_31 = arith.constant 1 : i32
      %eq3A_32 = arith.cmpi eq, %arg0, %eq3A_31 : i32
      %convert_element_type3A_33 = arith.extui %eq3A_32 : i1 to i32
      %cond3A_34 = arith.constant 0 : i32
      %cond3A_35 = arith.cmpi ne, %convert_element_type3A_33, %cond3A_34 : i32
      scf.if %cond3A_35 {
        "tpu.region"() ({
          %run_scoped3A = tpu.sem_alloc : memref<!tpu.dma_semaphore, #tpu.memory_space<semaphore_mem>>
          %dma_start3A_93 = arith.constant 0 : i32
          %dma_start3A_94 = tpu.memref_slice %arg5[%add3A_28, %dma_start3A_93] : memref<4096x80xi32, #tpu.memory_space<hbm>> -> memref<32x80xi32, #tpu.memory_space<hbm>>
          %dma_start3A_95 = arith.constant 0 : i32
          %dma_start3A_96 = tpu.memref_slice %arg5[%add3A_28, %dma_start3A_95] : memref<4096x80xi32, #tpu.memory_space<hbm>> -> memref<32x80xi32, #tpu.memory_space<hbm>>
          tpu.enqueue_dma source(%dma_start3A_96 : memref<32x80xi32, #tpu.memory_space<hbm>>) target(%arg8 : memref<32x80xi32, #tpu.memory_space<vmem>>) target_semaphore(%run_scoped3A : memref<!tpu.dma_semaphore, #tpu.memory_space<semaphore_mem>>)
          %dma_wait3A = arith.constant 0 : i32
          %dma_wait3A_97 = tpu.memref_slice %arg5[%add3A_28, %dma_wait3A] : memref<4096x80xi32, #tpu.memory_space<hbm>> -> memref<32x80xi32, #tpu.memory_space<hbm>>
          %dma_wait3A_98 = arith.constant 0 : i32
          %dma_wait3A_99 = tpu.memref_slice %arg5[%add3A_28, %dma_wait3A_98] : memref<4096x80xi32, #tpu.memory_space<hbm>> -> memref<32x80xi32, #tpu.memory_space<hbm>>
          tpu.wait_dma2 semaphore(%run_scoped3A : memref<!tpu.dma_semaphore, #tpu.memory_space<semaphore_mem>>) src(%dma_wait3A_99 : memref<32x80xi32, #tpu.memory_space<hbm>>) dst(%arg8 : memref<32x80xi32, #tpu.memory_space<vmem>>)
          tpu.yield
        }) : () -> ()
        "tpu.region"() ({
          %run_scoped3A = tpu.sem_alloc : memref<!tpu.dma_semaphore, #tpu.memory_space<semaphore_mem>>
          %dma_start3A_93 = arith.constant 0 : i32
          %dma_start3A_94 = tpu.memref_slice %arg6[%add3A_28, %dma_start3A_93] : memref<4096x80xi32, #tpu.memory_space<hbm>> -> memref<32x80xi32, #tpu.memory_space<hbm>>
          %dma_start3A_95 = arith.constant 0 : i32
          %dma_start3A_96 = tpu.memref_slice %arg6[%add3A_28, %dma_start3A_95] : memref<4096x80xi32, #tpu.memory_space<hbm>> -> memref<32x80xi32, #tpu.memory_space<hbm>>
          tpu.enqueue_dma source(%dma_start3A_96 : memref<32x80xi32, #tpu.memory_space<hbm>>) target(%arg9 : memref<32x80xi32, #tpu.memory_space<vmem>>) target_semaphore(%run_scoped3A : memref<!tpu.dma_semaphore, #tpu.memory_space<semaphore_mem>>)
          %dma_wait3A = arith.constant 0 : i32
          %dma_wait3A_97 = tpu.memref_slice %arg6[%add3A_28, %dma_wait3A] : memref<4096x80xi32, #tpu.memory_space<hbm>> -> memref<32x80xi32, #tpu.memory_space<hbm>>
          %dma_wait3A_98 = arith.constant 0 : i32
          %dma_wait3A_99 = tpu.memref_slice %arg6[%add3A_28, %dma_wait3A_98] : memref<4096x80xi32, #tpu.memory_space<hbm>> -> memref<32x80xi32, #tpu.memory_space<hbm>>
          tpu.wait_dma2 semaphore(%run_scoped3A : memref<!tpu.dma_semaphore, #tpu.memory_space<semaphore_mem>>) src(%dma_wait3A_99 : memref<32x80xi32, #tpu.memory_space<hbm>>) dst(%arg9 : memref<32x80xi32, #tpu.memory_space<vmem>>)
          tpu.yield
        }) : () -> ()
      } else {
      }
      %scan3A_36 = arith.constant 0 : i32
      %scan3A_37 = arith.constant 32 : i32
      %scan3A_38 = arith.addi %scan3A_36, %scan3A_37 : i32
      %scan3A_39 = arith.constant 1 : i32
      scf.for %scan3A_93 = %scan3A_36 to %scan3A_38 step %scan3A_39  : i32 {
        %mul3A_94 = arith.constant 1 : i32
        %mul3A_95 = arith.muli %scan3A_93, %mul3A_94 : i32
        %add3A_96 = arith.constant 0 : i32
        %add3A_97 = arith.addi %add3A_96, %mul3A_95 : i32
        %scan3A_98 = arith.constant 0 : i32
        %scan3A_99 = arith.constant 5 : i32
        %scan3A_100 = arith.addi %scan3A_98, %scan3A_99 : i32
        %scan3A_101 = arith.constant 1 : i32
        scf.for %scan3A_103 = %scan3A_98 to %scan3A_100 step %scan3A_101  : i32 {
          %mul3A_104 = arith.constant 1 : i32
          %mul3A_105 = arith.muli %scan3A_103, %mul3A_104 : i32
          %add3A_106 = arith.constant 0 : i32
          %add3A_107 = arith.addi %add3A_106, %mul3A_105 : i32
          %mul3A_108 = arith.constant 16 : i32
          %mul3A_109 = arith.muli %add3A_107, %mul3A_108 : i32
          %get3A = arith.index_cast %add3A_97 : i32 to index
          %get3A_110 = arith.index_cast %mul3A_109 : i32 to index
          %get3A_111 = tpu.vector_load %arg8[%get3A, %get3A_110] {strides = array<i32>} : memref<32x80xi32, #tpu.memory_space<vmem>>, vector<16xi32>,
          %mul3A_112 = arith.constant 10240 : i32
          %mul3A_113 = arith.muli %arg0, %mul3A_112 : i32
          %add3A_114 = vector.broadcast %mul3A_113 : i32 to vector<16xi32>
          %add3A_115 = arith.addi %get3A_111, %add3A_114 : vector<16xi32>
          %mul3A_116 = arith.constant 16 : i32
          %mul3A_117 = arith.muli %add3A_107, %mul3A_116 : i32
          %swap3A = arith.index_cast %add3A_97 : i32 to index
          %swap3A_118 = arith.index_cast %mul3A_117 : i32 to index
          %swap3A_119 = tpu.vector_load %arg8[%swap3A, %swap3A_118] {strides = array<i32>} : memref<32x80xi32, #tpu.memory_space<vmem>>, vector<16xi32>,
          tpu.vector_store %arg8[%swap3A, %swap3A_118], %add3A_115 {strides = array<i32>} : memref<32x80xi32, #tpu.memory_space<vmem>>, vector<16xi32>,
        }
        %scan3A_102 = arith.constant 5 : i32
      }
      %scan3A_40 = arith.constant 32 : i32
      %dma_start3A = arith.constant 0 : i32
      %dma_start3A_41 = arith.constant 0 : i32
      %dma_start3A_42 = arith.constant 0 : i32
      %dma_start3A_43 = arith.constant 0 : i32
      %dma_start3A_44 = tpu.memref_slice %arg10[%dma_start3A_41, %dma_start3A_42, %dma_start3A_43] : memref<4x80x128xf32, #tpu.memory_space<vmem>> -> memref<1x80x128xf32, #tpu.memory_space<vmem>>
      %dma_start3A_45 = tpu.memref_squeeze %dma_start3A_44 : memref<1x80x128xf32, #tpu.memory_space<vmem>> -> memref<80x128xf32, #tpu.memory_space<vmem>>
      %dma_start3A_46 = arith.constant 0 : i32
      %dma_start3A_47 = tpu.memref_slice %arg8[%dma_start3A, %dma_start3A_46] : memref<32x80xi32, #tpu.memory_space<vmem>> -> memref<1x80xi32, #tpu.memory_space<vmem>>
      %dma_start3A_48 = tpu.memref_squeeze %dma_start3A_47 : memref<1x80xi32, #tpu.memory_space<vmem>> -> memref<80xi32, #tpu.memory_space<vmem>>
      %dma_start3A_49 = arith.constant 0 : i32
      %dma_start3A_50 = arith.constant 0 : i32
      %dma_start3A_51 = tpu.memref_slice %arg2[%dma_start3A_49, %dma_start3A_50] : memref<20480x128xf32, #tpu.memory_space<hbm>> -> memref<20480x128xf32, #tpu.memory_space<hbm>>
      tpu.enqueue_indirect_dma source(%dma_start3A_51 : memref<20480x128xf32, #tpu.memory_space<hbm>>) target(%dma_start3A_45 : memref<80x128xf32, #tpu.memory_space<vmem>>) offsets(%dma_start3A_48 : memref<80xi32, #tpu.memory_space<vmem>>) semaphore(%arg12 : memref<!tpu.dma_semaphore, #tpu.memory_space<semaphore_mem>>)
      %dma_start3A_52 = arith.constant 1 : i32
      %dma_start3A_53 = arith.constant 1 : i32
      %dma_start3A_54 = arith.constant 0 : i32
      %dma_start3A_55 = arith.constant 0 : i32
      %dma_start3A_56 = tpu.memref_slice %arg10[%dma_start3A_53, %dma_start3A_54, %dma_start3A_55] : memref<4x80x128xf32, #tpu.memory_space<vmem>> -> memref<1x80x128xf32, #tpu.memory_space<vmem>>
      %dma_start3A_57 = tpu.memref_squeeze %dma_start3A_56 : memref<1x80x128xf32, #tpu.memory_space<vmem>> -> memref<80x128xf32, #tpu.memory_space<vmem>>
      %dma_start3A_58 = arith.constant 0 : i32
      %dma_start3A_59 = tpu.memref_slice %arg8[%dma_start3A_52, %dma_start3A_58] : memref<32x80xi32, #tpu.memory_space<vmem>> -> memref<1x80xi32, #tpu.memory_space<vmem>>
      %dma_start3A_60 = tpu.memref_squeeze %dma_start3A_59 : memref<1x80xi32, #tpu.memory_space<vmem>> -> memref<80xi32, #tpu.memory_space<vmem>>
      %dma_start3A_61 = arith.constant 0 : i32
      %dma_start3A_62 = arith.constant 0 : i32
      %dma_start3A_63 = tpu.memref_slice %arg2[%dma_start3A_61, %dma_start3A_62] : memref<20480x128xf32, #tpu.memory_space<hbm>> -> memref<20480x128xf32, #tpu.memory_space<hbm>>
      tpu.enqueue_indirect_dma source(%dma_start3A_63 : memref<20480x128xf32, #tpu.memory_space<hbm>>) target(%dma_start3A_57 : memref<80x128xf32, #tpu.memory_space<vmem>>) offsets(%dma_start3A_60 : memref<80xi32, #tpu.memory_space<vmem>>) semaphore(%arg13 : memref<!tpu.dma_semaphore, #tpu.memory_space<semaphore_mem>>)
      %dma_start3A_64 = arith.constant 2 : i32
      %dma_start3A_65 = arith.constant 2 : i32
      %dma_start3A_66 = arith.constant 0 : i32
      %dma_start3A_67 = arith.constant 0 : i32
      %dma_start3A_68 = tpu.memref_slice %arg10[%dma_start3A_65, %dma_start3A_66, %dma_start3A_67] : memref<4x80x128xf32, #tpu.memory_space<vmem>> -> memref<1x80x128xf32, #tpu.memory_space<vmem>>
      %dma_start3A_69 = tpu.memref_squeeze %dma_start3A_68 : memref<1x80x128xf32, #tpu.memory_space<vmem>> -> memref<80x128xf32, #tpu.memory_space<vmem>>
      %dma_start3A_70 = arith.constant 0 : i32
      %dma_start3A_71 = tpu.memref_slice %arg8[%dma_start3A_64, %dma_start3A_70] : memref<32x80xi32, #tpu.memory_space<vmem>> -> memref<1x80xi32, #tpu.memory_space<vmem>>
      %dma_start3A_72 = tpu.memref_squeeze %dma_start3A_71 : memref<1x80xi32, #tpu.memory_space<vmem>> -> memref<80xi32, #tpu.memory_space<vmem>>
      %dma_start3A_73 = arith.constant 0 : i32
      %dma_start3A_74 = arith.constant 0 : i32
      %dma_start3A_75 = tpu.memref_slice %arg2[%dma_start3A_73, %dma_start3A_74] : memref<20480x128xf32, #tpu.memory_space<hbm>> -> memref<20480x128xf32, #tpu.memory_space<hbm>>
      tpu.enqueue_indirect_dma source(%dma_start3A_75 : memref<20480x128xf32, #tpu.memory_space<hbm>>) target(%dma_start3A_69 : memref<80x128xf32, #tpu.memory_space<vmem>>) offsets(%dma_start3A_72 : memref<80xi32, #tpu.memory_space<vmem>>) semaphore(%arg14 : memref<!tpu.dma_semaphore, #tpu.memory_space<semaphore_mem>>)
      %dma_start3A_76 = arith.constant 3 : i32
      %dma_start3A_77 = arith.constant 3 : i32
      %dma_start3A_78 = arith.constant 0 : i32
      %dma_start3A_79 = arith.constant 0 : i32
      %dma_start3A_80 = tpu.memref_slice %arg10[%dma_start3A_77, %dma_start3A_78, %dma_start3A_79] : memref<4x80x128xf32, #tpu.memory_space<vmem>> -> memref<1x80x128xf32, #tpu.memory_space<vmem>>
      %dma_start3A_81 = tpu.memref_squeeze %dma_start3A_80 : memref<1x80x128xf32, #tpu.memory_space<vmem>> -> memref<80x128xf32, #tpu.memory_space<vmem>>
      %dma_start3A_82 = arith.constant 0 : i32
      %dma_start3A_83 = tpu.memref_slice %arg8[%dma_start3A_76, %dma_start3A_82] : memref<32x80xi32, #tpu.memory_space<vmem>> -> memref<1x80xi32, #tpu.memory_space<vmem>>
      %dma_start3A_84 = tpu.memref_squeeze %dma_start3A_83 : memref<1x80xi32, #tpu.memory_space<vmem>> -> memref<80xi32, #tpu.memory_space<vmem>>
      %dma_start3A_85 = arith.constant 0 : i32
      %dma_start3A_86 = arith.constant 0 : i32
      %dma_start3A_87 = tpu.memref_slice %arg2[%dma_start3A_85, %dma_start3A_86] : memref<20480x128xf32, #tpu.memory_space<hbm>> -> memref<20480x128xf32, #tpu.memory_space<hbm>>
      tpu.enqueue_indirect_dma source(%dma_start3A_87 : memref<20480x128xf32, #tpu.memory_space<hbm>>) target(%dma_start3A_81 : memref<80x128xf32, #tpu.memory_space<vmem>>) offsets(%dma_start3A_84 : memref<80xi32, #tpu.memory_space<vmem>>) semaphore(%arg15 : memref<!tpu.dma_semaphore, #tpu.memory_space<semaphore_mem>>)
      %scan3A_88 = arith.constant 0 : i32
      %scan3A_89 = arith.constant 8 : i32
      %scan3A_90 = arith.addi %scan3A_88, %scan3A_89 : i32
      %scan3A_91 = arith.constant 1 : i32
      scf.for %scan3A_93 = %scan3A_88 to %scan3A_90 step %scan3A_91  : i32 {
        %mul3A_94 = arith.constant 1 : i32
        %mul3A_95 = arith.muli %scan3A_93, %mul3A_94 : i32
        %add3A_96 = arith.constant 0 : i32
        %add3A_97 = arith.addi %add3A_96, %mul3A_95 : i32
        %mul3A_98 = arith.constant 4 : i32
        %mul3A_99 = arith.muli %mul3A_98, %add3A_97 : i32
        %add3A_100 = arith.constant 0 : i32
        %add3A_101 = arith.addi %mul3A_99, %add3A_100 : i32
        %dma_wait3A = arith.constant 0 : i32
        %dma_wait3A_102 = arith.constant 0 : i32
        %dma_wait3A_103 = arith.constant 0 : i32
        %dma_wait3A_104 = tpu.memref_slice %arg10[%dma_wait3A, %dma_wait3A_102, %dma_wait3A_103] : memref<4x80x128xf32, #tpu.memory_space<vmem>> -> memref<1x80x128xf32, #tpu.memory_space<vmem>>
        %dma_wait3A_105 = tpu.memref_squeeze %dma_wait3A_104 : memref<1x80x128xf32, #tpu.memory_space<vmem>> -> memref<80x128xf32, #tpu.memory_space<vmem>>
        %dma_wait3A_106 = arith.constant 0 : i32
        %dma_wait3A_107 = tpu.memref_slice %arg8[%add3A_101, %dma_wait3A_106] : memref<32x80xi32, #tpu.memory_space<vmem>> -> memref<1x80xi32, #tpu.memory_space<vmem>>
        %dma_wait3A_108 = tpu.memref_squeeze %dma_wait3A_107 : memref<1x80xi32, #tpu.memory_space<vmem>> -> memref<80xi32, #tpu.memory_space<vmem>>
        %dma_wait3A_109 = arith.constant 0 : i32
        %dma_wait3A_110 = arith.constant 0 : i32
        %dma_wait3A_111 = tpu.memref_slice %arg2[%dma_wait3A_109, %dma_wait3A_110] : memref<20480x128xf32, #tpu.memory_space<hbm>> -> memref<20480x128xf32, #tpu.memory_space<hbm>>
        tpu.wait_indirect_dma semaphore(%arg12 : memref<!tpu.dma_semaphore, #tpu.memory_space<semaphore_mem>>) src(%dma_wait3A_111 : memref<20480x128xf32, #tpu.memory_space<hbm>>) dst(%dma_wait3A_105 : memref<80x128xf32, #tpu.memory_space<vmem>>)
        %run_scoped3A = arith.constant 0 : i32
        "tpu.region"() ({
          %run_scoped3A_187 = tpu.sem_alloc : memref<!tpu.dma_semaphore, #tpu.memory_space<semaphore_mem>>
          %dma_start3A_188 = arith.constant 0 : i32
          %dma_start3A_189 = arith.constant 0 : i32
          %dma_start3A_190 = tpu.memref_slice %arg10[%run_scoped3A, %dma_start3A_188, %dma_start3A_189] : memref<4x80x128xf32, #tpu.memory_space<vmem>> -> memref<1x80x128xf32, #tpu.memory_space<vmem>>
          %dma_start3A_191 = tpu.memref_squeeze %dma_start3A_190 : memref<1x80x128xf32, #tpu.memory_space<vmem>> -> memref<80x128xf32, #tpu.memory_space<vmem>>
          %dma_start3A_192 = arith.constant 0 : i32
          %dma_start3A_193 = tpu.memref_slice %arg9[%add3A_101, %dma_start3A_192] : memref<32x80xi32, #tpu.memory_space<vmem>> -> memref<1x80xi32, #tpu.memory_space<vmem>>
          %dma_start3A_194 = tpu.memref_squeeze %dma_start3A_193 : memref<1x80xi32, #tpu.memory_space<vmem>> -> memref<80xi32, #tpu.memory_space<vmem>>
          %dma_start3A_195 = arith.constant 0 : i32
          %dma_start3A_196 = arith.constant 0 : i32
          %dma_start3A_197 = tpu.memref_slice %arg11[%dma_start3A_195, %dma_start3A_196] : memref<10240x128xf32, #tpu.memory_space<vmem_shared>> -> memref<10240x128xf32, #tpu.memory_space<vmem_shared>>
          tpu.enqueue_indirect_dma source(%dma_start3A_191 : memref<80x128xf32, #tpu.memory_space<vmem>>) target(%dma_start3A_197 : memref<10240x128xf32, #tpu.memory_space<vmem_shared>>) offsets(%dma_start3A_194 : memref<80xi32, #tpu.memory_space<vmem>>) semaphore(%run_scoped3A_187 : memref<!tpu.dma_semaphore, #tpu.memory_space<semaphore_mem>>) {add = true}
          %dma_wait3A_198 = arith.constant 0 : i32
          %dma_wait3A_199 = arith.constant 0 : i32
          %dma_wait3A_200 = tpu.memref_slice %arg10[%run_scoped3A, %dma_wait3A_198, %dma_wait3A_199] : memref<4x80x128xf32, #tpu.memory_space<vmem>> -> memref<1x80x128xf32, #tpu.memory_space<vmem>>
          %dma_wait3A_201 = tpu.memref_squeeze %dma_wait3A_200 : memref<1x80x128xf32, #tpu.memory_space<vmem>> -> memref<80x128xf32, #tpu.memory_space<vmem>>
          %dma_wait3A_202 = arith.constant 0 : i32
          %dma_wait3A_203 = tpu.memref_slice %arg9[%add3A_101, %dma_wait3A_202] : memref<32x80xi32, #tpu.memory_space<vmem>> -> memref<1x80xi32, #tpu.memory_space<vmem>>
          %dma_wait3A_204 = tpu.memref_squeeze %dma_wait3A_203 : memref<1x80xi32, #tpu.memory_space<vmem>> -> memref<80xi32, #tpu.memory_space<vmem>>
          %dma_wait3A_205 = arith.constant 0 : i32
          %dma_wait3A_206 = arith.constant 0 : i32
          %dma_wait3A_207 = tpu.memref_slice %arg11[%dma_wait3A_205, %dma_wait3A_206] : memref<10240x128xf32, #tpu.memory_space<vmem_shared>> -> memref<10240x128xf32, #tpu.memory_space<vmem_shared>>
          tpu.wait_indirect_dma semaphore(%run_scoped3A_187 : memref<!tpu.dma_semaphore, #tpu.memory_space<semaphore_mem>>) src(%dma_wait3A_201 : memref<80x128xf32, #tpu.memory_space<vmem>>) dst(%dma_wait3A_207 : memref<10240x128xf32, #tpu.memory_space<vmem_shared>>)
          tpu.yield
        }) : () -> ()
        %add3A_112 = arith.constant 4 : i32
        %add3A_113 = arith.addi %add3A_101, %add3A_112 : i32
        %lt3A = arith.constant 32 : i32
        %lt3A_114 = arith.cmpi slt, %add3A_113, %lt3A : i32
        %convert_element_type3A_115 = arith.extui %lt3A_114 : i1 to i32
        %cond3A_116 = arith.constant 0 : i32
        %cond3A_117 = arith.cmpi ne, %convert_element_type3A_115, %cond3A_116 : i32
        scf.if %cond3A_117 {
          %add3A_187 = arith.constant 4 : i32
          %add3A_188 = arith.addi %add3A_101, %add3A_187 : i32
          %dma_start3A_189 = arith.constant 0 : i32
          %dma_start3A_190 = arith.constant 0 : i32
          %dma_start3A_191 = arith.constant 0 : i32
          %dma_start3A_192 = tpu.memref_slice %arg10[%dma_start3A_189, %dma_start3A_190, %dma_start3A_191] : memref<4x80x128xf32, #tpu.memory_space<vmem>> -> memref<1x80x128xf32, #tpu.memory_space<vmem>>
          %dma_start3A_193 = tpu.memref_squeeze %dma_start3A_192 : memref<1x80x128xf32, #tpu.memory_space<vmem>> -> memref<80x128xf32, #tpu.memory_space<vmem>>
          %dma_start3A_194 = arith.constant 0 : i32
          %dma_start3A_195 = tpu.memref_slice %arg8[%add3A_188, %dma_start3A_194] : memref<32x80xi32, #tpu.memory_space<vmem>> -> memref<1x80xi32, #tpu.memory_space<vmem>>
          %dma_start3A_196 = tpu.memref_squeeze %dma_start3A_195 : memref<1x80xi32, #tpu.memory_space<vmem>> -> memref<80xi32, #tpu.memory_space<vmem>>
          %dma_start3A_197 = arith.constant 0 : i32
          %dma_start3A_198 = arith.constant 0 : i32
          %dma_start3A_199 = tpu.memref_slice %arg2[%dma_start3A_197, %dma_start3A_198] : memref<20480x128xf32, #tpu.memory_space<hbm>> -> memref<20480x128xf32, #tpu.memory_space<hbm>>
          tpu.enqueue_indirect_dma source(%dma_start3A_199 : memref<20480x128xf32, #tpu.memory_space<hbm>>) target(%dma_start3A_193 : memref<80x128xf32, #tpu.memory_space<vmem>>) offsets(%dma_start3A_196 : memref<80xi32, #tpu.memory_space<vmem>>) semaphore(%arg12 : memref<!tpu.dma_semaphore, #tpu.memory_space<semaphore_mem>>)
        } else {
        }
        %mul3A_118 = arith.constant 4 : i32
        %mul3A_119 = arith.muli %mul3A_118, %add3A_97 : i32
        %add3A_120 = arith.constant 1 : i32
        %add3A_121 = arith.addi %mul3A_119, %add3A_120 : i32
        %dma_wait3A_122 = arith.constant 1 : i32
        %dma_wait3A_123 = arith.constant 0 : i32
        %dma_wait3A_124 = arith.constant 0 : i32
        %dma_wait3A_125 = tpu.memref_slice %arg10[%dma_wait3A_122, %dma_wait3A_123, %dma_wait3A_124] : memref<4x80x128xf32, #tpu.memory_space<vmem>> -> memref<1x80x128xf32, #tpu.memory_space<vmem>>
        %dma_wait3A_126 = tpu.memref_squeeze %dma_wait3A_125 : memref<1x80x128xf32, #tpu.memory_space<vmem>> -> memref<80x128xf32, #tpu.memory_space<vmem>>
        %dma_wait3A_127 = arith.constant 0 : i32
        %dma_wait3A_128 = tpu.memref_slice %arg8[%add3A_121, %dma_wait3A_127] : memref<32x80xi32, #tpu.memory_space<vmem>> -> memref<1x80xi32, #tpu.memory_space<vmem>>
        %dma_wait3A_129 = tpu.memref_squeeze %dma_wait3A_128 : memref<1x80xi32, #tpu.memory_space<vmem>> -> memref<80xi32, #tpu.memory_space<vmem>>
        %dma_wait3A_130 = arith.constant 0 : i32
        %dma_wait3A_131 = arith.constant 0 : i32
        %dma_wait3A_132 = tpu.memref_slice %arg2[%dma_wait3A_130, %dma_wait3A_131] : memref<20480x128xf32, #tpu.memory_space<hbm>> -> memref<20480x128xf32, #tpu.memory_space<hbm>>
        tpu.wait_indirect_dma semaphore(%arg13 : memref<!tpu.dma_semaphore, #tpu.memory_space<semaphore_mem>>) src(%dma_wait3A_132 : memref<20480x128xf32, #tpu.memory_space<hbm>>) dst(%dma_wait3A_126 : memref<80x128xf32, #tpu.memory_space<vmem>>)
        %run_scoped3A_133 = arith.constant 1 : i32
        "tpu.region"() ({
          %run_scoped3A_187 = tpu.sem_alloc : memref<!tpu.dma_semaphore, #tpu.memory_space<semaphore_mem>>
          %dma_start3A_188 = arith.constant 0 : i32
          %dma_start3A_189 = arith.constant 0 : i32
          %dma_start3A_190 = tpu.memref_slice %arg10[%run_scoped3A_133, %dma_start3A_188, %dma_start3A_189] : memref<4x80x128xf32, #tpu.memory_space<vmem>> -> memref<1x80x128xf32, #tpu.memory_space<vmem>>
          %dma_start3A_191 = tpu.memref_squeeze %dma_start3A_190 : memref<1x80x128xf32, #tpu.memory_space<vmem>> -> memref<80x128xf32, #tpu.memory_space<vmem>>
          %dma_start3A_192 = arith.constant 0 : i32
          %dma_start3A_193 = tpu.memref_slice %arg9[%add3A_121, %dma_start3A_192] : memref<32x80xi32, #tpu.memory_space<vmem>> -> memref<1x80xi32, #tpu.memory_space<vmem>>
          %dma_start3A_194 = tpu.memref_squeeze %dma_start3A_193 : memref<1x80xi32, #tpu.memory_space<vmem>> -> memref<80xi32, #tpu.memory_space<vmem>>
          %dma_start3A_195 = arith.constant 0 : i32
          %dma_start3A_196 = arith.constant 0 : i32
          %dma_start3A_197 = tpu.memref_slice %arg11[%dma_start3A_195, %dma_start3A_196] : memref<10240x128xf32, #tpu.memory_space<vmem_shared>> -> memref<10240x128xf32, #tpu.memory_space<vmem_shared>>
          tpu.enqueue_indirect_dma source(%dma_start3A_191 : memref<80x128xf32, #tpu.memory_space<vmem>>) target(%dma_start3A_197 : memref<10240x128xf32, #tpu.memory_space<vmem_shared>>) offsets(%dma_start3A_194 : memref<80xi32, #tpu.memory_space<vmem>>) semaphore(%run_scoped3A_187 : memref<!tpu.dma_semaphore, #tpu.memory_space<semaphore_mem>>) {add = true}
          %dma_wait3A_198 = arith.constant 0 : i32
          %dma_wait3A_199 = arith.constant 0 : i32
          %dma_wait3A_200 = tpu.memref_slice %arg10[%run_scoped3A_133, %dma_wait3A_198, %dma_wait3A_199] : memref<4x80x128xf32, #tpu.memory_space<vmem>> -> memref<1x80x128xf32, #tpu.memory_space<vmem>>
          %dma_wait3A_201 = tpu.memref_squeeze %dma_wait3A_200 : memref<1x80x128xf32, #tpu.memory_space<vmem>> -> memref<80x128xf32, #tpu.memory_space<vmem>>
          %dma_wait3A_202 = arith.constant 0 : i32
          %dma_wait3A_203 = tpu.memref_slice %arg9[%add3A_121, %dma_wait3A_202] : memref<32x80xi32, #tpu.memory_space<vmem>> -> memref<1x80xi32, #tpu.memory_space<vmem>>
          %dma_wait3A_204 = tpu.memref_squeeze %dma_wait3A_203 : memref<1x80xi32, #tpu.memory_space<vmem>> -> memref<80xi32, #tpu.memory_space<vmem>>
          %dma_wait3A_205 = arith.constant 0 : i32
          %dma_wait3A_206 = arith.constant 0 : i32
          %dma_wait3A_207 = tpu.memref_slice %arg11[%dma_wait3A_205, %dma_wait3A_206] : memref<10240x128xf32, #tpu.memory_space<vmem_shared>> -> memref<10240x128xf32, #tpu.memory_space<vmem_shared>>
          tpu.wait_indirect_dma semaphore(%run_scoped3A_187 : memref<!tpu.dma_semaphore, #tpu.memory_space<semaphore_mem>>) src(%dma_wait3A_201 : memref<80x128xf32, #tpu.memory_space<vmem>>) dst(%dma_wait3A_207 : memref<10240x128xf32, #tpu.memory_space<vmem_shared>>)
          tpu.yield
        }) : () -> ()
        %add3A_134 = arith.constant 4 : i32
        %add3A_135 = arith.addi %add3A_121, %add3A_134 : i32
        %lt3A_136 = arith.constant 32 : i32
        %lt3A_137 = arith.cmpi slt, %add3A_135, %lt3A_136 : i32
        %convert_element_type3A_138 = arith.extui %lt3A_137 : i1 to i32
        %cond3A_139 = arith.constant 0 : i32
        %cond3A_140 = arith.cmpi ne, %convert_element_type3A_138, %cond3A_139 : i32
        scf.if %cond3A_140 {
          %add3A_187 = arith.constant 4 : i32
          %add3A_188 = arith.addi %add3A_121, %add3A_187 : i32
          %dma_start3A_189 = arith.constant 1 : i32
          %dma_start3A_190 = arith.constant 0 : i32
          %dma_start3A_191 = arith.constant 0 : i32
          %dma_start3A_192 = tpu.memref_slice %arg10[%dma_start3A_189, %dma_start3A_190, %dma_start3A_191] : memref<4x80x128xf32, #tpu.memory_space<vmem>> -> memref<1x80x128xf32, #tpu.memory_space<vmem>>
          %dma_start3A_193 = tpu.memref_squeeze %dma_start3A_192 : memref<1x80x128xf32, #tpu.memory_space<vmem>> -> memref<80x128xf32, #tpu.memory_space<vmem>>
          %dma_start3A_194 = arith.constant 0 : i32
          %dma_start3A_195 = tpu.memref_slice %arg8[%add3A_188, %dma_start3A_194] : memref<32x80xi32, #tpu.memory_space<vmem>> -> memref<1x80xi32, #tpu.memory_space<vmem>>
          %dma_start3A_196 = tpu.memref_squeeze %dma_start3A_195 : memref<1x80xi32, #tpu.memory_space<vmem>> -> memref<80xi32, #tpu.memory_space<vmem>>
          %dma_start3A_197 = arith.constant 0 : i32
          %dma_start3A_198 = arith.constant 0 : i32
          %dma_start3A_199 = tpu.memref_slice %arg2[%dma_start3A_197, %dma_start3A_198] : memref<20480x128xf32, #tpu.memory_space<hbm>> -> memref<20480x128xf32, #tpu.memory_space<hbm>>
          tpu.enqueue_indirect_dma source(%dma_start3A_199 : memref<20480x128xf32, #tpu.memory_space<hbm>>) target(%dma_start3A_193 : memref<80x128xf32, #tpu.memory_space<vmem>>) offsets(%dma_start3A_196 : memref<80xi32, #tpu.memory_space<vmem>>) semaphore(%arg13 : memref<!tpu.dma_semaphore, #tpu.memory_space<semaphore_mem>>)
        } else {
        }
        %mul3A_141 = arith.constant 4 : i32
        %mul3A_142 = arith.muli %mul3A_141, %add3A_97 : i32
        %add3A_143 = arith.constant 2 : i32
        %add3A_144 = arith.addi %mul3A_142, %add3A_143 : i32
        %dma_wait3A_145 = arith.constant 2 : i32
        %dma_wait3A_146 = arith.constant 0 : i32
        %dma_wait3A_147 = arith.constant 0 : i32
        %dma_wait3A_148 = tpu.memref_slice %arg10[%dma_wait3A_145, %dma_wait3A_146, %dma_wait3A_147] : memref<4x80x128xf32, #tpu.memory_space<vmem>> -> memref<1x80x128xf32, #tpu.memory_space<vmem>>
        %dma_wait3A_149 = tpu.memref_squeeze %dma_wait3A_148 : memref<1x80x128xf32, #tpu.memory_space<vmem>> -> memref<80x128xf32, #tpu.memory_space<vmem>>
        %dma_wait3A_150 = arith.constant 0 : i32
        %dma_wait3A_151 = tpu.memref_slice %arg8[%add3A_144, %dma_wait3A_150] : memref<32x80xi32, #tpu.memory_space<vmem>> -> memref<1x80xi32, #tpu.memory_space<vmem>>
        %dma_wait3A_152 = tpu.memref_squeeze %dma_wait3A_151 : memref<1x80xi32, #tpu.memory_space<vmem>> -> memref<80xi32, #tpu.memory_space<vmem>>
        %dma_wait3A_153 = arith.constant 0 : i32
        %dma_wait3A_154 = arith.constant 0 : i32
        %dma_wait3A_155 = tpu.memref_slice %arg2[%dma_wait3A_153, %dma_wait3A_154] : memref<20480x128xf32, #tpu.memory_space<hbm>> -> memref<20480x128xf32, #tpu.memory_space<hbm>>
        tpu.wait_indirect_dma semaphore(%arg14 : memref<!tpu.dma_semaphore, #tpu.memory_space<semaphore_mem>>) src(%dma_wait3A_155 : memref<20480x128xf32, #tpu.memory_space<hbm>>) dst(%dma_wait3A_149 : memref<80x128xf32, #tpu.memory_space<vmem>>)
        %run_scoped3A_156 = arith.constant 2 : i32
        "tpu.region"() ({
          %run_scoped3A_187 = tpu.sem_alloc : memref<!tpu.dma_semaphore, #tpu.memory_space<semaphore_mem>>
          %dma_start3A_188 = arith.constant 0 : i32
          %dma_start3A_189 = arith.constant 0 : i32
          %dma_start3A_190 = tpu.memref_slice %arg10[%run_scoped3A_156, %dma_start3A_188, %dma_start3A_189] : memref<4x80x128xf32, #tpu.memory_space<vmem>> -> memref<1x80x128xf32, #tpu.memory_space<vmem>>
          %dma_start3A_191 = tpu.memref_squeeze %dma_start3A_190 : memref<1x80x128xf32, #tpu.memory_space<vmem>> -> memref<80x128xf32, #tpu.memory_space<vmem>>
          %dma_start3A_192 = arith.constant 0 : i32
          %dma_start3A_193 = tpu.memref_slice %arg9[%add3A_144, %dma_start3A_192] : memref<32x80xi32, #tpu.memory_space<vmem>> -> memref<1x80xi32, #tpu.memory_space<vmem>>
          %dma_start3A_194 = tpu.memref_squeeze %dma_start3A_193 : memref<1x80xi32, #tpu.memory_space<vmem>> -> memref<80xi32, #tpu.memory_space<vmem>>
          %dma_start3A_195 = arith.constant 0 : i32
          %dma_start3A_196 = arith.constant 0 : i32
          %dma_start3A_197 = tpu.memref_slice %arg11[%dma_start3A_195, %dma_start3A_196] : memref<10240x128xf32, #tpu.memory_space<vmem_shared>> -> memref<10240x128xf32, #tpu.memory_space<vmem_shared>>
          tpu.enqueue_indirect_dma source(%dma_start3A_191 : memref<80x128xf32, #tpu.memory_space<vmem>>) target(%dma_start3A_197 : memref<10240x128xf32, #tpu.memory_space<vmem_shared>>) offsets(%dma_start3A_194 : memref<80xi32, #tpu.memory_space<vmem>>) semaphore(%run_scoped3A_187 : memref<!tpu.dma_semaphore, #tpu.memory_space<semaphore_mem>>) {add = true}
          %dma_wait3A_198 = arith.constant 0 : i32
          %dma_wait3A_199 = arith.constant 0 : i32
          %dma_wait3A_200 = tpu.memref_slice %arg10[%run_scoped3A_156, %dma_wait3A_198, %dma_wait3A_199] : memref<4x80x128xf32, #tpu.memory_space<vmem>> -> memref<1x80x128xf32, #tpu.memory_space<vmem>>
          %dma_wait3A_201 = tpu.memref_squeeze %dma_wait3A_200 : memref<1x80x128xf32, #tpu.memory_space<vmem>> -> memref<80x128xf32, #tpu.memory_space<vmem>>
          %dma_wait3A_202 = arith.constant 0 : i32
          %dma_wait3A_203 = tpu.memref_slice %arg9[%add3A_144, %dma_wait3A_202] : memref<32x80xi32, #tpu.memory_space<vmem>> -> memref<1x80xi32, #tpu.memory_space<vmem>>
          %dma_wait3A_204 = tpu.memref_squeeze %dma_wait3A_203 : memref<1x80xi32, #tpu.memory_space<vmem>> -> memref<80xi32, #tpu.memory_space<vmem>>
          %dma_wait3A_205 = arith.constant 0 : i32
          %dma_wait3A_206 = arith.constant 0 : i32
          %dma_wait3A_207 = tpu.memref_slice %arg11[%dma_wait3A_205, %dma_wait3A_206] : memref<10240x128xf32, #tpu.memory_space<vmem_shared>> -> memref<10240x128xf32, #tpu.memory_space<vmem_shared>>
          tpu.wait_indirect_dma semaphore(%run_scoped3A_187 : memref<!tpu.dma_semaphore, #tpu.memory_space<semaphore_mem>>) src(%dma_wait3A_201 : memref<80x128xf32, #tpu.memory_space<vmem>>) dst(%dma_wait3A_207 : memref<10240x128xf32, #tpu.memory_space<vmem_shared>>)
          tpu.yield
        }) : () -> ()
        %add3A_157 = arith.constant 4 : i32
        %add3A_158 = arith.addi %add3A_144, %add3A_157 : i32
        %lt3A_159 = arith.constant 32 : i32
        %lt3A_160 = arith.cmpi slt, %add3A_158, %lt3A_159 : i32
        %convert_element_type3A_161 = arith.extui %lt3A_160 : i1 to i32
        %cond3A_162 = arith.constant 0 : i32
        %cond3A_163 = arith.cmpi ne, %convert_element_type3A_161, %cond3A_162 : i32
        scf.if %cond3A_163 {
          %add3A_187 = arith.constant 4 : i32
          %add3A_188 = arith.addi %add3A_144, %add3A_187 : i32
          %dma_start3A_189 = arith.constant 2 : i32
          %dma_start3A_190 = arith.constant 0 : i32
          %dma_start3A_191 = arith.constant 0 : i32
          %dma_start3A_192 = tpu.memref_slice %arg10[%dma_start3A_189, %dma_start3A_190, %dma_start3A_191] : memref<4x80x128xf32, #tpu.memory_space<vmem>> -> memref<1x80x128xf32, #tpu.memory_space<vmem>>
          %dma_start3A_193 = tpu.memref_squeeze %dma_start3A_192 : memref<1x80x128xf32, #tpu.memory_space<vmem>> -> memref<80x128xf32, #tpu.memory_space<vmem>>
          %dma_start3A_194 = arith.constant 0 : i32
          %dma_start3A_195 = tpu.memref_slice %arg8[%add3A_188, %dma_start3A_194] : memref<32x80xi32, #tpu.memory_space<vmem>> -> memref<1x80xi32, #tpu.memory_space<vmem>>
          %dma_start3A_196 = tpu.memref_squeeze %dma_start3A_195 : memref<1x80xi32, #tpu.memory_space<vmem>> -> memref<80xi32, #tpu.memory_space<vmem>>
          %dma_start3A_197 = arith.constant 0 : i32
          %dma_start3A_198 = arith.constant 0 : i32
          %dma_start3A_199 = tpu.memref_slice %arg2[%dma_start3A_197, %dma_start3A_198] : memref<20480x128xf32, #tpu.memory_space<hbm>> -> memref<20480x128xf32, #tpu.memory_space<hbm>>
          tpu.enqueue_indirect_dma source(%dma_start3A_199 : memref<20480x128xf32, #tpu.memory_space<hbm>>) target(%dma_start3A_193 : memref<80x128xf32, #tpu.memory_space<vmem>>) offsets(%dma_start3A_196 : memref<80xi32, #tpu.memory_space<vmem>>) semaphore(%arg14 : memref<!tpu.dma_semaphore, #tpu.memory_space<semaphore_mem>>)
        } else {
        }
        %mul3A_164 = arith.constant 4 : i32
        %mul3A_165 = arith.muli %mul3A_164, %add3A_97 : i32
        %add3A_166 = arith.constant 3 : i32
        %add3A_167 = arith.addi %mul3A_165, %add3A_166 : i32
        %dma_wait3A_168 = arith.constant 3 : i32
        %dma_wait3A_169 = arith.constant 0 : i32
        %dma_wait3A_170 = arith.constant 0 : i32
        %dma_wait3A_171 = tpu.memref_slice %arg10[%dma_wait3A_168, %dma_wait3A_169, %dma_wait3A_170] : memref<4x80x128xf32, #tpu.memory_space<vmem>> -> memref<1x80x128xf32, #tpu.memory_space<vmem>>
        %dma_wait3A_172 = tpu.memref_squeeze %dma_wait3A_171 : memref<1x80x128xf32, #tpu.memory_space<vmem>> -> memref<80x128xf32, #tpu.memory_space<vmem>>
        %dma_wait3A_173 = arith.constant 0 : i32
        %dma_wait3A_174 = tpu.memref_slice %arg8[%add3A_167, %dma_wait3A_173] : memref<32x80xi32, #tpu.memory_space<vmem>> -> memref<1x80xi32, #tpu.memory_space<vmem>>
        %dma_wait3A_175 = tpu.memref_squeeze %dma_wait3A_174 : memref<1x80xi32, #tpu.memory_space<vmem>> -> memref<80xi32, #tpu.memory_space<vmem>>
        %dma_wait3A_176 = arith.constant 0 : i32
        %dma_wait3A_177 = arith.constant 0 : i32
        %dma_wait3A_178 = tpu.memref_slice %arg2[%dma_wait3A_176, %dma_wait3A_177] : memref<20480x128xf32, #tpu.memory_space<hbm>> -> memref<20480x128xf32, #tpu.memory_space<hbm>>
        tpu.wait_indirect_dma semaphore(%arg15 : memref<!tpu.dma_semaphore, #tpu.memory_space<semaphore_mem>>) src(%dma_wait3A_178 : memref<20480x128xf32, #tpu.memory_space<hbm>>) dst(%dma_wait3A_172 : memref<80x128xf32, #tpu.memory_space<vmem>>)
        %run_scoped3A_179 = arith.constant 3 : i32
        "tpu.region"() ({
          %run_scoped3A_187 = tpu.sem_alloc : memref<!tpu.dma_semaphore, #tpu.memory_space<semaphore_mem>>
          %dma_start3A_188 = arith.constant 0 : i32
          %dma_start3A_189 = arith.constant 0 : i32
          %dma_start3A_190 = tpu.memref_slice %arg10[%run_scoped3A_179, %dma_start3A_188, %dma_start3A_189] : memref<4x80x128xf32, #tpu.memory_space<vmem>> -> memref<1x80x128xf32, #tpu.memory_space<vmem>>
          %dma_start3A_191 = tpu.memref_squeeze %dma_start3A_190 : memref<1x80x128xf32, #tpu.memory_space<vmem>> -> memref<80x128xf32, #tpu.memory_space<vmem>>
          %dma_start3A_192 = arith.constant 0 : i32
          %dma_start3A_193 = tpu.memref_slice %arg9[%add3A_167, %dma_start3A_192] : memref<32x80xi32, #tpu.memory_space<vmem>> -> memref<1x80xi32, #tpu.memory_space<vmem>>
          %dma_start3A_194 = tpu.memref_squeeze %dma_start3A_193 : memref<1x80xi32, #tpu.memory_space<vmem>> -> memref<80xi32, #tpu.memory_space<vmem>>
          %dma_start3A_195 = arith.constant 0 : i32
          %dma_start3A_196 = arith.constant 0 : i32
          %dma_start3A_197 = tpu.memref_slice %arg11[%dma_start3A_195, %dma_start3A_196] : memref<10240x128xf32, #tpu.memory_space<vmem_shared>> -> memref<10240x128xf32, #tpu.memory_space<vmem_shared>>
          tpu.enqueue_indirect_dma source(%dma_start3A_191 : memref<80x128xf32, #tpu.memory_space<vmem>>) target(%dma_start3A_197 : memref<10240x128xf32, #tpu.memory_space<vmem_shared>>) offsets(%dma_start3A_194 : memref<80xi32, #tpu.memory_space<vmem>>) semaphore(%run_scoped3A_187 : memref<!tpu.dma_semaphore, #tpu.memory_space<semaphore_mem>>) {add = true}
          %dma_wait3A_198 = arith.constant 0 : i32
          %dma_wait3A_199 = arith.constant 0 : i32
          %dma_wait3A_200 = tpu.memref_slice %arg10[%run_scoped3A_179, %dma_wait3A_198, %dma_wait3A_199] : memref<4x80x128xf32, #tpu.memory_space<vmem>> -> memref<1x80x128xf32, #tpu.memory_space<vmem>>
          %dma_wait3A_201 = tpu.memref_squeeze %dma_wait3A_200 : memref<1x80x128xf32, #tpu.memory_space<vmem>> -> memref<80x128xf32, #tpu.memory_space<vmem>>
          %dma_wait3A_202 = arith.constant 0 : i32
          %dma_wait3A_203 = tpu.memref_slice %arg9[%add3A_167, %dma_wait3A_202] : memref<32x80xi32, #tpu.memory_space<vmem>> -> memref<1x80xi32, #tpu.memory_space<vmem>>
          %dma_wait3A_204 = tpu.memref_squeeze %dma_wait3A_203 : memref<1x80xi32, #tpu.memory_space<vmem>> -> memref<80xi32, #tpu.memory_space<vmem>>
          %dma_wait3A_205 = arith.constant 0 : i32
          %dma_wait3A_206 = arith.constant 0 : i32
          %dma_wait3A_207 = tpu.memref_slice %arg11[%dma_wait3A_205, %dma_wait3A_206] : memref<10240x128xf32, #tpu.memory_space<vmem_shared>> -> memref<10240x128xf32, #tpu.memory_space<vmem_shared>>
          tpu.wait_indirect_dma semaphore(%run_scoped3A_187 : memref<!tpu.dma_semaphore, #tpu.memory_space<semaphore_mem>>) src(%dma_wait3A_201 : memref<80x128xf32, #tpu.memory_space<vmem>>) dst(%dma_wait3A_207 : memref<10240x128xf32, #tpu.memory_space<vmem_shared>>)
          tpu.yield
        }) : () -> ()
        %add3A_180 = arith.constant 4 : i32
        %add3A_181 = arith.addi %add3A_167, %add3A_180 : i32
        %lt3A_182 = arith.constant 32 : i32
        %lt3A_183 = arith.cmpi slt, %add3A_181, %lt3A_182 : i32
        %convert_element_type3A_184 = arith.extui %lt3A_183 : i1 to i32
        %cond3A_185 = arith.constant 0 : i32
        %cond3A_186 = arith.cmpi ne, %convert_element_type3A_184, %cond3A_185 : i32
        scf.if %cond3A_186 {
          %add3A_187 = arith.constant 4 : i32
          %add3A_188 = arith.addi %add3A_167, %add3A_187 : i32
          %dma_start3A_189 = arith.constant 3 : i32
          %dma_start3A_190 = arith.constant 0 : i32
          %dma_start3A_191 = arith.constant 0 : i32
          %dma_start3A_192 = tpu.memref_slice %arg10[%dma_start3A_189, %dma_start3A_190, %dma_start3A_191] : memref<4x80x128xf32, #tpu.memory_space<vmem>> -> memref<1x80x128xf32, #tpu.memory_space<vmem>>
          %dma_start3A_193 = tpu.memref_squeeze %dma_start3A_192 : memref<1x80x128xf32, #tpu.memory_space<vmem>> -> memref<80x128xf32, #tpu.memory_space<vmem>>
          %dma_start3A_194 = arith.constant 0 : i32
          %dma_start3A_195 = tpu.memref_slice %arg8[%add3A_188, %dma_start3A_194] : memref<32x80xi32, #tpu.memory_space<vmem>> -> memref<1x80xi32, #tpu.memory_space<vmem>>
          %dma_start3A_196 = tpu.memref_squeeze %dma_start3A_195 : memref<1x80xi32, #tpu.memory_space<vmem>> -> memref<80xi32, #tpu.memory_space<vmem>>
          %dma_start3A_197 = arith.constant 0 : i32
          %dma_start3A_198 = arith.constant 0 : i32
          %dma_start3A_199 = tpu.memref_slice %arg2[%dma_start3A_197, %dma_start3A_198] : memref<20480x128xf32, #tpu.memory_space<hbm>> -> memref<20480x128xf32, #tpu.memory_space<hbm>>
          tpu.enqueue_indirect_dma source(%dma_start3A_199 : memref<20480x128xf32, #tpu.memory_space<hbm>>) target(%dma_start3A_193 : memref<80x128xf32, #tpu.memory_space<vmem>>) offsets(%dma_start3A_196 : memref<80xi32, #tpu.memory_space<vmem>>) semaphore(%arg15 : memref<!tpu.dma_semaphore, #tpu.memory_space<semaphore_mem>>)
        } else {
        }
      }
      %scan3A_92 = arith.constant 8 : i32
    }
    %scan3A_15 = arith.constant 8 : i32
    %barrier3A_16 = arith.constant 0 : index
    tpu.barrier barrier_id(%barrier3A_16)
    %mul3A = arith.constant 640 : i32
    %mul3A_17 = arith.muli %arg1, %mul3A : i32
    %mul3A_18 = arith.constant 640 : i32
    %mul3A_19 = arith.muli %arg1, %mul3A_18 : i32
    "tpu.region"() ({
      %run_scoped3A = tpu.sem_alloc : memref<!tpu.dma_semaphore, #tpu.memory_space<semaphore_mem>>
      %dma_start3A = arith.constant 0 : i32
      %dma_start3A_20 = tpu.memref_slice %arg7[%arg0, %mul3A_19, %dma_start3A] : memref<2x10240x128xf32, #tpu.memory_space<hbm>> -> memref<1x640x128xf32, #tpu.memory_space<hbm>>
      %dma_start3A_21 = tpu.memref_squeeze %dma_start3A_20 : memref<1x640x128xf32, #tpu.memory_space<hbm>> -> memref<640x128xf32, #tpu.memory_space<hbm>>
      %dma_start3A_22 = arith.constant 0 : i32
      %dma_start3A_23 = tpu.memref_slice %arg11[%mul3A_17, %dma_start3A_22] : memref<10240x128xf32, #tpu.memory_space<vmem_shared>> -> memref<640x128xf32, #tpu.memory_space<vmem_shared>>
      tpu.enqueue_dma source(%dma_start3A_23 : memref<640x128xf32, #tpu.memory_space<vmem_shared>>) target(%dma_start3A_21 : memref<640x128xf32, #tpu.memory_space<hbm>>) target_semaphore(%run_scoped3A : memref<!tpu.dma_semaphore, #tpu.memory_space<semaphore_mem>>)
      %dma_wait3A = arith.constant 0 : i32
      %dma_wait3A_24 = tpu.memref_slice %arg7[%arg0, %mul3A_19, %dma_wait3A] : memref<2x10240x128xf32, #tpu.memory_space<hbm>> -> memref<1x640x128xf32, #tpu.memory_space<hbm>>
      %dma_wait3A_25 = tpu.memref_squeeze %dma_wait3A_24 : memref<1x640x128xf32, #tpu.memory_space<hbm>> -> memref<640x128xf32, #tpu.memory_space<hbm>>
      %dma_wait3A_26 = arith.constant 0 : i32
      %dma_wait3A_27 = tpu.memref_slice %arg11[%mul3A_17, %dma_wait3A_26] : memref<10240x128xf32, #tpu.memory_space<vmem_shared>> -> memref<640x128xf32, #tpu.memory_space<vmem_shared>>
      tpu.wait_dma2 semaphore(%run_scoped3A : memref<!tpu.dma_semaphore, #tpu.memory_space<semaphore_mem>>) src(%dma_wait3A_27 : memref<640x128xf32, #tpu.memory_space<vmem_shared>>) dst(%dma_wait3A_25 : memref<640x128xf32, #tpu.memory_space<hbm>>)
      tpu.yield
    }) : () -> ()
    return
  }
}

#map = affine_map<(d0, d1) -> (0)>
module attributes {stable_mosaic.version = 14 : i64} {
  func.func @_sc_head(%arg0: i32, %arg1: i32, %arg2: memref<10240xf32, #tpu.memory_space<hbm>>, %arg3: memref<10240xf32, #tpu.memory_space<hbm>>, %arg4: memref<720896xi32, #tpu.memory_space<hbm>>, %arg5: memref<720896xi32, #tpu.memory_space<hbm>>, %arg6: memref<720896xf32, #tpu.memory_space<hbm>>, %arg7: memref<16xf32, #tpu.memory_space<hbm>>, %arg8: memref<720896xf32, #tpu.memory_space<hbm>>, %arg9: memref<10240xf32, #tpu.memory_space<vmem>>, %arg10: memref<10240xf32, #tpu.memory_space<vmem>>, %arg11: memref<2x1024xi32, #tpu.memory_space<vmem>>, %arg12: memref<2x1024xi32, #tpu.memory_space<vmem>>, %arg13: memref<2x1024xf32, #tpu.memory_space<vmem>>, %arg14: memref<2x1024xf32, #tpu.memory_space<vmem>>, %arg15: memref<16xf32, #tpu.memory_space<vmem>>, %arg16: memref<!tpu.dma_semaphore, #tpu.memory_space<semaphore_mem>>, %arg17: memref<!tpu.dma_semaphore, #tpu.memory_space<semaphore_mem>>) attributes {dimension_semantics = [#tpu.dimension_semantics<core_parallel>, #tpu.dimension_semantics<subcore_parallel>], iteration_bounds = array<i64: 2, 16>, scalar_prefetch = 0 : i64, scratch_operands = 9 : i64, tpu.core_type = #tpu.core_type<sc_vector_subcore>, window_params = [{transform_indices = #map}, {transform_indices = #map}, {transform_indices = #map}, {transform_indices = #map}, {transform_indices = #map}, {transform_indices = #map}, {transform_indices = #map}]} {
    %mul3A = arith.constant 2 : i32
    %mul3A_0 = arith.muli %arg1, %mul3A : i32
    %add3A = arith.addi %mul3A_0, %arg0 : i32
    "tpu.region"() ({
      %run_scoped3A = tpu.sem_alloc : memref<!tpu.dma_semaphore, #tpu.memory_space<semaphore_mem>>
      tpu.enqueue_dma source(%arg2 : memref<10240xf32, #tpu.memory_space<hbm>>) target(%arg9 : memref<10240xf32, #tpu.memory_space<vmem>>) target_semaphore(%run_scoped3A : memref<!tpu.dma_semaphore, #tpu.memory_space<semaphore_mem>>)
      tpu.wait_dma2 semaphore(%run_scoped3A : memref<!tpu.dma_semaphore, #tpu.memory_space<semaphore_mem>>) src(%arg2 : memref<10240xf32, #tpu.memory_space<hbm>>) dst(%arg9 : memref<10240xf32, #tpu.memory_space<vmem>>)
      tpu.yield
    }) : () -> ()
    "tpu.region"() ({
      %run_scoped3A = tpu.sem_alloc : memref<!tpu.dma_semaphore, #tpu.memory_space<semaphore_mem>>
      tpu.enqueue_dma source(%arg3 : memref<10240xf32, #tpu.memory_space<hbm>>) target(%arg10 : memref<10240xf32, #tpu.memory_space<vmem>>) target_semaphore(%run_scoped3A : memref<!tpu.dma_semaphore, #tpu.memory_space<semaphore_mem>>)
      tpu.wait_dma2 semaphore(%run_scoped3A : memref<!tpu.dma_semaphore, #tpu.memory_space<semaphore_mem>>) src(%arg3 : memref<10240xf32, #tpu.memory_space<hbm>>) dst(%arg10 : memref<10240xf32, #tpu.memory_space<vmem>>)
      tpu.yield
    }) : () -> ()
    "tpu.region"() ({
      %run_scoped3A = tpu.sem_alloc : memref<!tpu.dma_semaphore, #tpu.memory_space<semaphore_mem>>
      tpu.enqueue_dma source(%arg7 : memref<16xf32, #tpu.memory_space<hbm>>) target(%arg15 : memref<16xf32, #tpu.memory_space<vmem>>) target_semaphore(%run_scoped3A : memref<!tpu.dma_semaphore, #tpu.memory_space<semaphore_mem>>)
      tpu.wait_dma2 semaphore(%run_scoped3A : memref<!tpu.dma_semaphore, #tpu.memory_space<semaphore_mem>>) src(%arg7 : memref<16xf32, #tpu.memory_space<hbm>>) dst(%arg15 : memref<16xf32, #tpu.memory_space<vmem>>)
      tpu.yield
    }) : () -> ()
    %get3A = arith.constant 0 : index
    %get3A_1 = tpu.vector_load %arg15[%get3A] {strides = array<i32>} : memref<16xf32, #tpu.memory_space<vmem>>, vector<16xf32>,
    %mul3A_2 = arith.constant 22528 : i32
    %mul3A_3 = arith.muli %add3A, %mul3A_2 : i32
    %add3A_4 = arith.constant 0 : i32
    %add3A_5 = arith.addi %mul3A_3, %add3A_4 : i32
    %dma_start3A = arith.constant 0 : i32
    %dma_start3A_6 = arith.constant 0 : i32
    %dma_start3A_7 = tpu.memref_slice %arg11[%dma_start3A, %dma_start3A_6] : memref<2x1024xi32, #tpu.memory_space<vmem>> -> memref<1x1024xi32, #tpu.memory_space<vmem>>
    %dma_start3A_8 = tpu.memref_squeeze %dma_start3A_7 : memref<1x1024xi32, #tpu.memory_space<vmem>> -> memref<1024xi32, #tpu.memory_space<vmem>>
    %dma_start3A_9 = tpu.memref_slice %arg4[%add3A_5] : memref<720896xi32, #tpu.memory_space<hbm>> -> memref<1024xi32, #tpu.memory_space<hbm>>
    %dma_start3A_10 = arith.constant 0 : i32
    %dma_start3A_11 = tpu.memref_slice %arg11[%dma_start3A, %dma_start3A_10] : memref<2x1024xi32, #tpu.memory_space<vmem>> -> memref<1x1024xi32, #tpu.memory_space<vmem>>
    %dma_start3A_12 = tpu.memref_squeeze %dma_start3A_11 : memref<1x1024xi32, #tpu.memory_space<vmem>> -> memref<1024xi32, #tpu.memory_space<vmem>>
    %dma_start3A_13 = tpu.memref_slice %arg4[%add3A_5] : memref<720896xi32, #tpu.memory_space<hbm>> -> memref<1024xi32, #tpu.memory_space<hbm>>
    tpu.enqueue_dma source(%dma_start3A_13 : memref<1024xi32, #tpu.memory_space<hbm>>) target(%dma_start3A_12 : memref<1024xi32, #tpu.memory_space<vmem>>) target_semaphore(%arg16 : memref<!tpu.dma_semaphore, #tpu.memory_space<semaphore_mem>>)
    %dma_start3A_14 = arith.constant 0 : i32
    %dma_start3A_15 = arith.constant 0 : i32
    %dma_start3A_16 = tpu.memref_slice %arg12[%dma_start3A_14, %dma_start3A_15] : memref<2x1024xi32, #tpu.memory_space<vmem>> -> memref<1x1024xi32, #tpu.memory_space<vmem>>
    %dma_start3A_17 = tpu.memref_squeeze %dma_start3A_16 : memref<1x1024xi32, #tpu.memory_space<vmem>> -> memref<1024xi32, #tpu.memory_space<vmem>>
    %dma_start3A_18 = tpu.memref_slice %arg5[%add3A_5] : memref<720896xi32, #tpu.memory_space<hbm>> -> memref<1024xi32, #tpu.memory_space<hbm>>
    %dma_start3A_19 = arith.constant 0 : i32
    %dma_start3A_20 = tpu.memref_slice %arg12[%dma_start3A_14, %dma_start3A_19] : memref<2x1024xi32, #tpu.memory_space<vmem>> -> memref<1x1024xi32, #tpu.memory_space<vmem>>
    %dma_start3A_21 = tpu.memref_squeeze %dma_start3A_20 : memref<1x1024xi32, #tpu.memory_space<vmem>> -> memref<1024xi32, #tpu.memory_space<vmem>>
    %dma_start3A_22 = tpu.memref_slice %arg5[%add3A_5] : memref<720896xi32, #tpu.memory_space<hbm>> -> memref<1024xi32, #tpu.memory_space<hbm>>
    tpu.enqueue_dma source(%dma_start3A_22 : memref<1024xi32, #tpu.memory_space<hbm>>) target(%dma_start3A_21 : memref<1024xi32, #tpu.memory_space<vmem>>) target_semaphore(%arg16 : memref<!tpu.dma_semaphore, #tpu.memory_space<semaphore_mem>>)
    %dma_start3A_23 = arith.constant 0 : i32
    %dma_start3A_24 = arith.constant 0 : i32
    %dma_start3A_25 = tpu.memref_slice %arg13[%dma_start3A_23, %dma_start3A_24] : memref<2x1024xf32, #tpu.memory_space<vmem>> -> memref<1x1024xf32, #tpu.memory_space<vmem>>
    %dma_start3A_26 = tpu.memref_squeeze %dma_start3A_25 : memref<1x1024xf32, #tpu.memory_space<vmem>> -> memref<1024xf32, #tpu.memory_space<vmem>>
    %dma_start3A_27 = tpu.memref_slice %arg6[%add3A_5] : memref<720896xf32, #tpu.memory_space<hbm>> -> memref<1024xf32, #tpu.memory_space<hbm>>
    %dma_start3A_28 = arith.constant 0 : i32
    %dma_start3A_29 = tpu.memref_slice %arg13[%dma_start3A_23, %dma_start3A_28] : memref<2x1024xf32, #tpu.memory_space<vmem>> -> memref<1x1024xf32, #tpu.memory_space<vmem>>
    %dma_start3A_30 = tpu.memref_squeeze %dma_start3A_29 : memref<1x1024xf32, #tpu.memory_space<vmem>> -> memref<1024xf32, #tpu.memory_space<vmem>>
    %dma_start3A_31 = tpu.memref_slice %arg6[%add3A_5] : memref<720896xf32, #tpu.memory_space<hbm>> -> memref<1024xf32, #tpu.memory_space<hbm>>
    tpu.enqueue_dma source(%dma_start3A_31 : memref<1024xf32, #tpu.memory_space<hbm>>) target(%dma_start3A_30 : memref<1024xf32, #tpu.memory_space<vmem>>) target_semaphore(%arg16 : memref<!tpu.dma_semaphore, #tpu.memory_space<semaphore_mem>>)
    %scan3A = arith.constant 0 : i32
    %scan3A_32 = arith.constant 11 : i32
    %scan3A_33 = arith.addi %scan3A, %scan3A_32 : i32
    %scan3A_34 = arith.constant 1 : i32
    scf.for %scan3A_36 = %scan3A to %scan3A_33 step %scan3A_34  : i32 {
      %mul3A_37 = arith.constant 1 : i32
      %mul3A_38 = arith.muli %scan3A_36, %mul3A_37 : i32
      %add3A_39 = arith.constant 0 : i32
      %add3A_40 = arith.addi %add3A_39, %mul3A_38 : i32
      %mul3A_41 = arith.constant 2 : i32
      %mul3A_42 = arith.muli %mul3A_41, %add3A_40 : i32
      %add3A_43 = arith.constant 0 : i32
      %add3A_44 = arith.addi %mul3A_42, %add3A_43 : i32
      %mul3A_45 = arith.constant 1024 : i32
      %mul3A_46 = arith.muli %add3A_44, %mul3A_45 : i32
      %add3A_47 = arith.addi %mul3A_3, %mul3A_46 : i32
      %dma_wait3A = arith.constant 0 : i32
      %dma_wait3A_48 = arith.constant 0 : i32
      %dma_wait3A_49 = tpu.memref_slice %arg11[%dma_wait3A, %dma_wait3A_48] : memref<2x1024xi32, #tpu.memory_space<vmem>> -> memref<1x1024xi32, #tpu.memory_space<vmem>>
      %dma_wait3A_50 = tpu.memref_squeeze %dma_wait3A_49 : memref<1x1024xi32, #tpu.memory_space<vmem>> -> memref<1024xi32, #tpu.memory_space<vmem>>
      %dma_wait3A_51 = arith.constant 0 : i32
      %dma_wait3A_52 = tpu.memref_slice %arg4[%dma_wait3A_51] : memref<720896xi32, #tpu.memory_space<hbm>> -> memref<1024xi32, #tpu.memory_space<hbm>>
      %dma_wait3A_53 = arith.constant 0 : i32
      %dma_wait3A_54 = tpu.memref_slice %arg11[%dma_wait3A, %dma_wait3A_53] : memref<2x1024xi32, #tpu.memory_space<vmem>> -> memref<1x1024xi32, #tpu.memory_space<vmem>>
      %dma_wait3A_55 = tpu.memref_squeeze %dma_wait3A_54 : memref<1x1024xi32, #tpu.memory_space<vmem>> -> memref<1024xi32, #tpu.memory_space<vmem>>
      %dma_wait3A_56 = arith.constant 0 : i32
      %dma_wait3A_57 = tpu.memref_slice %arg4[%dma_wait3A_56] : memref<720896xi32, #tpu.memory_space<hbm>> -> memref<1024xi32, #tpu.memory_space<hbm>>
      tpu.wait_dma2 semaphore(%arg16 : memref<!tpu.dma_semaphore, #tpu.memory_space<semaphore_mem>>) src(%dma_wait3A_57 : memref<1024xi32, #tpu.memory_space<hbm>>) dst(%dma_wait3A_55 : memref<1024xi32, #tpu.memory_space<vmem>>)
      %dma_wait3A_58 = arith.constant 0 : i32
      %dma_wait3A_59 = arith.constant 0 : i32
      %dma_wait3A_60 = tpu.memref_slice %arg12[%dma_wait3A_58, %dma_wait3A_59] : memref<2x1024xi32, #tpu.memory_space<vmem>> -> memref<1x1024xi32, #tpu.memory_space<vmem>>
      %dma_wait3A_61 = tpu.memref_squeeze %dma_wait3A_60 : memref<1x1024xi32, #tpu.memory_space<vmem>> -> memref<1024xi32, #tpu.memory_space<vmem>>
      %dma_wait3A_62 = arith.constant 0 : i32
      %dma_wait3A_63 = tpu.memref_slice %arg4[%dma_wait3A_62] : memref<720896xi32, #tpu.memory_space<hbm>> -> memref<1024xi32, #tpu.memory_space<hbm>>
      %dma_wait3A_64 = arith.constant 0 : i32
      %dma_wait3A_65 = tpu.memref_slice %arg12[%dma_wait3A_58, %dma_wait3A_64] : memref<2x1024xi32, #tpu.memory_space<vmem>> -> memref<1x1024xi32, #tpu.memory_space<vmem>>
      %dma_wait3A_66 = tpu.memref_squeeze %dma_wait3A_65 : memref<1x1024xi32, #tpu.memory_space<vmem>> -> memref<1024xi32, #tpu.memory_space<vmem>>
      %dma_wait3A_67 = arith.constant 0 : i32
      %dma_wait3A_68 = tpu.memref_slice %arg4[%dma_wait3A_67] : memref<720896xi32, #tpu.memory_space<hbm>> -> memref<1024xi32, #tpu.memory_space<hbm>>
      tpu.wait_dma2 semaphore(%arg16 : memref<!tpu.dma_semaphore, #tpu.memory_space<semaphore_mem>>) src(%dma_wait3A_68 : memref<1024xi32, #tpu.memory_space<hbm>>) dst(%dma_wait3A_66 : memref<1024xi32, #tpu.memory_space<vmem>>)
      %dma_wait3A_69 = arith.constant 0 : i32
      %dma_wait3A_70 = arith.constant 0 : i32
      %dma_wait3A_71 = tpu.memref_slice %arg13[%dma_wait3A_69, %dma_wait3A_70] : memref<2x1024xf32, #tpu.memory_space<vmem>> -> memref<1x1024xf32, #tpu.memory_space<vmem>>
      %dma_wait3A_72 = tpu.memref_squeeze %dma_wait3A_71 : memref<1x1024xf32, #tpu.memory_space<vmem>> -> memref<1024xf32, #tpu.memory_space<vmem>>
      %dma_wait3A_73 = arith.constant 0 : i32
      %dma_wait3A_74 = tpu.memref_slice %arg6[%dma_wait3A_73] : memref<720896xf32, #tpu.memory_space<hbm>> -> memref<1024xf32, #tpu.memory_space<hbm>>
      %dma_wait3A_75 = arith.constant 0 : i32
      %dma_wait3A_76 = tpu.memref_slice %arg13[%dma_wait3A_69, %dma_wait3A_75] : memref<2x1024xf32, #tpu.memory_space<vmem>> -> memref<1x1024xf32, #tpu.memory_space<vmem>>
      %dma_wait3A_77 = tpu.memref_squeeze %dma_wait3A_76 : memref<1x1024xf32, #tpu.memory_space<vmem>> -> memref<1024xf32, #tpu.memory_space<vmem>>
      %dma_wait3A_78 = arith.constant 0 : i32
      %dma_wait3A_79 = tpu.memref_slice %arg6[%dma_wait3A_78] : memref<720896xf32, #tpu.memory_space<hbm>> -> memref<1024xf32, #tpu.memory_space<hbm>>
      tpu.wait_dma2 semaphore(%arg16 : memref<!tpu.dma_semaphore, #tpu.memory_space<semaphore_mem>>) src(%dma_wait3A_79 : memref<1024xf32, #tpu.memory_space<hbm>>) dst(%dma_wait3A_77 : memref<1024xf32, #tpu.memory_space<vmem>>)
      %add3A_80 = arith.constant 1 : i32
      %add3A_81 = arith.addi %add3A_44, %add3A_80 : i32
      %lt3A = arith.constant 22 : i32
      %lt3A_82 = arith.cmpi slt, %add3A_81, %lt3A : i32
      %convert_element_type3A = arith.extui %lt3A_82 : i1 to i32
      %cond3A = arith.constant 0 : i32
      %cond3A_83 = arith.cmpi ne, %convert_element_type3A, %cond3A : i32
      scf.if %cond3A_83 {
        %add3A_142 = arith.constant 1 : i32
        %add3A_143 = arith.addi %add3A_44, %add3A_142 : i32
        %mul3A_144 = arith.constant 1024 : i32
        %mul3A_145 = arith.muli %add3A_143, %mul3A_144 : i32
        %add3A_146 = arith.addi %mul3A_3, %mul3A_145 : i32
        %dma_start3A_147 = arith.constant 1 : i32
        %dma_start3A_148 = arith.constant 0 : i32
        %dma_start3A_149 = tpu.memref_slice %arg11[%dma_start3A_147, %dma_start3A_148] : memref<2x1024xi32, #tpu.memory_space<vmem>> -> memref<1x1024xi32, #tpu.memory_space<vmem>>
        %dma_start3A_150 = tpu.memref_squeeze %dma_start3A_149 : memref<1x1024xi32, #tpu.memory_space<vmem>> -> memref<1024xi32, #tpu.memory_space<vmem>>
        %dma_start3A_151 = tpu.memref_slice %arg4[%add3A_146] : memref<720896xi32, #tpu.memory_space<hbm>> -> memref<1024xi32, #tpu.memory_space<hbm>>
        %dma_start3A_152 = arith.constant 0 : i32
        %dma_start3A_153 = tpu.memref_slice %arg11[%dma_start3A_147, %dma_start3A_152] : memref<2x1024xi32, #tpu.memory_space<vmem>> -> memref<1x1024xi32, #tpu.memory_space<vmem>>
        %dma_start3A_154 = tpu.memref_squeeze %dma_start3A_153 : memref<1x1024xi32, #tpu.memory_space<vmem>> -> memref<1024xi32, #tpu.memory_space<vmem>>
        %dma_start3A_155 = tpu.memref_slice %arg4[%add3A_146] : memref<720896xi32, #tpu.memory_space<hbm>> -> memref<1024xi32, #tpu.memory_space<hbm>>
        tpu.enqueue_dma source(%dma_start3A_155 : memref<1024xi32, #tpu.memory_space<hbm>>) target(%dma_start3A_154 : memref<1024xi32, #tpu.memory_space<vmem>>) target_semaphore(%arg17 : memref<!tpu.dma_semaphore, #tpu.memory_space<semaphore_mem>>)
        %dma_start3A_156 = arith.constant 1 : i32
        %dma_start3A_157 = arith.constant 0 : i32
        %dma_start3A_158 = tpu.memref_slice %arg12[%dma_start3A_156, %dma_start3A_157] : memref<2x1024xi32, #tpu.memory_space<vmem>> -> memref<1x1024xi32, #tpu.memory_space<vmem>>
        %dma_start3A_159 = tpu.memref_squeeze %dma_start3A_158 : memref<1x1024xi32, #tpu.memory_space<vmem>> -> memref<1024xi32, #tpu.memory_space<vmem>>
        %dma_start3A_160 = tpu.memref_slice %arg5[%add3A_146] : memref<720896xi32, #tpu.memory_space<hbm>> -> memref<1024xi32, #tpu.memory_space<hbm>>
        %dma_start3A_161 = arith.constant 0 : i32
        %dma_start3A_162 = tpu.memref_slice %arg12[%dma_start3A_156, %dma_start3A_161] : memref<2x1024xi32, #tpu.memory_space<vmem>> -> memref<1x1024xi32, #tpu.memory_space<vmem>>
        %dma_start3A_163 = tpu.memref_squeeze %dma_start3A_162 : memref<1x1024xi32, #tpu.memory_space<vmem>> -> memref<1024xi32, #tpu.memory_space<vmem>>
        %dma_start3A_164 = tpu.memref_slice %arg5[%add3A_146] : memref<720896xi32, #tpu.memory_space<hbm>> -> memref<1024xi32, #tpu.memory_space<hbm>>
        tpu.enqueue_dma source(%dma_start3A_164 : memref<1024xi32, #tpu.memory_space<hbm>>) target(%dma_start3A_163 : memref<1024xi32, #tpu.memory_space<vmem>>) target_semaphore(%arg17 : memref<!tpu.dma_semaphore, #tpu.memory_space<semaphore_mem>>)
        %dma_start3A_165 = arith.constant 1 : i32
        %dma_start3A_166 = arith.constant 0 : i32
        %dma_start3A_167 = tpu.memref_slice %arg13[%dma_start3A_165, %dma_start3A_166] : memref<2x1024xf32, #tpu.memory_space<vmem>> -> memref<1x1024xf32, #tpu.memory_space<vmem>>
        %dma_start3A_168 = tpu.memref_squeeze %dma_start3A_167 : memref<1x1024xf32, #tpu.memory_space<vmem>> -> memref<1024xf32, #tpu.memory_space<vmem>>
        %dma_start3A_169 = tpu.memref_slice %arg6[%add3A_146] : memref<720896xf32, #tpu.memory_space<hbm>> -> memref<1024xf32, #tpu.memory_space<hbm>>
        %dma_start3A_170 = arith.constant 0 : i32
        %dma_start3A_171 = tpu.memref_slice %arg13[%dma_start3A_165, %dma_start3A_170] : memref<2x1024xf32, #tpu.memory_space<vmem>> -> memref<1x1024xf32, #tpu.memory_space<vmem>>
        %dma_start3A_172 = tpu.memref_squeeze %dma_start3A_171 : memref<1x1024xf32, #tpu.memory_space<vmem>> -> memref<1024xf32, #tpu.memory_space<vmem>>
        %dma_start3A_173 = tpu.memref_slice %arg6[%add3A_146] : memref<720896xf32, #tpu.memory_space<hbm>> -> memref<1024xf32, #tpu.memory_space<hbm>>
        tpu.enqueue_dma source(%dma_start3A_173 : memref<1024xf32, #tpu.memory_space<hbm>>) target(%dma_start3A_172 : memref<1024xf32, #tpu.memory_space<vmem>>) target_semaphore(%arg17 : memref<!tpu.dma_semaphore, #tpu.memory_space<semaphore_mem>>)
      } else {
      }
      %scan3A_84 = arith.constant 0 : i32
      %scan3A_85 = arith.constant 64 : i32
      %scan3A_86 = arith.addi %scan3A_84, %scan3A_85 : i32
      %scan3A_87 = arith.constant 1 : i32
      scf.for %scan3A_142 = %scan3A_84 to %scan3A_86 step %scan3A_87  : i32 {
        %mul3A_143 = arith.constant 1 : i32
        %mul3A_144 = arith.muli %scan3A_142, %mul3A_143 : i32
        %add3A_145 = arith.constant 0 : i32
        %add3A_146 = arith.addi %add3A_145, %mul3A_144 : i32
        %mul3A_147 = arith.constant 16 : i32
        %mul3A_148 = arith.muli %add3A_146, %mul3A_147 : i32
        %get3A_149 = arith.constant 0 : i32
        %get3A_150 = arith.index_cast %get3A_149 : i32 to index
        %get3A_151 = arith.index_cast %mul3A_148 : i32 to index
        %get3A_152 = tpu.vector_load %arg11[%get3A_150, %get3A_151] {strides = array<i32>} : memref<2x1024xi32, #tpu.memory_space<vmem>>, vector<16xi32>,
        %mul3A_153 = arith.constant 16 : i32
        %mul3A_154 = arith.muli %add3A_146, %mul3A_153 : i32
        %get3A_155 = arith.constant 0 : i32
        %get3A_156 = arith.index_cast %get3A_155 : i32 to index
        %get3A_157 = arith.index_cast %mul3A_154 : i32 to index
        %get3A_158 = tpu.vector_load %arg12[%get3A_156, %get3A_157] {strides = array<i32>} : memref<2x1024xi32, #tpu.memory_space<vmem>>, vector<16xi32>,
        %gather3A = tpu.vector_load_idx %arg9[%get3A_152] : memref<10240xf32, #tpu.memory_space<vmem>>[vector<16xi32>], vector<16xf32>,
        %gather3A_159 = tpu.vector_load_idx %arg10[%get3A_158] : memref<10240xf32, #tpu.memory_space<vmem>>[vector<16xi32>], vector<16xf32>,
        %mul3A_160 = arith.constant 16 : i32
        %mul3A_161 = arith.muli %add3A_146, %mul3A_160 : i32
        %get3A_162 = arith.constant 0 : i32
        %get3A_163 = arith.index_cast %get3A_162 : i32 to index
        %get3A_164 = arith.index_cast %mul3A_161 : i32 to index
        %get3A_165 = tpu.vector_load %arg13[%get3A_163, %get3A_164] {strides = array<i32>} : memref<2x1024xf32, #tpu.memory_space<vmem>>, vector<16xf32>,
        %add3A_166 = arith.addf %gather3A, %gather3A_159 : vector<16xf32>
        %mul3A_167 = arith.mulf %get3A_165, %add3A_166 : vector<16xf32>
        %add3A_168 = arith.addf %mul3A_167, %get3A_1 : vector<16xf32>
        %neg3A = arith.constant 0.000000e+00 : f32
        %neg3A_169 = vector.broadcast %neg3A : f32 to vector<16xf32>
        %neg3A_170 = arith.subf %neg3A_169, %add3A_168 : vector<16xf32>
        %exp3A = math.exp %neg3A_170 : vector<16xf32>
        %add3A_171 = arith.constant 1.000000e+00 : f32
        %add3A_172 = vector.broadcast %add3A_171 : f32 to vector<16xf32>
        %add3A_173 = arith.addf %add3A_172, %exp3A : vector<16xf32>
        %div3A = arith.constant 1.000000e+00 : f32
        %div3A_174 = vector.broadcast %div3A : f32 to vector<16xf32>
        %div3A_175 = arith.divf %div3A_174, %add3A_173 : vector<16xf32>
        %mul3A_176 = arith.constant 16 : i32
        %mul3A_177 = arith.muli %add3A_146, %mul3A_176 : i32
        %swap3A = arith.constant 0 : i32
        %swap3A_178 = arith.index_cast %swap3A : i32 to index
        %swap3A_179 = arith.index_cast %mul3A_177 : i32 to index
        %swap3A_180 = tpu.vector_load %arg14[%swap3A_178, %swap3A_179] {strides = array<i32>} : memref<2x1024xf32, #tpu.memory_space<vmem>>, vector<16xf32>,
        tpu.vector_store %arg14[%swap3A_178, %swap3A_179], %div3A_175 {strides = array<i32>} : memref<2x1024xf32, #tpu.memory_space<vmem>>, vector<16xf32>,
      }
      %scan3A_88 = arith.constant 64 : i32
      %run_scoped3A = arith.constant 0 : i32
      "tpu.region"() ({
        %run_scoped3A_142 = tpu.sem_alloc : memref<!tpu.dma_semaphore, #tpu.memory_space<semaphore_mem>>
        %dma_start3A_143 = arith.constant 0 : i32
        %dma_start3A_144 = tpu.memref_slice %arg14[%run_scoped3A, %dma_start3A_143] : memref<2x1024xf32, #tpu.memory_space<vmem>> -> memref<1x1024xf32, #tpu.memory_space<vmem>>
        %dma_start3A_145 = tpu.memref_squeeze %dma_start3A_144 : memref<1x1024xf32, #tpu.memory_space<vmem>> -> memref<1024xf32, #tpu.memory_space<vmem>>
        %dma_start3A_146 = tpu.memref_slice %arg8[%add3A_47] : memref<720896xf32, #tpu.memory_space<hbm>> -> memref<1024xf32, #tpu.memory_space<hbm>>
        %dma_start3A_147 = tpu.memref_slice %arg8[%add3A_47] : memref<720896xf32, #tpu.memory_space<hbm>> -> memref<1024xf32, #tpu.memory_space<hbm>>
        %dma_start3A_148 = arith.constant 0 : i32
        %dma_start3A_149 = tpu.memref_slice %arg14[%run_scoped3A, %dma_start3A_148] : memref<2x1024xf32, #tpu.memory_space<vmem>> -> memref<1x1024xf32, #tpu.memory_space<vmem>>
        %dma_start3A_150 = tpu.memref_squeeze %dma_start3A_149 : memref<1x1024xf32, #tpu.memory_space<vmem>> -> memref<1024xf32, #tpu.memory_space<vmem>>
        tpu.enqueue_dma source(%dma_start3A_150 : memref<1024xf32, #tpu.memory_space<vmem>>) target(%dma_start3A_147 : memref<1024xf32, #tpu.memory_space<hbm>>) target_semaphore(%run_scoped3A_142 : memref<!tpu.dma_semaphore, #tpu.memory_space<semaphore_mem>>)
        %dma_wait3A_151 = arith.constant 0 : i32
        %dma_wait3A_152 = tpu.memref_slice %arg14[%run_scoped3A, %dma_wait3A_151] : memref<2x1024xf32, #tpu.memory_space<vmem>> -> memref<1x1024xf32, #tpu.memory_space<vmem>>
        %dma_wait3A_153 = tpu.memref_squeeze %dma_wait3A_152 : memref<1x1024xf32, #tpu.memory_space<vmem>> -> memref<1024xf32, #tpu.memory_space<vmem>>
        %dma_wait3A_154 = tpu.memref_slice %arg8[%add3A_47] : memref<720896xf32, #tpu.memory_space<hbm>> -> memref<1024xf32, #tpu.memory_space<hbm>>
        %dma_wait3A_155 = tpu.memref_slice %arg8[%add3A_47] : memref<720896xf32, #tpu.memory_space<hbm>> -> memref<1024xf32, #tpu.memory_space<hbm>>
        %dma_wait3A_156 = arith.constant 0 : i32
        %dma_wait3A_157 = tpu.memref_slice %arg14[%run_scoped3A, %dma_wait3A_156] : memref<2x1024xf32, #tpu.memory_space<vmem>> -> memref<1x1024xf32, #tpu.memory_space<vmem>>
        %dma_wait3A_158 = tpu.memref_squeeze %dma_wait3A_157 : memref<1x1024xf32, #tpu.memory_space<vmem>> -> memref<1024xf32, #tpu.memory_space<vmem>>
        tpu.wait_dma2 semaphore(%run_scoped3A_142 : memref<!tpu.dma_semaphore, #tpu.memory_space<semaphore_mem>>) src(%dma_wait3A_158 : memref<1024xf32, #tpu.memory_space<vmem>>) dst(%dma_wait3A_155 : memref<1024xf32, #tpu.memory_space<hbm>>)
        tpu.yield
      }) : () -> ()
      %mul3A_89 = arith.constant 2 : i32
      %mul3A_90 = arith.muli %mul3A_89, %add3A_40 : i32
      %add3A_91 = arith.constant 1 : i32
      %add3A_92 = arith.addi %mul3A_90, %add3A_91 : i32
      %mul3A_93 = arith.constant 1024 : i32
      %mul3A_94 = arith.muli %add3A_92, %mul3A_93 : i32
      %add3A_95 = arith.addi %mul3A_3, %mul3A_94 : i32
      %dma_wait3A_96 = arith.constant 1 : i32
      %dma_wait3A_97 = arith.constant 0 : i32
      %dma_wait3A_98 = tpu.memref_slice %arg11[%dma_wait3A_96, %dma_wait3A_97] : memref<2x1024xi32, #tpu.memory_space<vmem>> -> memref<1x1024xi32, #tpu.memory_space<vmem>>
      %dma_wait3A_99 = tpu.memref_squeeze %dma_wait3A_98 : memref<1x1024xi32, #tpu.memory_space<vmem>> -> memref<1024xi32, #tpu.memory_space<vmem>>
      %dma_wait3A_100 = arith.constant 0 : i32
      %dma_wait3A_101 = tpu.memref_slice %arg4[%dma_wait3A_100] : memref<720896xi32, #tpu.memory_space<hbm>> -> memref<1024xi32, #tpu.memory_space<hbm>>
      %dma_wait3A_102 = arith.constant 0 : i32
      %dma_wait3A_103 = tpu.memref_slice %arg11[%dma_wait3A_96, %dma_wait3A_102] : memref<2x1024xi32, #tpu.memory_space<vmem>> -> memref<1x1024xi32, #tpu.memory_space<vmem>>
      %dma_wait3A_104 = tpu.memref_squeeze %dma_wait3A_103 : memref<1x1024xi32, #tpu.memory_space<vmem>> -> memref<1024xi32, #tpu.memory_space<vmem>>
      %dma_wait3A_105 = arith.constant 0 : i32
      %dma_wait3A_106 = tpu.memref_slice %arg4[%dma_wait3A_105] : memref<720896xi32, #tpu.memory_space<hbm>> -> memref<1024xi32, #tpu.memory_space<hbm>>
      tpu.wait_dma2 semaphore(%arg17 : memref<!tpu.dma_semaphore, #tpu.memory_space<semaphore_mem>>) src(%dma_wait3A_106 : memref<1024xi32, #tpu.memory_space<hbm>>) dst(%dma_wait3A_104 : memref<1024xi32, #tpu.memory_space<vmem>>)
      %dma_wait3A_107 = arith.constant 1 : i32
      %dma_wait3A_108 = arith.constant 0 : i32
      %dma_wait3A_109 = tpu.memref_slice %arg12[%dma_wait3A_107, %dma_wait3A_108] : memref<2x1024xi32, #tpu.memory_space<vmem>> -> memref<1x1024xi32, #tpu.memory_space<vmem>>
      %dma_wait3A_110 = tpu.memref_squeeze %dma_wait3A_109 : memref<1x1024xi32, #tpu.memory_space<vmem>> -> memref<1024xi32, #tpu.memory_space<vmem>>
      %dma_wait3A_111 = arith.constant 0 : i32
      %dma_wait3A_112 = tpu.memref_slice %arg4[%dma_wait3A_111] : memref<720896xi32, #tpu.memory_space<hbm>> -> memref<1024xi32, #tpu.memory_space<hbm>>
      %dma_wait3A_113 = arith.constant 0 : i32
      %dma_wait3A_114 = tpu.memref_slice %arg12[%dma_wait3A_107, %dma_wait3A_113] : memref<2x1024xi32, #tpu.memory_space<vmem>> -> memref<1x1024xi32, #tpu.memory_space<vmem>>
      %dma_wait3A_115 = tpu.memref_squeeze %dma_wait3A_114 : memref<1x1024xi32, #tpu.memory_space<vmem>> -> memref<1024xi32, #tpu.memory_space<vmem>>
      %dma_wait3A_116 = arith.constant 0 : i32
      %dma_wait3A_117 = tpu.memref_slice %arg4[%dma_wait3A_116] : memref<720896xi32, #tpu.memory_space<hbm>> -> memref<1024xi32, #tpu.memory_space<hbm>>
      tpu.wait_dma2 semaphore(%arg17 : memref<!tpu.dma_semaphore, #tpu.memory_space<semaphore_mem>>) src(%dma_wait3A_117 : memref<1024xi32, #tpu.memory_space<hbm>>) dst(%dma_wait3A_115 : memref<1024xi32, #tpu.memory_space<vmem>>)
      %dma_wait3A_118 = arith.constant 1 : i32
      %dma_wait3A_119 = arith.constant 0 : i32
      %dma_wait3A_120 = tpu.memref_slice %arg13[%dma_wait3A_118, %dma_wait3A_119] : memref<2x1024xf32, #tpu.memory_space<vmem>> -> memref<1x1024xf32, #tpu.memory_space<vmem>>
      %dma_wait3A_121 = tpu.memref_squeeze %dma_wait3A_120 : memref<1x1024xf32, #tpu.memory_space<vmem>> -> memref<1024xf32, #tpu.memory_space<vmem>>
      %dma_wait3A_122 = arith.constant 0 : i32
      %dma_wait3A_123 = tpu.memref_slice %arg6[%dma_wait3A_122] : memref<720896xf32, #tpu.memory_space<hbm>> -> memref<1024xf32, #tpu.memory_space<hbm>>
      %dma_wait3A_124 = arith.constant 0 : i32
      %dma_wait3A_125 = tpu.memref_slice %arg13[%dma_wait3A_118, %dma_wait3A_124] : memref<2x1024xf32, #tpu.memory_space<vmem>> -> memref<1x1024xf32, #tpu.memory_space<vmem>>
      %dma_wait3A_126 = tpu.memref_squeeze %dma_wait3A_125 : memref<1x1024xf32, #tpu.memory_space<vmem>> -> memref<1024xf32, #tpu.memory_space<vmem>>
      %dma_wait3A_127 = arith.constant 0 : i32
      %dma_wait3A_128 = tpu.memref_slice %arg6[%dma_wait3A_127] : memref<720896xf32, #tpu.memory_space<hbm>> -> memref<1024xf32, #tpu.memory_space<hbm>>
      tpu.wait_dma2 semaphore(%arg17 : memref<!tpu.dma_semaphore, #tpu.memory_space<semaphore_mem>>) src(%dma_wait3A_128 : memref<1024xf32, #tpu.memory_space<hbm>>) dst(%dma_wait3A_126 : memref<1024xf32, #tpu.memory_space<vmem>>)
      %add3A_129 = arith.constant 1 : i32
      %add3A_130 = arith.addi %add3A_92, %add3A_129 : i32
      %lt3A_131 = arith.constant 22 : i32
      %lt3A_132 = arith.cmpi slt, %add3A_130, %lt3A_131 : i32
      %convert_element_type3A_133 = arith.extui %lt3A_132 : i1 to i32
      %cond3A_134 = arith.constant 0 : i32
      %cond3A_135 = arith.cmpi ne, %convert_element_type3A_133, %cond3A_134 : i32
      scf.if %cond3A_135 {
        %add3A_142 = arith.constant 1 : i32
        %add3A_143 = arith.addi %add3A_92, %add3A_142 : i32
        %mul3A_144 = arith.constant 1024 : i32
        %mul3A_145 = arith.muli %add3A_143, %mul3A_144 : i32
        %add3A_146 = arith.addi %mul3A_3, %mul3A_145 : i32
        %dma_start3A_147 = arith.constant 0 : i32
        %dma_start3A_148 = arith.constant 0 : i32
        %dma_start3A_149 = tpu.memref_slice %arg11[%dma_start3A_147, %dma_start3A_148] : memref<2x1024xi32, #tpu.memory_space<vmem>> -> memref<1x1024xi32, #tpu.memory_space<vmem>>
        %dma_start3A_150 = tpu.memref_squeeze %dma_start3A_149 : memref<1x1024xi32, #tpu.memory_space<vmem>> -> memref<1024xi32, #tpu.memory_space<vmem>>
        %dma_start3A_151 = tpu.memref_slice %arg4[%add3A_146] : memref<720896xi32, #tpu.memory_space<hbm>> -> memref<1024xi32, #tpu.memory_space<hbm>>
        %dma_start3A_152 = arith.constant 0 : i32
        %dma_start3A_153 = tpu.memref_slice %arg11[%dma_start3A_147, %dma_start3A_152] : memref<2x1024xi32, #tpu.memory_space<vmem>> -> memref<1x1024xi32, #tpu.memory_space<vmem>>
        %dma_start3A_154 = tpu.memref_squeeze %dma_start3A_153 : memref<1x1024xi32, #tpu.memory_space<vmem>> -> memref<1024xi32, #tpu.memory_space<vmem>>
        %dma_start3A_155 = tpu.memref_slice %arg4[%add3A_146] : memref<720896xi32, #tpu.memory_space<hbm>> -> memref<1024xi32, #tpu.memory_space<hbm>>
        tpu.enqueue_dma source(%dma_start3A_155 : memref<1024xi32, #tpu.memory_space<hbm>>) target(%dma_start3A_154 : memref<1024xi32, #tpu.memory_space<vmem>>) target_semaphore(%arg16 : memref<!tpu.dma_semaphore, #tpu.memory_space<semaphore_mem>>)
        %dma_start3A_156 = arith.constant 0 : i32
        %dma_start3A_157 = arith.constant 0 : i32
        %dma_start3A_158 = tpu.memref_slice %arg12[%dma_start3A_156, %dma_start3A_157] : memref<2x1024xi32, #tpu.memory_space<vmem>> -> memref<1x1024xi32, #tpu.memory_space<vmem>>
        %dma_start3A_159 = tpu.memref_squeeze %dma_start3A_158 : memref<1x1024xi32, #tpu.memory_space<vmem>> -> memref<1024xi32, #tpu.memory_space<vmem>>
        %dma_start3A_160 = tpu.memref_slice %arg5[%add3A_146] : memref<720896xi32, #tpu.memory_space<hbm>> -> memref<1024xi32, #tpu.memory_space<hbm>>
        %dma_start3A_161 = arith.constant 0 : i32
        %dma_start3A_162 = tpu.memref_slice %arg12[%dma_start3A_156, %dma_start3A_161] : memref<2x1024xi32, #tpu.memory_space<vmem>> -> memref<1x1024xi32, #tpu.memory_space<vmem>>
        %dma_start3A_163 = tpu.memref_squeeze %dma_start3A_162 : memref<1x1024xi32, #tpu.memory_space<vmem>> -> memref<1024xi32, #tpu.memory_space<vmem>>
        %dma_start3A_164 = tpu.memref_slice %arg5[%add3A_146] : memref<720896xi32, #tpu.memory_space<hbm>> -> memref<1024xi32, #tpu.memory_space<hbm>>
        tpu.enqueue_dma source(%dma_start3A_164 : memref<1024xi32, #tpu.memory_space<hbm>>) target(%dma_start3A_163 : memref<1024xi32, #tpu.memory_space<vmem>>) target_semaphore(%arg16 : memref<!tpu.dma_semaphore, #tpu.memory_space<semaphore_mem>>)
        %dma_start3A_165 = arith.constant 0 : i32
        %dma_start3A_166 = arith.constant 0 : i32
        %dma_start3A_167 = tpu.memref_slice %arg13[%dma_start3A_165, %dma_start3A_166] : memref<2x1024xf32, #tpu.memory_space<vmem>> -> memref<1x1024xf32, #tpu.memory_space<vmem>>
        %dma_start3A_168 = tpu.memref_squeeze %dma_start3A_167 : memref<1x1024xf32, #tpu.memory_space<vmem>> -> memref<1024xf32, #tpu.memory_space<vmem>>
        %dma_start3A_169 = tpu.memref_slice %arg6[%add3A_146] : memref<720896xf32, #tpu.memory_space<hbm>> -> memref<1024xf32, #tpu.memory_space<hbm>>
        %dma_start3A_170 = arith.constant 0 : i32
        %dma_start3A_171 = tpu.memref_slice %arg13[%dma_start3A_165, %dma_start3A_170] : memref<2x1024xf32, #tpu.memory_space<vmem>> -> memref<1x1024xf32, #tpu.memory_space<vmem>>
        %dma_start3A_172 = tpu.memref_squeeze %dma_start3A_171 : memref<1x1024xf32, #tpu.memory_space<vmem>> -> memref<1024xf32, #tpu.memory_space<vmem>>
        %dma_start3A_173 = tpu.memref_slice %arg6[%add3A_146] : memref<720896xf32, #tpu.memory_space<hbm>> -> memref<1024xf32, #tpu.memory_space<hbm>>
        tpu.enqueue_dma source(%dma_start3A_173 : memref<1024xf32, #tpu.memory_space<hbm>>) target(%dma_start3A_172 : memref<1024xf32, #tpu.memory_space<vmem>>) target_semaphore(%arg16 : memref<!tpu.dma_semaphore, #tpu.memory_space<semaphore_mem>>)
      } else {
      }
      %scan3A_136 = arith.constant 0 : i32
      %scan3A_137 = arith.constant 64 : i32
      %scan3A_138 = arith.addi %scan3A_136, %scan3A_137 : i32
      %scan3A_139 = arith.constant 1 : i32
      scf.for %scan3A_142 = %scan3A_136 to %scan3A_138 step %scan3A_139  : i32 {
        %mul3A_143 = arith.constant 1 : i32
        %mul3A_144 = arith.muli %scan3A_142, %mul3A_143 : i32
        %add3A_145 = arith.constant 0 : i32
        %add3A_146 = arith.addi %add3A_145, %mul3A_144 : i32
        %mul3A_147 = arith.constant 16 : i32
        %mul3A_148 = arith.muli %add3A_146, %mul3A_147 : i32
        %get3A_149 = arith.constant 1 : i32
        %get3A_150 = arith.index_cast %get3A_149 : i32 to index
        %get3A_151 = arith.index_cast %mul3A_148 : i32 to index
        %get3A_152 = tpu.vector_load %arg11[%get3A_150, %get3A_151] {strides = array<i32>} : memref<2x1024xi32, #tpu.memory_space<vmem>>, vector<16xi32>,
        %mul3A_153 = arith.constant 16 : i32
        %mul3A_154 = arith.muli %add3A_146, %mul3A_153 : i32
        %get3A_155 = arith.constant 1 : i32
        %get3A_156 = arith.index_cast %get3A_155 : i32 to index
        %get3A_157 = arith.index_cast %mul3A_154 : i32 to index
        %get3A_158 = tpu.vector_load %arg12[%get3A_156, %get3A_157] {strides = array<i32>} : memref<2x1024xi32, #tpu.memory_space<vmem>>, vector<16xi32>,
        %gather3A = tpu.vector_load_idx %arg9[%get3A_152] : memref<10240xf32, #tpu.memory_space<vmem>>[vector<16xi32>], vector<16xf32>,
        %gather3A_159 = tpu.vector_load_idx %arg10[%get3A_158] : memref<10240xf32, #tpu.memory_space<vmem>>[vector<16xi32>], vector<16xf32>,
        %mul3A_160 = arith.constant 16 : i32
        %mul3A_161 = arith.muli %add3A_146, %mul3A_160 : i32
        %get3A_162 = arith.constant 1 : i32
        %get3A_163 = arith.index_cast %get3A_162 : i32 to index
        %get3A_164 = arith.index_cast %mul3A_161 : i32 to index
        %get3A_165 = tpu.vector_load %arg13[%get3A_163, %get3A_164] {strides = array<i32>} : memref<2x1024xf32, #tpu.memory_space<vmem>>, vector<16xf32>,
        %add3A_166 = arith.addf %gather3A, %gather3A_159 : vector<16xf32>
        %mul3A_167 = arith.mulf %get3A_165, %add3A_166 : vector<16xf32>
        %add3A_168 = arith.addf %mul3A_167, %get3A_1 : vector<16xf32>
        %neg3A = arith.constant 0.000000e+00 : f32
        %neg3A_169 = vector.broadcast %neg3A : f32 to vector<16xf32>
        %neg3A_170 = arith.subf %neg3A_169, %add3A_168 : vector<16xf32>
        %exp3A = math.exp %neg3A_170 : vector<16xf32>
        %add3A_171 = arith.constant 1.000000e+00 : f32
        %add3A_172 = vector.broadcast %add3A_171 : f32 to vector<16xf32>
        %add3A_173 = arith.addf %add3A_172, %exp3A : vector<16xf32>
        %div3A = arith.constant 1.000000e+00 : f32
        %div3A_174 = vector.broadcast %div3A : f32 to vector<16xf32>
        %div3A_175 = arith.divf %div3A_174, %add3A_173 : vector<16xf32>
        %mul3A_176 = arith.constant 16 : i32
        %mul3A_177 = arith.muli %add3A_146, %mul3A_176 : i32
        %swap3A = arith.constant 1 : i32
        %swap3A_178 = arith.index_cast %swap3A : i32 to index
        %swap3A_179 = arith.index_cast %mul3A_177 : i32 to index
        %swap3A_180 = tpu.vector_load %arg14[%swap3A_178, %swap3A_179] {strides = array<i32>} : memref<2x1024xf32, #tpu.memory_space<vmem>>, vector<16xf32>,
        tpu.vector_store %arg14[%swap3A_178, %swap3A_179], %div3A_175 {strides = array<i32>} : memref<2x1024xf32, #tpu.memory_space<vmem>>, vector<16xf32>,
      }
      %scan3A_140 = arith.constant 64 : i32
      %run_scoped3A_141 = arith.constant 1 : i32
      "tpu.region"() ({
        %run_scoped3A_142 = tpu.sem_alloc : memref<!tpu.dma_semaphore, #tpu.memory_space<semaphore_mem>>
        %dma_start3A_143 = arith.constant 0 : i32
        %dma_start3A_144 = tpu.memref_slice %arg14[%run_scoped3A_141, %dma_start3A_143] : memref<2x1024xf32, #tpu.memory_space<vmem>> -> memref<1x1024xf32, #tpu.memory_space<vmem>>
        %dma_start3A_145 = tpu.memref_squeeze %dma_start3A_144 : memref<1x1024xf32, #tpu.memory_space<vmem>> -> memref<1024xf32, #tpu.memory_space<vmem>>
        %dma_start3A_146 = tpu.memref_slice %arg8[%add3A_95] : memref<720896xf32, #tpu.memory_space<hbm>> -> memref<1024xf32, #tpu.memory_space<hbm>>
        %dma_start3A_147 = tpu.memref_slice %arg8[%add3A_95] : memref<720896xf32, #tpu.memory_space<hbm>> -> memref<1024xf32, #tpu.memory_space<hbm>>
        %dma_start3A_148 = arith.constant 0 : i32
        %dma_start3A_149 = tpu.memref_slice %arg14[%run_scoped3A_141, %dma_start3A_148] : memref<2x1024xf32, #tpu.memory_space<vmem>> -> memref<1x1024xf32, #tpu.memory_space<vmem>>
        %dma_start3A_150 = tpu.memref_squeeze %dma_start3A_149 : memref<1x1024xf32, #tpu.memory_space<vmem>> -> memref<1024xf32, #tpu.memory_space<vmem>>
        tpu.enqueue_dma source(%dma_start3A_150 : memref<1024xf32, #tpu.memory_space<vmem>>) target(%dma_start3A_147 : memref<1024xf32, #tpu.memory_space<hbm>>) target_semaphore(%run_scoped3A_142 : memref<!tpu.dma_semaphore, #tpu.memory_space<semaphore_mem>>)
        %dma_wait3A_151 = arith.constant 0 : i32
        %dma_wait3A_152 = tpu.memref_slice %arg14[%run_scoped3A_141, %dma_wait3A_151] : memref<2x1024xf32, #tpu.memory_space<vmem>> -> memref<1x1024xf32, #tpu.memory_space<vmem>>
        %dma_wait3A_153 = tpu.memref_squeeze %dma_wait3A_152 : memref<1x1024xf32, #tpu.memory_space<vmem>> -> memref<1024xf32, #tpu.memory_space<vmem>>
        %dma_wait3A_154 = tpu.memref_slice %arg8[%add3A_95] : memref<720896xf32, #tpu.memory_space<hbm>> -> memref<1024xf32, #tpu.memory_space<hbm>>
        %dma_wait3A_155 = tpu.memref_slice %arg8[%add3A_95] : memref<720896xf32, #tpu.memory_space<hbm>> -> memref<1024xf32, #tpu.memory_space<hbm>>
        %dma_wait3A_156 = arith.constant 0 : i32
        %dma_wait3A_157 = tpu.memref_slice %arg14[%run_scoped3A_141, %dma_wait3A_156] : memref<2x1024xf32, #tpu.memory_space<vmem>> -> memref<1x1024xf32, #tpu.memory_space<vmem>>
        %dma_wait3A_158 = tpu.memref_squeeze %dma_wait3A_157 : memref<1x1024xf32, #tpu.memory_space<vmem>> -> memref<1024xf32, #tpu.memory_space<vmem>>
        tpu.wait_dma2 semaphore(%run_scoped3A_142 : memref<!tpu.dma_semaphore, #tpu.memory_space<semaphore_mem>>) src(%dma_wait3A_158 : memref<1024xf32, #tpu.memory_space<vmem>>) dst(%dma_wait3A_155 : memref<1024xf32, #tpu.memory_space<hbm>>)
        tpu.yield
      }) : () -> ()
    }
    %scan3A_35 = arith.constant 11 : i32
    return
  }
}

#map = affine_map<(d0, d1) -> (0, 0)>
#map1 = affine_map<(d0, d1) -> (0, 0, 0)>
module attributes {stable_mosaic.version = 14 : i64} {
  func.func @_sc_segsum(%arg0: i32, %arg1: i32, %arg2: memref<20480x128xf32, #tpu.memory_space<hbm>>, %arg3: memref<4096x80xi32, #tpu.memory_space<hbm>>, %arg4: memref<4096x80xi32, #tpu.memory_space<hbm>>, %arg5: memref<4096x80xi32, #tpu.memory_space<hbm>>, %arg6: memref<4096x80xi32, #tpu.memory_space<hbm>>, %arg7: memref<2x10240x128xf32, #tpu.memory_space<hbm>>, %arg8: memref<32x80xi32, #tpu.memory_space<vmem>>, %arg9: memref<32x80xi32, #tpu.memory_space<vmem>>, %arg10: memref<4x80x128xf32, #tpu.memory_space<vmem>>, %arg11: memref<10240x128xf32, #tpu.memory_space<vmem_shared>>, %arg12: memref<!tpu.dma_semaphore, #tpu.memory_space<semaphore_mem>>, %arg13: memref<!tpu.dma_semaphore, #tpu.memory_space<semaphore_mem>>, %arg14: memref<!tpu.dma_semaphore, #tpu.memory_space<semaphore_mem>>, %arg15: memref<!tpu.dma_semaphore, #tpu.memory_space<semaphore_mem>>) attributes {dimension_semantics = [#tpu.dimension_semantics<core_parallel>, #tpu.dimension_semantics<subcore_parallel>], iteration_bounds = array<i64: 2, 16>, scalar_prefetch = 0 : i64, scratch_operands = 8 : i64, tpu.core_type = #tpu.core_type<sc_vector_subcore>, window_params = [{transform_indices = #map}, {transform_indices = #map}, {transform_indices = #map}, {transform_indices = #map}, {transform_indices = #map}, {transform_indices = #map1}]} {
    %scan3A = arith.constant 0 : i32
    %scan3A_0 = arith.constant 0 : i32
    %scan3A_1 = arith.constant 80 : i32
    %scan3A_2 = arith.addi %scan3A_0, %scan3A_1 : i32
    %scan3A_3 = arith.constant 1 : i32
    scf.for %scan3A_20 = %scan3A_0 to %scan3A_2 step %scan3A_3  : i32 {
      %mul3A_21 = arith.constant 1 : i32
      %mul3A_22 = arith.muli %scan3A_20, %mul3A_21 : i32
      %add3A = arith.constant 0 : i32
      %add3A_23 = arith.addi %add3A, %mul3A_22 : i32
      %scan3A_24 = arith.constant 0 : i32
      %scan3A_25 = arith.constant 8 : i32
      %scan3A_26 = arith.addi %scan3A_24, %scan3A_25 : i32
      %scan3A_27 = arith.constant 1 : i32
      scf.for %scan3A_29 = %scan3A_24 to %scan3A_26 step %scan3A_27  : i32 {
        %mul3A_30 = arith.constant 1 : i32
        %mul3A_31 = arith.muli %scan3A_29, %mul3A_30 : i32
        %add3A_32 = arith.constant 0 : i32
        %add3A_33 = arith.addi %add3A_32, %mul3A_31 : i32
        %broadcast_in_dim3A = arith.constant 0.000000e+00 : f32
        %broadcast_in_dim3A_34 = vector.broadcast %broadcast_in_dim3A : f32 to vector<16xf32>
        %mul3A_35 = arith.constant 16 : i32
        %mul3A_36 = arith.muli %add3A_33, %mul3A_35 : i32
        %swap3A = arith.constant 0 : i32
        %swap3A_37 = arith.constant 0 : i32
        %swap3A_38 = tpu.memref_slice %arg10[%scan3A, %swap3A, %swap3A_37] : memref<4x80x128xf32, #tpu.memory_space<vmem>> -> memref<1x80x128xf32, #tpu.memory_space<vmem>>
        %swap3A_39 = tpu.memref_squeeze %swap3A_38 : memref<1x80x128xf32, #tpu.memory_space<vmem>> -> memref<80x128xf32, #tpu.memory_space<vmem>>
        %swap3A_40 = arith.index_cast %add3A_23 : i32 to index
        %swap3A_41 = arith.index_cast %mul3A_36 : i32 to index
        %swap3A_42 = tpu.vector_load %swap3A_39[%swap3A_40, %swap3A_41] {strides = array<i32>} : memref<80x128xf32, #tpu.memory_space<vmem>>, vector<16xf32>,
        tpu.vector_store %swap3A_39[%swap3A_40, %swap3A_41], %broadcast_in_dim3A_34 {strides = array<i32>} : memref<80x128xf32, #tpu.memory_space<vmem>>, vector<16xf32>,
      }
      %scan3A_28 = arith.constant 8 : i32
    }
    %scan3A_4 = arith.constant 80 : i32
    %scan3A_5 = arith.constant 0 : i32
    %scan3A_6 = arith.constant 0 : i32
    %scan3A_7 = arith.constant 8 : i32
    %scan3A_8 = arith.addi %scan3A_6, %scan3A_7 : i32
    %scan3A_9 = arith.constant 1 : i32
    scf.for %scan3A_20 = %scan3A_6 to %scan3A_8 step %scan3A_9  : i32 {
      %mul3A_21 = arith.constant 1 : i32
      %mul3A_22 = arith.muli %scan3A_20, %mul3A_21 : i32
      %add3A = arith.constant 0 : i32
      %add3A_23 = arith.addi %add3A, %mul3A_22 : i32
      %mul3A_24 = arith.constant 640 : i32
      %mul3A_25 = arith.muli %arg1, %mul3A_24 : i32
      %mul3A_26 = arith.constant 80 : i32
      %mul3A_27 = arith.muli %add3A_23, %mul3A_26 : i32
      %add3A_28 = arith.addi %mul3A_25, %mul3A_27 : i32
      "tpu.region"() ({
        %run_scoped3A = tpu.sem_alloc : memref<!tpu.dma_semaphore, #tpu.memory_space<semaphore_mem>>
        %dma_start3A = arith.constant 0 : i32
        %dma_start3A_29 = arith.constant 0 : i32
        %dma_start3A_30 = tpu.memref_slice %arg10[%scan3A_5, %dma_start3A, %dma_start3A_29] : memref<4x80x128xf32, #tpu.memory_space<vmem>> -> memref<1x80x128xf32, #tpu.memory_space<vmem>>
        %dma_start3A_31 = tpu.memref_squeeze %dma_start3A_30 : memref<1x80x128xf32, #tpu.memory_space<vmem>> -> memref<80x128xf32, #tpu.memory_space<vmem>>
        %dma_start3A_32 = arith.constant 0 : i32
        %dma_start3A_33 = tpu.memref_slice %arg11[%add3A_28, %dma_start3A_32] : memref<10240x128xf32, #tpu.memory_space<vmem_shared>> -> memref<80x128xf32, #tpu.memory_space<vmem_shared>>
        %dma_start3A_34 = arith.constant 0 : i32
        %dma_start3A_35 = tpu.memref_slice %arg11[%add3A_28, %dma_start3A_34] : memref<10240x128xf32, #tpu.memory_space<vmem_shared>> -> memref<80x128xf32, #tpu.memory_space<vmem_shared>>
        %dma_start3A_36 = arith.constant 0 : i32
        %dma_start3A_37 = arith.constant 0 : i32
        %dma_start3A_38 = tpu.memref_slice %arg10[%scan3A_5, %dma_start3A_36, %dma_start3A_37] : memref<4x80x128xf32, #tpu.memory_space<vmem>> -> memref<1x80x128xf32, #tpu.memory_space<vmem>>
        %dma_start3A_39 = tpu.memref_squeeze %dma_start3A_38 : memref<1x80x128xf32, #tpu.memory_space<vmem>> -> memref<80x128xf32, #tpu.memory_space<vmem>>
        tpu.enqueue_dma source(%dma_start3A_39 : memref<80x128xf32, #tpu.memory_space<vmem>>) target(%dma_start3A_35 : memref<80x128xf32, #tpu.memory_space<vmem_shared>>) target_semaphore(%run_scoped3A : memref<!tpu.dma_semaphore, #tpu.memory_space<semaphore_mem>>)
        %dma_wait3A = arith.constant 0 : i32
        %dma_wait3A_40 = arith.constant 0 : i32
        %dma_wait3A_41 = tpu.memref_slice %arg10[%scan3A_5, %dma_wait3A, %dma_wait3A_40] : memref<4x80x128xf32, #tpu.memory_space<vmem>> -> memref<1x80x128xf32, #tpu.memory_space<vmem>>
        %dma_wait3A_42 = tpu.memref_squeeze %dma_wait3A_41 : memref<1x80x128xf32, #tpu.memory_space<vmem>> -> memref<80x128xf32, #tpu.memory_space<vmem>>
        %dma_wait3A_43 = arith.constant 0 : i32
        %dma_wait3A_44 = tpu.memref_slice %arg11[%add3A_28, %dma_wait3A_43] : memref<10240x128xf32, #tpu.memory_space<vmem_shared>> -> memref<80x128xf32, #tpu.memory_space<vmem_shared>>
        %dma_wait3A_45 = arith.constant 0 : i32
        %dma_wait3A_46 = tpu.memref_slice %arg11[%add3A_28, %dma_wait3A_45] : memref<10240x128xf32, #tpu.memory_space<vmem_shared>> -> memref<80x128xf32, #tpu.memory_space<vmem_shared>>
        %dma_wait3A_47 = arith.constant 0 : i32
        %dma_wait3A_48 = arith.constant 0 : i32
        %dma_wait3A_49 = tpu.memref_slice %arg10[%scan3A_5, %dma_wait3A_47, %dma_wait3A_48] : memref<4x80x128xf32, #tpu.memory_space<vmem>> -> memref<1x80x128xf32, #tpu.memory_space<vmem>>
        %dma_wait3A_50 = tpu.memref_squeeze %dma_wait3A_49 : memref<1x80x128xf32, #tpu.memory_space<vmem>> -> memref<80x128xf32, #tpu.memory_space<vmem>>
        tpu.wait_dma2 semaphore(%run_scoped3A : memref<!tpu.dma_semaphore, #tpu.memory_space<semaphore_mem>>) src(%dma_wait3A_50 : memref<80x128xf32, #tpu.memory_space<vmem>>) dst(%dma_wait3A_46 : memref<80x128xf32, #tpu.memory_space<vmem_shared>>)
        tpu.yield
      }) : () -> ()
    }
    %scan3A_10 = arith.constant 8 : i32
    %barrier3A = arith.constant 0 : index
    tpu.barrier barrier_id(%barrier3A)
    %scan3A_11 = arith.constant 0 : i32
    %scan3A_12 = arith.constant 8 : i32
    %scan3A_13 = arith.addi %scan3A_11, %scan3A_12 : i32
    %scan3A_14 = arith.constant 1 : i32
    scf.for %scan3A_20 = %scan3A_11 to %scan3A_13 step %scan3A_14  : i32 {
      %mul3A_21 = arith.constant 1 : i32
      %mul3A_22 = arith.muli %scan3A_20, %mul3A_21 : i32
      %add3A = arith.constant 0 : i32
      %add3A_23 = arith.addi %add3A, %mul3A_22 : i32
      %mul3A_24 = arith.constant 256 : i32
      %mul3A_25 = arith.muli %arg1, %mul3A_24 : i32
      %mul3A_26 = arith.constant 32 : i32
      %mul3A_27 = arith.muli %add3A_23, %mul3A_26 : i32
      %add3A_28 = arith.addi %mul3A_25, %mul3A_27 : i32
      %eq3A = arith.constant 0 : i32
      %eq3A_29 = arith.cmpi eq, %arg0, %eq3A : i32
      %convert_element_type3A = arith.extui %eq3A_29 : i1 to i32
      %cond3A = arith.constant 0 : i32
      %cond3A_30 = arith.cmpi ne, %convert_element_type3A, %cond3A : i32
      scf.if %cond3A_30 {
        "tpu.region"() ({
          %run_scoped3A = tpu.sem_alloc : memref<!tpu.dma_semaphore, #tpu.memory_space<semaphore_mem>>
          %dma_start3A_93 = arith.constant 0 : i32
          %dma_start3A_94 = tpu.memref_slice %arg3[%add3A_28, %dma_start3A_93] : memref<4096x80xi32, #tpu.memory_space<hbm>> -> memref<32x80xi32, #tpu.memory_space<hbm>>
          %dma_start3A_95 = arith.constant 0 : i32
          %dma_start3A_96 = tpu.memref_slice %arg3[%add3A_28, %dma_start3A_95] : memref<4096x80xi32, #tpu.memory_space<hbm>> -> memref<32x80xi32, #tpu.memory_space<hbm>>
          tpu.enqueue_dma source(%dma_start3A_96 : memref<32x80xi32, #tpu.memory_space<hbm>>) target(%arg8 : memref<32x80xi32, #tpu.memory_space<vmem>>) target_semaphore(%run_scoped3A : memref<!tpu.dma_semaphore, #tpu.memory_space<semaphore_mem>>)
          %dma_wait3A = arith.constant 0 : i32
          %dma_wait3A_97 = tpu.memref_slice %arg3[%add3A_28, %dma_wait3A] : memref<4096x80xi32, #tpu.memory_space<hbm>> -> memref<32x80xi32, #tpu.memory_space<hbm>>
          %dma_wait3A_98 = arith.constant 0 : i32
          %dma_wait3A_99 = tpu.memref_slice %arg3[%add3A_28, %dma_wait3A_98] : memref<4096x80xi32, #tpu.memory_space<hbm>> -> memref<32x80xi32, #tpu.memory_space<hbm>>
          tpu.wait_dma2 semaphore(%run_scoped3A : memref<!tpu.dma_semaphore, #tpu.memory_space<semaphore_mem>>) src(%dma_wait3A_99 : memref<32x80xi32, #tpu.memory_space<hbm>>) dst(%arg8 : memref<32x80xi32, #tpu.memory_space<vmem>>)
          tpu.yield
        }) : () -> ()
        "tpu.region"() ({
          %run_scoped3A = tpu.sem_alloc : memref<!tpu.dma_semaphore, #tpu.memory_space<semaphore_mem>>
          %dma_start3A_93 = arith.constant 0 : i32
          %dma_start3A_94 = tpu.memref_slice %arg4[%add3A_28, %dma_start3A_93] : memref<4096x80xi32, #tpu.memory_space<hbm>> -> memref<32x80xi32, #tpu.memory_space<hbm>>
          %dma_start3A_95 = arith.constant 0 : i32
          %dma_start3A_96 = tpu.memref_slice %arg4[%add3A_28, %dma_start3A_95] : memref<4096x80xi32, #tpu.memory_space<hbm>> -> memref<32x80xi32, #tpu.memory_space<hbm>>
          tpu.enqueue_dma source(%dma_start3A_96 : memref<32x80xi32, #tpu.memory_space<hbm>>) target(%arg9 : memref<32x80xi32, #tpu.memory_space<vmem>>) target_semaphore(%run_scoped3A : memref<!tpu.dma_semaphore, #tpu.memory_space<semaphore_mem>>)
          %dma_wait3A = arith.constant 0 : i32
          %dma_wait3A_97 = tpu.memref_slice %arg4[%add3A_28, %dma_wait3A] : memref<4096x80xi32, #tpu.memory_space<hbm>> -> memref<32x80xi32, #tpu.memory_space<hbm>>
          %dma_wait3A_98 = arith.constant 0 : i32
          %dma_wait3A_99 = tpu.memref_slice %arg4[%add3A_28, %dma_wait3A_98] : memref<4096x80xi32, #tpu.memory_space<hbm>> -> memref<32x80xi32, #tpu.memory_space<hbm>>
          tpu.wait_dma2 semaphore(%run_scoped3A : memref<!tpu.dma_semaphore, #tpu.memory_space<semaphore_mem>>) src(%dma_wait3A_99 : memref<32x80xi32, #tpu.memory_space<hbm>>) dst(%arg9 : memref<32x80xi32, #tpu.memory_space<vmem>>)
          tpu.yield
        }) : () -> ()
      } else {
      }
      %eq3A_31 = arith.constant 1 : i32
      %eq3A_32 = arith.cmpi eq, %arg0, %eq3A_31 : i32
      %convert_element_type3A_33 = arith.extui %eq3A_32 : i1 to i32
      %cond3A_34 = arith.constant 0 : i32
      %cond3A_35 = arith.cmpi ne, %convert_element_type3A_33, %cond3A_34 : i32
      scf.if %cond3A_35 {
        "tpu.region"() ({
          %run_scoped3A = tpu.sem_alloc : memref<!tpu.dma_semaphore, #tpu.memory_space<semaphore_mem>>
          %dma_start3A_93 = arith.constant 0 : i32
          %dma_start3A_94 = tpu.memref_slice %arg5[%add3A_28, %dma_start3A_93] : memref<4096x80xi32, #tpu.memory_space<hbm>> -> memref<32x80xi32, #tpu.memory_space<hbm>>
          %dma_start3A_95 = arith.constant 0 : i32
          %dma_start3A_96 = tpu.memref_slice %arg5[%add3A_28, %dma_start3A_95] : memref<4096x80xi32, #tpu.memory_space<hbm>> -> memref<32x80xi32, #tpu.memory_space<hbm>>
          tpu.enqueue_dma source(%dma_start3A_96 : memref<32x80xi32, #tpu.memory_space<hbm>>) target(%arg8 : memref<32x80xi32, #tpu.memory_space<vmem>>) target_semaphore(%run_scoped3A : memref<!tpu.dma_semaphore, #tpu.memory_space<semaphore_mem>>)
          %dma_wait3A = arith.constant 0 : i32
          %dma_wait3A_97 = tpu.memref_slice %arg5[%add3A_28, %dma_wait3A] : memref<4096x80xi32, #tpu.memory_space<hbm>> -> memref<32x80xi32, #tpu.memory_space<hbm>>
          %dma_wait3A_98 = arith.constant 0 : i32
          %dma_wait3A_99 = tpu.memref_slice %arg5[%add3A_28, %dma_wait3A_98] : memref<4096x80xi32, #tpu.memory_space<hbm>> -> memref<32x80xi32, #tpu.memory_space<hbm>>
          tpu.wait_dma2 semaphore(%run_scoped3A : memref<!tpu.dma_semaphore, #tpu.memory_space<semaphore_mem>>) src(%dma_wait3A_99 : memref<32x80xi32, #tpu.memory_space<hbm>>) dst(%arg8 : memref<32x80xi32, #tpu.memory_space<vmem>>)
          tpu.yield
        }) : () -> ()
        "tpu.region"() ({
          %run_scoped3A = tpu.sem_alloc : memref<!tpu.dma_semaphore, #tpu.memory_space<semaphore_mem>>
          %dma_start3A_93 = arith.constant 0 : i32
          %dma_start3A_94 = tpu.memref_slice %arg6[%add3A_28, %dma_start3A_93] : memref<4096x80xi32, #tpu.memory_space<hbm>> -> memref<32x80xi32, #tpu.memory_space<hbm>>
          %dma_start3A_95 = arith.constant 0 : i32
          %dma_start3A_96 = tpu.memref_slice %arg6[%add3A_28, %dma_start3A_95] : memref<4096x80xi32, #tpu.memory_space<hbm>> -> memref<32x80xi32, #tpu.memory_space<hbm>>
          tpu.enqueue_dma source(%dma_start3A_96 : memref<32x80xi32, #tpu.memory_space<hbm>>) target(%arg9 : memref<32x80xi32, #tpu.memory_space<vmem>>) target_semaphore(%run_scoped3A : memref<!tpu.dma_semaphore, #tpu.memory_space<semaphore_mem>>)
          %dma_wait3A = arith.constant 0 : i32
          %dma_wait3A_97 = tpu.memref_slice %arg6[%add3A_28, %dma_wait3A] : memref<4096x80xi32, #tpu.memory_space<hbm>> -> memref<32x80xi32, #tpu.memory_space<hbm>>
          %dma_wait3A_98 = arith.constant 0 : i32
          %dma_wait3A_99 = tpu.memref_slice %arg6[%add3A_28, %dma_wait3A_98] : memref<4096x80xi32, #tpu.memory_space<hbm>> -> memref<32x80xi32, #tpu.memory_space<hbm>>
          tpu.wait_dma2 semaphore(%run_scoped3A : memref<!tpu.dma_semaphore, #tpu.memory_space<semaphore_mem>>) src(%dma_wait3A_99 : memref<32x80xi32, #tpu.memory_space<hbm>>) dst(%arg9 : memref<32x80xi32, #tpu.memory_space<vmem>>)
          tpu.yield
        }) : () -> ()
      } else {
      }
      %scan3A_36 = arith.constant 0 : i32
      %scan3A_37 = arith.constant 32 : i32
      %scan3A_38 = arith.addi %scan3A_36, %scan3A_37 : i32
      %scan3A_39 = arith.constant 1 : i32
      scf.for %scan3A_93 = %scan3A_36 to %scan3A_38 step %scan3A_39  : i32 {
        %mul3A_94 = arith.constant 1 : i32
        %mul3A_95 = arith.muli %scan3A_93, %mul3A_94 : i32
        %add3A_96 = arith.constant 0 : i32
        %add3A_97 = arith.addi %add3A_96, %mul3A_95 : i32
        %scan3A_98 = arith.constant 0 : i32
        %scan3A_99 = arith.constant 5 : i32
        %scan3A_100 = arith.addi %scan3A_98, %scan3A_99 : i32
        %scan3A_101 = arith.constant 1 : i32
        scf.for %scan3A_103 = %scan3A_98 to %scan3A_100 step %scan3A_101  : i32 {
          %mul3A_104 = arith.constant 1 : i32
          %mul3A_105 = arith.muli %scan3A_103, %mul3A_104 : i32
          %add3A_106 = arith.constant 0 : i32
          %add3A_107 = arith.addi %add3A_106, %mul3A_105 : i32
          %mul3A_108 = arith.constant 16 : i32
          %mul3A_109 = arith.muli %add3A_107, %mul3A_108 : i32
          %get3A = arith.index_cast %add3A_97 : i32 to index
          %get3A_110 = arith.index_cast %mul3A_109 : i32 to index
          %get3A_111 = tpu.vector_load %arg8[%get3A, %get3A_110] {strides = array<i32>} : memref<32x80xi32, #tpu.memory_space<vmem>>, vector<16xi32>,
          %mul3A_112 = arith.constant 10240 : i32
          %mul3A_113 = arith.muli %arg0, %mul3A_112 : i32
          %add3A_114 = vector.broadcast %mul3A_113 : i32 to vector<16xi32>
          %add3A_115 = arith.addi %get3A_111, %add3A_114 : vector<16xi32>
          %mul3A_116 = arith.constant 16 : i32
          %mul3A_117 = arith.muli %add3A_107, %mul3A_116 : i32
          %swap3A = arith.index_cast %add3A_97 : i32 to index
          %swap3A_118 = arith.index_cast %mul3A_117 : i32 to index
          %swap3A_119 = tpu.vector_load %arg8[%swap3A, %swap3A_118] {strides = array<i32>} : memref<32x80xi32, #tpu.memory_space<vmem>>, vector<16xi32>,
          tpu.vector_store %arg8[%swap3A, %swap3A_118], %add3A_115 {strides = array<i32>} : memref<32x80xi32, #tpu.memory_space<vmem>>, vector<16xi32>,
        }
        %scan3A_102 = arith.constant 5 : i32
      }
      %scan3A_40 = arith.constant 32 : i32
      %dma_start3A = arith.constant 0 : i32
      %dma_start3A_41 = arith.constant 0 : i32
      %dma_start3A_42 = arith.constant 0 : i32
      %dma_start3A_43 = arith.constant 0 : i32
      %dma_start3A_44 = tpu.memref_slice %arg10[%dma_start3A_41, %dma_start3A_42, %dma_start3A_43] : memref<4x80x128xf32, #tpu.memory_space<vmem>> -> memref<1x80x128xf32, #tpu.memory_space<vmem>>
      %dma_start3A_45 = tpu.memref_squeeze %dma_start3A_44 : memref<1x80x128xf32, #tpu.memory_space<vmem>> -> memref<80x128xf32, #tpu.memory_space<vmem>>
      %dma_start3A_46 = arith.constant 0 : i32
      %dma_start3A_47 = tpu.memref_slice %arg8[%dma_start3A, %dma_start3A_46] : memref<32x80xi32, #tpu.memory_space<vmem>> -> memref<1x80xi32, #tpu.memory_space<vmem>>
      %dma_start3A_48 = tpu.memref_squeeze %dma_start3A_47 : memref<1x80xi32, #tpu.memory_space<vmem>> -> memref<80xi32, #tpu.memory_space<vmem>>
      %dma_start3A_49 = arith.constant 0 : i32
      %dma_start3A_50 = arith.constant 0 : i32
      %dma_start3A_51 = tpu.memref_slice %arg2[%dma_start3A_49, %dma_start3A_50] : memref<20480x128xf32, #tpu.memory_space<hbm>> -> memref<20480x128xf32, #tpu.memory_space<hbm>>
      tpu.enqueue_indirect_dma source(%dma_start3A_51 : memref<20480x128xf32, #tpu.memory_space<hbm>>) target(%dma_start3A_45 : memref<80x128xf32, #tpu.memory_space<vmem>>) offsets(%dma_start3A_48 : memref<80xi32, #tpu.memory_space<vmem>>) semaphore(%arg12 : memref<!tpu.dma_semaphore, #tpu.memory_space<semaphore_mem>>)
      %dma_start3A_52 = arith.constant 1 : i32
      %dma_start3A_53 = arith.constant 1 : i32
      %dma_start3A_54 = arith.constant 0 : i32
      %dma_start3A_55 = arith.constant 0 : i32
      %dma_start3A_56 = tpu.memref_slice %arg10[%dma_start3A_53, %dma_start3A_54, %dma_start3A_55] : memref<4x80x128xf32, #tpu.memory_space<vmem>> -> memref<1x80x128xf32, #tpu.memory_space<vmem>>
      %dma_start3A_57 = tpu.memref_squeeze %dma_start3A_56 : memref<1x80x128xf32, #tpu.memory_space<vmem>> -> memref<80x128xf32, #tpu.memory_space<vmem>>
      %dma_start3A_58 = arith.constant 0 : i32
      %dma_start3A_59 = tpu.memref_slice %arg8[%dma_start3A_52, %dma_start3A_58] : memref<32x80xi32, #tpu.memory_space<vmem>> -> memref<1x80xi32, #tpu.memory_space<vmem>>
      %dma_start3A_60 = tpu.memref_squeeze %dma_start3A_59 : memref<1x80xi32, #tpu.memory_space<vmem>> -> memref<80xi32, #tpu.memory_space<vmem>>
      %dma_start3A_61 = arith.constant 0 : i32
      %dma_start3A_62 = arith.constant 0 : i32
      %dma_start3A_63 = tpu.memref_slice %arg2[%dma_start3A_61, %dma_start3A_62] : memref<20480x128xf32, #tpu.memory_space<hbm>> -> memref<20480x128xf32, #tpu.memory_space<hbm>>
      tpu.enqueue_indirect_dma source(%dma_start3A_63 : memref<20480x128xf32, #tpu.memory_space<hbm>>) target(%dma_start3A_57 : memref<80x128xf32, #tpu.memory_space<vmem>>) offsets(%dma_start3A_60 : memref<80xi32, #tpu.memory_space<vmem>>) semaphore(%arg13 : memref<!tpu.dma_semaphore, #tpu.memory_space<semaphore_mem>>)
      %dma_start3A_64 = arith.constant 2 : i32
      %dma_start3A_65 = arith.constant 2 : i32
      %dma_start3A_66 = arith.constant 0 : i32
      %dma_start3A_67 = arith.constant 0 : i32
      %dma_start3A_68 = tpu.memref_slice %arg10[%dma_start3A_65, %dma_start3A_66, %dma_start3A_67] : memref<4x80x128xf32, #tpu.memory_space<vmem>> -> memref<1x80x128xf32, #tpu.memory_space<vmem>>
      %dma_start3A_69 = tpu.memref_squeeze %dma_start3A_68 : memref<1x80x128xf32, #tpu.memory_space<vmem>> -> memref<80x128xf32, #tpu.memory_space<vmem>>
      %dma_start3A_70 = arith.constant 0 : i32
      %dma_start3A_71 = tpu.memref_slice %arg8[%dma_start3A_64, %dma_start3A_70] : memref<32x80xi32, #tpu.memory_space<vmem>> -> memref<1x80xi32, #tpu.memory_space<vmem>>
      %dma_start3A_72 = tpu.memref_squeeze %dma_start3A_71 : memref<1x80xi32, #tpu.memory_space<vmem>> -> memref<80xi32, #tpu.memory_space<vmem>>
      %dma_start3A_73 = arith.constant 0 : i32
      %dma_start3A_74 = arith.constant 0 : i32
      %dma_start3A_75 = tpu.memref_slice %arg2[%dma_start3A_73, %dma_start3A_74] : memref<20480x128xf32, #tpu.memory_space<hbm>> -> memref<20480x128xf32, #tpu.memory_space<hbm>>
      tpu.enqueue_indirect_dma source(%dma_start3A_75 : memref<20480x128xf32, #tpu.memory_space<hbm>>) target(%dma_start3A_69 : memref<80x128xf32, #tpu.memory_space<vmem>>) offsets(%dma_start3A_72 : memref<80xi32, #tpu.memory_space<vmem>>) semaphore(%arg14 : memref<!tpu.dma_semaphore, #tpu.memory_space<semaphore_mem>>)
      %dma_start3A_76 = arith.constant 3 : i32
      %dma_start3A_77 = arith.constant 3 : i32
      %dma_start3A_78 = arith.constant 0 : i32
      %dma_start3A_79 = arith.constant 0 : i32
      %dma_start3A_80 = tpu.memref_slice %arg10[%dma_start3A_77, %dma_start3A_78, %dma_start3A_79] : memref<4x80x128xf32, #tpu.memory_space<vmem>> -> memref<1x80x128xf32, #tpu.memory_space<vmem>>
      %dma_start3A_81 = tpu.memref_squeeze %dma_start3A_80 : memref<1x80x128xf32, #tpu.memory_space<vmem>> -> memref<80x128xf32, #tpu.memory_space<vmem>>
      %dma_start3A_82 = arith.constant 0 : i32
      %dma_start3A_83 = tpu.memref_slice %arg8[%dma_start3A_76, %dma_start3A_82] : memref<32x80xi32, #tpu.memory_space<vmem>> -> memref<1x80xi32, #tpu.memory_space<vmem>>
      %dma_start3A_84 = tpu.memref_squeeze %dma_start3A_83 : memref<1x80xi32, #tpu.memory_space<vmem>> -> memref<80xi32, #tpu.memory_space<vmem>>
      %dma_start3A_85 = arith.constant 0 : i32
      %dma_start3A_86 = arith.constant 0 : i32
      %dma_start3A_87 = tpu.memref_slice %arg2[%dma_start3A_85, %dma_start3A_86] : memref<20480x128xf32, #tpu.memory_space<hbm>> -> memref<20480x128xf32, #tpu.memory_space<hbm>>
      tpu.enqueue_indirect_dma source(%dma_start3A_87 : memref<20480x128xf32, #tpu.memory_space<hbm>>) target(%dma_start3A_81 : memref<80x128xf32, #tpu.memory_space<vmem>>) offsets(%dma_start3A_84 : memref<80xi32, #tpu.memory_space<vmem>>) semaphore(%arg15 : memref<!tpu.dma_semaphore, #tpu.memory_space<semaphore_mem>>)
      %scan3A_88 = arith.constant 0 : i32
      %scan3A_89 = arith.constant 8 : i32
      %scan3A_90 = arith.addi %scan3A_88, %scan3A_89 : i32
      %scan3A_91 = arith.constant 1 : i32
      scf.for %scan3A_93 = %scan3A_88 to %scan3A_90 step %scan3A_91  : i32 {
        %mul3A_94 = arith.constant 1 : i32
        %mul3A_95 = arith.muli %scan3A_93, %mul3A_94 : i32
        %add3A_96 = arith.constant 0 : i32
        %add3A_97 = arith.addi %add3A_96, %mul3A_95 : i32
        %mul3A_98 = arith.constant 4 : i32
        %mul3A_99 = arith.muli %mul3A_98, %add3A_97 : i32
        %add3A_100 = arith.constant 0 : i32
        %add3A_101 = arith.addi %mul3A_99, %add3A_100 : i32
        %dma_wait3A = arith.constant 0 : i32
        %dma_wait3A_102 = arith.constant 0 : i32
        %dma_wait3A_103 = arith.constant 0 : i32
        %dma_wait3A_104 = tpu.memref_slice %arg10[%dma_wait3A, %dma_wait3A_102, %dma_wait3A_103] : memref<4x80x128xf32, #tpu.memory_space<vmem>> -> memref<1x80x128xf32, #tpu.memory_space<vmem>>
        %dma_wait3A_105 = tpu.memref_squeeze %dma_wait3A_104 : memref<1x80x128xf32, #tpu.memory_space<vmem>> -> memref<80x128xf32, #tpu.memory_space<vmem>>
        %dma_wait3A_106 = arith.constant 0 : i32
        %dma_wait3A_107 = tpu.memref_slice %arg8[%add3A_101, %dma_wait3A_106] : memref<32x80xi32, #tpu.memory_space<vmem>> -> memref<1x80xi32, #tpu.memory_space<vmem>>
        %dma_wait3A_108 = tpu.memref_squeeze %dma_wait3A_107 : memref<1x80xi32, #tpu.memory_space<vmem>> -> memref<80xi32, #tpu.memory_space<vmem>>
        %dma_wait3A_109 = arith.constant 0 : i32
        %dma_wait3A_110 = arith.constant 0 : i32
        %dma_wait3A_111 = tpu.memref_slice %arg2[%dma_wait3A_109, %dma_wait3A_110] : memref<20480x128xf32, #tpu.memory_space<hbm>> -> memref<20480x128xf32, #tpu.memory_space<hbm>>
        tpu.wait_indirect_dma semaphore(%arg12 : memref<!tpu.dma_semaphore, #tpu.memory_space<semaphore_mem>>) src(%dma_wait3A_111 : memref<20480x128xf32, #tpu.memory_space<hbm>>) dst(%dma_wait3A_105 : memref<80x128xf32, #tpu.memory_space<vmem>>)
        %run_scoped3A = arith.constant 0 : i32
        "tpu.region"() ({
          %run_scoped3A_187 = tpu.sem_alloc : memref<!tpu.dma_semaphore, #tpu.memory_space<semaphore_mem>>
          %dma_start3A_188 = arith.constant 0 : i32
          %dma_start3A_189 = arith.constant 0 : i32
          %dma_start3A_190 = tpu.memref_slice %arg10[%run_scoped3A, %dma_start3A_188, %dma_start3A_189] : memref<4x80x128xf32, #tpu.memory_space<vmem>> -> memref<1x80x128xf32, #tpu.memory_space<vmem>>
          %dma_start3A_191 = tpu.memref_squeeze %dma_start3A_190 : memref<1x80x128xf32, #tpu.memory_space<vmem>> -> memref<80x128xf32, #tpu.memory_space<vmem>>
          %dma_start3A_192 = arith.constant 0 : i32
          %dma_start3A_193 = tpu.memref_slice %arg9[%add3A_101, %dma_start3A_192] : memref<32x80xi32, #tpu.memory_space<vmem>> -> memref<1x80xi32, #tpu.memory_space<vmem>>
          %dma_start3A_194 = tpu.memref_squeeze %dma_start3A_193 : memref<1x80xi32, #tpu.memory_space<vmem>> -> memref<80xi32, #tpu.memory_space<vmem>>
          %dma_start3A_195 = arith.constant 0 : i32
          %dma_start3A_196 = arith.constant 0 : i32
          %dma_start3A_197 = tpu.memref_slice %arg11[%dma_start3A_195, %dma_start3A_196] : memref<10240x128xf32, #tpu.memory_space<vmem_shared>> -> memref<10240x128xf32, #tpu.memory_space<vmem_shared>>
          tpu.enqueue_indirect_dma source(%dma_start3A_191 : memref<80x128xf32, #tpu.memory_space<vmem>>) target(%dma_start3A_197 : memref<10240x128xf32, #tpu.memory_space<vmem_shared>>) offsets(%dma_start3A_194 : memref<80xi32, #tpu.memory_space<vmem>>) semaphore(%run_scoped3A_187 : memref<!tpu.dma_semaphore, #tpu.memory_space<semaphore_mem>>) {add = true}
          %dma_wait3A_198 = arith.constant 0 : i32
          %dma_wait3A_199 = arith.constant 0 : i32
          %dma_wait3A_200 = tpu.memref_slice %arg10[%run_scoped3A, %dma_wait3A_198, %dma_wait3A_199] : memref<4x80x128xf32, #tpu.memory_space<vmem>> -> memref<1x80x128xf32, #tpu.memory_space<vmem>>
          %dma_wait3A_201 = tpu.memref_squeeze %dma_wait3A_200 : memref<1x80x128xf32, #tpu.memory_space<vmem>> -> memref<80x128xf32, #tpu.memory_space<vmem>>
          %dma_wait3A_202 = arith.constant 0 : i32
          %dma_wait3A_203 = tpu.memref_slice %arg9[%add3A_101, %dma_wait3A_202] : memref<32x80xi32, #tpu.memory_space<vmem>> -> memref<1x80xi32, #tpu.memory_space<vmem>>
          %dma_wait3A_204 = tpu.memref_squeeze %dma_wait3A_203 : memref<1x80xi32, #tpu.memory_space<vmem>> -> memref<80xi32, #tpu.memory_space<vmem>>
          %dma_wait3A_205 = arith.constant 0 : i32
          %dma_wait3A_206 = arith.constant 0 : i32
          %dma_wait3A_207 = tpu.memref_slice %arg11[%dma_wait3A_205, %dma_wait3A_206] : memref<10240x128xf32, #tpu.memory_space<vmem_shared>> -> memref<10240x128xf32, #tpu.memory_space<vmem_shared>>
          tpu.wait_indirect_dma semaphore(%run_scoped3A_187 : memref<!tpu.dma_semaphore, #tpu.memory_space<semaphore_mem>>) src(%dma_wait3A_201 : memref<80x128xf32, #tpu.memory_space<vmem>>) dst(%dma_wait3A_207 : memref<10240x128xf32, #tpu.memory_space<vmem_shared>>)
          tpu.yield
        }) : () -> ()
        %add3A_112 = arith.constant 4 : i32
        %add3A_113 = arith.addi %add3A_101, %add3A_112 : i32
        %lt3A = arith.constant 32 : i32
        %lt3A_114 = arith.cmpi slt, %add3A_113, %lt3A : i32
        %convert_element_type3A_115 = arith.extui %lt3A_114 : i1 to i32
        %cond3A_116 = arith.constant 0 : i32
        %cond3A_117 = arith.cmpi ne, %convert_element_type3A_115, %cond3A_116 : i32
        scf.if %cond3A_117 {
          %add3A_187 = arith.constant 4 : i32
          %add3A_188 = arith.addi %add3A_101, %add3A_187 : i32
          %dma_start3A_189 = arith.constant 0 : i32
          %dma_start3A_190 = arith.constant 0 : i32
          %dma_start3A_191 = arith.constant 0 : i32
          %dma_start3A_192 = tpu.memref_slice %arg10[%dma_start3A_189, %dma_start3A_190, %dma_start3A_191] : memref<4x80x128xf32, #tpu.memory_space<vmem>> -> memref<1x80x128xf32, #tpu.memory_space<vmem>>
          %dma_start3A_193 = tpu.memref_squeeze %dma_start3A_192 : memref<1x80x128xf32, #tpu.memory_space<vmem>> -> memref<80x128xf32, #tpu.memory_space<vmem>>
          %dma_start3A_194 = arith.constant 0 : i32
          %dma_start3A_195 = tpu.memref_slice %arg8[%add3A_188, %dma_start3A_194] : memref<32x80xi32, #tpu.memory_space<vmem>> -> memref<1x80xi32, #tpu.memory_space<vmem>>
          %dma_start3A_196 = tpu.memref_squeeze %dma_start3A_195 : memref<1x80xi32, #tpu.memory_space<vmem>> -> memref<80xi32, #tpu.memory_space<vmem>>
          %dma_start3A_197 = arith.constant 0 : i32
          %dma_start3A_198 = arith.constant 0 : i32
          %dma_start3A_199 = tpu.memref_slice %arg2[%dma_start3A_197, %dma_start3A_198] : memref<20480x128xf32, #tpu.memory_space<hbm>> -> memref<20480x128xf32, #tpu.memory_space<hbm>>
          tpu.enqueue_indirect_dma source(%dma_start3A_199 : memref<20480x128xf32, #tpu.memory_space<hbm>>) target(%dma_start3A_193 : memref<80x128xf32, #tpu.memory_space<vmem>>) offsets(%dma_start3A_196 : memref<80xi32, #tpu.memory_space<vmem>>) semaphore(%arg12 : memref<!tpu.dma_semaphore, #tpu.memory_space<semaphore_mem>>)
        } else {
        }
        %mul3A_118 = arith.constant 4 : i32
        %mul3A_119 = arith.muli %mul3A_118, %add3A_97 : i32
        %add3A_120 = arith.constant 1 : i32
        %add3A_121 = arith.addi %mul3A_119, %add3A_120 : i32
        %dma_wait3A_122 = arith.constant 1 : i32
        %dma_wait3A_123 = arith.constant 0 : i32
        %dma_wait3A_124 = arith.constant 0 : i32
        %dma_wait3A_125 = tpu.memref_slice %arg10[%dma_wait3A_122, %dma_wait3A_123, %dma_wait3A_124] : memref<4x80x128xf32, #tpu.memory_space<vmem>> -> memref<1x80x128xf32, #tpu.memory_space<vmem>>
        %dma_wait3A_126 = tpu.memref_squeeze %dma_wait3A_125 : memref<1x80x128xf32, #tpu.memory_space<vmem>> -> memref<80x128xf32, #tpu.memory_space<vmem>>
        %dma_wait3A_127 = arith.constant 0 : i32
        %dma_wait3A_128 = tpu.memref_slice %arg8[%add3A_121, %dma_wait3A_127] : memref<32x80xi32, #tpu.memory_space<vmem>> -> memref<1x80xi32, #tpu.memory_space<vmem>>
        %dma_wait3A_129 = tpu.memref_squeeze %dma_wait3A_128 : memref<1x80xi32, #tpu.memory_space<vmem>> -> memref<80xi32, #tpu.memory_space<vmem>>
        %dma_wait3A_130 = arith.constant 0 : i32
        %dma_wait3A_131 = arith.constant 0 : i32
        %dma_wait3A_132 = tpu.memref_slice %arg2[%dma_wait3A_130, %dma_wait3A_131] : memref<20480x128xf32, #tpu.memory_space<hbm>> -> memref<20480x128xf32, #tpu.memory_space<hbm>>
        tpu.wait_indirect_dma semaphore(%arg13 : memref<!tpu.dma_semaphore, #tpu.memory_space<semaphore_mem>>) src(%dma_wait3A_132 : memref<20480x128xf32, #tpu.memory_space<hbm>>) dst(%dma_wait3A_126 : memref<80x128xf32, #tpu.memory_space<vmem>>)
        %run_scoped3A_133 = arith.constant 1 : i32
        "tpu.region"() ({
          %run_scoped3A_187 = tpu.sem_alloc : memref<!tpu.dma_semaphore, #tpu.memory_space<semaphore_mem>>
          %dma_start3A_188 = arith.constant 0 : i32
          %dma_start3A_189 = arith.constant 0 : i32
          %dma_start3A_190 = tpu.memref_slice %arg10[%run_scoped3A_133, %dma_start3A_188, %dma_start3A_189] : memref<4x80x128xf32, #tpu.memory_space<vmem>> -> memref<1x80x128xf32, #tpu.memory_space<vmem>>
          %dma_start3A_191 = tpu.memref_squeeze %dma_start3A_190 : memref<1x80x128xf32, #tpu.memory_space<vmem>> -> memref<80x128xf32, #tpu.memory_space<vmem>>
          %dma_start3A_192 = arith.constant 0 : i32
          %dma_start3A_193 = tpu.memref_slice %arg9[%add3A_121, %dma_start3A_192] : memref<32x80xi32, #tpu.memory_space<vmem>> -> memref<1x80xi32, #tpu.memory_space<vmem>>
          %dma_start3A_194 = tpu.memref_squeeze %dma_start3A_193 : memref<1x80xi32, #tpu.memory_space<vmem>> -> memref<80xi32, #tpu.memory_space<vmem>>
          %dma_start3A_195 = arith.constant 0 : i32
          %dma_start3A_196 = arith.constant 0 : i32
          %dma_start3A_197 = tpu.memref_slice %arg11[%dma_start3A_195, %dma_start3A_196] : memref<10240x128xf32, #tpu.memory_space<vmem_shared>> -> memref<10240x128xf32, #tpu.memory_space<vmem_shared>>
          tpu.enqueue_indirect_dma source(%dma_start3A_191 : memref<80x128xf32, #tpu.memory_space<vmem>>) target(%dma_start3A_197 : memref<10240x128xf32, #tpu.memory_space<vmem_shared>>) offsets(%dma_start3A_194 : memref<80xi32, #tpu.memory_space<vmem>>) semaphore(%run_scoped3A_187 : memref<!tpu.dma_semaphore, #tpu.memory_space<semaphore_mem>>) {add = true}
          %dma_wait3A_198 = arith.constant 0 : i32
          %dma_wait3A_199 = arith.constant 0 : i32
          %dma_wait3A_200 = tpu.memref_slice %arg10[%run_scoped3A_133, %dma_wait3A_198, %dma_wait3A_199] : memref<4x80x128xf32, #tpu.memory_space<vmem>> -> memref<1x80x128xf32, #tpu.memory_space<vmem>>
          %dma_wait3A_201 = tpu.memref_squeeze %dma_wait3A_200 : memref<1x80x128xf32, #tpu.memory_space<vmem>> -> memref<80x128xf32, #tpu.memory_space<vmem>>
          %dma_wait3A_202 = arith.constant 0 : i32
          %dma_wait3A_203 = tpu.memref_slice %arg9[%add3A_121, %dma_wait3A_202] : memref<32x80xi32, #tpu.memory_space<vmem>> -> memref<1x80xi32, #tpu.memory_space<vmem>>
          %dma_wait3A_204 = tpu.memref_squeeze %dma_wait3A_203 : memref<1x80xi32, #tpu.memory_space<vmem>> -> memref<80xi32, #tpu.memory_space<vmem>>
          %dma_wait3A_205 = arith.constant 0 : i32
          %dma_wait3A_206 = arith.constant 0 : i32
          %dma_wait3A_207 = tpu.memref_slice %arg11[%dma_wait3A_205, %dma_wait3A_206] : memref<10240x128xf32, #tpu.memory_space<vmem_shared>> -> memref<10240x128xf32, #tpu.memory_space<vmem_shared>>
          tpu.wait_indirect_dma semaphore(%run_scoped3A_187 : memref<!tpu.dma_semaphore, #tpu.memory_space<semaphore_mem>>) src(%dma_wait3A_201 : memref<80x128xf32, #tpu.memory_space<vmem>>) dst(%dma_wait3A_207 : memref<10240x128xf32, #tpu.memory_space<vmem_shared>>)
          tpu.yield
        }) : () -> ()
        %add3A_134 = arith.constant 4 : i32
        %add3A_135 = arith.addi %add3A_121, %add3A_134 : i32
        %lt3A_136 = arith.constant 32 : i32
        %lt3A_137 = arith.cmpi slt, %add3A_135, %lt3A_136 : i32
        %convert_element_type3A_138 = arith.extui %lt3A_137 : i1 to i32
        %cond3A_139 = arith.constant 0 : i32
        %cond3A_140 = arith.cmpi ne, %convert_element_type3A_138, %cond3A_139 : i32
        scf.if %cond3A_140 {
          %add3A_187 = arith.constant 4 : i32
          %add3A_188 = arith.addi %add3A_121, %add3A_187 : i32
          %dma_start3A_189 = arith.constant 1 : i32
          %dma_start3A_190 = arith.constant 0 : i32
          %dma_start3A_191 = arith.constant 0 : i32
          %dma_start3A_192 = tpu.memref_slice %arg10[%dma_start3A_189, %dma_start3A_190, %dma_start3A_191] : memref<4x80x128xf32, #tpu.memory_space<vmem>> -> memref<1x80x128xf32, #tpu.memory_space<vmem>>
          %dma_start3A_193 = tpu.memref_squeeze %dma_start3A_192 : memref<1x80x128xf32, #tpu.memory_space<vmem>> -> memref<80x128xf32, #tpu.memory_space<vmem>>
          %dma_start3A_194 = arith.constant 0 : i32
          %dma_start3A_195 = tpu.memref_slice %arg8[%add3A_188, %dma_start3A_194] : memref<32x80xi32, #tpu.memory_space<vmem>> -> memref<1x80xi32, #tpu.memory_space<vmem>>
          %dma_start3A_196 = tpu.memref_squeeze %dma_start3A_195 : memref<1x80xi32, #tpu.memory_space<vmem>> -> memref<80xi32, #tpu.memory_space<vmem>>
          %dma_start3A_197 = arith.constant 0 : i32
          %dma_start3A_198 = arith.constant 0 : i32
          %dma_start3A_199 = tpu.memref_slice %arg2[%dma_start3A_197, %dma_start3A_198] : memref<20480x128xf32, #tpu.memory_space<hbm>> -> memref<20480x128xf32, #tpu.memory_space<hbm>>
          tpu.enqueue_indirect_dma source(%dma_start3A_199 : memref<20480x128xf32, #tpu.memory_space<hbm>>) target(%dma_start3A_193 : memref<80x128xf32, #tpu.memory_space<vmem>>) offsets(%dma_start3A_196 : memref<80xi32, #tpu.memory_space<vmem>>) semaphore(%arg13 : memref<!tpu.dma_semaphore, #tpu.memory_space<semaphore_mem>>)
        } else {
        }
        %mul3A_141 = arith.constant 4 : i32
        %mul3A_142 = arith.muli %mul3A_141, %add3A_97 : i32
        %add3A_143 = arith.constant 2 : i32
        %add3A_144 = arith.addi %mul3A_142, %add3A_143 : i32
        %dma_wait3A_145 = arith.constant 2 : i32
        %dma_wait3A_146 = arith.constant 0 : i32
        %dma_wait3A_147 = arith.constant 0 : i32
        %dma_wait3A_148 = tpu.memref_slice %arg10[%dma_wait3A_145, %dma_wait3A_146, %dma_wait3A_147] : memref<4x80x128xf32, #tpu.memory_space<vmem>> -> memref<1x80x128xf32, #tpu.memory_space<vmem>>
        %dma_wait3A_149 = tpu.memref_squeeze %dma_wait3A_148 : memref<1x80x128xf32, #tpu.memory_space<vmem>> -> memref<80x128xf32, #tpu.memory_space<vmem>>
        %dma_wait3A_150 = arith.constant 0 : i32
        %dma_wait3A_151 = tpu.memref_slice %arg8[%add3A_144, %dma_wait3A_150] : memref<32x80xi32, #tpu.memory_space<vmem>> -> memref<1x80xi32, #tpu.memory_space<vmem>>
        %dma_wait3A_152 = tpu.memref_squeeze %dma_wait3A_151 : memref<1x80xi32, #tpu.memory_space<vmem>> -> memref<80xi32, #tpu.memory_space<vmem>>
        %dma_wait3A_153 = arith.constant 0 : i32
        %dma_wait3A_154 = arith.constant 0 : i32
        %dma_wait3A_155 = tpu.memref_slice %arg2[%dma_wait3A_153, %dma_wait3A_154] : memref<20480x128xf32, #tpu.memory_space<hbm>> -> memref<20480x128xf32, #tpu.memory_space<hbm>>
        tpu.wait_indirect_dma semaphore(%arg14 : memref<!tpu.dma_semaphore, #tpu.memory_space<semaphore_mem>>) src(%dma_wait3A_155 : memref<20480x128xf32, #tpu.memory_space<hbm>>) dst(%dma_wait3A_149 : memref<80x128xf32, #tpu.memory_space<vmem>>)
        %run_scoped3A_156 = arith.constant 2 : i32
        "tpu.region"() ({
          %run_scoped3A_187 = tpu.sem_alloc : memref<!tpu.dma_semaphore, #tpu.memory_space<semaphore_mem>>
          %dma_start3A_188 = arith.constant 0 : i32
          %dma_start3A_189 = arith.constant 0 : i32
          %dma_start3A_190 = tpu.memref_slice %arg10[%run_scoped3A_156, %dma_start3A_188, %dma_start3A_189] : memref<4x80x128xf32, #tpu.memory_space<vmem>> -> memref<1x80x128xf32, #tpu.memory_space<vmem>>
          %dma_start3A_191 = tpu.memref_squeeze %dma_start3A_190 : memref<1x80x128xf32, #tpu.memory_space<vmem>> -> memref<80x128xf32, #tpu.memory_space<vmem>>
          %dma_start3A_192 = arith.constant 0 : i32
          %dma_start3A_193 = tpu.memref_slice %arg9[%add3A_144, %dma_start3A_192] : memref<32x80xi32, #tpu.memory_space<vmem>> -> memref<1x80xi32, #tpu.memory_space<vmem>>
          %dma_start3A_194 = tpu.memref_squeeze %dma_start3A_193 : memref<1x80xi32, #tpu.memory_space<vmem>> -> memref<80xi32, #tpu.memory_space<vmem>>
          %dma_start3A_195 = arith.constant 0 : i32
          %dma_start3A_196 = arith.constant 0 : i32
          %dma_start3A_197 = tpu.memref_slice %arg11[%dma_start3A_195, %dma_start3A_196] : memref<10240x128xf32, #tpu.memory_space<vmem_shared>> -> memref<10240x128xf32, #tpu.memory_space<vmem_shared>>
          tpu.enqueue_indirect_dma source(%dma_start3A_191 : memref<80x128xf32, #tpu.memory_space<vmem>>) target(%dma_start3A_197 : memref<10240x128xf32, #tpu.memory_space<vmem_shared>>) offsets(%dma_start3A_194 : memref<80xi32, #tpu.memory_space<vmem>>) semaphore(%run_scoped3A_187 : memref<!tpu.dma_semaphore, #tpu.memory_space<semaphore_mem>>) {add = true}
          %dma_wait3A_198 = arith.constant 0 : i32
          %dma_wait3A_199 = arith.constant 0 : i32
          %dma_wait3A_200 = tpu.memref_slice %arg10[%run_scoped3A_156, %dma_wait3A_198, %dma_wait3A_199] : memref<4x80x128xf32, #tpu.memory_space<vmem>> -> memref<1x80x128xf32, #tpu.memory_space<vmem>>
          %dma_wait3A_201 = tpu.memref_squeeze %dma_wait3A_200 : memref<1x80x128xf32, #tpu.memory_space<vmem>> -> memref<80x128xf32, #tpu.memory_space<vmem>>
          %dma_wait3A_202 = arith.constant 0 : i32
          %dma_wait3A_203 = tpu.memref_slice %arg9[%add3A_144, %dma_wait3A_202] : memref<32x80xi32, #tpu.memory_space<vmem>> -> memref<1x80xi32, #tpu.memory_space<vmem>>
          %dma_wait3A_204 = tpu.memref_squeeze %dma_wait3A_203 : memref<1x80xi32, #tpu.memory_space<vmem>> -> memref<80xi32, #tpu.memory_space<vmem>>
          %dma_wait3A_205 = arith.constant 0 : i32
          %dma_wait3A_206 = arith.constant 0 : i32
          %dma_wait3A_207 = tpu.memref_slice %arg11[%dma_wait3A_205, %dma_wait3A_206] : memref<10240x128xf32, #tpu.memory_space<vmem_shared>> -> memref<10240x128xf32, #tpu.memory_space<vmem_shared>>
          tpu.wait_indirect_dma semaphore(%run_scoped3A_187 : memref<!tpu.dma_semaphore, #tpu.memory_space<semaphore_mem>>) src(%dma_wait3A_201 : memref<80x128xf32, #tpu.memory_space<vmem>>) dst(%dma_wait3A_207 : memref<10240x128xf32, #tpu.memory_space<vmem_shared>>)
          tpu.yield
        }) : () -> ()
        %add3A_157 = arith.constant 4 : i32
        %add3A_158 = arith.addi %add3A_144, %add3A_157 : i32
        %lt3A_159 = arith.constant 32 : i32
        %lt3A_160 = arith.cmpi slt, %add3A_158, %lt3A_159 : i32
        %convert_element_type3A_161 = arith.extui %lt3A_160 : i1 to i32
        %cond3A_162 = arith.constant 0 : i32
        %cond3A_163 = arith.cmpi ne, %convert_element_type3A_161, %cond3A_162 : i32
        scf.if %cond3A_163 {
          %add3A_187 = arith.constant 4 : i32
          %add3A_188 = arith.addi %add3A_144, %add3A_187 : i32
          %dma_start3A_189 = arith.constant 2 : i32
          %dma_start3A_190 = arith.constant 0 : i32
          %dma_start3A_191 = arith.constant 0 : i32
          %dma_start3A_192 = tpu.memref_slice %arg10[%dma_start3A_189, %dma_start3A_190, %dma_start3A_191] : memref<4x80x128xf32, #tpu.memory_space<vmem>> -> memref<1x80x128xf32, #tpu.memory_space<vmem>>
          %dma_start3A_193 = tpu.memref_squeeze %dma_start3A_192 : memref<1x80x128xf32, #tpu.memory_space<vmem>> -> memref<80x128xf32, #tpu.memory_space<vmem>>
          %dma_start3A_194 = arith.constant 0 : i32
          %dma_start3A_195 = tpu.memref_slice %arg8[%add3A_188, %dma_start3A_194] : memref<32x80xi32, #tpu.memory_space<vmem>> -> memref<1x80xi32, #tpu.memory_space<vmem>>
          %dma_start3A_196 = tpu.memref_squeeze %dma_start3A_195 : memref<1x80xi32, #tpu.memory_space<vmem>> -> memref<80xi32, #tpu.memory_space<vmem>>
          %dma_start3A_197 = arith.constant 0 : i32
          %dma_start3A_198 = arith.constant 0 : i32
          %dma_start3A_199 = tpu.memref_slice %arg2[%dma_start3A_197, %dma_start3A_198] : memref<20480x128xf32, #tpu.memory_space<hbm>> -> memref<20480x128xf32, #tpu.memory_space<hbm>>
          tpu.enqueue_indirect_dma source(%dma_start3A_199 : memref<20480x128xf32, #tpu.memory_space<hbm>>) target(%dma_start3A_193 : memref<80x128xf32, #tpu.memory_space<vmem>>) offsets(%dma_start3A_196 : memref<80xi32, #tpu.memory_space<vmem>>) semaphore(%arg14 : memref<!tpu.dma_semaphore, #tpu.memory_space<semaphore_mem>>)
        } else {
        }
        %mul3A_164 = arith.constant 4 : i32
        %mul3A_165 = arith.muli %mul3A_164, %add3A_97 : i32
        %add3A_166 = arith.constant 3 : i32
        %add3A_167 = arith.addi %mul3A_165, %add3A_166 : i32
        %dma_wait3A_168 = arith.constant 3 : i32
        %dma_wait3A_169 = arith.constant 0 : i32
        %dma_wait3A_170 = arith.constant 0 : i32
        %dma_wait3A_171 = tpu.memref_slice %arg10[%dma_wait3A_168, %dma_wait3A_169, %dma_wait3A_170] : memref<4x80x128xf32, #tpu.memory_space<vmem>> -> memref<1x80x128xf32, #tpu.memory_space<vmem>>
        %dma_wait3A_172 = tpu.memref_squeeze %dma_wait3A_171 : memref<1x80x128xf32, #tpu.memory_space<vmem>> -> memref<80x128xf32, #tpu.memory_space<vmem>>
        %dma_wait3A_173 = arith.constant 0 : i32
        %dma_wait3A_174 = tpu.memref_slice %arg8[%add3A_167, %dma_wait3A_173] : memref<32x80xi32, #tpu.memory_space<vmem>> -> memref<1x80xi32, #tpu.memory_space<vmem>>
        %dma_wait3A_175 = tpu.memref_squeeze %dma_wait3A_174 : memref<1x80xi32, #tpu.memory_space<vmem>> -> memref<80xi32, #tpu.memory_space<vmem>>
        %dma_wait3A_176 = arith.constant 0 : i32
        %dma_wait3A_177 = arith.constant 0 : i32
        %dma_wait3A_178 = tpu.memref_slice %arg2[%dma_wait3A_176, %dma_wait3A_177] : memref<20480x128xf32, #tpu.memory_space<hbm>> -> memref<20480x128xf32, #tpu.memory_space<hbm>>
        tpu.wait_indirect_dma semaphore(%arg15 : memref<!tpu.dma_semaphore, #tpu.memory_space<semaphore_mem>>) src(%dma_wait3A_178 : memref<20480x128xf32, #tpu.memory_space<hbm>>) dst(%dma_wait3A_172 : memref<80x128xf32, #tpu.memory_space<vmem>>)
        %run_scoped3A_179 = arith.constant 3 : i32
        "tpu.region"() ({
          %run_scoped3A_187 = tpu.sem_alloc : memref<!tpu.dma_semaphore, #tpu.memory_space<semaphore_mem>>
          %dma_start3A_188 = arith.constant 0 : i32
          %dma_start3A_189 = arith.constant 0 : i32
          %dma_start3A_190 = tpu.memref_slice %arg10[%run_scoped3A_179, %dma_start3A_188, %dma_start3A_189] : memref<4x80x128xf32, #tpu.memory_space<vmem>> -> memref<1x80x128xf32, #tpu.memory_space<vmem>>
          %dma_start3A_191 = tpu.memref_squeeze %dma_start3A_190 : memref<1x80x128xf32, #tpu.memory_space<vmem>> -> memref<80x128xf32, #tpu.memory_space<vmem>>
          %dma_start3A_192 = arith.constant 0 : i32
          %dma_start3A_193 = tpu.memref_slice %arg9[%add3A_167, %dma_start3A_192] : memref<32x80xi32, #tpu.memory_space<vmem>> -> memref<1x80xi32, #tpu.memory_space<vmem>>
          %dma_start3A_194 = tpu.memref_squeeze %dma_start3A_193 : memref<1x80xi32, #tpu.memory_space<vmem>> -> memref<80xi32, #tpu.memory_space<vmem>>
          %dma_start3A_195 = arith.constant 0 : i32
          %dma_start3A_196 = arith.constant 0 : i32
          %dma_start3A_197 = tpu.memref_slice %arg11[%dma_start3A_195, %dma_start3A_196] : memref<10240x128xf32, #tpu.memory_space<vmem_shared>> -> memref<10240x128xf32, #tpu.memory_space<vmem_shared>>
          tpu.enqueue_indirect_dma source(%dma_start3A_191 : memref<80x128xf32, #tpu.memory_space<vmem>>) target(%dma_start3A_197 : memref<10240x128xf32, #tpu.memory_space<vmem_shared>>) offsets(%dma_start3A_194 : memref<80xi32, #tpu.memory_space<vmem>>) semaphore(%run_scoped3A_187 : memref<!tpu.dma_semaphore, #tpu.memory_space<semaphore_mem>>) {add = true}
          %dma_wait3A_198 = arith.constant 0 : i32
          %dma_wait3A_199 = arith.constant 0 : i32
          %dma_wait3A_200 = tpu.memref_slice %arg10[%run_scoped3A_179, %dma_wait3A_198, %dma_wait3A_199] : memref<4x80x128xf32, #tpu.memory_space<vmem>> -> memref<1x80x128xf32, #tpu.memory_space<vmem>>
          %dma_wait3A_201 = tpu.memref_squeeze %dma_wait3A_200 : memref<1x80x128xf32, #tpu.memory_space<vmem>> -> memref<80x128xf32, #tpu.memory_space<vmem>>
          %dma_wait3A_202 = arith.constant 0 : i32
          %dma_wait3A_203 = tpu.memref_slice %arg9[%add3A_167, %dma_wait3A_202] : memref<32x80xi32, #tpu.memory_space<vmem>> -> memref<1x80xi32, #tpu.memory_space<vmem>>
          %dma_wait3A_204 = tpu.memref_squeeze %dma_wait3A_203 : memref<1x80xi32, #tpu.memory_space<vmem>> -> memref<80xi32, #tpu.memory_space<vmem>>
          %dma_wait3A_205 = arith.constant 0 : i32
          %dma_wait3A_206 = arith.constant 0 : i32
          %dma_wait3A_207 = tpu.memref_slice %arg11[%dma_wait3A_205, %dma_wait3A_206] : memref<10240x128xf32, #tpu.memory_space<vmem_shared>> -> memref<10240x128xf32, #tpu.memory_space<vmem_shared>>
          tpu.wait_indirect_dma semaphore(%run_scoped3A_187 : memref<!tpu.dma_semaphore, #tpu.memory_space<semaphore_mem>>) src(%dma_wait3A_201 : memref<80x128xf32, #tpu.memory_space<vmem>>) dst(%dma_wait3A_207 : memref<10240x128xf32, #tpu.memory_space<vmem_shared>>)
          tpu.yield
        }) : () -> ()
        %add3A_180 = arith.constant 4 : i32
        %add3A_181 = arith.addi %add3A_167, %add3A_180 : i32
        %lt3A_182 = arith.constant 32 : i32
        %lt3A_183 = arith.cmpi slt, %add3A_181, %lt3A_182 : i32
        %convert_element_type3A_184 = arith.extui %lt3A_183 : i1 to i32
        %cond3A_185 = arith.constant 0 : i32
        %cond3A_186 = arith.cmpi ne, %convert_element_type3A_184, %cond3A_185 : i32
        scf.if %cond3A_186 {
          %add3A_187 = arith.constant 4 : i32
          %add3A_188 = arith.addi %add3A_167, %add3A_187 : i32
          %dma_start3A_189 = arith.constant 3 : i32
          %dma_start3A_190 = arith.constant 0 : i32
          %dma_start3A_191 = arith.constant 0 : i32
          %dma_start3A_192 = tpu.memref_slice %arg10[%dma_start3A_189, %dma_start3A_190, %dma_start3A_191] : memref<4x80x128xf32, #tpu.memory_space<vmem>> -> memref<1x80x128xf32, #tpu.memory_space<vmem>>
          %dma_start3A_193 = tpu.memref_squeeze %dma_start3A_192 : memref<1x80x128xf32, #tpu.memory_space<vmem>> -> memref<80x128xf32, #tpu.memory_space<vmem>>
          %dma_start3A_194 = arith.constant 0 : i32
          %dma_start3A_195 = tpu.memref_slice %arg8[%add3A_188, %dma_start3A_194] : memref<32x80xi32, #tpu.memory_space<vmem>> -> memref<1x80xi32, #tpu.memory_space<vmem>>
          %dma_start3A_196 = tpu.memref_squeeze %dma_start3A_195 : memref<1x80xi32, #tpu.memory_space<vmem>> -> memref<80xi32, #tpu.memory_space<vmem>>
          %dma_start3A_197 = arith.constant 0 : i32
          %dma_start3A_198 = arith.constant 0 : i32
          %dma_start3A_199 = tpu.memref_slice %arg2[%dma_start3A_197, %dma_start3A_198] : memref<20480x128xf32, #tpu.memory_space<hbm>> -> memref<20480x128xf32, #tpu.memory_space<hbm>>
          tpu.enqueue_indirect_dma source(%dma_start3A_199 : memref<20480x128xf32, #tpu.memory_space<hbm>>) target(%dma_start3A_193 : memref<80x128xf32, #tpu.memory_space<vmem>>) offsets(%dma_start3A_196 : memref<80xi32, #tpu.memory_space<vmem>>) semaphore(%arg15 : memref<!tpu.dma_semaphore, #tpu.memory_space<semaphore_mem>>)
        } else {
        }
      }
      %scan3A_92 = arith.constant 8 : i32
    }
    %scan3A_15 = arith.constant 8 : i32
    %barrier3A_16 = arith.constant 0 : index
    tpu.barrier barrier_id(%barrier3A_16)
    %mul3A = arith.constant 640 : i32
    %mul3A_17 = arith.muli %arg1, %mul3A : i32
    %mul3A_18 = arith.constant 640 : i32
    %mul3A_19 = arith.muli %arg1, %mul3A_18 : i32
    "tpu.region"() ({
      %run_scoped3A = tpu.sem_alloc : memref<!tpu.dma_semaphore, #tpu.memory_space<semaphore_mem>>
      %dma_start3A = arith.constant 0 : i32
      %dma_start3A_20 = tpu.memref_slice %arg7[%arg0, %mul3A_19, %dma_start3A] : memref<2x10240x128xf32, #tpu.memory_space<hbm>> -> memref<1x640x128xf32, #tpu.memory_space<hbm>>
      %dma_start3A_21 = tpu.memref_squeeze %dma_start3A_20 : memref<1x640x128xf32, #tpu.memory_space<hbm>> -> memref<640x128xf32, #tpu.memory_space<hbm>>
      %dma_start3A_22 = arith.constant 0 : i32
      %dma_start3A_23 = tpu.memref_slice %arg11[%mul3A_17, %dma_start3A_22] : memref<10240x128xf32, #tpu.memory_space<vmem_shared>> -> memref<640x128xf32, #tpu.memory_space<vmem_shared>>
      tpu.enqueue_dma source(%dma_start3A_23 : memref<640x128xf32, #tpu.memory_space<vmem_shared>>) target(%dma_start3A_21 : memref<640x128xf32, #tpu.memory_space<hbm>>) target_semaphore(%run_scoped3A : memref<!tpu.dma_semaphore, #tpu.memory_space<semaphore_mem>>)
      %dma_wait3A = arith.constant 0 : i32
      %dma_wait3A_24 = tpu.memref_slice %arg7[%arg0, %mul3A_19, %dma_wait3A] : memref<2x10240x128xf32, #tpu.memory_space<hbm>> -> memref<1x640x128xf32, #tpu.memory_space<hbm>>
      %dma_wait3A_25 = tpu.memref_squeeze %dma_wait3A_24 : memref<1x640x128xf32, #tpu.memory_space<hbm>> -> memref<640x128xf32, #tpu.memory_space<hbm>>
      %dma_wait3A_26 = arith.constant 0 : i32
      %dma_wait3A_27 = tpu.memref_slice %arg11[%mul3A_17, %dma_wait3A_26] : memref<10240x128xf32, #tpu.memory_space<vmem_shared>> -> memref<640x128xf32, #tpu.memory_space<vmem_shared>>
      tpu.wait_dma2 semaphore(%run_scoped3A : memref<!tpu.dma_semaphore, #tpu.memory_space<semaphore_mem>>) src(%dma_wait3A_27 : memref<640x128xf32, #tpu.memory_space<vmem_shared>>) dst(%dma_wait3A_25 : memref<640x128xf32, #tpu.memory_space<hbm>>)
      tpu.yield
    }) : () -> ()
    return
  }
}

module attributes {stable_mosaic.version = 14 : i64} {
  func.func @_tc_layer1_body(%arg0: i32, %arg1: memref<2x1024x128xf32, #tpu.memory_space<vmem>>, %arg2: memref<1024x4xf32, #tpu.memory_space<vmem>>, %arg3: memref<128x256xf32, #tpu.memory_space<vmem>>, %arg4: memref<128x256xf32, #tpu.memory_space<vmem>>, %arg5: memref<1x256xf32, #tpu.memory_space<vmem>>, %arg6: memref<1x256xf32, #tpu.memory_space<vmem>>, %arg7: memref<256x128xf32, #tpu.memory_space<vmem>>, %arg8: memref<256x128xf32, #tpu.memory_space<vmem>>, %arg9: memref<2x1024x128xf32, #tpu.memory_space<vmem>>) attributes {dimension_semantics = [#tpu.dimension_semantics<arbitrary>], iteration_bounds = array<i64: 10>, scalar_prefetch = 0 : i64, scratch_operands = 0 : i64, tpu.core_type = #tpu.core_type<tc>, window_params = [{transform_indices = @transform_0, window_bounds = array<i64: 2, 1024, 128>}, {transform_indices = @transform_1, window_bounds = array<i64: 1024, 4>}, {pipeline_mode = #tpu.pipeline_mode<synchronous>, transform_indices = @transform_2, window_bounds = array<i64: 128, 256>}, {pipeline_mode = #tpu.pipeline_mode<synchronous>, transform_indices = @transform_3, window_bounds = array<i64: 128, 256>}, {pipeline_mode = #tpu.pipeline_mode<synchronous>, transform_indices = @transform_4, window_bounds = array<i64: 1, 256>}, {pipeline_mode = #tpu.pipeline_mode<synchronous>, transform_indices = @transform_5, window_bounds = array<i64: 1, 256>}, {pipeline_mode = #tpu.pipeline_mode<synchronous>, transform_indices = @transform_6, window_bounds = array<i64: 256, 128>}, {pipeline_mode = #tpu.pipeline_mode<synchronous>, transform_indices = @transform_7, window_bounds = array<i64: 256, 128>}, {transform_indices = @transform_8, window_bounds = array<i64: 2, 1024, 128>}]} {
    %get3A = arith.constant 0 : index
    %get3A_0 = arith.constant 0 : index
    %get3A_1 = vector.load %arg2[%get3A, %get3A_0] : memref<1024x4xf32, #tpu.memory_space<vmem>>, vector<1024x4xf32>
    %slice3A = vector.extract_strided_slice %get3A_1 {offsets = [0, 0], sizes = [1024, 1], strides = [1, 1]} : vector<1024x4xf32> to vector<1024x1xf32>
    %squeeze3A = vector.shape_cast %slice3A : vector<1024x1xf32> to vector<1024xf32>
    %slice3A_2 = vector.extract_strided_slice %get3A_1 {offsets = [0, 1], sizes = [1024, 1], strides = [1, 1]} : vector<1024x4xf32> to vector<1024x1xf32>
    %squeeze3A_3 = vector.shape_cast %slice3A_2 : vector<1024x1xf32> to vector<1024xf32>
    %slice3A_4 = vector.extract_strided_slice %get3A_1 {offsets = [0, 2], sizes = [1024, 1], strides = [1, 1]} : vector<1024x4xf32> to vector<1024x1xf32>
    %squeeze3A_5 = vector.shape_cast %slice3A_4 : vector<1024x1xf32> to vector<1024xf32>
    %slice3A_6 = vector.extract_strided_slice %get3A_1 {offsets = [0, 3], sizes = [1024, 1], strides = [1, 1]} : vector<1024x4xf32> to vector<1024x1xf32>
    %squeeze3A_7 = vector.shape_cast %slice3A_6 : vector<1024x1xf32> to vector<1024xf32>
    %get3A_8 = arith.constant 0 : index
    %get3A_9 = arith.constant 0 : index
    %get3A_10 = arith.constant 0 : index
    %get3A_11 = vector.load %arg1[%get3A_8, %get3A_9, %get3A_10] : memref<2x1024x128xf32, #tpu.memory_space<vmem>>, vector<1x1024x128xf32>
    %get3A_12 = vector.shape_cast %get3A_11 : vector<1x1024x128xf32> to vector<1024x128xf32>
    %broadcast_in_dim3A = vector.shape_cast %squeeze3A : vector<1024xf32> to vector<1024x1xf32>
    %mul3A = vector.broadcast %broadcast_in_dim3A : vector<1024x1xf32> to vector<1024x128xf32>
    %mul3A_13 = arith.mulf %get3A_12, %mul3A : vector<1024x128xf32>
    %get3A_14 = arith.constant 1 : index
    %get3A_15 = arith.constant 0 : index
    %get3A_16 = arith.constant 0 : index
    %get3A_17 = vector.load %arg1[%get3A_14, %get3A_15, %get3A_16] : memref<2x1024x128xf32, #tpu.memory_space<vmem>>, vector<1x1024x128xf32>
    %get3A_18 = vector.shape_cast %get3A_17 : vector<1x1024x128xf32> to vector<1024x128xf32>
    %broadcast_in_dim3A_19 = vector.shape_cast %squeeze3A_3 : vector<1024xf32> to vector<1024x1xf32>
    %mul3A_20 = vector.broadcast %broadcast_in_dim3A_19 : vector<1024x1xf32> to vector<1024x128xf32>
    %mul3A_21 = arith.mulf %get3A_18, %mul3A_20 : vector<1024x128xf32>
    %get3A_22 = arith.constant 0 : index
    %get3A_23 = arith.constant 0 : index
    %get3A_24 = vector.load %arg3[%get3A_22, %get3A_23] : memref<128x256xf32, #tpu.memory_space<vmem>>, vector<128x256xf32>
    %dot_general3A = arith.constant dense<0.000000e+00> : vector<1024x256xf32>
    %dot_general3A_25 = tpu.matmul %mul3A_13, %get3A_24, %dot_general3A {dimension_numbers = #tpu.dot_dimension_numbers<[1], [0], [0], [1], [0, 0, 1, 1], [], []>, transpose_lhs_hint = false} : vector<1024x128xf32>, vector<128x256xf32>, vector<1024x256xf32> -> vector<1024x256xf32>
    %get3A_26 = arith.constant 0 : index
    %get3A_27 = arith.constant 0 : index
    %get3A_28 = vector.load %arg4[%get3A_26, %get3A_27] : memref<128x256xf32, #tpu.memory_space<vmem>>, vector<128x256xf32>
    %dot_general3A_29 = arith.constant dense<0.000000e+00> : vector<1024x256xf32>
    %dot_general3A_30 = tpu.matmul %mul3A_21, %get3A_28, %dot_general3A_29 {dimension_numbers = #tpu.dot_dimension_numbers<[1], [0], [0], [1], [0, 0, 1, 1], [], []>, transpose_lhs_hint = false} : vector<1024x128xf32>, vector<128x256xf32>, vector<1024x256xf32> -> vector<1024x256xf32>
    %add3A = arith.addf %dot_general3A_25, %dot_general3A_30 : vector<1024x256xf32>
    %get3A_31 = arith.constant 0 : index
    %get3A_32 = arith.constant 0 : index
    %get3A_33 = vector.load %arg5[%get3A_31, %get3A_32] : memref<1x256xf32, #tpu.memory_space<vmem>>, vector<1x256xf32>
    %add3A_34 = vector.broadcast %get3A_33 : vector<1x256xf32> to vector<1024x256xf32>
    %add3A_35 = arith.addf %add3A, %add3A_34 : vector<1024x256xf32>
    %get3A_36 = arith.constant 0 : index
    %get3A_37 = arith.constant 0 : index
    %get3A_38 = vector.load %arg6[%get3A_36, %get3A_37] : memref<1x256xf32, #tpu.memory_space<vmem>>, vector<1x256xf32>
    %add3A_39 = vector.broadcast %get3A_38 : vector<1x256xf32> to vector<1024x256xf32>
    %add3A_40 = arith.addf %add3A_35, %add3A_39 : vector<1024x256xf32>
    %mul3A_41 = arith.constant 5.000000e-01 : f32
    %mul3A_42 = vector.broadcast %mul3A_41 : f32 to vector<1024x256xf32>
    %mul3A_43 = arith.mulf %add3A_40, %mul3A_42 : vector<1024x256xf32>
    %max3A = arith.constant 0.000000e+00 : f32
    %max3A_44 = vector.broadcast %max3A : f32 to vector<1024x256xf32>
    %max3A_45 = arith.maximumf %mul3A_43, %max3A_44 : vector<1024x256xf32>
    %broadcast_in_dim3A_46 = vector.shape_cast %squeeze3A_5 : vector<1024xf32> to vector<1024x1xf32>
    %mul3A_47 = vector.broadcast %broadcast_in_dim3A_46 : vector<1024x1xf32> to vector<1024x256xf32>
    %mul3A_48 = arith.mulf %max3A_45, %mul3A_47 : vector<1024x256xf32>
    %get3A_49 = arith.constant 0 : index
    %get3A_50 = arith.constant 0 : index
    %get3A_51 = vector.load %arg7[%get3A_49, %get3A_50] : memref<256x128xf32, #tpu.memory_space<vmem>>, vector<256x128xf32>
    %dot_general3A_52 = arith.constant dense<0.000000e+00> : vector<1024x128xf32>
    %dot_general3A_53 = tpu.matmul %mul3A_48, %get3A_51, %dot_general3A_52 {dimension_numbers = #tpu.dot_dimension_numbers<[1], [0], [0], [1], [0, 0, 1, 1], [], []>, transpose_lhs_hint = false} : vector<1024x256xf32>, vector<256x128xf32>, vector<1024x128xf32> -> vector<1024x128xf32>
    %swap3A = arith.constant 0 : index
    %swap3A_54 = arith.constant 0 : index
    %swap3A_55 = arith.constant 0 : index
    %swap3A_56 = vector.load %arg9[%swap3A, %swap3A_54, %swap3A_55] : memref<2x1024x128xf32, #tpu.memory_space<vmem>>, vector<1x1024x128xf32>
    %swap3A_57 = vector.shape_cast %swap3A_56 : vector<1x1024x128xf32> to vector<1024x128xf32>
    %swap3A_58 = vector.shape_cast %dot_general3A_53 : vector<1024x128xf32> to vector<1x1024x128xf32>
    tpu.vector_store %arg9[%swap3A, %swap3A_54, %swap3A_55], %swap3A_58 {strides = array<i32>} : memref<2x1024x128xf32, #tpu.memory_space<vmem>>, vector<1x1024x128xf32>,
    %broadcast_in_dim3A_59 = vector.shape_cast %squeeze3A_7 : vector<1024xf32> to vector<1024x1xf32>
    %mul3A_60 = vector.broadcast %broadcast_in_dim3A_59 : vector<1024x1xf32> to vector<1024x256xf32>
    %mul3A_61 = arith.mulf %max3A_45, %mul3A_60 : vector<1024x256xf32>
    %get3A_62 = arith.constant 0 : index
    %get3A_63 = arith.constant 0 : index
    %get3A_64 = vector.load %arg8[%get3A_62, %get3A_63] : memref<256x128xf32, #tpu.memory_space<vmem>>, vector<256x128xf32>
    %dot_general3A_65 = arith.constant dense<0.000000e+00> : vector<1024x128xf32>
    %dot_general3A_66 = tpu.matmul %mul3A_61, %get3A_64, %dot_general3A_65 {dimension_numbers = #tpu.dot_dimension_numbers<[1], [0], [0], [1], [0, 0, 1, 1], [], []>, transpose_lhs_hint = false} : vector<1024x256xf32>, vector<256x128xf32>, vector<1024x128xf32> -> vector<1024x128xf32>
    %swap3A_67 = arith.constant 1 : index
    %swap3A_68 = arith.constant 0 : index
    %swap3A_69 = arith.constant 0 : index
    %swap3A_70 = vector.load %arg9[%swap3A_67, %swap3A_68, %swap3A_69] : memref<2x1024x128xf32, #tpu.memory_space<vmem>>, vector<1x1024x128xf32>
    %swap3A_71 = vector.shape_cast %swap3A_70 : vector<1x1024x128xf32> to vector<1024x128xf32>
    %swap3A_72 = vector.shape_cast %dot_general3A_66 : vector<1024x128xf32> to vector<1x1024x128xf32>
    tpu.vector_store %arg9[%swap3A_67, %swap3A_68, %swap3A_69], %swap3A_72 {strides = array<i32>} : memref<2x1024x128xf32, #tpu.memory_space<vmem>>, vector<1x1024x128xf32>,
    return
  }
  func.func @transform_0(%arg0: i32) -> (i32, i32, i32) {
    %c0_i32 = arith.constant 0 : i32
    %c0_i32_0 = arith.constant 0 : i32
    %c0_i32_1 = arith.constant 0 : i32
    return %c0_i32, %arg0, %c0_i32_0 : i32, i32, i32
  }
  func.func @transform_1(%arg0: i32) -> (i32, i32) {
    %c0_i32 = arith.constant 0 : i32
    %c0_i32_0 = arith.constant 0 : i32
    return %arg0, %c0_i32 : i32, i32
  }
  func.func @transform_2(%arg0: i32) -> (i32, i32) {
    %c0_i32 = arith.constant 0 : i32
    %c0_i32_0 = arith.constant 0 : i32
    %c0_i32_1 = arith.constant 0 : i32
    return %c0_i32, %c0_i32_0 : i32, i32
  }
  func.func @transform_3(%arg0: i32) -> (i32, i32) {
    %c0_i32 = arith.constant 0 : i32
    %c0_i32_0 = arith.constant 0 : i32
    %c0_i32_1 = arith.constant 0 : i32
    return %c0_i32, %c0_i32_0 : i32, i32
  }
  func.func @transform_4(%arg0: i32) -> (i32, i32) {
    %c0_i32 = arith.constant 0 : i32
    %c0_i32_0 = arith.constant 0 : i32
    %c0_i32_1 = arith.constant 0 : i32
    return %c0_i32, %c0_i32_0 : i32, i32
  }
  func.func @transform_5(%arg0: i32) -> (i32, i32) {
    %c0_i32 = arith.constant 0 : i32
    %c0_i32_0 = arith.constant 0 : i32
    %c0_i32_1 = arith.constant 0 : i32
    return %c0_i32, %c0_i32_0 : i32, i32
  }
  func.func @transform_6(%arg0: i32) -> (i32, i32) {
    %c0_i32 = arith.constant 0 : i32
    %c0_i32_0 = arith.constant 0 : i32
    %c0_i32_1 = arith.constant 0 : i32
    return %c0_i32, %c0_i32_0 : i32, i32
  }
  func.func @transform_7(%arg0: i32) -> (i32, i32) {
    %c0_i32 = arith.constant 0 : i32
    %c0_i32_0 = arith.constant 0 : i32
    %c0_i32_1 = arith.constant 0 : i32
    return %c0_i32, %c0_i32_0 : i32, i32
  }
  func.func @transform_8(%arg0: i32) -> (i32, i32, i32) {
    %c0_i32 = arith.constant 0 : i32
    %c0_i32_0 = arith.constant 0 : i32
    %c0_i32_1 = arith.constant 0 : i32
    return %c0_i32, %arg0, %c0_i32_0 : i32, i32, i32
  }
}

module attributes {stable_mosaic.version = 14 : i64} {
  func.func @_tc_prep_body(%arg0: i32, %arg1: memref<32x1x1024xf32, #tpu.memory_space<vmem>>, %arg2: memref<1024x128xf32, #tpu.memory_space<vmem>>, %arg3: memref<2x1024x128xf32, #tpu.memory_space<vmem>>, %arg4: memref<1024x4xf32, #tpu.memory_space<vmem>>) attributes {dimension_semantics = [#tpu.dimension_semantics<arbitrary>], iteration_bounds = array<i64: 10>, scalar_prefetch = 0 : i64, scratch_operands = 0 : i64, tpu.core_type = #tpu.core_type<tc>, window_params = [{transform_indices = @transform_0, window_bounds = array<i64: 32, 1, 1024>}, {transform_indices = @transform_1, window_bounds = array<i64: 1024, 128>}, {transform_indices = @transform_2, window_bounds = array<i64: 2, 1024, 128>}, {transform_indices = @transform_3, window_bounds = array<i64: 1024, 4>}]} {
    %get3A = arith.constant 0 : index
    %get3A_0 = arith.constant 0 : index
    %get3A_1 = arith.constant 0 : index
    %get3A_2 = vector.load %arg1[%get3A, %get3A_0, %get3A_1] : memref<32x1x1024xf32, #tpu.memory_space<vmem>>, vector<32x1x1024xf32>
    %reshape3A = vector.shape_cast %get3A_2 : vector<32x1x1024xf32> to vector<4x8x1024xf32>
    %reduce_sum3A = arith.constant dense<0.000000e+00> : vector<4x1024xf32>
    %reduce_sum3A_3 = vector.multi_reduction <add>, %reshape3A, %reduce_sum3A [1] : vector<4x8x1024xf32> to vector<4x1024xf32>
    %max3A = arith.constant 1.000000e+00 : f32
    %max3A_4 = vector.broadcast %max3A : f32 to vector<4x1024xf32>
    %max3A_5 = arith.maximumf %reduce_sum3A_3, %max3A_4 : vector<4x1024xf32>
    %rsqrt3A = math.rsqrt %max3A_5 : vector<4x1024xf32>
    %slice3A = vector.extract_strided_slice %rsqrt3A {offsets = [0, 0], sizes = [1, 1024], strides = [1, 1]} : vector<4x1024xf32> to vector<1x1024xf32>
    %squeeze3A = vector.shape_cast %slice3A : vector<1x1024xf32> to vector<1024xf32>
    %slice3A_6 = vector.extract_strided_slice %rsqrt3A {offsets = [1, 0], sizes = [1, 1024], strides = [1, 1]} : vector<4x1024xf32> to vector<1x1024xf32>
    %squeeze3A_7 = vector.shape_cast %slice3A_6 : vector<1x1024xf32> to vector<1024xf32>
    %slice3A_8 = vector.extract_strided_slice %rsqrt3A {offsets = [2, 0], sizes = [1, 1024], strides = [1, 1]} : vector<4x1024xf32> to vector<1x1024xf32>
    %squeeze3A_9 = vector.shape_cast %slice3A_8 : vector<1x1024xf32> to vector<1024xf32>
    %slice3A_10 = vector.extract_strided_slice %rsqrt3A {offsets = [3, 0], sizes = [1, 1024], strides = [1, 1]} : vector<4x1024xf32> to vector<1x1024xf32>
    %squeeze3A_11 = vector.shape_cast %slice3A_10 : vector<1x1024xf32> to vector<1024xf32>
    %get3A_12 = arith.constant 0 : index
    %get3A_13 = arith.constant 0 : index
    %get3A_14 = vector.load %arg2[%get3A_12, %get3A_13] : memref<1024x128xf32, #tpu.memory_space<vmem>>, vector<1024x128xf32>
    %broadcast_in_dim3A = vector.shape_cast %squeeze3A : vector<1024xf32> to vector<1024x1xf32>
    %mul3A = vector.broadcast %broadcast_in_dim3A : vector<1024x1xf32> to vector<1024x128xf32>
    %mul3A_15 = arith.mulf %get3A_14, %mul3A : vector<1024x128xf32>
    %swap3A = arith.constant 0 : index
    %swap3A_16 = arith.constant 0 : index
    %swap3A_17 = arith.constant 0 : index
    %swap3A_18 = vector.load %arg3[%swap3A, %swap3A_16, %swap3A_17] : memref<2x1024x128xf32, #tpu.memory_space<vmem>>, vector<1x1024x128xf32>
    %swap3A_19 = vector.shape_cast %swap3A_18 : vector<1x1024x128xf32> to vector<1024x128xf32>
    %swap3A_20 = vector.shape_cast %mul3A_15 : vector<1024x128xf32> to vector<1x1024x128xf32>
    tpu.vector_store %arg3[%swap3A, %swap3A_16, %swap3A_17], %swap3A_20 {strides = array<i32>} : memref<2x1024x128xf32, #tpu.memory_space<vmem>>, vector<1x1024x128xf32>,
    %broadcast_in_dim3A_21 = vector.shape_cast %squeeze3A_9 : vector<1024xf32> to vector<1024x1xf32>
    %mul3A_22 = vector.broadcast %broadcast_in_dim3A_21 : vector<1024x1xf32> to vector<1024x128xf32>
    %mul3A_23 = arith.mulf %get3A_14, %mul3A_22 : vector<1024x128xf32>
    %swap3A_24 = arith.constant 1 : index
    %swap3A_25 = arith.constant 0 : index
    %swap3A_26 = arith.constant 0 : index
    %swap3A_27 = vector.load %arg3[%swap3A_24, %swap3A_25, %swap3A_26] : memref<2x1024x128xf32, #tpu.memory_space<vmem>>, vector<1x1024x128xf32>
    %swap3A_28 = vector.shape_cast %swap3A_27 : vector<1x1024x128xf32> to vector<1024x128xf32>
    %swap3A_29 = vector.shape_cast %mul3A_23 : vector<1024x128xf32> to vector<1x1024x128xf32>
    tpu.vector_store %arg3[%swap3A_24, %swap3A_25, %swap3A_26], %swap3A_29 {strides = array<i32>} : memref<2x1024x128xf32, #tpu.memory_space<vmem>>, vector<1x1024x128xf32>,
    %stack3A = vector.shape_cast %squeeze3A_7 : vector<1024xf32> to vector<1024x1xf32>
    %stack3A_30 = vector.shape_cast %squeeze3A_11 : vector<1024xf32> to vector<1024x1xf32>
    %stack3A_31 = vector.shape_cast %squeeze3A : vector<1024xf32> to vector<1024x1xf32>
    %stack3A_32 = vector.shape_cast %squeeze3A_9 : vector<1024xf32> to vector<1024x1xf32>
    %stack3A_33 = tpu.concatenate %stack3A, %stack3A_30, %stack3A_31, %stack3A_32 in 1 : vector<1024x1xf32>, vector<1024x1xf32>, vector<1024x1xf32>, vector<1024x1xf32> -> vector<1024x4xf32>
    %swap3A_34 = arith.constant 0 : index
    %swap3A_35 = arith.constant 0 : index
    %swap3A_36 = vector.load %arg4[%swap3A_34, %swap3A_35] : memref<1024x4xf32, #tpu.memory_space<vmem>>, vector<1024x4xf32>
    tpu.vector_store %arg4[%swap3A_34, %swap3A_35], %stack3A_33 {strides = array<i32>} : memref<1024x4xf32, #tpu.memory_space<vmem>>, vector<1024x4xf32>,
    return
  }
  func.func @transform_0(%arg0: i32) -> (i32, i32, i32) {
    %c0_i32 = arith.constant 0 : i32
    %c0_i32_0 = arith.constant 0 : i32
    %c0_i32_1 = arith.constant 0 : i32
    return %c0_i32, %c0_i32_0, %arg0 : i32, i32, i32
  }
  func.func @transform_1(%arg0: i32) -> (i32, i32) {
    %c0_i32 = arith.constant 0 : i32
    %c0_i32_0 = arith.constant 0 : i32
    return %arg0, %c0_i32 : i32, i32
  }
  func.func @transform_2(%arg0: i32) -> (i32, i32, i32) {
    %c0_i32 = arith.constant 0 : i32
    %c0_i32_0 = arith.constant 0 : i32
    %c0_i32_1 = arith.constant 0 : i32
    return %c0_i32, %arg0, %c0_i32_0 : i32, i32, i32
  }
  func.func @transform_3(%arg0: i32) -> (i32, i32) {
    %c0_i32 = arith.constant 0 : i32
    %c0_i32_0 = arith.constant 0 : i32
    return %arg0, %c0_i32 : i32, i32
  }
}

module attributes {stable_mosaic.version = 14 : i64} {
  func.func @_tc_layer2_body(%arg0: i32, %arg1: memref<2x1024x128xf32, #tpu.memory_space<vmem>>, %arg2: memref<1024x4xf32, #tpu.memory_space<vmem>>, %arg3: memref<1x128xf32, #tpu.memory_space<vmem>>, %arg4: memref<1x128xf32, #tpu.memory_space<vmem>>, %arg5: memref<2x128xf32, #tpu.memory_space<vmem>>, %arg6: memref<1024x2xf32, #tpu.memory_space<vmem>>) attributes {dimension_semantics = [#tpu.dimension_semantics<arbitrary>], iteration_bounds = array<i64: 10>, scalar_prefetch = 0 : i64, scratch_operands = 0 : i64, tpu.core_type = #tpu.core_type<tc>, window_params = [{transform_indices = @transform_0, window_bounds = array<i64: 2, 1024, 128>}, {transform_indices = @transform_1, window_bounds = array<i64: 1024, 4>}, {pipeline_mode = #tpu.pipeline_mode<synchronous>, transform_indices = @transform_2, window_bounds = array<i64: 1, 128>}, {pipeline_mode = #tpu.pipeline_mode<synchronous>, transform_indices = @transform_3, window_bounds = array<i64: 1, 128>}, {pipeline_mode = #tpu.pipeline_mode<synchronous>, transform_indices = @transform_4, window_bounds = array<i64: 2, 128>}, {transform_indices = @transform_5, window_bounds = array<i64: 1024, 2>}]} {
    %get3A = arith.constant 0 : index
    %get3A_0 = arith.constant 0 : index
    %get3A_1 = vector.load %arg2[%get3A, %get3A_0] : memref<1024x4xf32, #tpu.memory_space<vmem>>, vector<1024x4xf32>
    %slice3A = vector.extract_strided_slice %get3A_1 {offsets = [0, 0], sizes = [1024, 1], strides = [1, 1]} : vector<1024x4xf32> to vector<1024x1xf32>
    %squeeze3A = vector.shape_cast %slice3A : vector<1024x1xf32> to vector<1024xf32>
    %slice3A_2 = vector.extract_strided_slice %get3A_1 {offsets = [0, 1], sizes = [1024, 1], strides = [1, 1]} : vector<1024x4xf32> to vector<1024x1xf32>
    %squeeze3A_3 = vector.shape_cast %slice3A_2 : vector<1024x1xf32> to vector<1024xf32>
    %get3A_4 = arith.constant 0 : index
    %get3A_5 = arith.constant 0 : index
    %get3A_6 = arith.constant 0 : index
    %get3A_7 = vector.load %arg1[%get3A_4, %get3A_5, %get3A_6] : memref<2x1024x128xf32, #tpu.memory_space<vmem>>, vector<1x1024x128xf32>
    %get3A_8 = vector.shape_cast %get3A_7 : vector<1x1024x128xf32> to vector<1024x128xf32>
    %broadcast_in_dim3A = vector.shape_cast %squeeze3A : vector<1024xf32> to vector<1024x1xf32>
    %mul3A = vector.broadcast %broadcast_in_dim3A : vector<1024x1xf32> to vector<1024x128xf32>
    %mul3A_9 = arith.mulf %get3A_8, %mul3A : vector<1024x128xf32>
    %get3A_10 = arith.constant 1 : index
    %get3A_11 = arith.constant 0 : index
    %get3A_12 = arith.constant 0 : index
    %get3A_13 = vector.load %arg1[%get3A_10, %get3A_11, %get3A_12] : memref<2x1024x128xf32, #tpu.memory_space<vmem>>, vector<1x1024x128xf32>
    %get3A_14 = vector.shape_cast %get3A_13 : vector<1x1024x128xf32> to vector<1024x128xf32>
    %broadcast_in_dim3A_15 = vector.shape_cast %squeeze3A_3 : vector<1024xf32> to vector<1024x1xf32>
    %mul3A_16 = vector.broadcast %broadcast_in_dim3A_15 : vector<1024x1xf32> to vector<1024x128xf32>
    %mul3A_17 = arith.mulf %get3A_14, %mul3A_16 : vector<1024x128xf32>
    %add3A = arith.addf %mul3A_9, %mul3A_17 : vector<1024x128xf32>
    %get3A_18 = arith.constant 0 : index
    %get3A_19 = arith.constant 0 : index
    %get3A_20 = vector.load %arg3[%get3A_18, %get3A_19] : memref<1x128xf32, #tpu.memory_space<vmem>>, vector<1x128xf32>
    %add3A_21 = vector.broadcast %get3A_20 : vector<1x128xf32> to vector<1024x128xf32>
    %add3A_22 = arith.addf %add3A, %add3A_21 : vector<1024x128xf32>
    %get3A_23 = arith.constant 0 : index
    %get3A_24 = arith.constant 0 : index
    %get3A_25 = vector.load %arg4[%get3A_23, %get3A_24] : memref<1x128xf32, #tpu.memory_space<vmem>>, vector<1x128xf32>
    %add3A_26 = vector.broadcast %get3A_25 : vector<1x128xf32> to vector<1024x128xf32>
    %add3A_27 = arith.addf %add3A_22, %add3A_26 : vector<1024x128xf32>
    %mul3A_28 = arith.constant 5.000000e-01 : f32
    %mul3A_29 = vector.broadcast %mul3A_28 : f32 to vector<1024x128xf32>
    %mul3A_30 = arith.mulf %add3A_27, %mul3A_29 : vector<1024x128xf32>
    %max3A = arith.constant 0.000000e+00 : f32
    %max3A_31 = vector.broadcast %max3A : f32 to vector<1024x128xf32>
    %max3A_32 = arith.maximumf %mul3A_30, %max3A_31 : vector<1024x128xf32>
    %get3A_33 = arith.constant 0 : index
    %get3A_34 = arith.constant 0 : index
    %get3A_35 = vector.load %arg5[%get3A_33, %get3A_34] : memref<2x128xf32, #tpu.memory_space<vmem>>, vector<2x128xf32>
    %slice3A_36 = vector.extract_strided_slice %get3A_35 {offsets = [0, 0], sizes = [1, 128], strides = [1, 1]} : vector<2x128xf32> to vector<1x128xf32>
    %squeeze3A_37 = vector.shape_cast %slice3A_36 : vector<1x128xf32> to vector<128xf32>
    %broadcast_in_dim3A_38 = vector.shape_cast %squeeze3A_37 : vector<128xf32> to vector<1x128xf32>
    %mul3A_39 = vector.broadcast %broadcast_in_dim3A_38 : vector<1x128xf32> to vector<1024x128xf32>
    %mul3A_40 = arith.mulf %max3A_32, %mul3A_39 : vector<1024x128xf32>
    %reduce_sum3A = arith.constant dense<0.000000e+00> : vector<1024xf32>
    %reduce_sum3A_41 = vector.multi_reduction <add>, %mul3A_40, %reduce_sum3A [1] : vector<1024x128xf32> to vector<1024xf32>
    %slice3A_42 = vector.extract_strided_slice %get3A_35 {offsets = [1, 0], sizes = [1, 128], strides = [1, 1]} : vector<2x128xf32> to vector<1x128xf32>
    %squeeze3A_43 = vector.shape_cast %slice3A_42 : vector<1x128xf32> to vector<128xf32>
    %broadcast_in_dim3A_44 = vector.shape_cast %squeeze3A_43 : vector<128xf32> to vector<1x128xf32>
    %mul3A_45 = vector.broadcast %broadcast_in_dim3A_44 : vector<1x128xf32> to vector<1024x128xf32>
    %mul3A_46 = arith.mulf %max3A_32, %mul3A_45 : vector<1024x128xf32>
    %reduce_sum3A_47 = arith.constant dense<0.000000e+00> : vector<1024xf32>
    %reduce_sum3A_48 = vector.multi_reduction <add>, %mul3A_46, %reduce_sum3A_47 [1] : vector<1024x128xf32> to vector<1024xf32>
    %stack3A = vector.shape_cast %reduce_sum3A_41 : vector<1024xf32> to vector<1024x1xf32>
    %stack3A_49 = vector.shape_cast %reduce_sum3A_48 : vector<1024xf32> to vector<1024x1xf32>
    %stack3A_50 = tpu.concatenate %stack3A, %stack3A_49 in 1 : vector<1024x1xf32>, vector<1024x1xf32> -> vector<1024x2xf32>
    %swap3A = arith.constant 0 : index
    %swap3A_51 = arith.constant 0 : index
    %swap3A_52 = vector.load %arg6[%swap3A, %swap3A_51] : memref<1024x2xf32, #tpu.memory_space<vmem>>, vector<1024x2xf32>
    tpu.vector_store %arg6[%swap3A, %swap3A_51], %stack3A_50 {strides = array<i32>} : memref<1024x2xf32, #tpu.memory_space<vmem>>, vector<1024x2xf32>,
    return
  }
  func.func @transform_0(%arg0: i32) -> (i32, i32, i32) {
    %c0_i32 = arith.constant 0 : i32
    %c0_i32_0 = arith.constant 0 : i32
    %c0_i32_1 = arith.constant 0 : i32
    return %c0_i32, %arg0, %c0_i32_0 : i32, i32, i32
  }
  func.func @transform_1(%arg0: i32) -> (i32, i32) {
    %c0_i32 = arith.constant 0 : i32
    %c0_i32_0 = arith.constant 0 : i32
    return %arg0, %c0_i32 : i32, i32
  }
  func.func @transform_2(%arg0: i32) -> (i32, i32) {
    %c0_i32 = arith.constant 0 : i32
    %c0_i32_0 = arith.constant 0 : i32
    %c0_i32_1 = arith.constant 0 : i32
    return %c0_i32, %c0_i32_0 : i32, i32
  }
  func.func @transform_3(%arg0: i32) -> (i32, i32) {
    %c0_i32 = arith.constant 0 : i32
    %c0_i32_0 = arith.constant 0 : i32
    %c0_i32_1 = arith.constant 0 : i32
    return %c0_i32, %c0_i32_0 : i32, i32
  }
  func.func @transform_4(%arg0: i32) -> (i32, i32) {
    %c0_i32 = arith.constant 0 : i32
    %c0_i32_0 = arith.constant 0 : i32
    %c0_i32_1 = arith.constant 0 : i32
    return %c0_i32, %c0_i32_0 : i32, i32
  }
  func.func @transform_5(%arg0: i32) -> (i32, i32) {
    %c0_i32 = arith.constant 0 : i32
    %c0_i32_0 = arith.constant 0 : i32
    return %arg0, %c0_i32 : i32, i32
  }
}

</mosaic_0001>

<sc_bundles>
// kernel: kernel.12.cloned.1.call-start
scs
__scs_entry_jumppad:
0x0: {  	(pc) =	sbr.rel $0x88, $3  }
0x1: {  	(tag) =	ssettag $0x0;
	lr =	simm.s32 $0x1  }
0x2: {  	[smem:$0x3F91] =	sst lr;
	_ =	strace $0xD0000000  }
0x3: {  	_ = 	snop  }
0x4: {  	_ = 	snop  }
0x5: {  	_ = 	snop  }
0x6: {  	_ = 	snop  }
0x7: {  	_ = 	snop  }
__scs_overlays_trampoline_lowered:
0x8: {  	[smem:$0x3FA0] =	sst s0  }
0x9: {  	[smem:$0x3FA1] =	sst s1  }
0xa: {  	[smem:$0x3FA2] =	sst s2  }
0xb: {  	[smem:$0x3FA3] =	sst s3  }
0xc: {  	[smem:$0x3FA4] =	sst s4  }
0xd: {  	[smem:$0x3FA5] =	sst s5  }
0xe: {  	[smem:$0x3FA6] =	sst s6  }
0xf: {  	[smem:$0x3FA7] =	sst s7  }
0x10: {  	[smem:$0x3FA8] =	sst s8  }
0x11: {  	[smem:$0x3FA9] =	sst s9;
	s0 =	simm.s32 @!p0 $0x0  }
0x12: {  	s1 =	sld [smem:$0x3F8F];
	s0 =	simm.s32 @p0 $0x1  }
0x13: {  	[smem:$0x3FAA] =	sst s0;
	s0 =	simm.s32 @!p1 $0x0  }
0x14: {  	s2 =	sld [smem:$0x3F8E];
	s0 =	simm.s32 @p1 $0x1  }
0x15: {  	[smem:$0x3FAB] =	sst s0;
	s0 =	simm.s32 @!p2 $0x0  }
0x16: {  	s3 =	sld [smem:$0x3FDB];
	s0 =	simm.s32 @p2 $0x1  }
0x17: {  	s4 =	simm.s32 $0x1BF5;
	[smem:$0x3FAD] =	sst s0  }
0x18: {  	s0 =	sld [smem:$0x3F90];
	_ =	swait.ge [sflag:s4], $0x0  }
0x19: {  	s7 =	sld [smem:$0x3F91]  }
0x1a: {  	s8 =	sadd.s32 $0xFFFFE003, lr  }
0x1b: {  	s9 =	sadd.s32 $0xFFFFFEF7, lr;
	s5 =	simm.s32 $0xFFFFFFFF;
	p2 =	slt.u32 s8, $0xFFFFF086  }
0x1c: {  	p1 =	slt.u32 s9, $0xF7A;
	s5 =	simm.s32 @!p2 $0x0  }
0x1d: {  	s5 =	simm.s32 @p1 $0x1;
	p0 =	seq.s32 s7, s2  }
0x1e: {  	s7 =	smul.u32 @!p0 $0xF7A, s2;
	p2 =	seq.s32 @!p0 s5, $0x0  }
0x1f: {  	s9 =	smul.u32 $0xF7A, s1;
	s8 =	simm.s32 @!p0 $0x1BF5;
	p2 =	por !p2, p0  }
0x20: {  	[sflag:s8] =	ssyncset.s32 @!p0 $0xFFFFF086;
	s6 =	sadd.s32 @!p0 s3, s7;
	s7 =	simm.s32 @!p0 $0x108  }
0x21: {  	s3 =	sadd.s32 s3, s9;
	s6 =	sadd.s32 @!p0 $0x88, s6;
	s7 =	simm.s32 @p2 $0x1082  }
0x22: {  	[simem:s7], [sflag:s8] =	dma.local @!p0 [hbm:s6], $0xF7A  }
0x23: {  	s9 =	sor.u32 $0xD0000000, s2;
	s6 =	simm.s32 $0x108;
	_ =	swait.ge @!p0 [sflag:s8], $0x0  }
0x24: {  	s3 =	sadd.s32 $0x88, s3;
	s6 =	simm.s32 @!p1 $0x1082;
	[sflag:s4] =	ssyncset.s32 $0xFFFFF086  }
0x25: {  	[simem:s6], [sflag:s4] =	dma.local [hbm:s3], $0xF7A  }
0x26: {  	[smem:$0x3F91] =	sst s1;
	(tag) =	ssettag s2;
	_ =	strace s9  }
0x27: {  	s1 =	sld [smem:$0x3FA1]  }
0x28: {  	s2 =	sld [smem:$0x3FA2]  }
0x29: {  	s4 =	sld [smem:$0x3FA4]  }
0x2a: {  	p0 =	seq.s32 s5, $0x0;
	s5 =	sld [smem:$0x3FA5]  }
0x2b: {  	s6 =	sld [smem:$0x3FA6]  }
0x2c: {  	s7 =	sld [smem:$0x3FA7]  }
0x2d: {  	s3 =	simm.s32 $0x108;
	s8 =	sld [smem:$0x3FA8]  }
0x2e: {  	s3 =	simm.s32 @!p0 $0x1082;
	s9 =	sld [smem:$0x3FA9]  }
0x2f: {  	lr =	sadd.s32 s0, s3;
	s0 =	sld [smem:$0x3FA0]  }
0x30: {  	s3 =	sld [smem:$0x3FA3]  }
0x31: {  	[smem:$0x3FAC] =	sst s10  }
0x32: {  	s10 =	sld [smem:$0x3FAA];
	_ =	sdelay $0x3  }
0x33: {  	p0 =	seq.s32 s10, $0x1;
	s10 =	sld [smem:$0x3FAC];
	_ =	sdelay $0x3  }
0x34: {  	[smem:$0x3FAC] =	sst s10  }
0x35: {  	s10 =	sld [smem:$0x3FAB];
	_ =	sdelay $0x3  }
0x36: {  	p1 =	seq.s32 s10, $0x1;
	s10 =	sld [smem:$0x3FAC];
	_ =	sdelay $0x3  }
0x37: {  	[smem:$0x3FAC] =	sst s10  }
0x38: {  	s10 =	sld [smem:$0x3FAD]  }
0x39: {  	_ = 	snop;
	(pc) =	sbr.ind lr, $3  }
0x3a: {  	_ = 	snop  }
0x3b: {  	_ = 	snop  }
0x3c: {  	p2 =	seq.s32 s10, $0x1;
	s10 =	sld [smem:$0x3FAC]  }
0x3d: {  	_ =	shalt  }
0x3e: {  	_ =	shalt  }
0x3f: {  	_ =	shalt  }
0x40: {  	_ =	shalt  }
0x41: {  	_ =	shalt  }
0x42: {  	_ =	shalt  }
0x43: {  	_ =	shalt  }
0x44: {  	_ =	shalt  }
0x45: {  	_ =	shalt  }
0x46: {  	_ =	shalt  }
0x47: {  	_ =	shalt  }
0x48: {  	_ =	shalt  }
0x49: {  	_ =	shalt  }
0x4a: {  	_ =	shalt  }
0x4b: {  	_ =	shalt  }
0x4c: {  	_ =	shalt  }
0x4d: {  	_ =	shalt  }
0x4e: {  	_ =	shalt  }
0x4f: {  	_ =	shalt  }
0x50: {  	_ =	shalt  }
0x51: {  	_ =	shalt  }
0x52: {  	_ =	shalt  }
0x53: {  	_ =	shalt  }
0x54: {  	_ =	shalt  }
0x55: {  	_ =	shalt  }
0x56: {  	_ =	shalt  }
0x57: {  	_ =	shalt  }
0x58: {  	_ =	shalt  }
0x59: {  	_ =	shalt  }
0x5a: {  	_ =	shalt  }
0x5b: {  	_ =	shalt  }
0x5c: {  	_ =	shalt  }
0x5d: {  	_ =	shalt  }
0x5e: {  	_ =	shalt  }
0x5f: {  	_ =	shalt  }
0x60: {  	_ =	shalt  }
0x61: {  	_ =	shalt  }
0x62: {  	_ =	shalt  }
0x63: {  	_ =	shalt  }
0x64: {  	_ =	shalt  }
0x65: {  	_ =	shalt  }
0x66: {  	_ =	shalt  }
0x67: {  	_ =	shalt  }
0x68: {  	_ =	shalt  }
0x69: {  	_ =	shalt  }
0x6a: {  	_ =	shalt  }
0x6b: {  	_ =	shalt  }
0x6c: {  	_ =	shalt  }
0x6d: {  	_ =	shalt  }
0x6e: {  	_ =	shalt  }
0x6f: {  	_ =	shalt  }
0x70: {  	_ =	shalt  }
0x71: {  	_ =	shalt  }
0x72: {  	_ =	shalt  }
0x73: {  	_ =	shalt  }
0x74: {  	_ =	shalt  }
0x75: {  	_ =	shalt  }
0x76: {  	_ =	shalt  }
0x77: {  	_ =	shalt  }
0x78: {  	_ =	shalt  }
0x79: {  	_ =	shalt  }
0x7a: {  	_ =	shalt  }
0x7b: {  	_ =	shalt  }
0x7c: {  	_ =	shalt  }
0x7d: {  	_ =	shalt  }
0x7e: {  	_ =	shalt  }
0x7f: {  	_ =	shalt  }
0x80: {  	_ =	shalt  }
0x81: {  	_ =	shalt  }
0x82: {  	_ =	shalt  }
0x83: {  	_ =	shalt  }
0x84: {  	_ =	shalt  }
0x85: {  	_ =	shalt  }
0x86: {  	_ =	shalt  }
0x87: {  	_ =	shalt  }
.Lfunc_end0:
.L_simem_size_0:
called_computation.1_lowered:
.L_overlay_start_0:
0x88: {  	s2 =	sld [smem:$0x3FD9]  }
0x89: {  	s3 =	sld [smem:$0x3FFE];
	_ =	sdelay $0x1  }
0x8a: {  	s1 =	srdreg.scid  }
0x8b: {  	s0 =	sand.u32 $0x1, s1  }
0x8c: {  	s17 =	sshll.u32 s0, $0xA;
	s2 =	sadd.s32 s3, s2  }
0x8d: {  	s2 =	sadd.s32 s2, s17  }
0x8e: {  	[smem:$0x3FB8] =	sst s2  }
0x8f: {  	_ = 	snop  }
0x90: {  	s2 =	sld [smem:$0x3FD0];
	(tm) =	ssettm $0x1  }
0x91: {  	s18 =	sld [smem:$0x3FFB];
	_ =	sdelay $0x3  }
0x92: {  	_ =	strace s18  }
0x93: {  	s3 =	sld [smem:$0x3FFC];
	_ =	sdelay $0x3  }
0x94: {  	_ =	strace s3  }
0x95: {  	s3 =	sld [smem:$0x3FFD];
	_ =	sdelay $0x3  }
0x96: {  	_ =	strace s3  }
0x97: {  	_ =	strace $0x8FFFFFFF  }
0x98: {  	s19 =	sld [smem:$0x3FDB];
	_ =	sdelay $0x1  }
0x99: {  	s4 =	simm.s32 $_scs_section_size  }
0x9a: {  	s5 =	simm.s32 $_size__tile_overlayer_lowered;
	s6 =	simm.s32 $_tile_overlayer_lowered  }
0x9b: {  	s22 =	simm.s32 $0x1BFF;
	s21 =	sshll.u32 s6, $0x1;
	s3 =	sadd.s32 s4, s19  }
0x9c: {  	s7 =	simm.s32 $0x0;
	s20 =	sshll.u32 s5, $0x1;
	s5 =	sadd.s32 s21, s3  }
0x9d: {  	[timem:s7], [sflag:s22] =	dma.local [hbm:s5], s20  }
0x9e: {  	_ =	swait.ge [sflag:s22], s20  }
0x9f: {  	s4 =	ssub.s32 $0x0, s20;
	[sflag:s22] =	ssyncset.done $0x0  }
0xa0: {  	[sflag:s22] =	ssyncadd.s32 s4;
	_ =	sdelay $0x1  }
0xa1: {  	s23 =	simm.s32 $0x1B8B  }
0xa2: {  	_ =	swait.ge [sflag:s23], $0x1  }
0xa3: {  	[sflag:s23] =	ssyncset.done $0x0  }
0xa4: {  	s25 =	simm.s32 $0x1B8E;
	s24 =	sld [smem:$0x3FFE];
	[sflag:s23] =	ssyncadd.s32 $0xFFFFFFFF  }
0xa5: {  	s26 =	simm.s32 $execute0_lowered;
	[smem:$0x3FD2] =	sst s25  }
0xa6: {  	s5 =	sshll.u32 s26, $0x1;
	_ =	strace $0x80000049;
	[dreg:$0x1] =	wrdreg $0xFFFFFFFF  }
0xa7: {  	s28 =	simm.s32 $_size_execute0_lowered;
	s3 =	sadd.s32 s3, s5;
	[dreg:$0x0] =	wrdreg $0x0  }
0xa8: {  	s5 =	sshll.u32 s28, $0x1;
	[dreg:$0x2] =	wrdreg s3  }
0xa9: {  	[dreg:$0x3] =	wrdreg s5  }
0xaa: {  	[dreg:$0x4] =	wrdreg $0xC0  }
0xab: {  	_ =	task [dreg:s7], $0x5FFFF  }
0xac: {  	[dreg:$0x1] =	wrdreg $0xFFFFFFFF  }
0xad: {  	[dreg:$0x0] =	wrdreg $0x60  }
0xae: {  	[dreg:$0x2] =	wrdreg s24  }
0xaf: {  	[dreg:$0x3] =	wrdreg s2  }
0xb0: {  	[dreg:$0x4] =	wrdreg $0xC0000  }
0xb1: {  	[dreg:$0x5] =	wrdreg $0x9  }
0xb2: {  	_ =	task.clear_ibuf [dreg:s7], $0x6FFFF;
	_ =	strace $0x90000049  }
0xb3: {  	s29 =	simm.s32 $0x9;
	_ =	strace $0x8000004B  }
0xb4: {  	_ =	swait.ge [sflag:s29], $0x1  }
0xb5: {  	[sflag:s29] =	ssyncadd.s32 $0xFFFFFFFF  }
0xb6: {  	_ =	strace $0x9000004B  }
0xb7: {  	_ =	sfence  }
0xb8: {  	s30 =	sld [smem:$0x0];
	_ =	sdelay $0x2  }
0xb9: {  	s31 =	sshll.u32 s1, $0xD;
	s1 =	sshrl.u32 s1, $0x2  }
0xba: {  	s3 =	sand.u32 $0x4000, s31;
	s1 =	sadd.s32 s1, s30  }
0xbb: {  	s0 =	sor.u32 s3, s0;
	s1 =	sshll.u32 s1, $0x11  }
0xbc: {  	s0 =	sor.u32 s1, s0  }
0xbd: {  	s0 =	sadd.s32 $0x8F2B, s0  }
0xbe: {  	[sflag:s0] =	ssyncadd.remote.s32 $0x1  }
0xbf: {  	_ =	sfence.sel $0xFFFF  }
0xc0: {  	[dreg:$0x0] =	wrdreg $0xFFFFFFFF;
	(pc) =	sbr.abs _section_cstart, $3  }
0xc1: {  	[dreg:$0x1] =	wrdreg $0xFFFFFFFF  }
0xc2: {  	_ =	task.clear_ibuf [dreg:s7], $0x2FFFF;
	_ =	strace $0x9FFFFFFF  }
0xc3: {  	(tm) =	ssettm $0x7FFFFFFF  }
tec
execute0_lowered:
.L_overlay_start_1:
0x0: {  	(tag) =	ssettag $0x1  }
0x1: {  	s0 =	rddreg [dreg:$0x0]  }
0x2: {  	s1 =	rddreg [dreg:$0x1]  }
0x3: {  	s2 =	rddreg [dreg:$0x2];
	s4 =	simm.s32 $0x0  }
0x4: {  	s3 =	srdreg.scid;
	s13 =	stileid.u32;
	s18 =	simm.s32 $0x2000  }
0x5: {  	s28 =	simm.s32 $0x9800;
	s29 =	simm.s32 $0x1;
	s30 =	simm.s32 $0x2  }
0x6: {  	s31 =	simm.s32 $0x3;
	[smem:$0x7FF] =	sst s4;
	s3 =	sand.u32 $0x1, s3  }
0x7: {  	s8 =	smul.u32 $0x14000, s13;
	s5 =	sadd.s32 $0x64800, s0;
	s6 =	sadd.s32 $0x34800, s0  }
0x8: {  	s10 =	sadd.s32 $0x44800, s0;
	s11 =	sadd.s32 $0x54800, s0;
	s12 =	smul.u32 $0x50000, s13  }
0x9: {  	s7 =	smul.u32 $0x140000, s3;
	_ =	strace $0x8000004A;
	s15 =	ssub.s32 $0x2, s3  }
0xa: {  	p0 =	seq.s32 s3, $0x1;
	s16 =	smul.u32 $0x2800, s3;
	s3 =	simm.s32 $0x1E00  }
0xb: {  	s9 =	sshrl.u32 s15, $0x1;
	s19 =	sshrl.u32 s12, $0x2;
	s1 =	smov.u32 @p0 s10  }
0xc: {  	s6 =	smov.u32 @p0 s11;
	s7 =	sadd.s32 s8, s7;
	s8 =	ssub.s32 s15, s9  }
0xd: {  	s10 =	simm.s32 $0x1F00;
	s9 =	sadd.s32 s19, s2;
	s20 =	smax.u32 s8, $0x1  }
0xe: {  	s11 =	simm.s32 $0x1F80;
	s21 =	sadd.s32 $0x2800, s9;
	[dreg:$0x5] =	wrdreg s20  }
0xf: {  	s19 =	simm.s32 $0x5;
	s22 =	sadd.s32 $0x5000, s9;
	[dreg:$0x6] =	wrdreg s21  }
0x10: {  	s7 =	sshrl.u32 s7, $0x3;
	s23 =	sadd.s32 $0x7800, s9;
	[dreg:$0x7] =	wrdreg s22  }
0x11: {  	s24 =	sadd.s32 $0xA000, s9;
	s25 =	sadd.s32 $0xC800, s9;
	[dreg:$0x8] =	wrdreg s23  }
0x12: {  	s26 =	sadd.s32 $0xF000, s9;
	s17 =	sadd.s32 $0x11800, s9;
	[dreg:$0x9] =	wrdreg s24  }
0x13: {  	s8 =	simm.s32 $0x1E80;
	s0 =	sadd.s32 s7, s0;
	[dreg:$0xa] =	wrdreg s25  }
0x14: {  	s7 =	sshll.u32 s13, $0xC;
	[dreg:$0xb] =	wrdreg s26;
	s20 =	simm.s32 $0x1000  }
0x15: {  	s21 =	simm.s32 $0x50;
	s22 =	simm.s32 $0x80;
	s23 =	simm.s32 $0x4800  }
0x16: {  	s24 =	simm.s32 $0x100;
	s25 =	simm.s32 $0x7000;
	s0 =	sadd.s32 $0xB4800, s0  }
0x17: {  	v1 =	vimm.f32 $0.0e+00;
	v0 =	vmov s16;
	s26 =	simm.s32 $0x180;
	[dreg:$0x4] =	wrdreg s0;
	s0 =	simm.s32 $0x4  }
.LBB2_1:
0x18: {  	s12 =	simm.s32 $0x70;
	s13 =	simm.s32 $0x3C0  }
.LBB2_2:
0x19: {  	p0 =	sne.s32 s13, $0x9FC0;
	[tilespmem:s12+$0x2000] =	vst v1  }
0x1a: {  	[tilespmem:s12+$0x1F90] =	vst v1  }
0x1b: {  	[tilespmem:s12+$0x1FA0] =	vst v1  }
.Ltmp0:
0x1c: {  	[tilespmem:s12+$0x1FB0] =	vst v1;
	(pc) =	sbr.rel @p0 .LBB2_2-.Ltmp0, $4  }
0x1d: {  	[tilespmem:s12+$0x1FC0] =	vst v1  }
0x1e: {  	[tilespmem:s12+$0x1FD0] =	vst v1  }
0x1f: {  	[tilespmem:s12+$0x1FE0] =	vst v1  }
0x20: {  	[tilespmem:s12+$0x1FF0] =	vst v1;
	s12 =	sshra.s32 s13, $0x2;
	s13 =	sadd.s32 $0x200, s13  }
0x21: {  	[tilespmem:s12+$0x2000] =	vst v1  }
0x22: {  	[tilespmem:s12+$0x1F90] =	vst v1  }
0x23: {  	[tilespmem:s12+$0x1FA0] =	vst v1  }
0x24: {  	[tilespmem:s12+$0x1FB0] =	vst v1  }
0x25: {  	[tilespmem:s12+$0x1FC0] =	vst v1  }
0x26: {  	[tilespmem:s12+$0x1FD0] =	vst v1  }
0x27: {  	[tilespmem:s12+$0x1FE0] =	vst v1  }
0x28: {  	[tilespmem:s12+$0x1FF0] =	vst v1  }
0x29: {  	[spmem:s9] =	stream.linear.scatter [tilespmem:s18], [sflag:$0x5], $0x2800, $0x38;
	v63 =	vld [tilespmem:$0x0]  }
0x2a: {  	_ =	swait.ge [sflag:s19], $0x2800  }
0x2b: {  	[sflag:s19] =	ssyncset.done $0x0  }
0x2c: {  	s15 =	rddreg [dreg:$0x6];
	[sflag:s19] =	ssyncadd.s32 $0xFFFFD800  }
0x2d: {  	[spmem:s15] =	stream.linear.scatter [tilespmem:s18], [sflag:$0x5], $0x2800, $0x38;
	v63 =	vld [tilespmem:$0x0]  }
0x2e: {  	_ =	swait.ge [sflag:s19], $0x2800  }
0x2f: {  	[sflag:s19] =	ssyncset.done $0x0  }
0x30: {  	s16 =	rddreg [dreg:$0x7];
	[sflag:s19] =	ssyncadd.s32 $0xFFFFD800  }
0x31: {  	[spmem:s16] =	stream.linear.scatter [tilespmem:s18], [sflag:$0x5], $0x2800, $0x38;
	v63 =	vld [tilespmem:$0x0]  }
0x32: {  	_ =	swait.ge [sflag:s19], $0x2800  }
0x33: {  	[sflag:s19] =	ssyncset.done $0x0  }
0x34: {  	s13 =	rddreg [dreg:$0x8];
	[sflag:s19] =	ssyncadd.s32 $0xFFFFD800  }
0x35: {  	[spmem:s13] =	stream.linear.scatter [tilespmem:s18], [sflag:$0x5], $0x2800, $0x38;
	v63 =	vld [tilespmem:$0x0]  }
0x36: {  	_ =	swait.ge [sflag:s19], $0x2800  }
0x37: {  	[sflag:s19] =	ssyncset.done $0x0  }
0x38: {  	s14 =	rddreg [dreg:$0x9];
	[sflag:s19] =	ssyncadd.s32 $0xFFFFD800  }
0x39: {  	[spmem:s14] =	stream.linear.scatter [tilespmem:s18], [sflag:$0x5], $0x2800, $0x38;
	v63 =	vld [tilespmem:$0x0]  }
0x3a: {  	_ =	swait.ge [sflag:s19], $0x2800  }
0x3b: {  	[sflag:s19] =	ssyncset.done $0x0  }
0x3c: {  	s15 =	rddreg [dreg:$0xa];
	[sflag:s19] =	ssyncadd.s32 $0xFFFFD800  }
0x3d: {  	[spmem:s15] =	stream.linear.scatter [tilespmem:s18], [sflag:$0x5], $0x2800, $0x38;
	v63 =	vld [tilespmem:$0x0]  }
0x3e: {  	_ =	swait.ge [sflag:s19], $0x2800  }
0x3f: {  	[sflag:s19] =	ssyncset.done $0x0  }
0x40: {  	s16 =	rddreg [dreg:$0xb];
	[sflag:s19] =	ssyncadd.s32 $0xFFFFD800  }
0x41: {  	[spmem:s16] =	stream.linear.scatter [tilespmem:s18], [sflag:$0x5], $0x2800, $0x38;
	v63 =	vld [tilespmem:$0x0]  }
0x42: {  	_ =	swait.ge [sflag:s19], $0x2800  }
0x43: {  	[sflag:s19] =	ssyncset.done $0x0  }
0x44: {  	[sflag:s19] =	ssyncadd.s32 $0xFFFFD800  }
0x45: {  	[spmem:s17] =	stream.linear.scatter [tilespmem:s18], [sflag:$0x5], $0x2800, $0x38;
	v63 =	vld [tilespmem:$0x0]  }
0x46: {  	_ =	swait.ge [sflag:s19], $0x2800  }
0x47: {  	[sflag:s19] =	ssyncset.done $0x0  }
0x48: {  	[sflag:s19] =	ssyncadd.s32 $0xFFFFD800  }
0x49: {  	s12 =	simm.s32 $0x0;
	s13 =	simm.s32 $0x0;
	[bflag:$0x0] =	sbarrier.arrive $0xFFFF  }
.LBB2_4:
0x4a: {  	s14 =	sshll.u32 s13, $0x9  }
0x4b: {  	s14 =	sadd.s32 s7, s14  }
0x4c: {  	s15 =	sadd.s32 s1, s14  }
0x4d: {  	[tilespmem:s12], [sflag:$0x5] =	stream.linear.gather [hbm4b:s15+s12], $0x1000, $0x38;
	v63 =	vld [tilespmem:$0x0]  }
0x4e: {  	_ =	swait.ge [sflag:s19], $0x1000  }
0x4f: {  	[sflag:s19] =	ssyncset.done $0x0  }
0x50: {  	s14 =	sadd.s32 s6, s14;
	[sflag:s19] =	ssyncadd.s32 $0xFFFFF000  }
0x51: {  	[tilespmem:s20], [sflag:$0x5] =	stream.linear.gather [hbm4b:s14+s12], $0x1000, $0x38;
	v63 =	vld [tilespmem:$0x0]  }
0x52: {  	_ =	swait.ge [sflag:s19], $0x1000  }
0x53: {  	[sflag:s19] =	ssyncset.done $0x0  }
0x54: {  	s14 =	simm.s32 $0x0;
	[sflag:s19] =	ssyncadd.s32 $0xFFFFF000  }
0x55: {  	v5 =	vld [tilespmem:s14+$0x0]  }
0x56: {  	v4 =	vld [tilespmem:s14+$0x10]  }
0x57: {  	v3 =	vld [tilespmem:s14+$0x20]  }
0x58: {  	s15 =	simm.s32 $0x200;
	v2 =	vld [tilespmem:s14+$0x30]  }
.LBB2_5:
0x59: {  	p0 =	sne.s32 s15, $0x3E00;
	v6 =	vld [tilespmem:s14+$0x40]  }
0x5a: {  	v5 =	vadd.s32 v0, v5  }
.Ltmp1:
0x5b: {  	s16 =	sshra.s32 s15, $0x2;
	[tilespmem:s14+$0x0] =	vst v5;
	v4 =	vadd.s32 v0, v4;
	(pc) =	sbr.rel @p0 .LBB2_5-.Ltmp1, $4  }
0x5c: {  	v5 =	vld [tilespmem:s16+$0x0];
	[tilespmem:s14+$0x10] =	vst v4;
	v3 =	vadd.s32 v0, v3  }
0x5d: {  	v4 =	vld [tilespmem:s16+$0x10];
	[tilespmem:s14+$0x20] =	vst v3;
	v2 =	vadd.s32 v0, v2  }
0x5e: {  	v3 =	vld [tilespmem:s16+$0x20];
	[tilespmem:s14+$0x30] =	vst v2;
	v6 =	vadd.s32 v0, v6  }
0x5f: {  	s15 =	sadd.s32 $0x200, s15;
	v2 =	vld [tilespmem:s16+$0x30];
	[tilespmem:s14+$0x40] =	vst v6;
	s14 =	smov.u32 s16  }
0x60: {  	v6 =	vld [tilespmem:s14+$0x40]  }
0x61: {  	v5 =	vadd.s32 v0, v5  }
0x62: {  	[tilespmem:s14+$0x0] =	vst v5;
	v4 =	vadd.s32 v0, v4  }
0x63: {  	[tilespmem:s14+$0x10] =	vst v4;
	v3 =	vadd.s32 v0, v3  }
0x64: {  	[tilespmem:s14+$0x20] =	vst v3;
	v2 =	vadd.s32 v0, v2  }
0x65: {  	[tilespmem:s14+$0x30] =	vst v2;
	v2 =	vadd.s32 v0, v6  }
0x66: {  	s15 =	simm.s32 $0x0;
	[tilespmem:s14+$0x40] =	vst v2  }
0x67: {  	[tilespmem:s18], [sflag:$0x1] =	stream.indirect.gather [hbm4b:s5+s21], $0x80, s15, s21, $0xb8;
	v63 =	vld [tilespmem:$0x0]  }
0x68: {  	_ = 	snop  }
0x69: {  	[tilespmem:s23], [sflag:$0x2] =	stream.indirect.gather [hbm4b:s5+s21], $0x80, s22, s21, $0xb8;
	v63 =	vld [tilespmem:$0x0]  }
0x6a: {  	_ = 	snop  }
0x6b: {  	[tilespmem:s25], [sflag:$0x3] =	stream.indirect.gather [hbm4b:s5+s21], $0x80, s24, s21, $0xb8;
	v63 =	vld [tilespmem:$0x0]  }
0x6c: {  	_ = 	snop  }
0x6d: {  	[tilespmem:s28], [sflag:$0x4] =	stream.indirect.gather [hbm4b:s5+s21], $0x80, s26, s21, $0xb8;
	v63 =	vld [tilespmem:$0x0]  }
0x6e: {  	_ =	swait.ge [sflag:s29], $0x2800  }
0x6f: {  	[sflag:s29] =	ssyncset.done $0x0  }
0x70: {  	s16 =	simm.s32 $0x1000;
	[sflag:s29] =	ssyncadd.s32 $0xFFFFD800  }
0x71: {  	[spmem:s2] =	stream.indirect.scatter.add.f32 [tilespmem:s18], [sflag:$0x5], $0x80, s16, s21, $0xb8;
	v63 =	vld [tilespmem:$0x0]  }
0x72: {  	_ =	swait.ge [sflag:s19], $0x2800  }
0x73: {  	[sflag:s19] =	ssyncset.done $0x0  }
0x74: {  	s15 =	simm.s32 $0x200;
	[sflag:s19] =	ssyncadd.s32 $0xFFFFD800  }
0x75: {  	[tilespmem:s18], [sflag:$0x1] =	stream.indirect.gather [hbm4b:s5+s21], $0x80, s15, s21, $0xb8;
	v63 =	vld [tilespmem:$0x0]  }
0x76: {  	_ =	swait.ge [sflag:s30], $0x2800  }
0x77: {  	[sflag:s30] =	ssyncset.done $0x0  }
0x78: {  	s16 =	simm.s32 $0x1080;
	[sflag:s30] =	ssyncadd.s32 $0xFFFFD800  }
0x79: {  	[spmem:s2] =	stream.indirect.scatter.add.f32 [tilespmem:s23], [sflag:$0x5], $0x80, s16, s21, $0xb8;
	v63 =	vld [tilespmem:$0x0]  }
0x7a: {  	_ =	swait.ge [sflag:s19], $0x2800  }
0x7b: {  	[sflag:s19] =	ssyncset.done $0x0  }
0x7c: {  	s15 =	simm.s32 $0x280;
	[sflag:s19] =	ssyncadd.s32 $0xFFFFD800  }
0x7d: {  	[tilespmem:s23], [sflag:$0x2] =	stream.indirect.gather [hbm4b:s5+s21], $0x80, s15, s21, $0xb8;
	v63 =	vld [tilespmem:$0x0]  }
0x7e: {  	_ =	swait.ge [sflag:s31], $0x2800  }
0x7f: {  	[sflag:s31] =	ssyncset.done $0x0  }
0x80: {  	s16 =	simm.s32 $0x1100;
	[sflag:s31] =	ssyncadd.s32 $0xFFFFD800  }
0x81: {  	[spmem:s2] =	stream.indirect.scatter.add.f32 [tilespmem:s25], [sflag:$0x5], $0x80, s16, s21, $0xb8;
	v63 =	vld [tilespmem:$0x0]  }
0x82: {  	_ =	swait.ge [sflag:s19], $0x2800  }
0x83: {  	[sflag:s19] =	ssyncset.done $0x0  }
0x84: {  	s15 =	simm.s32 $0x300;
	[sflag:s19] =	ssyncadd.s32 $0xFFFFD800  }
0x85: {  	[tilespmem:s25], [sflag:$0x3] =	stream.indirect.gather [hbm4b:s5+s21], $0x80, s15, s21, $0xb8;
	v63 =	vld [tilespmem:$0x0]  }
0x86: {  	_ =	swait.ge [sflag:s0], $0x2800  }
0x87: {  	[sflag:s0] =	ssyncset.done $0x0  }
0x88: {  	s16 =	simm.s32 $0x1180;
	[sflag:s0] =	ssyncadd.s32 $0xFFFFD800  }
0x89: {  	[spmem:s2] =	stream.indirect.scatter.add.f32 [tilespmem:s28], [sflag:$0x5], $0x80, s16, s21, $0xb8;
	v63 =	vld [tilespmem:$0x0]  }
0x8a: {  	_ =	swait.ge [sflag:s19], $0x2800  }
0x8b: {  	[sflag:s19] =	ssyncset.done $0x0  }
0x8c: {  	s14 =	simm.s32 $0x800;
	s15 =	simm.s32 $0x380;
	[sflag:s19] =	ssyncadd.s32 $0xFFFFD800  }
.LBB2_7:
0x8d: {  	[tilespmem:s28], [sflag:$0x4] =	stream.indirect.gather [hbm4b:s5+s21], $0x80, s15, s21, $0xb8;
	v63 =	vld [tilespmem:$0x0]  }
0x8e: {  	s15 =	smov.u32 s14  }
0x8f: {  	p0 =	sne.s32 s14, $0x3000;
	s14 =	sadd.s32 $0x800, s14;
	_ =	swait.ge [sflag:s29], $0x2800  }
0x90: {  	s15 =	sshra.s32 s15, $0x2;
	[sflag:s29] =	ssyncset.done $0x0  }
0x91: {  	s16 =	sadd.s32 $0x1000, s15;
	[sflag:s29] =	ssyncadd.s32 $0xFFFFD800  }
0x92: {  	[spmem:s2] =	stream.indirect.scatter.add.f32 [tilespmem:s18], [sflag:$0x5], $0x80, s16, s21, $0xb8;
	v63 =	vld [tilespmem:$0x0]  }
0x93: {  	_ =	swait.ge [sflag:s19], $0x2800  }
0x94: {  	[sflag:s19] =	ssyncset.done $0x0  }
0x95: {  	s16 =	sadd.s32 $0x200, s15;
	[sflag:s19] =	ssyncadd.s32 $0xFFFFD800  }
0x96: {  	[tilespmem:s18], [sflag:$0x1] =	stream.indirect.gather [hbm4b:s5+s21], $0x80, s16, s21, $0xb8;
	v63 =	vld [tilespmem:$0x0]  }
0x97: {  	_ =	swait.ge [sflag:s30], $0x2800  }
0x98: {  	[sflag:s30] =	ssyncset.done $0x0  }
0x99: {  	s16 =	sadd.s32 $0x1080, s15;
	[sflag:s30] =	ssyncadd.s32 $0xFFFFD800  }
0x9a: {  	[spmem:s2] =	stream.indirect.scatter.add.f32 [tilespmem:s23], [sflag:$0x5], $0x80, s16, s21, $0xb8;
	v63 =	vld [tilespmem:$0x0]  }
0x9b: {  	_ =	swait.ge [sflag:s19], $0x2800  }
0x9c: {  	[sflag:s19] =	ssyncset.done $0x0  }
0x9d: {  	s16 =	sadd.s32 $0x280, s15;
	[sflag:s19] =	ssyncadd.s32 $0xFFFFD800  }
0x9e: {  	[tilespmem:s23], [sflag:$0x2] =	stream.indirect.gather [hbm4b:s5+s21], $0x80, s16, s21, $0xb8;
	v63 =	vld [tilespmem:$0x0]  }
0x9f: {  	_ =	swait.ge [sflag:s31], $0x2800  }
0xa0: {  	[sflag:s31] =	ssyncset.done $0x0  }
0xa1: {  	s16 =	sadd.s32 $0x1100, s15;
	[sflag:s31] =	ssyncadd.s32 $0xFFFFD800  }
0xa2: {  	[spmem:s2] =	stream.indirect.scatter.add.f32 [tilespmem:s25], [sflag:$0x5], $0x80, s16, s21, $0xb8;
	v63 =	vld [tilespmem:$0x0]  }
0xa3: {  	_ =	swait.ge [sflag:s19], $0x2800  }
0xa4: {  	[sflag:s19] =	ssyncset.done $0x0  }
0xa5: {  	s16 =	sadd.s32 $0x300, s15;
	[sflag:s19] =	ssyncadd.s32 $0xFFFFD800  }
0xa6: {  	[tilespmem:s25], [sflag:$0x3] =	stream.indirect.gather [hbm4b:s5+s21], $0x80, s16, s21, $0xb8;
	v63 =	vld [tilespmem:$0x0]  }
0xa7: {  	_ =	swait.ge [sflag:s0], $0x2800  }
0xa8: {  	[sflag:s0] =	ssyncset.done $0x0  }
.Ltmp2:
0xa9: {  	s16 =	sadd.s32 $0x1180, s15;
	[sflag:s0] =	ssyncadd.s32 $0xFFFFD800;
	(pc) =	sbr.rel @p0 .LBB2_7-.Ltmp2, $4  }
0xaa: {  	[spmem:s2] =	stream.indirect.scatter.add.f32 [tilespmem:s28], [sflag:$0x5], $0x80, s16, s21, $0xb8;
	v63 =	vld [tilespmem:$0x0]  }
0xab: {  	_ =	swait.ge [sflag:s19], $0x2800  }
0xac: {  	[sflag:s19] =	ssyncset.done $0x0  }
0xad: {  	s15 =	sadd.s32 $0x380, s15;
	[sflag:s19] =	ssyncadd.s32 $0xFFFFD800  }
0xae: {  	[tilespmem:s28], [sflag:$0x4] =	stream.indirect.gather [hbm4b:s5+s21], $0x80, s15, s21, $0xb8;
	v63 =	vld [tilespmem:$0x0]  }
0xaf: {  	_ =	swait.ge [sflag:s29], $0x2800  }
0xb0: {  	[sflag:s29] =	ssyncset.done $0x0  }
0xb1: {  	[sflag:s29] =	ssyncadd.s32 $0xFFFFD800  }
0xb2: {  	[spmem:s2] =	stream.indirect.scatter.add.f32 [tilespmem:s18], [sflag:$0x5], $0x80, s3, s21, $0xb8;
	v63 =	vld [tilespmem:$0x0]  }
0xb3: {  	_ =	swait.ge [sflag:s19], $0x2800  }
0xb4: {  	[sflag:s19] =	ssyncset.done $0x0  }
0xb5: {  	[sflag:s19] =	ssyncadd.s32 $0xFFFFD800  }
0xb6: {  	_ =	swait.ge [sflag:s30], $0x2800  }
0xb7: {  	[sflag:s30] =	ssyncset.done $0x0  }
0xb8: {  	[sflag:s30] =	ssyncadd.s32 $0xFFFFD800  }
0xb9: {  	[spmem:s2] =	stream.indirect.scatter.add.f32 [tilespmem:s23], [sflag:$0x5], $0x80, s8, s21, $0xb8;
	v63 =	vld [tilespmem:$0x0]  }
0xba: {  	_ =	swait.ge [sflag:s19], $0x2800  }
0xbb: {  	[sflag:s19] =	ssyncset.done $0x0  }
0xbc: {  	[sflag:s19] =	ssyncadd.s32 $0xFFFFD800  }
0xbd: {  	_ =	swait.ge [sflag:s31], $0x2800  }
0xbe: {  	[sflag:s31] =	ssyncset.done $0x0  }
0xbf: {  	[sflag:s31] =	ssyncadd.s32 $0xFFFFD800  }
0xc0: {  	[spmem:s2] =	stream.indirect.scatter.add.f32 [tilespmem:s25], [sflag:$0x5], $0x80, s10, s21, $0xb8;
	v63 =	vld [tilespmem:$0x0]  }
0xc1: {  	_ =	swait.ge [sflag:s19], $0x2800  }
0xc2: {  	[sflag:s19] =	ssyncset.done $0x0  }
0xc3: {  	[sflag:s19] =	ssyncadd.s32 $0xFFFFD800  }
0xc4: {  	s13 =	sadd.s32 $0x1, s13;
	_ =	swait.ge [sflag:s0], $0x2800  }
0xc5: {  	p0 =	sne.s32 s13, $0x8;
	[sflag:s0] =	ssyncset.done $0x0  }
.Ltmp3:
0xc6: {  	[sflag:s0] =	ssyncadd.s32 $0xFFFFD800;
	(pc) =	sbr.rel @p0 .LBB2_4-.Ltmp3, $4  }
0xc7: {  	[spmem:s2] =	stream.indirect.scatter.add.f32 [tilespmem:s28], [sflag:$0x5], $0x80, s11, s21, $0xb8;
	v63 =	vld [tilespmem:$0x0]  }
0xc8: {  	_ =	swait.ge [sflag:s19], $0x2800  }
0xc9: {  	[sflag:s19] =	ssyncset.done $0x0  }
0xca: {  	[sflag:s19] =	ssyncadd.s32 $0xFFFFD800  }
0xcb: {  	s12 =	stileid.u32  }
0xcc: {  	[bflag:$0x0] =	sbarrier.arrive $0xFFFF;
	s12 =	sshll.u32 s12, $0x6  }
0xcd: {  	s13 =	sshrl.u32 s9, $0x3;
	s14 =	rddreg [dreg:$0x4];
	s12 =	sor.u32 $0x1C05, s12  }
0xce: {  	[hbm:s14], [sflag:s12] =	dma.local [spmem:s13], $0x2800  }
0xcf: {  	_ =	swait.ge [sflag:s19], $0x2800  }
0xd0: {  	s4 =	sadd.s32 $0x1, s4;
	s16 =	rddreg [dreg:$0x5]  }
0xd1: {  	p0 =	sne.s32 s4, s16  }
.Ltmp4:
0xd2: {  	_ = 	snop;
	(pc) =	sbr.rel @p0 .LBB2_1-.Ltmp4, $3  }
0xd3: {  	_ =	sdelay $0x1  }
0xd4: {  	[sflag:s19] =	ssyncset.done $0x0  }
0xd5: {  	[sflag:s19] =	ssyncadd.s32 $0xFFFFD800  }
0xd6: {  	_ =	sfence.sel $0x180000  }
0xd7: {  	[bflag:$0x0] =	sbarrier.arrive $0xFFFF  }
0xd8: {  	_ =	strace $0x9000004A  }
0xd9: {  	s0 =	stileid.u32;
	[bflag:$0x2] =	sbarrier.arrive $0xFFFF  }
0xda: {  	p0 =	sne.s32 s0, $0x0;
	s0 =	rddreg [dreg:$0x3]  }
0xdb: {  	s0 =	sadd.s32 @!p0 $0x100000, s0  }
0xdc: {  	[sflag:s0] =	ssyncadd.tile.s32 @!p0 $0x1;
	_ =	shalt  }
.Lfunc_end2:
_tile_overlayer_lowered:
.L_overlay_start_2:
0xdd: {  	(tag) =	ssettag $0x2  }
0xde: {  	s0 =	rddreg [dreg:$0x0];
	s2 =	stileid.u32  }
0xdf: {  	s1 =	rddreg [dreg:$0x1];
	p0 =	sne.s32 s2, $0x0  }
0xe0: {  	s3 =	rddreg [dreg:$0x2];
	[bflag:$0x3] =	sbarrier.arrive $0xFFFF;
	s2 =	simm.s32 @!p0 $0x1C05  }
0xe1: {  	[timem:s3], [sflag:s2] =	dma.local @!p0 [hbm:s0], s1  }
0xe2: {  	s0 =	simm.s32 @!p0 $0x5  }
0xe3: {  	_ =	swait.ge @!p0 [sflag:s0], s1  }
0xe4: {  	s1 =	ssub.s32 @!p0 $0x0, s1;
	[sflag:s0] =	ssyncset.done @!p0 $0x0  }
0xe5: {  	[sflag:s0] =	ssyncadd.s32 @!p0 s1  }
0xe6: {  	[bflag:$0x3] =	sbarrier.arrive $0xFFFF  }
0xe7: {  	_ =	shalt  }

// kernel: kernel.15.cloned.1.call-start
scs
__scs_entry_jumppad:
0x0: {  	(pc) =	sbr.rel $0x88, $3  }
0x1: {  	(tag) =	ssettag $0x0;
	lr =	simm.s32 $0x1  }
0x2: {  	[smem:$0x3F91] =	sst lr;
	_ =	strace $0xD0000000  }
0x3: {  	_ = 	snop  }
0x4: {  	_ = 	snop  }
0x5: {  	_ = 	snop  }
0x6: {  	_ = 	snop  }
0x7: {  	_ = 	snop  }
__scs_overlays_trampoline_lowered:
0x8: {  	[smem:$0x3FA0] =	sst s0  }
0x9: {  	[smem:$0x3FA1] =	sst s1  }
0xa: {  	[smem:$0x3FA2] =	sst s2  }
0xb: {  	[smem:$0x3FA3] =	sst s3  }
0xc: {  	[smem:$0x3FA4] =	sst s4  }
0xd: {  	[smem:$0x3FA5] =	sst s5  }
0xe: {  	[smem:$0x3FA6] =	sst s6  }
0xf: {  	[smem:$0x3FA7] =	sst s7  }
0x10: {  	[smem:$0x3FA8] =	sst s8  }
0x11: {  	[smem:$0x3FA9] =	sst s9;
	s0 =	simm.s32 @!p0 $0x0  }
0x12: {  	s1 =	sld [smem:$0x3F8F];
	s0 =	simm.s32 @p0 $0x1  }
0x13: {  	[smem:$0x3FAA] =	sst s0;
	s0 =	simm.s32 @!p1 $0x0  }
0x14: {  	s2 =	sld [smem:$0x3F8E];
	s0 =	simm.s32 @p1 $0x1  }
0x15: {  	[smem:$0x3FAB] =	sst s0;
	s0 =	simm.s32 @!p2 $0x0  }
0x16: {  	s3 =	sld [smem:$0x3FDB];
	s0 =	simm.s32 @p2 $0x1  }
0x17: {  	s4 =	simm.s32 $0x1BF5;
	[smem:$0x3FAD] =	sst s0  }
0x18: {  	s0 =	sld [smem:$0x3F90];
	_ =	swait.ge [sflag:s4], $0x0  }
0x19: {  	s7 =	sld [smem:$0x3F91]  }
0x1a: {  	s8 =	sadd.s32 $0xFFFFE003, lr  }
0x1b: {  	s9 =	sadd.s32 $0xFFFFFEF7, lr;
	s5 =	simm.s32 $0xFFFFFFFF;
	p2 =	slt.u32 s8, $0xFFFFF086  }
0x1c: {  	p1 =	slt.u32 s9, $0xF7A;
	s5 =	simm.s32 @!p2 $0x0  }
0x1d: {  	s5 =	simm.s32 @p1 $0x1;
	p0 =	seq.s32 s7, s2  }
0x1e: {  	s7 =	smul.u32 @!p0 $0xF7A, s2;
	p2 =	seq.s32 @!p0 s5, $0x0  }
0x1f: {  	s9 =	smul.u32 $0xF7A, s1;
	s8 =	simm.s32 @!p0 $0x1BF5;
	p2 =	por !p2, p0  }
0x20: {  	[sflag:s8] =	ssyncset.s32 @!p0 $0xFFFFF086;
	s6 =	sadd.s32 @!p0 s3, s7;
	s7 =	simm.s32 @!p0 $0x108  }
0x21: {  	s3 =	sadd.s32 s3, s9;
	s6 =	sadd.s32 @!p0 $0x88, s6;
	s7 =	simm.s32 @p2 $0x1082  }
0x22: {  	[simem:s7], [sflag:s8] =	dma.local @!p0 [hbm:s6], $0xF7A  }
0x23: {  	s9 =	sor.u32 $0xD0000000, s2;
	s6 =	simm.s32 $0x108;
	_ =	swait.ge @!p0 [sflag:s8], $0x0  }
0x24: {  	s3 =	sadd.s32 $0x88, s3;
	s6 =	simm.s32 @!p1 $0x1082;
	[sflag:s4] =	ssyncset.s32 $0xFFFFF086  }
0x25: {  	[simem:s6], [sflag:s4] =	dma.local [hbm:s3], $0xF7A  }
0x26: {  	[smem:$0x3F91] =	sst s1;
	(tag) =	ssettag s2;
	_ =	strace s9  }
0x27: {  	s1 =	sld [smem:$0x3FA1]  }
0x28: {  	s2 =	sld [smem:$0x3FA2]  }
0x29: {  	s4 =	sld [smem:$0x3FA4]  }
0x2a: {  	p0 =	seq.s32 s5, $0x0;
	s5 =	sld [smem:$0x3FA5]  }
0x2b: {  	s6 =	sld [smem:$0x3FA6]  }
0x2c: {  	s7 =	sld [smem:$0x3FA7]  }
0x2d: {  	s3 =	simm.s32 $0x108;
	s8 =	sld [smem:$0x3FA8]  }
0x2e: {  	s3 =	simm.s32 @!p0 $0x1082;
	s9 =	sld [smem:$0x3FA9]  }
0x2f: {  	lr =	sadd.s32 s0, s3;
	s0 =	sld [smem:$0x3FA0]  }
0x30: {  	s3 =	sld [smem:$0x3FA3]  }
0x31: {  	[smem:$0x3FAC] =	sst s10  }
0x32: {  	s10 =	sld [smem:$0x3FAA];
	_ =	sdelay $0x3  }
0x33: {  	p0 =	seq.s32 s10, $0x1;
	s10 =	sld [smem:$0x3FAC];
	_ =	sdelay $0x3  }
0x34: {  	[smem:$0x3FAC] =	sst s10  }
0x35: {  	s10 =	sld [smem:$0x3FAB];
	_ =	sdelay $0x3  }
0x36: {  	p1 =	seq.s32 s10, $0x1;
	s10 =	sld [smem:$0x3FAC];
	_ =	sdelay $0x3  }
0x37: {  	[smem:$0x3FAC] =	sst s10  }
0x38: {  	s10 =	sld [smem:$0x3FAD]  }
0x39: {  	_ = 	snop;
	(pc) =	sbr.ind lr, $3  }
0x3a: {  	_ = 	snop  }
0x3b: {  	_ = 	snop  }
0x3c: {  	p2 =	seq.s32 s10, $0x1;
	s10 =	sld [smem:$0x3FAC]  }
0x3d: {  	_ =	shalt  }
0x3e: {  	_ =	shalt  }
0x3f: {  	_ =	shalt  }
0x40: {  	_ =	shalt  }
0x41: {  	_ =	shalt  }
0x42: {  	_ =	shalt  }
0x43: {  	_ =	shalt  }
0x44: {  	_ =	shalt  }
0x45: {  	_ =	shalt  }
0x46: {  	_ =	shalt  }
0x47: {  	_ =	shalt  }
0x48: {  	_ =	shalt  }
0x49: {  	_ =	shalt  }
0x4a: {  	_ =	shalt  }
0x4b: {  	_ =	shalt  }
0x4c: {  	_ =	shalt  }
0x4d: {  	_ =	shalt  }
0x4e: {  	_ =	shalt  }
0x4f: {  	_ =	shalt  }
0x50: {  	_ =	shalt  }
0x51: {  	_ =	shalt  }
0x52: {  	_ =	shalt  }
0x53: {  	_ =	shalt  }
0x54: {  	_ =	shalt  }
0x55: {  	_ =	shalt  }
0x56: {  	_ =	shalt  }
0x57: {  	_ =	shalt  }
0x58: {  	_ =	shalt  }
0x59: {  	_ =	shalt  }
0x5a: {  	_ =	shalt  }
0x5b: {  	_ =	shalt  }
0x5c: {  	_ =	shalt  }
0x5d: {  	_ =	shalt  }
0x5e: {  	_ =	shalt  }
0x5f: {  	_ =	shalt  }
0x60: {  	_ =	shalt  }
0x61: {  	_ =	shalt  }
0x62: {  	_ =	shalt  }
0x63: {  	_ =	shalt  }
0x64: {  	_ =	shalt  }
0x65: {  	_ =	shalt  }
0x66: {  	_ =	shalt  }
0x67: {  	_ =	shalt  }
0x68: {  	_ =	shalt  }
0x69: {  	_ =	shalt  }
0x6a: {  	_ =	shalt  }
0x6b: {  	_ =	shalt  }
0x6c: {  	_ =	shalt  }
0x6d: {  	_ =	shalt  }
0x6e: {  	_ =	shalt  }
0x6f: {  	_ =	shalt  }
0x70: {  	_ =	shalt  }
0x71: {  	_ =	shalt  }
0x72: {  	_ =	shalt  }
0x73: {  	_ =	shalt  }
0x74: {  	_ =	shalt  }
0x75: {  	_ =	shalt  }
0x76: {  	_ =	shalt  }
0x77: {  	_ =	shalt  }
0x78: {  	_ =	shalt  }
0x79: {  	_ =	shalt  }
0x7a: {  	_ =	shalt  }
0x7b: {  	_ =	shalt  }
0x7c: {  	_ =	shalt  }
0x7d: {  	_ =	shalt  }
0x7e: {  	_ =	shalt  }
0x7f: {  	_ =	shalt  }
0x80: {  	_ =	shalt  }
0x81: {  	_ =	shalt  }
0x82: {  	_ =	shalt  }
0x83: {  	_ =	shalt  }
0x84: {  	_ =	shalt  }
0x85: {  	_ =	shalt  }
0x86: {  	_ =	shalt  }
0x87: {  	_ =	shalt  }
.Lfunc_end0:
.L_simem_size_0:
called_computation.2_lowered:
.L_overlay_start_0:
0x88: {  	s2 =	sld [smem:$0x3FD9]  }
0x89: {  	s3 =	sld [smem:$0x3FFE];
	_ =	sdelay $0x1  }
0x8a: {  	s1 =	srdreg.scid  }
0x8b: {  	s0 =	sand.u32 $0x1, s1  }
0x8c: {  	s17 =	sshll.u32 s0, $0xA;
	s2 =	sadd.s32 s3, s2  }
0x8d: {  	s2 =	sadd.s32 s2, s17  }
0x8e: {  	[smem:$0x3FB8] =	sst s2  }
0x8f: {  	_ = 	snop  }
0x90: {  	s2 =	sld [smem:$0x3FD0];
	(tm) =	ssettm $0x1  }
0x91: {  	s18 =	sld [smem:$0x3FFB];
	_ =	sdelay $0x3  }
0x92: {  	_ =	strace s18  }
0x93: {  	s3 =	sld [smem:$0x3FFC];
	_ =	sdelay $0x3  }
0x94: {  	_ =	strace s3  }
0x95: {  	s3 =	sld [smem:$0x3FFD];
	_ =	sdelay $0x3  }
0x96: {  	_ =	strace s3  }
0x97: {  	_ =	strace $0x8FFFFFFF  }
0x98: {  	s19 =	sld [smem:$0x3FDB];
	_ =	sdelay $0x1  }
0x99: {  	s4 =	simm.s32 $_scs_section_size  }
0x9a: {  	s5 =	simm.s32 $_size__tile_overlayer_lowered;
	s6 =	simm.s32 $_tile_overlayer_lowered  }
0x9b: {  	s22 =	simm.s32 $0x1BFF;
	s21 =	sshll.u32 s6, $0x1;
	s3 =	sadd.s32 s4, s19  }
0x9c: {  	s7 =	simm.s32 $0x0;
	s20 =	sshll.u32 s5, $0x1;
	s5 =	sadd.s32 s21, s3  }
0x9d: {  	[timem:s7], [sflag:s22] =	dma.local [hbm:s5], s20  }
0x9e: {  	_ =	swait.ge [sflag:s22], s20  }
0x9f: {  	s4 =	ssub.s32 $0x0, s20;
	[sflag:s22] =	ssyncset.done $0x0  }
0xa0: {  	[sflag:s22] =	ssyncadd.s32 s4;
	_ =	sdelay $0x1  }
0xa1: {  	s23 =	simm.s32 $0x1B8B  }
0xa2: {  	_ =	swait.ge [sflag:s23], $0x1  }
0xa3: {  	[sflag:s23] =	ssyncset.done $0x0  }
0xa4: {  	s25 =	simm.s32 $0x1B8E;
	s24 =	sld [smem:$0x3FFE];
	[sflag:s23] =	ssyncadd.s32 $0xFFFFFFFF  }
0xa5: {  	s26 =	simm.s32 $execute0_lowered;
	[smem:$0x3FD2] =	sst s25  }
0xa6: {  	s5 =	sshll.u32 s26, $0x1;
	_ =	strace $0x8000004C;
	[dreg:$0x1] =	wrdreg $0xFFFFFFFF  }
0xa7: {  	s28 =	simm.s32 $_size_execute0_lowered;
	s3 =	sadd.s32 s3, s5;
	[dreg:$0x0] =	wrdreg $0x0  }
0xa8: {  	s5 =	sshll.u32 s28, $0x1;
	[dreg:$0x2] =	wrdreg s3  }
0xa9: {  	[dreg:$0x3] =	wrdreg s5  }
0xaa: {  	[dreg:$0x4] =	wrdreg $0xC0  }
0xab: {  	_ =	task [dreg:s7], $0x5FFFF  }
0xac: {  	[dreg:$0x1] =	wrdreg $0xFFFFFFFF  }
0xad: {  	[dreg:$0x0] =	wrdreg $0x60  }
0xae: {  	[dreg:$0x2] =	wrdreg s24  }
0xaf: {  	[dreg:$0x3] =	wrdreg s2  }
0xb0: {  	[dreg:$0x4] =	wrdreg $0xC0000  }
0xb1: {  	[dreg:$0x5] =	wrdreg $0x9  }
0xb2: {  	_ =	task.clear_ibuf [dreg:s7], $0x6FFFF;
	_ =	strace $0x9000004C  }
0xb3: {  	s29 =	simm.s32 $0x9;
	_ =	strace $0x8000004E  }
0xb4: {  	_ =	swait.ge [sflag:s29], $0x1  }
0xb5: {  	[sflag:s29] =	ssyncadd.s32 $0xFFFFFFFF  }
0xb6: {  	_ =	strace $0x9000004E  }
0xb7: {  	_ =	sfence  }
0xb8: {  	s30 =	sld [smem:$0x0];
	_ =	sdelay $0x2  }
0xb9: {  	s31 =	sshll.u32 s1, $0xD;
	s1 =	sshrl.u32 s1, $0x2  }
0xba: {  	s3 =	sand.u32 $0x4000, s31;
	s1 =	sadd.s32 s1, s30  }
0xbb: {  	s0 =	sor.u32 s3, s0;
	s1 =	sshll.u32 s1, $0x11  }
0xbc: {  	s0 =	sor.u32 s1, s0  }
0xbd: {  	s0 =	sadd.s32 $0x8F2B, s0  }
0xbe: {  	[sflag:s0] =	ssyncadd.remote.s32 $0x1  }
0xbf: {  	_ =	sfence.sel $0xFFFF  }
0xc0: {  	[dreg:$0x0] =	wrdreg $0xFFFFFFFF;
	(pc) =	sbr.abs _section_cstart, $3  }
0xc1: {  	[dreg:$0x1] =	wrdreg $0xFFFFFFFF  }
0xc2: {  	_ =	task.clear_ibuf [dreg:s7], $0x2FFFF;
	_ =	strace $0x9FFFFFFF  }
0xc3: {  	(tm) =	ssettm $0x7FFFFFFF  }
tec
execute0_lowered:
.L_overlay_start_1:
0x0: {  	(tag) =	ssettag $0x1  }
0x1: {  	s0 =	rddreg [dreg:$0x0]  }
0x2: {  	s1 =	rddreg [dreg:$0x1]  }
0x3: {  	s2 =	rddreg [dreg:$0x2];
	s4 =	simm.s32 $0x0  }
0x4: {  	s3 =	srdreg.scid;
	s13 =	stileid.u32;
	s18 =	simm.s32 $0x2000  }
0x5: {  	s28 =	simm.s32 $0x9800;
	s29 =	simm.s32 $0x1;
	s30 =	simm.s32 $0x2  }
0x6: {  	s31 =	simm.s32 $0x3;
	[smem:$0x7FF] =	sst s4;
	s3 =	sand.u32 $0x1, s3  }
0x7: {  	s8 =	smul.u32 $0x14000, s13;
	s5 =	sadd.s32 $0x64800, s0;
	s6 =	sadd.s32 $0x34800, s0  }
0x8: {  	s10 =	sadd.s32 $0x44800, s0;
	s11 =	sadd.s32 $0x54800, s0;
	s12 =	smul.u32 $0x50000, s13  }
0x9: {  	s7 =	smul.u32 $0x140000, s3;
	_ =	strace $0x8000004D;
	s15 =	ssub.s32 $0x2, s3  }
0xa: {  	p0 =	seq.s32 s3, $0x1;
	s16 =	smul.u32 $0x2800, s3;
	s3 =	simm.s32 $0x1E00  }
0xb: {  	s9 =	sshrl.u32 s15, $0x1;
	s19 =	sshrl.u32 s12, $0x2;
	s1 =	smov.u32 @p0 s10  }
0xc: {  	s6 =	smov.u32 @p0 s11;
	s7 =	sadd.s32 s8, s7;
	s8 =	ssub.s32 s15, s9  }
0xd: {  	s10 =	simm.s32 $0x1F00;
	s9 =	sadd.s32 s19, s2;
	s20 =	smax.u32 s8, $0x1  }
0xe: {  	s11 =	simm.s32 $0x1F80;
	s21 =	sadd.s32 $0x2800, s9;
	[dreg:$0x5] =	wrdreg s20  }
0xf: {  	s19 =	simm.s32 $0x5;
	s22 =	sadd.s32 $0x5000, s9;
	[dreg:$0x6] =	wrdreg s21  }
0x10: {  	s7 =	sshrl.u32 s7, $0x3;
	s23 =	sadd.s32 $0x7800, s9;
	[dreg:$0x7] =	wrdreg s22  }
0x11: {  	s24 =	sadd.s32 $0xA000, s9;
	s25 =	sadd.s32 $0xC800, s9;
	[dreg:$0x8] =	wrdreg s23  }
0x12: {  	s26 =	sadd.s32 $0xF000, s9;
	s17 =	sadd.s32 $0x11800, s9;
	[dreg:$0x9] =	wrdreg s24  }
0x13: {  	s8 =	simm.s32 $0x1E80;
	s0 =	sadd.s32 s7, s0;
	[dreg:$0xa] =	wrdreg s25  }
0x14: {  	s7 =	sshll.u32 s13, $0xC;
	[dreg:$0xb] =	wrdreg s26;
	s20 =	simm.s32 $0x1000  }
0x15: {  	s21 =	simm.s32 $0x50;
	s22 =	simm.s32 $0x80;
	s23 =	simm.s32 $0x4800  }
0x16: {  	s24 =	simm.s32 $0x100;
	s25 =	simm.s32 $0x7000;
	s0 =	sadd.s32 $0xB4800, s0  }
0x17: {  	v1 =	vimm.f32 $0.0e+00;
	v0 =	vmov s16;
	s26 =	simm.s32 $0x180;
	[dreg:$0x4] =	wrdreg s0;
	s0 =	simm.s32 $0x4  }
.LBB2_1:
0x18: {  	s12 =	simm.s32 $0x70;
	s13 =	simm.s32 $0x3C0  }
.LBB2_2:
0x19: {  	p0 =	sne.s32 s13, $0x9FC0;
	[tilespmem:s12+$0x2000] =	vst v1  }
0x1a: {  	[tilespmem:s12+$0x1F90] =	vst v1  }
0x1b: {  	[tilespmem:s12+$0x1FA0] =	vst v1  }
.Ltmp0:
0x1c: {  	[tilespmem:s12+$0x1FB0] =	vst v1;
	(pc) =	sbr.rel @p0 .LBB2_2-.Ltmp0, $4  }
0x1d: {  	[tilespmem:s12+$0x1FC0] =	vst v1  }
0x1e: {  	[tilespmem:s12+$0x1FD0] =	vst v1  }
0x1f: {  	[tilespmem:s12+$0x1FE0] =	vst v1  }
0x20: {  	[tilespmem:s12+$0x1FF0] =	vst v1;
	s12 =	sshra.s32 s13, $0x2;
	s13 =	sadd.s32 $0x200, s13  }
0x21: {  	[tilespmem:s12+$0x2000] =	vst v1  }
0x22: {  	[tilespmem:s12+$0x1F90] =	vst v1  }
0x23: {  	[tilespmem:s12+$0x1FA0] =	vst v1  }
0x24: {  	[tilespmem:s12+$0x1FB0] =	vst v1  }
0x25: {  	[tilespmem:s12+$0x1FC0] =	vst v1  }
0x26: {  	[tilespmem:s12+$0x1FD0] =	vst v1  }
0x27: {  	[tilespmem:s12+$0x1FE0] =	vst v1  }
0x28: {  	[tilespmem:s12+$0x1FF0] =	vst v1  }
0x29: {  	[spmem:s9] =	stream.linear.scatter [tilespmem:s18], [sflag:$0x5], $0x2800, $0x38;
	v63 =	vld [tilespmem:$0x0]  }
0x2a: {  	_ =	swait.ge [sflag:s19], $0x2800  }
0x2b: {  	[sflag:s19] =	ssyncset.done $0x0  }
0x2c: {  	s15 =	rddreg [dreg:$0x6];
	[sflag:s19] =	ssyncadd.s32 $0xFFFFD800  }
0x2d: {  	[spmem:s15] =	stream.linear.scatter [tilespmem:s18], [sflag:$0x5], $0x2800, $0x38;
	v63 =	vld [tilespmem:$0x0]  }
0x2e: {  	_ =	swait.ge [sflag:s19], $0x2800  }
0x2f: {  	[sflag:s19] =	ssyncset.done $0x0  }
0x30: {  	s16 =	rddreg [dreg:$0x7];
	[sflag:s19] =	ssyncadd.s32 $0xFFFFD800  }
0x31: {  	[spmem:s16] =	stream.linear.scatter [tilespmem:s18], [sflag:$0x5], $0x2800, $0x38;
	v63 =	vld [tilespmem:$0x0]  }
0x32: {  	_ =	swait.ge [sflag:s19], $0x2800  }
0x33: {  	[sflag:s19] =	ssyncset.done $0x0  }
0x34: {  	s13 =	rddreg [dreg:$0x8];
	[sflag:s19] =	ssyncadd.s32 $0xFFFFD800  }
0x35: {  	[spmem:s13] =	stream.linear.scatter [tilespmem:s18], [sflag:$0x5], $0x2800, $0x38;
	v63 =	vld [tilespmem:$0x0]  }
0x36: {  	_ =	swait.ge [sflag:s19], $0x2800  }
0x37: {  	[sflag:s19] =	ssyncset.done $0x0  }
0x38: {  	s14 =	rddreg [dreg:$0x9];
	[sflag:s19] =	ssyncadd.s32 $0xFFFFD800  }
0x39: {  	[spmem:s14] =	stream.linear.scatter [tilespmem:s18], [sflag:$0x5], $0x2800, $0x38;
	v63 =	vld [tilespmem:$0x0]  }
0x3a: {  	_ =	swait.ge [sflag:s19], $0x2800  }
0x3b: {  	[sflag:s19] =	ssyncset.done $0x0  }
0x3c: {  	s15 =	rddreg [dreg:$0xa];
	[sflag:s19] =	ssyncadd.s32 $0xFFFFD800  }
0x3d: {  	[spmem:s15] =	stream.linear.scatter [tilespmem:s18], [sflag:$0x5], $0x2800, $0x38;
	v63 =	vld [tilespmem:$0x0]  }
0x3e: {  	_ =	swait.ge [sflag:s19], $0x2800  }
0x3f: {  	[sflag:s19] =	ssyncset.done $0x0  }
0x40: {  	s16 =	rddreg [dreg:$0xb];
	[sflag:s19] =	ssyncadd.s32 $0xFFFFD800  }
0x41: {  	[spmem:s16] =	stream.linear.scatter [tilespmem:s18], [sflag:$0x5], $0x2800, $0x38;
	v63 =	vld [tilespmem:$0x0]  }
0x42: {  	_ =	swait.ge [sflag:s19], $0x2800  }
0x43: {  	[sflag:s19] =	ssyncset.done $0x0  }
0x44: {  	[sflag:s19] =	ssyncadd.s32 $0xFFFFD800  }
0x45: {  	[spmem:s17] =	stream.linear.scatter [tilespmem:s18], [sflag:$0x5], $0x2800, $0x38;
	v63 =	vld [tilespmem:$0x0]  }
0x46: {  	_ =	swait.ge [sflag:s19], $0x2800  }
0x47: {  	[sflag:s19] =	ssyncset.done $0x0  }
0x48: {  	[sflag:s19] =	ssyncadd.s32 $0xFFFFD800  }
0x49: {  	s12 =	simm.s32 $0x0;
	s13 =	simm.s32 $0x0;
	[bflag:$0x0] =	sbarrier.arrive $0xFFFF  }
.LBB2_4:
0x4a: {  	s14 =	sshll.u32 s13, $0x9  }
0x4b: {  	s14 =	sadd.s32 s7, s14  }
0x4c: {  	s15 =	sadd.s32 s1, s14  }
0x4d: {  	[tilespmem:s12], [sflag:$0x5] =	stream.linear.gather [hbm4b:s15+s12], $0x1000, $0x38;
	v63 =	vld [tilespmem:$0x0]  }
0x4e: {  	_ =	swait.ge [sflag:s19], $0x1000  }
0x4f: {  	[sflag:s19] =	ssyncset.done $0x0  }
0x50: {  	s14 =	sadd.s32 s6, s14;
	[sflag:s19] =	ssyncadd.s32 $0xFFFFF000  }
0x51: {  	[tilespmem:s20], [sflag:$0x5] =	stream.linear.gather [hbm4b:s14+s12], $0x1000, $0x38;
	v63 =	vld [tilespmem:$0x0]  }
0x52: {  	_ =	swait.ge [sflag:s19], $0x1000  }
0x53: {  	[sflag:s19] =	ssyncset.done $0x0  }
0x54: {  	s14 =	simm.s32 $0x0;
	[sflag:s19] =	ssyncadd.s32 $0xFFFFF000  }
0x55: {  	v5 =	vld [tilespmem:s14+$0x0]  }
0x56: {  	v4 =	vld [tilespmem:s14+$0x10]  }
0x57: {  	v3 =	vld [tilespmem:s14+$0x20]  }
0x58: {  	s15 =	simm.s32 $0x200;
	v2 =	vld [tilespmem:s14+$0x30]  }
.LBB2_5:
0x59: {  	p0 =	sne.s32 s15, $0x3E00;
	v6 =	vld [tilespmem:s14+$0x40]  }
0x5a: {  	v5 =	vadd.s32 v0, v5  }
.Ltmp1:
0x5b: {  	s16 =	sshra.s32 s15, $0x2;
	[tilespmem:s14+$0x0] =	vst v5;
	v4 =	vadd.s32 v0, v4;
	(pc) =	sbr.rel @p0 .LBB2_5-.Ltmp1, $4  }
0x5c: {  	v5 =	vld [tilespmem:s16+$0x0];
	[tilespmem:s14+$0x10] =	vst v4;
	v3 =	vadd.s32 v0, v3  }
0x5d: {  	v4 =	vld [tilespmem:s16+$0x10];
	[tilespmem:s14+$0x20] =	vst v3;
	v2 =	vadd.s32 v0, v2  }
0x5e: {  	v3 =	vld [tilespmem:s16+$0x20];
	[tilespmem:s14+$0x30] =	vst v2;
	v6 =	vadd.s32 v0, v6  }
0x5f: {  	s15 =	sadd.s32 $0x200, s15;
	v2 =	vld [tilespmem:s16+$0x30];
	[tilespmem:s14+$0x40] =	vst v6;
	s14 =	smov.u32 s16  }
0x60: {  	v6 =	vld [tilespmem:s14+$0x40]  }
0x61: {  	v5 =	vadd.s32 v0, v5  }
0x62: {  	[tilespmem:s14+$0x0] =	vst v5;
	v4 =	vadd.s32 v0, v4  }
0x63: {  	[tilespmem:s14+$0x10] =	vst v4;
	v3 =	vadd.s32 v0, v3  }
0x64: {  	[tilespmem:s14+$0x20] =	vst v3;
	v2 =	vadd.s32 v0, v2  }
0x65: {  	[tilespmem:s14+$0x30] =	vst v2;
	v2 =	vadd.s32 v0, v6  }
0x66: {  	s15 =	simm.s32 $0x0;
	[tilespmem:s14+$0x40] =	vst v2  }
0x67: {  	[tilespmem:s18], [sflag:$0x1] =	stream.indirect.gather [hbm4b:s5+s21], $0x80, s15, s21, $0xb8;
	v63 =	vld [tilespmem:$0x0]  }
0x68: {  	_ = 	snop  }
0x69: {  	[tilespmem:s23], [sflag:$0x2] =	stream.indirect.gather [hbm4b:s5+s21], $0x80, s22, s21, $0xb8;
	v63 =	vld [tilespmem:$0x0]  }
0x6a: {  	_ = 	snop  }
0x6b: {  	[tilespmem:s25], [sflag:$0x3] =	stream.indirect.gather [hbm4b:s5+s21], $0x80, s24, s21, $0xb8;
	v63 =	vld [tilespmem:$0x0]  }
0x6c: {  	_ = 	snop  }
0x6d: {  	[tilespmem:s28], [sflag:$0x4] =	stream.indirect.gather [hbm4b:s5+s21], $0x80, s26, s21, $0xb8;
	v63 =	vld [tilespmem:$0x0]  }
0x6e: {  	_ =	swait.ge [sflag:s29], $0x2800  }
0x6f: {  	[sflag:s29] =	ssyncset.done $0x0  }
0x70: {  	s16 =	simm.s32 $0x1000;
	[sflag:s29] =	ssyncadd.s32 $0xFFFFD800  }
0x71: {  	[spmem:s2] =	stream.indirect.scatter.add.f32 [tilespmem:s18], [sflag:$0x5], $0x80, s16, s21, $0xb8;
	v63 =	vld [tilespmem:$0x0]  }
0x72: {  	_ =	swait.ge [sflag:s19], $0x2800  }
0x73: {  	[sflag:s19] =	ssyncset.done $0x0  }
0x74: {  	s15 =	simm.s32 $0x200;
	[sflag:s19] =	ssyncadd.s32 $0xFFFFD800  }
0x75: {  	[tilespmem:s18], [sflag:$0x1] =	stream.indirect.gather [hbm4b:s5+s21], $0x80, s15, s21, $0xb8;
	v63 =	vld [tilespmem:$0x0]  }
0x76: {  	_ =	swait.ge [sflag:s30], $0x2800  }
0x77: {  	[sflag:s30] =	ssyncset.done $0x0  }
0x78: {  	s16 =	simm.s32 $0x1080;
	[sflag:s30] =	ssyncadd.s32 $0xFFFFD800  }
0x79: {  	[spmem:s2] =	stream.indirect.scatter.add.f32 [tilespmem:s23], [sflag:$0x5], $0x80, s16, s21, $0xb8;
	v63 =	vld [tilespmem:$0x0]  }
0x7a: {  	_ =	swait.ge [sflag:s19], $0x2800  }
0x7b: {  	[sflag:s19] =	ssyncset.done $0x0  }
0x7c: {  	s15 =	simm.s32 $0x280;
	[sflag:s19] =	ssyncadd.s32 $0xFFFFD800  }
0x7d: {  	[tilespmem:s23], [sflag:$0x2] =	stream.indirect.gather [hbm4b:s5+s21], $0x80, s15, s21, $0xb8;
	v63 =	vld [tilespmem:$0x0]  }
0x7e: {  	_ =	swait.ge [sflag:s31], $0x2800  }
0x7f: {  	[sflag:s31] =	ssyncset.done $0x0  }
0x80: {  	s16 =	simm.s32 $0x1100;
	[sflag:s31] =	ssyncadd.s32 $0xFFFFD800  }
0x81: {  	[spmem:s2] =	stream.indirect.scatter.add.f32 [tilespmem:s25], [sflag:$0x5], $0x80, s16, s21, $0xb8;
	v63 =	vld [tilespmem:$0x0]  }
0x82: {  	_ =	swait.ge [sflag:s19], $0x2800  }
0x83: {  	[sflag:s19] =	ssyncset.done $0x0  }
0x84: {  	s15 =	simm.s32 $0x300;
	[sflag:s19] =	ssyncadd.s32 $0xFFFFD800  }
0x85: {  	[tilespmem:s25], [sflag:$0x3] =	stream.indirect.gather [hbm4b:s5+s21], $0x80, s15, s21, $0xb8;
	v63 =	vld [tilespmem:$0x0]  }
0x86: {  	_ =	swait.ge [sflag:s0], $0x2800  }
0x87: {  	[sflag:s0] =	ssyncset.done $0x0  }
0x88: {  	s16 =	simm.s32 $0x1180;
	[sflag:s0] =	ssyncadd.s32 $0xFFFFD800  }
0x89: {  	[spmem:s2] =	stream.indirect.scatter.add.f32 [tilespmem:s28], [sflag:$0x5], $0x80, s16, s21, $0xb8;
	v63 =	vld [tilespmem:$0x0]  }
0x8a: {  	_ =	swait.ge [sflag:s19], $0x2800  }
0x8b: {  	[sflag:s19] =	ssyncset.done $0x0  }
0x8c: {  	s14 =	simm.s32 $0x800;
	s15 =	simm.s32 $0x380;
	[sflag:s19] =	ssyncadd.s32 $0xFFFFD800  }
.LBB2_7:
0x8d: {  	[tilespmem:s28], [sflag:$0x4] =	stream.indirect.gather [hbm4b:s5+s21], $0x80, s15, s21, $0xb8;
	v63 =	vld [tilespmem:$0x0]  }
0x8e: {  	s15 =	smov.u32 s14  }
0x8f: {  	p0 =	sne.s32 s14, $0x3000;
	s14 =	sadd.s32 $0x800, s14;
	_ =	swait.ge [sflag:s29], $0x2800  }
0x90: {  	s15 =	sshra.s32 s15, $0x2;
	[sflag:s29] =	ssyncset.done $0x0  }
0x91: {  	s16 =	sadd.s32 $0x1000, s15;
	[sflag:s29] =	ssyncadd.s32 $0xFFFFD800  }
0x92: {  	[spmem:s2] =	stream.indirect.scatter.add.f32 [tilespmem:s18], [sflag:$0x5], $0x80, s16, s21, $0xb8;
	v63 =	vld [tilespmem:$0x0]  }
0x93: {  	_ =	swait.ge [sflag:s19], $0x2800  }
0x94: {  	[sflag:s19] =	ssyncset.done $0x0  }
0x95: {  	s16 =	sadd.s32 $0x200, s15;
	[sflag:s19] =	ssyncadd.s32 $0xFFFFD800  }
0x96: {  	[tilespmem:s18], [sflag:$0x1] =	stream.indirect.gather [hbm4b:s5+s21], $0x80, s16, s21, $0xb8;
	v63 =	vld [tilespmem:$0x0]  }
0x97: {  	_ =	swait.ge [sflag:s30], $0x2800  }
0x98: {  	[sflag:s30] =	ssyncset.done $0x0  }
0x99: {  	s16 =	sadd.s32 $0x1080, s15;
	[sflag:s30] =	ssyncadd.s32 $0xFFFFD800  }
0x9a: {  	[spmem:s2] =	stream.indirect.scatter.add.f32 [tilespmem:s23], [sflag:$0x5], $0x80, s16, s21, $0xb8;
	v63 =	vld [tilespmem:$0x0]  }
0x9b: {  	_ =	swait.ge [sflag:s19], $0x2800  }
0x9c: {  	[sflag:s19] =	ssyncset.done $0x0  }
0x9d: {  	s16 =	sadd.s32 $0x280, s15;
	[sflag:s19] =	ssyncadd.s32 $0xFFFFD800  }
0x9e: {  	[tilespmem:s23], [sflag:$0x2] =	stream.indirect.gather [hbm4b:s5+s21], $0x80, s16, s21, $0xb8;
	v63 =	vld [tilespmem:$0x0]  }
0x9f: {  	_ =	swait.ge [sflag:s31], $0x2800  }
0xa0: {  	[sflag:s31] =	ssyncset.done $0x0  }
0xa1: {  	s16 =	sadd.s32 $0x1100, s15;
	[sflag:s31] =	ssyncadd.s32 $0xFFFFD800  }
0xa2: {  	[spmem:s2] =	stream.indirect.scatter.add.f32 [tilespmem:s25], [sflag:$0x5], $0x80, s16, s21, $0xb8;
	v63 =	vld [tilespmem:$0x0]  }
0xa3: {  	_ =	swait.ge [sflag:s19], $0x2800  }
0xa4: {  	[sflag:s19] =	ssyncset.done $0x0  }
0xa5: {  	s16 =	sadd.s32 $0x300, s15;
	[sflag:s19] =	ssyncadd.s32 $0xFFFFD800  }
0xa6: {  	[tilespmem:s25], [sflag:$0x3] =	stream.indirect.gather [hbm4b:s5+s21], $0x80, s16, s21, $0xb8;
	v63 =	vld [tilespmem:$0x0]  }
0xa7: {  	_ =	swait.ge [sflag:s0], $0x2800  }
0xa8: {  	[sflag:s0] =	ssyncset.done $0x0  }
.Ltmp2:
0xa9: {  	s16 =	sadd.s32 $0x1180, s15;
	[sflag:s0] =	ssyncadd.s32 $0xFFFFD800;
	(pc) =	sbr.rel @p0 .LBB2_7-.Ltmp2, $4  }
0xaa: {  	[spmem:s2] =	stream.indirect.scatter.add.f32 [tilespmem:s28], [sflag:$0x5], $0x80, s16, s21, $0xb8;
	v63 =	vld [tilespmem:$0x0]  }
0xab: {  	_ =	swait.ge [sflag:s19], $0x2800  }
0xac: {  	[sflag:s19] =	ssyncset.done $0x0  }
0xad: {  	s15 =	sadd.s32 $0x380, s15;
	[sflag:s19] =	ssyncadd.s32 $0xFFFFD800  }
0xae: {  	[tilespmem:s28], [sflag:$0x4] =	stream.indirect.gather [hbm4b:s5+s21], $0x80, s15, s21, $0xb8;
	v63 =	vld [tilespmem:$0x0]  }
0xaf: {  	_ =	swait.ge [sflag:s29], $0x2800  }
0xb0: {  	[sflag:s29] =	ssyncset.done $0x0  }
0xb1: {  	[sflag:s29] =	ssyncadd.s32 $0xFFFFD800  }
0xb2: {  	[spmem:s2] =	stream.indirect.scatter.add.f32 [tilespmem:s18], [sflag:$0x5], $0x80, s3, s21, $0xb8;
	v63 =	vld [tilespmem:$0x0]  }
0xb3: {  	_ =	swait.ge [sflag:s19], $0x2800  }
0xb4: {  	[sflag:s19] =	ssyncset.done $0x0  }
0xb5: {  	[sflag:s19] =	ssyncadd.s32 $0xFFFFD800  }
0xb6: {  	_ =	swait.ge [sflag:s30], $0x2800  }
0xb7: {  	[sflag:s30] =	ssyncset.done $0x0  }
0xb8: {  	[sflag:s30] =	ssyncadd.s32 $0xFFFFD800  }
0xb9: {  	[spmem:s2] =	stream.indirect.scatter.add.f32 [tilespmem:s23], [sflag:$0x5], $0x80, s8, s21, $0xb8;
	v63 =	vld [tilespmem:$0x0]  }
0xba: {  	_ =	swait.ge [sflag:s19], $0x2800  }
0xbb: {  	[sflag:s19] =	ssyncset.done $0x0  }
0xbc: {  	[sflag:s19] =	ssyncadd.s32 $0xFFFFD800  }
0xbd: {  	_ =	swait.ge [sflag:s31], $0x2800  }
0xbe: {  	[sflag:s31] =	ssyncset.done $0x0  }
0xbf: {  	[sflag:s31] =	ssyncadd.s32 $0xFFFFD800  }
0xc0: {  	[spmem:s2] =	stream.indirect.scatter.add.f32 [tilespmem:s25], [sflag:$0x5], $0x80, s10, s21, $0xb8;
	v63 =	vld [tilespmem:$0x0]  }
0xc1: {  	_ =	swait.ge [sflag:s19], $0x2800  }
0xc2: {  	[sflag:s19] =	ssyncset.done $0x0  }
0xc3: {  	[sflag:s19] =	ssyncadd.s32 $0xFFFFD800  }
0xc4: {  	s13 =	sadd.s32 $0x1, s13;
	_ =	swait.ge [sflag:s0], $0x2800  }
0xc5: {  	p0 =	sne.s32 s13, $0x8;
	[sflag:s0] =	ssyncset.done $0x0  }
.Ltmp3:
0xc6: {  	[sflag:s0] =	ssyncadd.s32 $0xFFFFD800;
	(pc) =	sbr.rel @p0 .LBB2_4-.Ltmp3, $4  }
0xc7: {  	[spmem:s2] =	stream.indirect.scatter.add.f32 [tilespmem:s28], [sflag:$0x5], $0x80, s11, s21, $0xb8;
	v63 =	vld [tilespmem:$0x0]  }
0xc8: {  	_ =	swait.ge [sflag:s19], $0x2800  }
0xc9: {  	[sflag:s19] =	ssyncset.done $0x0  }
0xca: {  	[sflag:s19] =	ssyncadd.s32 $0xFFFFD800  }
0xcb: {  	s12 =	stileid.u32  }
0xcc: {  	[bflag:$0x0] =	sbarrier.arrive $0xFFFF;
	s12 =	sshll.u32 s12, $0x6  }
0xcd: {  	s13 =	sshrl.u32 s9, $0x3;
	s14 =	rddreg [dreg:$0x4];
	s12 =	sor.u32 $0x1C05, s12  }
0xce: {  	[hbm:s14], [sflag:s12] =	dma.local [spmem:s13], $0x2800  }
0xcf: {  	_ =	swait.ge [sflag:s19], $0x2800  }
0xd0: {  	s4 =	sadd.s32 $0x1, s4;
	s16 =	rddreg [dreg:$0x5]  }
0xd1: {  	p0 =	sne.s32 s4, s16  }
.Ltmp4:
0xd2: {  	_ = 	snop;
	(pc) =	sbr.rel @p0 .LBB2_1-.Ltmp4, $3  }
0xd3: {  	_ =	sdelay $0x1  }
0xd4: {  	[sflag:s19] =	ssyncset.done $0x0  }
0xd5: {  	[sflag:s19] =	ssyncadd.s32 $0xFFFFD800  }
0xd6: {  	_ =	sfence.sel $0x180000  }
0xd7: {  	[bflag:$0x0] =	sbarrier.arrive $0xFFFF  }
0xd8: {  	_ =	strace $0x9000004D  }
0xd9: {  	s0 =	stileid.u32;
	[bflag:$0x2] =	sbarrier.arrive $0xFFFF  }
0xda: {  	p0 =	sne.s32 s0, $0x0;
	s0 =	rddreg [dreg:$0x3]  }
0xdb: {  	s0 =	sadd.s32 @!p0 $0x100000, s0  }
0xdc: {  	[sflag:s0] =	ssyncadd.tile.s32 @!p0 $0x1;
	_ =	shalt  }
.Lfunc_end2:
_tile_overlayer_lowered:
.L_overlay_start_2:
0xdd: {  	(tag) =	ssettag $0x2  }
0xde: {  	s0 =	rddreg [dreg:$0x0];
	s2 =	stileid.u32  }
0xdf: {  	s1 =	rddreg [dreg:$0x1];
	p0 =	sne.s32 s2, $0x0  }
0xe0: {  	s3 =	rddreg [dreg:$0x2];
	[bflag:$0x3] =	sbarrier.arrive $0xFFFF;
	s2 =	simm.s32 @!p0 $0x1C05  }
0xe1: {  	[timem:s3], [sflag:s2] =	dma.local @!p0 [hbm:s0], s1  }
0xe2: {  	s0 =	simm.s32 @!p0 $0x5  }
0xe3: {  	_ =	swait.ge @!p0 [sflag:s0], s1  }
0xe4: {  	s1 =	ssub.s32 @!p0 $0x0, s1;
	[sflag:s0] =	ssyncset.done @!p0 $0x0  }
0xe5: {  	[sflag:s0] =	ssyncadd.s32 @!p0 s1  }
0xe6: {  	[bflag:$0x3] =	sbarrier.arrive $0xFFFF  }
0xe7: {  	_ =	shalt  }

// kernel: kernel.18.cloned.1.call-start
scs
__scs_entry_jumppad:
0x0: {  	(pc) =	sbr.rel $0x88, $3  }
0x1: {  	(tag) =	ssettag $0x0;
	lr =	simm.s32 $0x1  }
0x2: {  	[smem:$0x3F91] =	sst lr;
	_ =	strace $0xD0000000  }
0x3: {  	_ = 	snop  }
0x4: {  	_ = 	snop  }
0x5: {  	_ = 	snop  }
0x6: {  	_ = 	snop  }
0x7: {  	_ = 	snop  }
__scs_overlays_trampoline_lowered:
0x8: {  	[smem:$0x3FA0] =	sst s0  }
0x9: {  	[smem:$0x3FA1] =	sst s1  }
0xa: {  	[smem:$0x3FA2] =	sst s2  }
0xb: {  	[smem:$0x3FA3] =	sst s3  }
0xc: {  	[smem:$0x3FA4] =	sst s4  }
0xd: {  	[smem:$0x3FA5] =	sst s5  }
0xe: {  	[smem:$0x3FA6] =	sst s6  }
0xf: {  	[smem:$0x3FA7] =	sst s7  }
0x10: {  	[smem:$0x3FA8] =	sst s8  }
0x11: {  	[smem:$0x3FA9] =	sst s9;
	s0 =	simm.s32 @!p0 $0x0  }
0x12: {  	s1 =	sld [smem:$0x3F8F];
	s0 =	simm.s32 @p0 $0x1  }
0x13: {  	[smem:$0x3FAA] =	sst s0;
	s0 =	simm.s32 @!p1 $0x0  }
0x14: {  	s2 =	sld [smem:$0x3F8E];
	s0 =	simm.s32 @p1 $0x1  }
0x15: {  	[smem:$0x3FAB] =	sst s0;
	s0 =	simm.s32 @!p2 $0x0  }
0x16: {  	s3 =	sld [smem:$0x3FDB];
	s0 =	simm.s32 @p2 $0x1  }
0x17: {  	s4 =	simm.s32 $0x1BF5;
	[smem:$0x3FAD] =	sst s0  }
0x18: {  	s0 =	sld [smem:$0x3F90];
	_ =	swait.ge [sflag:s4], $0x0  }
0x19: {  	s7 =	sld [smem:$0x3F91]  }
0x1a: {  	s8 =	sadd.s32 $0xFFFFE003, lr  }
0x1b: {  	s9 =	sadd.s32 $0xFFFFFEF7, lr;
	s5 =	simm.s32 $0xFFFFFFFF;
	p2 =	slt.u32 s8, $0xFFFFF086  }
0x1c: {  	p1 =	slt.u32 s9, $0xF7A;
	s5 =	simm.s32 @!p2 $0x0  }
0x1d: {  	s5 =	simm.s32 @p1 $0x1;
	p0 =	seq.s32 s7, s2  }
0x1e: {  	s7 =	smul.u32 @!p0 $0xF7A, s2;
	p2 =	seq.s32 @!p0 s5, $0x0  }
0x1f: {  	s9 =	smul.u32 $0xF7A, s1;
	s8 =	simm.s32 @!p0 $0x1BF5;
	p2 =	por !p2, p0  }
0x20: {  	[sflag:s8] =	ssyncset.s32 @!p0 $0xFFFFF086;
	s6 =	sadd.s32 @!p0 s3, s7;
	s7 =	simm.s32 @!p0 $0x108  }
0x21: {  	s3 =	sadd.s32 s3, s9;
	s6 =	sadd.s32 @!p0 $0x88, s6;
	s7 =	simm.s32 @p2 $0x1082  }
0x22: {  	[simem:s7], [sflag:s8] =	dma.local @!p0 [hbm:s6], $0xF7A  }
0x23: {  	s9 =	sor.u32 $0xD0000000, s2;
	s6 =	simm.s32 $0x108;
	_ =	swait.ge @!p0 [sflag:s8], $0x0  }
0x24: {  	s3 =	sadd.s32 $0x88, s3;
	s6 =	simm.s32 @!p1 $0x1082;
	[sflag:s4] =	ssyncset.s32 $0xFFFFF086  }
0x25: {  	[simem:s6], [sflag:s4] =	dma.local [hbm:s3], $0xF7A  }
0x26: {  	[smem:$0x3F91] =	sst s1;
	(tag) =	ssettag s2;
	_ =	strace s9  }
0x27: {  	s1 =	sld [smem:$0x3FA1]  }
0x28: {  	s2 =	sld [smem:$0x3FA2]  }
0x29: {  	s4 =	sld [smem:$0x3FA4]  }
0x2a: {  	p0 =	seq.s32 s5, $0x0;
	s5 =	sld [smem:$0x3FA5]  }
0x2b: {  	s6 =	sld [smem:$0x3FA6]  }
0x2c: {  	s7 =	sld [smem:$0x3FA7]  }
0x2d: {  	s3 =	simm.s32 $0x108;
	s8 =	sld [smem:$0x3FA8]  }
0x2e: {  	s3 =	simm.s32 @!p0 $0x1082;
	s9 =	sld [smem:$0x3FA9]  }
0x2f: {  	lr =	sadd.s32 s0, s3;
	s0 =	sld [smem:$0x3FA0]  }
0x30: {  	s3 =	sld [smem:$0x3FA3]  }
0x31: {  	[smem:$0x3FAC] =	sst s10  }
0x32: {  	s10 =	sld [smem:$0x3FAA];
	_ =	sdelay $0x3  }
0x33: {  	p0 =	seq.s32 s10, $0x1;
	s10 =	sld [smem:$0x3FAC];
	_ =	sdelay $0x3  }
0x34: {  	[smem:$0x3FAC] =	sst s10  }
0x35: {  	s10 =	sld [smem:$0x3FAB];
	_ =	sdelay $0x3  }
0x36: {  	p1 =	seq.s32 s10, $0x1;
	s10 =	sld [smem:$0x3FAC];
	_ =	sdelay $0x3  }
0x37: {  	[smem:$0x3FAC] =	sst s10  }
0x38: {  	s10 =	sld [smem:$0x3FAD]  }
0x39: {  	_ = 	snop;
	(pc) =	sbr.ind lr, $3  }
0x3a: {  	_ = 	snop  }
0x3b: {  	_ = 	snop  }
0x3c: {  	p2 =	seq.s32 s10, $0x1;
	s10 =	sld [smem:$0x3FAC]  }
0x3d: {  	_ =	shalt  }
0x3e: {  	_ =	shalt  }
0x3f: {  	_ =	shalt  }
0x40: {  	_ =	shalt  }
0x41: {  	_ =	shalt  }
0x42: {  	_ =	shalt  }
0x43: {  	_ =	shalt  }
0x44: {  	_ =	shalt  }
0x45: {  	_ =	shalt  }
0x46: {  	_ =	shalt  }
0x47: {  	_ =	shalt  }
0x48: {  	_ =	shalt  }
0x49: {  	_ =	shalt  }
0x4a: {  	_ =	shalt  }
0x4b: {  	_ =	shalt  }
0x4c: {  	_ =	shalt  }
0x4d: {  	_ =	shalt  }
0x4e: {  	_ =	shalt  }
0x4f: {  	_ =	shalt  }
0x50: {  	_ =	shalt  }
0x51: {  	_ =	shalt  }
0x52: {  	_ =	shalt  }
0x53: {  	_ =	shalt  }
0x54: {  	_ =	shalt  }
0x55: {  	_ =	shalt  }
0x56: {  	_ =	shalt  }
0x57: {  	_ =	shalt  }
0x58: {  	_ =	shalt  }
0x59: {  	_ =	shalt  }
0x5a: {  	_ =	shalt  }
0x5b: {  	_ =	shalt  }
0x5c: {  	_ =	shalt  }
0x5d: {  	_ =	shalt  }
0x5e: {  	_ =	shalt  }
0x5f: {  	_ =	shalt  }
0x60: {  	_ =	shalt  }
0x61: {  	_ =	shalt  }
0x62: {  	_ =	shalt  }
0x63: {  	_ =	shalt  }
0x64: {  	_ =	shalt  }
0x65: {  	_ =	shalt  }
0x66: {  	_ =	shalt  }
0x67: {  	_ =	shalt  }
0x68: {  	_ =	shalt  }
0x69: {  	_ =	shalt  }
0x6a: {  	_ =	shalt  }
0x6b: {  	_ =	shalt  }
0x6c: {  	_ =	shalt  }
0x6d: {  	_ =	shalt  }
0x6e: {  	_ =	shalt  }
0x6f: {  	_ =	shalt  }
0x70: {  	_ =	shalt  }
0x71: {  	_ =	shalt  }
0x72: {  	_ =	shalt  }
0x73: {  	_ =	shalt  }
0x74: {  	_ =	shalt  }
0x75: {  	_ =	shalt  }
0x76: {  	_ =	shalt  }
0x77: {  	_ =	shalt  }
0x78: {  	_ =	shalt  }
0x79: {  	_ =	shalt  }
0x7a: {  	_ =	shalt  }
0x7b: {  	_ =	shalt  }
0x7c: {  	_ =	shalt  }
0x7d: {  	_ =	shalt  }
0x7e: {  	_ =	shalt  }
0x7f: {  	_ =	shalt  }
0x80: {  	_ =	shalt  }
0x81: {  	_ =	shalt  }
0x82: {  	_ =	shalt  }
0x83: {  	_ =	shalt  }
0x84: {  	_ =	shalt  }
0x85: {  	_ =	shalt  }
0x86: {  	_ =	shalt  }
0x87: {  	_ =	shalt  }
.Lfunc_end0:
.L_simem_size_0:
called_computation.3_lowered:
.L_overlay_start_0:
0x88: {  	s2 =	sld [smem:$0x3FD9]  }
0x89: {  	s3 =	sld [smem:$0x3FFE];
	_ =	sdelay $0x1  }
0x8a: {  	s1 =	srdreg.scid  }
0x8b: {  	s0 =	sand.u32 $0x1, s1  }
0x8c: {  	s17 =	sshll.u32 s0, $0xA;
	s2 =	sadd.s32 s3, s2  }
0x8d: {  	s2 =	sadd.s32 s2, s17  }
0x8e: {  	[smem:$0x3FB8] =	sst s2  }
0x8f: {  	_ = 	snop  }
0x90: {  	s2 =	sld [smem:$0x3FD0];
	(tm) =	ssettm $0x1  }
0x91: {  	s18 =	sld [smem:$0x3FFB];
	_ =	sdelay $0x3  }
0x92: {  	_ =	strace s18  }
0x93: {  	s3 =	sld [smem:$0x3FFC];
	_ =	sdelay $0x3  }
0x94: {  	_ =	strace s3  }
0x95: {  	s3 =	sld [smem:$0x3FFD];
	_ =	sdelay $0x3  }
0x96: {  	_ =	strace s3  }
0x97: {  	_ =	strace $0x8FFFFFFF  }
0x98: {  	s19 =	sld [smem:$0x3FDB];
	_ =	sdelay $0x1  }
0x99: {  	s4 =	simm.s32 $_scs_section_size  }
0x9a: {  	s5 =	simm.s32 $_size__tile_overlayer_lowered;
	s6 =	simm.s32 $_tile_overlayer_lowered  }
0x9b: {  	s22 =	simm.s32 $0x1BFF;
	s21 =	sshll.u32 s6, $0x1;
	s3 =	sadd.s32 s4, s19  }
0x9c: {  	s7 =	simm.s32 $0x0;
	s20 =	sshll.u32 s5, $0x1;
	s5 =	sadd.s32 s21, s3  }
0x9d: {  	[timem:s7], [sflag:s22] =	dma.local [hbm:s5], s20  }
0x9e: {  	_ =	swait.ge [sflag:s22], s20  }
0x9f: {  	s4 =	ssub.s32 $0x0, s20;
	[sflag:s22] =	ssyncset.done $0x0  }
0xa0: {  	[sflag:s22] =	ssyncadd.s32 s4;
	_ =	sdelay $0x1  }
0xa1: {  	s23 =	simm.s32 $0x1B8B  }
0xa2: {  	_ =	swait.ge [sflag:s23], $0x1  }
0xa3: {  	[sflag:s23] =	ssyncset.done $0x0  }
0xa4: {  	s25 =	simm.s32 $0x1B8E;
	s24 =	sld [smem:$0x3FFE];
	[sflag:s23] =	ssyncadd.s32 $0xFFFFFFFF  }
0xa5: {  	s26 =	simm.s32 $execute0_lowered;
	[smem:$0x3FD2] =	sst s25  }
0xa6: {  	s5 =	sshll.u32 s26, $0x1;
	_ =	strace $0x8000004F;
	[dreg:$0x1] =	wrdreg $0xFFFFFFFF  }
0xa7: {  	s28 =	simm.s32 $_size_execute0_lowered;
	s3 =	sadd.s32 s3, s5;
	[dreg:$0x0] =	wrdreg $0x0  }
0xa8: {  	s5 =	sshll.u32 s28, $0x1;
	[dreg:$0x2] =	wrdreg s3  }
0xa9: {  	[dreg:$0x3] =	wrdreg s5  }
0xaa: {  	[dreg:$0x4] =	wrdreg $0xC0  }
0xab: {  	_ =	task [dreg:s7], $0x5FFFF  }
0xac: {  	[dreg:$0x1] =	wrdreg $0xFFFFFFFF  }
0xad: {  	[dreg:$0x0] =	wrdreg $0x60  }
0xae: {  	[dreg:$0x2] =	wrdreg s24  }
0xaf: {  	[dreg:$0x3] =	wrdreg s2  }
0xb0: {  	[dreg:$0x4] =	wrdreg $0x9  }
0xb1: {  	_ =	task.clear_ibuf [dreg:s7], $0x5FFFF;
	_ =	strace $0x9000004F  }
0xb2: {  	s29 =	simm.s32 $0x9;
	_ =	strace $0x80000051  }
0xb3: {  	_ =	swait.ge [sflag:s29], $0x1  }
0xb4: {  	[sflag:s29] =	ssyncadd.s32 $0xFFFFFFFF  }
0xb5: {  	_ =	strace $0x90000051  }
0xb6: {  	_ =	sfence  }
0xb7: {  	s30 =	sld [smem:$0x0];
	_ =	sdelay $0x2  }
0xb8: {  	s31 =	sshll.u32 s1, $0xD;
	s1 =	sshrl.u32 s1, $0x2  }
0xb9: {  	s3 =	sand.u32 $0x4000, s31;
	s1 =	sadd.s32 s1, s30  }
0xba: {  	s0 =	sor.u32 s3, s0;
	s1 =	sshll.u32 s1, $0x11  }
0xbb: {  	s0 =	sor.u32 s1, s0  }
0xbc: {  	s0 =	sadd.s32 $0x8F2B, s0  }
0xbd: {  	[sflag:s0] =	ssyncadd.remote.s32 $0x1  }
0xbe: {  	_ =	sfence.sel $0xFFFF  }
0xbf: {  	[dreg:$0x0] =	wrdreg $0xFFFFFFFF;
	(pc) =	sbr.abs _section_cstart, $3  }
0xc0: {  	[dreg:$0x1] =	wrdreg $0xFFFFFFFF  }
0xc1: {  	_ =	task.clear_ibuf [dreg:s7], $0x2FFFF;
	_ =	strace $0x9FFFFFFF  }
0xc2: {  	(tm) =	ssettm $0x7FFFFFFF  }
0xc3: {  	_ =	shalt  }
tec
execute0_lowered:
.L_overlay_start_1:
0x0: {  	(tag) =	ssettag $0x1  }
0x1: {  	s0 =	rddreg [dreg:$0x0];
	s3 =	simm.s32 $0x0  }
0x2: {  	s1 =	srdreg.scid;
	s2 =	stileid.u32;
	s17 =	simm.s32 $0x3  }
0x3: {  	s18 =	simm.s32 $0x2800;
	s19 =	simm.s32 $0x6C00;
	s9 =	simm.s32 $0x6E00  }
0x4: {  	s16 =	simm.s32 $0x6F00;
	s11 =	simm.s32 $0x6A80;
	s12 =	simm.s32 $0x6B80  }
0x5: {  	s13 =	simm.s32 $0x6C80;
	[smem:$0x7FF] =	sst s3;
	s1 =	sand.u32 $0x1, s1  }
0x6: {  	s2 =	sshll.u32 s2, $0x1;
	s4 =	sadd.s32 $0x2EA00, s0;
	s5 =	sadd.s32 $0x104800, s0  }
0x7: {  	s7 =	sadd.s32 $0x18A00, s0;
	s8 =	sadd.s32 $0x2A00, s0;
	s20 =	sadd.s32 $0x2F000, s0  }
0x8: {  	s10 =	sadd.s32 $0x2F200, s0;
	_ =	strace $0x80000050;
	s2 =	sor.u32 s1, s2  }
0x9: {  	[dreg:$0x3] =	wrdreg s4;
	s1 =	ssub.s32 $0x2, s1;
	s6 =	smul.u32 $0x5800, s2  }
0xa: {  	[dreg:$0x4] =	wrdreg s20;
	s4 =	simm.s32 $0x6D00;
	s21 =	sshrl.u32 s1, $0x1  }
0xb: {  	s20 =	simm.s32 $0x6D80;
	s23 =	ssub.s32 s1, s21;
	s28 =	sadd.s32 $0x800, s6  }
0xc: {  	s22 =	sshrl.u32 s6, $0x3;
	s0 =	smax.u32 s23, $0x1;
	[dreg:$0x8] =	wrdreg s28  }
0xd: {  	s21 =	simm.s32 $0x2;
	s25 =	sadd.s32 s7, s22;
	[dreg:$0x9] =	wrdreg s0  }
0xe: {  	s1 =	simm.s32 $0x0;
	s26 =	sadd.s32 s8, s22;
	[dreg:$0x6] =	wrdreg s25  }
0xf: {  	s14 =	sor.u32 $0x400, s6;
	s24 =	sadd.s32 s5, s22;
	[dreg:$0x7] =	wrdreg s26  }
0x10: {  	s23 =	simm.s32 $0x6880;
	s29 =	sadd.s32 $0x10, s24;
	[dreg:$0x5] =	wrdreg s24  }
0x11: {  	s22 =	simm.s32 $0x6E80;
	s30 =	sadd.s32 $0x20, s24;
	[dreg:$0xa] =	wrdreg s29  }
0x12: {  	s31 =	sadd.s32 $0x30, s24;
	s26 =	simm.s32 $0x1;
	[dreg:$0xb] =	wrdreg s30  }
0x13: {  	s25 =	simm.s32 $0x6980;
	s24 =	simm.s32 $0x6F80;
	[dreg:$0xc] =	wrdreg s31  }
.LBB2_1:
0x14: {  	[dreg:$0xd] =	wrdreg s1  }
0x15: {  	s0 =	rddreg [dreg:$0x3]  }
0x16: {  	[tilespmem:s3], [sflag:$0x3] =	stream.linear.gather [hbm4b:s0+s3], $0x2800, $0x38;
	[tilespmem:$0x7080] =	vst v63  }
0x17: {  	_ =	swait.ge [sflag:s17], $0x2800  }
0x18: {  	[sflag:s17] =	ssyncset.done $0x0  }
0x19: {  	[sflag:s17] =	ssyncadd.s32 $0xFFFFD800  }
0x1a: {  	s1 =	rddreg [dreg:$0x1]  }
0x1b: {  	[tilespmem:s18], [sflag:$0x3] =	stream.linear.gather [hbm4b:s1+s3], $0x2800, $0x38;
	[tilespmem:$0x7080] =	vst v63  }
0x1c: {  	_ =	swait.ge [sflag:s17], $0x2800  }
0x1d: {  	[sflag:s17] =	ssyncset.done $0x0  }
0x1e: {  	s15 =	simm.s32 $0x7000;
	s2 =	rddreg [dreg:$0x4];
	[sflag:s17] =	ssyncadd.s32 $0xFFFFD800  }
0x1f: {  	[tilespmem:s15], [sflag:$0x3] =	stream.linear.gather [hbm4b:s2+s3], $0x80, $0x38;
	[tilespmem:$0x7080] =	vst v63  }
0x20: {  	_ =	swait.ge [sflag:s17], $0x80  }
0x21: {  	[sflag:s17] =	ssyncset.done $0x0  }
0x22: {  	s28 =	simm.s32 $0x5000;
	s1 =	rddreg [dreg:$0x5];
	[sflag:s17] =	ssyncadd.s32 $0xFFFFFF80  }
0x23: {  	v0 =	vld [tilespmem:$0x7000];
	[tilespmem:s28], [sflag:$0x1] =	stream.linear.gather [hbm4b:s1+s3], $0x80, $0x38  }
0x24: {  	s2 =	simm.s32 $0x5100;
	s29 =	rddreg [dreg:$0xa]  }
0x25: {  	[tilespmem:s2], [sflag:$0x1] =	stream.linear.gather [hbm4b:s29+s3], $0x80, $0x38;
	[tilespmem:$0x7080] =	vst v63  }
0x26: {  	s31 =	simm.s32 $0x5200;
	s30 =	rddreg [dreg:$0xb]  }
0x27: {  	[tilespmem:s31], [sflag:$0x1] =	stream.linear.gather [hbm4b:s30+s3], $0x80, $0x38;
	[tilespmem:$0x7080] =	vst v63  }
0x28: {  	s15 =	simm.s32 $0x5300;
	s2 =	rddreg [dreg:$0xc]  }
0x29: {  	[tilespmem:s15], [sflag:$0x1] =	stream.linear.gather [hbm4b:s2+s3], $0x80, $0x38;
	[tilespmem:$0x7080] =	vst v63  }
0x2a: {  	s28 =	sadd.s32 $0x40, s1;
	s29 =	simm.s32 $0x5400  }
0x2b: {  	[tilespmem:s29], [sflag:$0x1] =	stream.linear.gather [hbm4b:s28+s3], $0x80, $0x38;
	[tilespmem:$0x7080] =	vst v63  }
0x2c: {  	s30 =	sadd.s32 $0x50, s1;
	s31 =	simm.s32 $0x5500  }
0x2d: {  	[tilespmem:s31], [sflag:$0x1] =	stream.linear.gather [hbm4b:s30+s3], $0x80, $0x38;
	[tilespmem:$0x7080] =	vst v63  }
0x2e: {  	s15 =	sadd.s32 $0x60, s1;
	s28 =	simm.s32 $0x5600  }
0x2f: {  	[tilespmem:s28], [sflag:$0x1] =	stream.linear.gather [hbm4b:s15+s3], $0x80, $0x38;
	[tilespmem:$0x7080] =	vst v63  }
0x30: {  	s29 =	sadd.s32 $0x70, s1;
	s30 =	simm.s32 $0x5700  }
0x31: {  	[tilespmem:s30], [sflag:$0x1] =	stream.linear.gather [hbm4b:s29+s3], $0x80, $0x38;
	[tilespmem:$0x7080] =	vst v63  }
0x32: {  	s1 =	rddreg [dreg:$0x6];
	s31 =	simm.s32 $0x5800  }
0x33: {  	[tilespmem:s31], [sflag:$0x1] =	stream.linear.gather [hbm4b:s1+s3], $0x80, $0x38;
	[tilespmem:$0x7080] =	vst v63  }
0x34: {  	s2 =	sadd.s32 $0x10, s1;
	s15 =	simm.s32 $0x5900  }
0x35: {  	[tilespmem:s15], [sflag:$0x1] =	stream.linear.gather [hbm4b:s2+s3], $0x80, $0x38;
	[tilespmem:$0x7080] =	vst v63  }
0x36: {  	s28 =	sadd.s32 $0x20, s1;
	s29 =	simm.s32 $0x5A00  }
0x37: {  	[tilespmem:s29], [sflag:$0x1] =	stream.linear.gather [hbm4b:s28+s3], $0x80, $0x38;
	[tilespmem:$0x7080] =	vst v63  }
0x38: {  	s30 =	sadd.s32 $0x30, s1;
	s31 =	simm.s32 $0x5B00  }
0x39: {  	[tilespmem:s31], [sflag:$0x1] =	stream.linear.gather [hbm4b:s30+s3], $0x80, $0x38;
	[tilespmem:$0x7080] =	vst v63  }
0x3a: {  	s2 =	sadd.s32 $0x40, s1;
	s15 =	simm.s32 $0x5C00  }
0x3b: {  	[tilespmem:s15], [sflag:$0x1] =	stream.linear.gather [hbm4b:s2+s3], $0x80, $0x38;
	[tilespmem:$0x7080] =	vst v63  }
0x3c: {  	s28 =	sadd.s32 $0x50, s1;
	s29 =	simm.s32 $0x5D00  }
0x3d: {  	[tilespmem:s29], [sflag:$0x1] =	stream.linear.gather [hbm4b:s28+s3], $0x80, $0x38;
	[tilespmem:$0x7080] =	vst v63  }
0x3e: {  	s30 =	sadd.s32 $0x60, s1;
	s31 =	simm.s32 $0x5E00  }
0x3f: {  	[tilespmem:s31], [sflag:$0x1] =	stream.linear.gather [hbm4b:s30+s3], $0x80, $0x38;
	[tilespmem:$0x7080] =	vst v63  }
0x40: {  	s15 =	sadd.s32 $0x70, s1;
	s28 =	simm.s32 $0x5F00  }
0x41: {  	[tilespmem:s28], [sflag:$0x1] =	stream.linear.gather [hbm4b:s15+s3], $0x80, $0x38;
	[tilespmem:$0x7080] =	vst v63  }
0x42: {  	s1 =	rddreg [dreg:$0x7];
	s29 =	simm.s32 $0x6000  }
0x43: {  	[tilespmem:s29], [sflag:$0x1] =	stream.linear.gather [hbm4b:s1+s3], $0x80, $0x38;
	[tilespmem:$0x7080] =	vst v63  }
0x44: {  	s30 =	sadd.s32 $0x10, s1;
	s31 =	simm.s32 $0x6100  }
0x45: {  	[tilespmem:s31], [sflag:$0x1] =	stream.linear.gather [hbm4b:s30+s3], $0x80, $0x38;
	[tilespmem:$0x7080] =	vst v63  }
0x46: {  	s2 =	sadd.s32 $0x20, s1;
	s15 =	simm.s32 $0x6200  }
0x47: {  	[tilespmem:s15], [sflag:$0x1] =	stream.linear.gather [hbm4b:s2+s3], $0x80, $0x38;
	[tilespmem:$0x7080] =	vst v63  }
0x48: {  	s28 =	sadd.s32 $0x30, s1;
	s29 =	simm.s32 $0x6300  }
0x49: {  	[tilespmem:s29], [sflag:$0x1] =	stream.linear.gather [hbm4b:s28+s3], $0x80, $0x38;
	[tilespmem:$0x7080] =	vst v63  }
0x4a: {  	s30 =	sadd.s32 $0x40, s1;
	s31 =	simm.s32 $0x6400  }
0x4b: {  	[tilespmem:s31], [sflag:$0x1] =	stream.linear.gather [hbm4b:s30+s3], $0x80, $0x38;
	[tilespmem:$0x7080] =	vst v63  }
0x4c: {  	s2 =	sadd.s32 $0x50, s1;
	s15 =	simm.s32 $0x6500  }
0x4d: {  	[tilespmem:s15], [sflag:$0x1] =	stream.linear.gather [hbm4b:s2+s3], $0x80, $0x38;
	[tilespmem:$0x7080] =	vst v63  }
0x4e: {  	s28 =	sadd.s32 $0x60, s1;
	s29 =	simm.s32 $0x6600  }
0x4f: {  	[tilespmem:s29], [sflag:$0x1] =	stream.linear.gather [hbm4b:s28+s3], $0x80, $0x38;
	[tilespmem:$0x7080] =	vst v63  }
0x50: {  	s30 =	sadd.s32 $0x70, s1;
	s31 =	simm.s32 $0x6700;
	s15 =	simm.s32 $0x0  }
0x51: {  	[tilespmem:s31], [sflag:$0x1] =	stream.linear.gather [hbm4b:s30+s3], $0x80, $0x38;
	[tilespmem:$0x7080] =	vst v63  }
.LBB2_2:
0x52: {  	_ =	swait.ge [sflag:s26], $0x400  }
0x53: {  	[sflag:s26] =	ssyncset.done $0x0  }
0x54: {  	[sflag:s26] =	ssyncadd.s32 $0xFFFFFC00  }
0x55: {  	_ =	swait.ge [sflag:s26], $0x400  }
0x56: {  	[sflag:s26] =	ssyncset.done $0x0  }
0x57: {  	s29 =	sshll.u32 s15, $0xB;
	[sflag:s26] =	ssyncadd.s32 $0xFFFFFC00  }
0x58: {  	s0 =	sadd.s32 s29, s14;
	_ =	swait.ge [sflag:s26], $0x400  }
0x59: {  	s1 =	simm.s32 $0x0;
	s28 =	sshrl.u32 s0, $0x3;
	[sflag:s26] =	ssyncset.done $0x0  }
0x5a: {  	s2 =	simm.s32 $0x5080;
	s0 =	sadd.s32 s5, s28;
	[sflag:s26] =	ssyncadd.s32 $0xFFFFFC00  }
0x5b: {  	[tilespmem:s2], [sflag:$0x2] =	stream.linear.gather [hbm4b:s0+s1], $0x80, $0x38;
	[tilespmem:$0x7080] =	vst v63  }
0x5c: {  	s30 =	sadd.s32 $0x10, s0;
	s2 =	simm.s32 $0x5180  }
0x5d: {  	[tilespmem:s2], [sflag:$0x2] =	stream.linear.gather [hbm4b:s30+s1], $0x80, $0x38;
	[tilespmem:$0x7080] =	vst v63  }
0x5e: {  	s30 =	sadd.s32 $0x20, s0;
	s2 =	simm.s32 $0x5280  }
0x5f: {  	[tilespmem:s2], [sflag:$0x2] =	stream.linear.gather [hbm4b:s30+s1], $0x80, $0x38;
	[tilespmem:$0x7080] =	vst v63  }
0x60: {  	s30 =	sadd.s32 $0x30, s0;
	s2 =	simm.s32 $0x5380  }
0x61: {  	[tilespmem:s2], [sflag:$0x2] =	stream.linear.gather [hbm4b:s30+s1], $0x80, $0x38;
	[tilespmem:$0x7080] =	vst v63  }
0x62: {  	s30 =	sadd.s32 $0x40, s0;
	s2 =	simm.s32 $0x5480  }
0x63: {  	[tilespmem:s2], [sflag:$0x2] =	stream.linear.gather [hbm4b:s30+s1], $0x80, $0x38;
	[tilespmem:$0x7080] =	vst v63  }
0x64: {  	s30 =	sadd.s32 $0x50, s0;
	s2 =	simm.s32 $0x5580  }
0x65: {  	[tilespmem:s2], [sflag:$0x2] =	stream.linear.gather [hbm4b:s30+s1], $0x80, $0x38;
	[tilespmem:$0x7080] =	vst v63  }
0x66: {  	s30 =	sadd.s32 $0x60, s0;
	s2 =	simm.s32 $0x5680  }
0x67: {  	[tilespmem:s2], [sflag:$0x2] =	stream.linear.gather [hbm4b:s30+s1], $0x80, $0x38;
	[tilespmem:$0x7080] =	vst v63  }
0x68: {  	s0 =	sadd.s32 $0x70, s0;
	s2 =	simm.s32 $0x5780  }
0x69: {  	[tilespmem:s2], [sflag:$0x2] =	stream.linear.gather [hbm4b:s0+s1], $0x80, $0x38;
	[tilespmem:$0x7080] =	vst v63  }
0x6a: {  	s0 =	sadd.s32 s7, s28;
	s2 =	simm.s32 $0x5880  }
0x6b: {  	[tilespmem:s2], [sflag:$0x2] =	stream.linear.gather [hbm4b:s0+s1], $0x80, $0x38;
	[tilespmem:$0x7080] =	vst v63  }
0x6c: {  	s30 =	sadd.s32 $0x10, s0;
	s2 =	simm.s32 $0x5980  }
0x6d: {  	[tilespmem:s2], [sflag:$0x2] =	stream.linear.gather [hbm4b:s30+s1], $0x80, $0x38;
	[tilespmem:$0x7080] =	vst v63  }
0x6e: {  	s30 =	sadd.s32 $0x20, s0;
	s2 =	simm.s32 $0x5A80  }
0x6f: {  	[tilespmem:s2], [sflag:$0x2] =	stream.linear.gather [hbm4b:s30+s1], $0x80, $0x38;
	[tilespmem:$0x7080] =	vst v63  }
0x70: {  	s30 =	sadd.s32 $0x30, s0;
	s2 =	simm.s32 $0x5B80  }
0x71: {  	[tilespmem:s2], [sflag:$0x2] =	stream.linear.gather [hbm4b:s30+s1], $0x80, $0x38;
	[tilespmem:$0x7080] =	vst v63  }
0x72: {  	s30 =	sadd.s32 $0x40, s0;
	s2 =	simm.s32 $0x5C80  }
0x73: {  	[tilespmem:s2], [sflag:$0x2] =	stream.linear.gather [hbm4b:s30+s1], $0x80, $0x38;
	[tilespmem:$0x7080] =	vst v63  }
0x74: {  	s30 =	sadd.s32 $0x50, s0;
	s2 =	simm.s32 $0x5D80  }
0x75: {  	[tilespmem:s2], [sflag:$0x2] =	stream.linear.gather [hbm4b:s30+s1], $0x80, $0x38;
	[tilespmem:$0x7080] =	vst v63  }
0x76: {  	s30 =	sadd.s32 $0x60, s0;
	s2 =	simm.s32 $0x5E80  }
0x77: {  	[tilespmem:s2], [sflag:$0x2] =	stream.linear.gather [hbm4b:s30+s1], $0x80, $0x38;
	[tilespmem:$0x7080] =	vst v63  }
0x78: {  	s0 =	sadd.s32 $0x70, s0;
	s2 =	simm.s32 $0x5F80  }
0x79: {  	[tilespmem:s2], [sflag:$0x2] =	stream.linear.gather [hbm4b:s0+s1], $0x80, $0x38;
	[tilespmem:$0x7080] =	vst v63  }
0x7a: {  	s0 =	sadd.s32 s8, s28;
	s2 =	simm.s32 $0x6080  }
0x7b: {  	[tilespmem:s2], [sflag:$0x2] =	stream.linear.gather [hbm4b:s0+s1], $0x80, $0x38;
	[tilespmem:$0x7080] =	vst v63  }
0x7c: {  	s30 =	sadd.s32 $0x10, s0;
	s2 =	simm.s32 $0x6180  }
0x7d: {  	[tilespmem:s2], [sflag:$0x2] =	stream.linear.gather [hbm4b:s30+s1], $0x80, $0x38;
	[tilespmem:$0x7080] =	vst v63  }
0x7e: {  	s30 =	sadd.s32 $0x20, s0;
	s2 =	simm.s32 $0x6280  }
0x7f: {  	[tilespmem:s2], [sflag:$0x2] =	stream.linear.gather [hbm4b:s30+s1], $0x80, $0x38;
	[tilespmem:$0x7080] =	vst v63  }
0x80: {  	s30 =	sadd.s32 $0x30, s0;
	s2 =	simm.s32 $0x6380  }
0x81: {  	[tilespmem:s2], [sflag:$0x2] =	stream.linear.gather [hbm4b:s30+s1], $0x80, $0x38;
	[tilespmem:$0x7080] =	vst v63  }
0x82: {  	s30 =	sadd.s32 $0x40, s0;
	s2 =	simm.s32 $0x6480  }
0x83: {  	[tilespmem:s2], [sflag:$0x2] =	stream.linear.gather [hbm4b:s30+s1], $0x80, $0x38;
	[tilespmem:$0x7080] =	vst v63  }
0x84: {  	s30 =	sadd.s32 $0x50, s0;
	s2 =	simm.s32 $0x6580  }
0x85: {  	[tilespmem:s2], [sflag:$0x2] =	stream.linear.gather [hbm4b:s30+s1], $0x80, $0x38;
	[tilespmem:$0x7080] =	vst v63  }
0x86: {  	s30 =	sadd.s32 $0x60, s0;
	s2 =	simm.s32 $0x6680  }
0x87: {  	[tilespmem:s2], [sflag:$0x2] =	stream.linear.gather [hbm4b:s30+s1], $0x80, $0x38;
	[tilespmem:$0x7080] =	vst v63  }
0x88: {  	s0 =	sadd.s32 $0x70, s0;
	s2 =	simm.s32 $0x6780  }
0x89: {  	[tilespmem:s2], [sflag:$0x2] =	stream.linear.gather [hbm4b:s0+s1], $0x80, $0x38;
	[tilespmem:$0x7080] =	vst v63  }
0x8a: {  	s2 =	sand.u32 $0x70, s1;
	s1 =	sand.u32 $0x700, s1  }
0x8b: {  	s30 =	sor.u32 s2, s1  }
0x8c: {  	v1 =	vld [tilespmem:s30+$0x5800]  }
0x8d: {  	v2 =	vld [tilespmem:s30+$0x5000];
	_ =	sdelay $0x6  }
0x8e: {  	v1 =	vld.idx.msk [tilespmem:v1+s18+$0x0], $0xffff  }
0x8f: {  	v2 =	vld.idx.msk [tilespmem:v2+s3+$0x0], $0xffff;
	_ =	sdelay $0x1  }
0x90: {  	v3 =	vld [tilespmem:s30+$0x6000];
	_ =	sdelay $0x2  }
0x91: {  	v1 =	vadd.f32 v1, v2;
	_ =	sdelay $0x1  }
0x92: {  	v1 =	vmul.f32 v1, v3;
	_ =	sdelay $0x1  }
0x93: {  	v1 =	vadd.f32 v1, v0;
	_ =	sdelay $0x1  }
0x94: {  	v1 =	vsub.f32 $0.0e+00, v1;
	_ =	sdelay $0x1  }
0x95: {  	v1 =	vmul.f32 $1.442695020e+00, v1;
	_ =	sdelay $0x1  }
0x96: {  	(erf) = vpow2.f32 v1;
	_ =	sdelay $0x8  }
0x97: {  	v1 =	vpop (erf)  }
0x98: {  	v1 =	vadd.f32 $1.000000000e+00, v1;
	_ =	sdelay $0x1  }
0x99: {  	s31 =	simm.s32 $0x20;
	s1 =	simm.s32 $0x10;
	(erf) = vrcp.f32 v1  }
0x9a: {  	s2 =	sand.u32 $0x700, s31;
	s0 =	sand.u32 $0x70, s1  }
0x9b: {  	s1 =	sor.u32 s0, s2;
	s0 =	simm.s32 $0x20  }
.LBB2_3:
0x9c: {  	p0 =	sne.s32 s0, $0x3F0;
	v1 =	vld [tilespmem:s1+$0x5800]  }
0x9d: {  	v2 =	vld [tilespmem:s1+$0x5000];
	_ =	sdelay $0x4  }
0x9e: {  	v3 =	vpop (erf)  }
0x9f: {  	[tilespmem:s30+$0x6800] =	vst v3;
	s30 =	smov.u32 s1  }
0xa0: {  	v1 =	vld.idx.msk [tilespmem:v1+s18+$0x0], $0xffff  }
0xa1: {  	v2 =	vld.idx.msk [tilespmem:v2+s3+$0x0], $0xffff;
	_ =	sdelay $0x2  }
0xa2: {  	v3 =	vld [tilespmem:s30+$0x6000];
	_ =	sdelay $0x2  }
0xa3: {  	v1 =	vadd.f32 v1, v2;
	_ =	sdelay $0x1  }
0xa4: {  	v1 =	vmul.f32 v1, v3;
	_ =	sdelay $0x1  }
0xa5: {  	v1 =	vadd.f32 v1, v0;
	_ =	sdelay $0x1  }
0xa6: {  	v1 =	vsub.f32 $0.0e+00, v1;
	_ =	sdelay $0x1  }
0xa7: {  	v1 =	vmul.f32 $1.442695020e+00, v1;
	_ =	sdelay $0x1  }
0xa8: {  	(erf) = vpow2.f32 v1;
	_ =	sdelay $0x8  }
0xa9: {  	v1 =	vpop (erf)  }
.Ltmp0:
0xaa: {  	v1 =	vadd.f32 $1.000000000e+00, v1;
	(pc) =	sbr.rel @p0 .LBB2_3-.Ltmp0, $4  }
0xab: {  	_ = 	snop  }
0xac: {  	s31 =	sadd.s32 $0x20, s31;
	(erf) = vrcp.f32 v1  }
0xad: {  	s2 =	sand.u32 $0x700, s31;
	s1 =	sand.u32 $0x70, s0  }
0xae: {  	s0 =	sadd.s32 $0x10, s0;
	s1 =	sor.u32 s1, s2  }
0xaf: {  	v1 =	vld [tilespmem:s1+$0x5800]  }
0xb0: {  	v2 =	vld [tilespmem:s1+$0x5000];
	_ =	sdelay $0x4  }
0xb1: {  	v3 =	vpop (erf)  }
0xb2: {  	[tilespmem:s30+$0x6800] =	vst v3  }
0xb3: {  	v1 =	vld.idx.msk [tilespmem:v1+s18+$0x0], $0xffff  }
0xb4: {  	v2 =	vld.idx.msk [tilespmem:v2+s3+$0x0], $0xffff;
	_ =	sdelay $0x1  }
0xb5: {  	v3 =	vld [tilespmem:s1+$0x6000];
	_ =	sdelay $0x2  }
0xb6: {  	v1 =	vadd.f32 v1, v2;
	_ =	sdelay $0x1  }
0xb7: {  	v1 =	vmul.f32 v1, v3;
	_ =	sdelay $0x1  }
0xb8: {  	v1 =	vadd.f32 v1, v0;
	_ =	sdelay $0x1  }
0xb9: {  	v1 =	vsub.f32 $0.0e+00, v1;
	_ =	sdelay $0x1  }
0xba: {  	v1 =	vmul.f32 $1.442695020e+00, v1;
	_ =	sdelay $0x1  }
0xbb: {  	(erf) = vpow2.f32 v1;
	_ =	sdelay $0x8  }
0xbc: {  	v1 =	vpop (erf)  }
0xbd: {  	v1 =	vadd.f32 $1.000000000e+00, v1;
	_ =	sdelay $0x1  }
0xbe: {  	(erf) = vrcp.f32 v1;
	_ =	sdelay $0x7  }
0xbf: {  	s0 =	sadd.s32 s6, s29  }
0xc0: {  	s0 =	sshrl.u32 s0, $0x3;
	v1 =	vpop (erf)  }
0xc1: {  	s0 =	sadd.s32 s10, s0;
	s30 =	simm.s32 $0x6800;
	[tilespmem:s1+$0x6800] =	vst v1  }
0xc2: {  	[hbm4b:s0+s3] =	stream.linear.scatter [tilespmem:s30], [sflag:$0x3], $0x80, $0x38;
	[tilespmem:$0x7080] =	vst v63  }
0xc3: {  	s2 =	simm.s32 $0x6900;
	s31 =	sadd.s32 $0x10, s0  }
0xc4: {  	[hbm4b:s31+s3] =	stream.linear.scatter [tilespmem:s2], [sflag:$0x3], $0x80, $0x38;
	[tilespmem:$0x7080] =	vst v63  }
0xc5: {  	s30 =	sadd.s32 $0x20, s0;
	s31 =	simm.s32 $0x6A00  }
0xc6: {  	[hbm4b:s30+s3] =	stream.linear.scatter [tilespmem:s31], [sflag:$0x3], $0x80, $0x38;
	[tilespmem:$0x7080] =	vst v63  }
0xc7: {  	s30 =	sadd.s32 $0x30, s0;
	s31 =	simm.s32 $0x6B00  }
0xc8: {  	[hbm4b:s30+s3] =	stream.linear.scatter [tilespmem:s31], [sflag:$0x3], $0x80, $0x38;
	[tilespmem:$0x7080] =	vst v63  }
0xc9: {  	s2 =	sadd.s32 $0x40, s0  }
0xca: {  	[hbm4b:s2+s3] =	stream.linear.scatter [tilespmem:s19], [sflag:$0x3], $0x80, $0x38;
	[tilespmem:$0x7080] =	vst v63  }
0xcb: {  	s30 =	sadd.s32 $0x50, s0  }
0xcc: {  	[hbm4b:s30+s3] =	stream.linear.scatter [tilespmem:s4], [sflag:$0x3], $0x80, $0x38;
	[tilespmem:$0x7080] =	vst v63  }
0xcd: {  	s31 =	sadd.s32 $0x60, s0  }
0xce: {  	[hbm4b:s31+s3] =	stream.linear.scatter [tilespmem:s9], [sflag:$0x3], $0x80, $0x38;
	[tilespmem:$0x7080] =	vst v63  }
0xcf: {  	s0 =	sadd.s32 $0x70, s0  }
0xd0: {  	[hbm4b:s0+s3] =	stream.linear.scatter [tilespmem:s16], [sflag:$0x3], $0x80, $0x38;
	[tilespmem:$0x7080] =	vst v63  }
0xd1: {  	_ =	swait.ge [sflag:s17], $0x400  }
0xd2: {  	[sflag:s17] =	ssyncset.done $0x0  }
0xd3: {  	[sflag:s17] =	ssyncadd.s32 $0xFFFFFC00  }
0xd4: {  	_ =	swait.ge [sflag:s21], $0x400  }
0xd5: {  	[sflag:s21] =	ssyncset.done $0x0  }
0xd6: {  	[sflag:s21] =	ssyncadd.s32 $0xFFFFFC00  }
0xd7: {  	p0 =	seq.s32 s15, $0xA;
	_ =	swait.ge [sflag:s21], $0x400  }
.Ltmp1:
0xd8: {  	[sflag:s21] =	ssyncset.done $0x0;
	(pc) =	sbr.rel @p0 .LBB2_6-.Ltmp1, $4  }
0xd9: {  	[sflag:s21] =	ssyncadd.s32 $0xFFFFFC00  }
0xda: {  	_ =	swait.ge [sflag:s21], $0x400  }
0xdb: {  	[sflag:s21] =	ssyncset.done $0x0  }
0xdc: {  	[sflag:s21] =	ssyncadd.s32 $0xFFFFFC00  }
0xdd: {  	s0 =	rddreg [dreg:$0x8]  }
0xde: {  	s0 =	sadd.s32 s29, s0  }
0xdf: {  	s0 =	sshrl.u32 s0, $0x3  }
0xe0: {  	s2 =	simm.s32 $0x5000;
	s1 =	sadd.s32 s5, s0  }
0xe1: {  	[tilespmem:s2], [sflag:$0x1] =	stream.linear.gather [hbm4b:s1+s3], $0x80, $0x38;
	[tilespmem:$0x7080] =	vst v63  }
0xe2: {  	s31 =	simm.s32 $0x5100;
	s30 =	sadd.s32 $0x10, s1  }
0xe3: {  	[tilespmem:s31], [sflag:$0x1] =	stream.linear.gather [hbm4b:s30+s3], $0x80, $0x38;
	[tilespmem:$0x7080] =	vst v63  }
0xe4: {  	s30 =	sadd.s32 $0x20, s1;
	s31 =	simm.s32 $0x5200  }
0xe5: {  	[tilespmem:s31], [sflag:$0x1] =	stream.linear.gather [hbm4b:s30+s3], $0x80, $0x38;
	[tilespmem:$0x7080] =	vst v63  }
0xe6: {  	s30 =	sadd.s32 $0x30, s1;
	s31 =	simm.s32 $0x5300  }
0xe7: {  	[tilespmem:s31], [sflag:$0x1] =	stream.linear.gather [hbm4b:s30+s3], $0x80, $0x38;
	[tilespmem:$0x7080] =	vst v63  }
0xe8: {  	s30 =	sadd.s32 $0x40, s1;
	s31 =	simm.s32 $0x5400  }
0xe9: {  	[tilespmem:s31], [sflag:$0x1] =	stream.linear.gather [hbm4b:s30+s3], $0x80, $0x38;
	[tilespmem:$0x7080] =	vst v63  }
0xea: {  	s30 =	sadd.s32 $0x50, s1;
	s31 =	simm.s32 $0x5500  }
0xeb: {  	[tilespmem:s31], [sflag:$0x1] =	stream.linear.gather [hbm4b:s30+s3], $0x80, $0x38;
	[tilespmem:$0x7080] =	vst v63  }
0xec: {  	s30 =	sadd.s32 $0x60, s1;
	s31 =	simm.s32 $0x5600  }
0xed: {  	[tilespmem:s31], [sflag:$0x1] =	stream.linear.gather [hbm4b:s30+s3], $0x80, $0x38;
	[tilespmem:$0x7080] =	vst v63  }
0xee: {  	s29 =	simm.s32 $0x5700;
	s1 =	sadd.s32 $0x70, s1  }
0xef: {  	[tilespmem:s29], [sflag:$0x1] =	stream.linear.gather [hbm4b:s1+s3], $0x80, $0x38;
	[tilespmem:$0x7080] =	vst v63  }
0xf0: {  	s30 =	simm.s32 $0x5800;
	s1 =	sadd.s32 s7, s0  }
0xf1: {  	[tilespmem:s30], [sflag:$0x1] =	stream.linear.gather [hbm4b:s1+s3], $0x80, $0x38;
	[tilespmem:$0x7080] =	vst v63  }
0xf2: {  	s31 =	sadd.s32 $0x10, s1;
	s30 =	simm.s32 $0x5900  }
0xf3: {  	[tilespmem:s30], [sflag:$0x1] =	stream.linear.gather [hbm4b:s31+s3], $0x80, $0x38;
	[tilespmem:$0x7080] =	vst v63  }
0xf4: {  	s31 =	sadd.s32 $0x20, s1;
	s30 =	simm.s32 $0x5A00  }
0xf5: {  	[tilespmem:s30], [sflag:$0x1] =	stream.linear.gather [hbm4b:s31+s3], $0x80, $0x38;
	[tilespmem:$0x7080] =	vst v63  }
0xf6: {  	s31 =	sadd.s32 $0x30, s1;
	s30 =	simm.s32 $0x5B00  }
0xf7: {  	[tilespmem:s30], [sflag:$0x1] =	stream.linear.gather [hbm4b:s31+s3], $0x80, $0x38;
	[tilespmem:$0x7080] =	vst v63  }
0xf8: {  	s31 =	sadd.s32 $0x40, s1;
	s30 =	simm.s32 $0x5C00  }
0xf9: {  	[tilespmem:s30], [sflag:$0x1] =	stream.linear.gather [hbm4b:s31+s3], $0x80, $0x38;
	[tilespmem:$0x7080] =	vst v63  }
0xfa: {  	s31 =	sadd.s32 $0x50, s1;
	s30 =	simm.s32 $0x5D00  }
0xfb: {  	[tilespmem:s30], [sflag:$0x1] =	stream.linear.gather [hbm4b:s31+s3], $0x80, $0x38;
	[tilespmem:$0x7080] =	vst v63  }
0xfc: {  	s31 =	sadd.s32 $0x60, s1;
	s30 =	simm.s32 $0x5E00  }
0xfd: {  	[tilespmem:s30], [sflag:$0x1] =	stream.linear.gather [hbm4b:s31+s3], $0x80, $0x38;
	[tilespmem:$0x7080] =	vst v63  }
0xfe: {  	s1 =	sadd.s32 $0x70, s1;
	s31 =	simm.s32 $0x5F00  }
0xff: {  	[tilespmem:s31], [sflag:$0x1] =	stream.linear.gather [hbm4b:s1+s3], $0x80, $0x38;
	[tilespmem:$0x7080] =	vst v63  }
0x100: {  	s0 =	sadd.s32 s8, s0;
	s29 =	simm.s32 $0x6000  }
0x101: {  	[tilespmem:s29], [sflag:$0x1] =	stream.linear.gather [hbm4b:s0+s3], $0x80, $0x38;
	[tilespmem:$0x7080] =	vst v63  }
0x102: {  	s30 =	sadd.s32 $0x10, s0;
	s31 =	simm.s32 $0x6100  }
0x103: {  	[tilespmem:s31], [sflag:$0x1] =	stream.linear.gather [hbm4b:s30+s3], $0x80, $0x38;
	[tilespmem:$0x7080] =	vst v63  }
0x104: {  	s2 =	sadd.s32 $0x20, s0;
	s29 =	simm.s32 $0x6200  }
0x105: {  	[tilespmem:s29], [sflag:$0x1] =	stream.linear.gather [hbm4b:s2+s3], $0x80, $0x38;
	[tilespmem:$0x7080] =	vst v63  }
0x106: {  	s30 =	sadd.s32 $0x30, s0;
	s31 =	simm.s32 $0x6300  }
0x107: {  	[tilespmem:s31], [sflag:$0x1] =	stream.linear.gather [hbm4b:s30+s3], $0x80, $0x38;
	[tilespmem:$0x7080] =	vst v63  }
0x108: {  	s2 =	sadd.s32 $0x40, s0;
	s29 =	simm.s32 $0x6400  }
0x109: {  	[tilespmem:s29], [sflag:$0x1] =	stream.linear.gather [hbm4b:s2+s3], $0x80, $0x38;
	[tilespmem:$0x7080] =	vst v63  }
0x10a: {  	s30 =	sadd.s32 $0x50, s0;
	s31 =	simm.s32 $0x6500  }
0x10b: {  	[tilespmem:s31], [sflag:$0x1] =	stream.linear.gather [hbm4b:s30+s3], $0x80, $0x38;
	[tilespmem:$0x7080] =	vst v63  }
0x10c: {  	s29 =	sadd.s32 $0x60, s0;
	s30 =	simm.s32 $0x6600  }
0x10d: {  	[tilespmem:s30], [sflag:$0x1] =	stream.linear.gather [hbm4b:s29+s3], $0x80, $0x38;
	[tilespmem:$0x7080] =	vst v63  }
0x10e: {  	s0 =	sadd.s32 $0x70, s0;
	s31 =	simm.s32 $0x6700  }
0x10f: {  	[tilespmem:s31], [sflag:$0x1] =	stream.linear.gather [hbm4b:s0+s3], $0x80, $0x38;
	[tilespmem:$0x7080] =	vst v63  }
.LBB2_6:
0x110: {  	s0 =	simm.s32 $0x0  }
0x111: {  	s1 =	sand.u32 $0x70, s0;
	s0 =	sand.u32 $0x700, s0  }
0x112: {  	s29 =	sor.u32 s0, s1  }
0x113: {  	v1 =	vld [tilespmem:s29+$0x5880]  }
0x114: {  	v2 =	vld [tilespmem:s29+$0x5080];
	_ =	sdelay $0x6  }
0x115: {  	v1 =	vld.idx.msk [tilespmem:v1+s18+$0x0], $0xffff  }
0x116: {  	v2 =	vld.idx.msk [tilespmem:v2+s3+$0x0], $0xffff;
	_ =	sdelay $0x1  }
0x117: {  	v3 =	vld [tilespmem:s29+$0x6080];
	_ =	sdelay $0x2  }
0x118: {  	v1 =	vadd.f32 v1, v2;
	_ =	sdelay $0x1  }
0x119: {  	v1 =	vmul.f32 v1, v3;
	_ =	sdelay $0x1  }
0x11a: {  	v1 =	vadd.f32 v1, v0;
	_ =	sdelay $0x1  }
0x11b: {  	v1 =	vsub.f32 $0.0e+00, v1;
	_ =	sdelay $0x1  }
0x11c: {  	v1 =	vmul.f32 $1.442695020e+00, v1;
	_ =	sdelay $0x1  }
0x11d: {  	(erf) = vpow2.f32 v1;
	_ =	sdelay $0x8  }
0x11e: {  	v1 =	vpop (erf)  }
0x11f: {  	v1 =	vadd.f32 $1.000000000e+00, v1;
	_ =	sdelay $0x1  }
0x120: {  	s2 =	simm.s32 $0x10;
	s30 =	simm.s32 $0x20;
	(erf) = vrcp.f32 v1  }
0x121: {  	s31 =	sand.u32 $0x700, s30;
	s0 =	sand.u32 $0x70, s2  }
0x122: {  	s1 =	sor.u32 s31, s0;
	s0 =	simm.s32 $0x20  }
.LBB2_7:
0x123: {  	p0 =	sne.s32 s0, $0x3F0;
	v1 =	vld [tilespmem:s1+$0x5880]  }
0x124: {  	v2 =	vld [tilespmem:s1+$0x5080];
	_ =	sdelay $0x4  }
0x125: {  	v3 =	vpop (erf)  }
0x126: {  	[tilespmem:s29+$0x6880] =	vst v3;
	s29 =	smov.u32 s1  }
0x127: {  	v1 =	vld.idx.msk [tilespmem:v1+s18+$0x0], $0xffff  }
0x128: {  	v2 =	vld.idx.msk [tilespmem:v2+s3+$0x0], $0xffff;
	_ =	sdelay $0x2  }
0x129: {  	v3 =	vld [tilespmem:s29+$0x6080];
	_ =	sdelay $0x2  }
0x12a: {  	v1 =	vadd.f32 v1, v2;
	_ =	sdelay $0x1  }
0x12b: {  	v1 =	vmul.f32 v1, v3;
	_ =	sdelay $0x1  }
0x12c: {  	v1 =	vadd.f32 v1, v0;
	_ =	sdelay $0x1  }
0x12d: {  	v1 =	vsub.f32 $0.0e+00, v1;
	_ =	sdelay $0x1  }
0x12e: {  	v1 =	vmul.f32 $1.442695020e+00, v1;
	_ =	sdelay $0x1  }
0x12f: {  	(erf) = vpow2.f32 v1;
	_ =	sdelay $0x8  }
0x130: {  	v1 =	vpop (erf)  }
.Ltmp2:
0x131: {  	v1 =	vadd.f32 $1.000000000e+00, v1;
	(pc) =	sbr.rel @p0 .LBB2_7-.Ltmp2, $4  }
0x132: {  	_ = 	snop  }
0x133: {  	s30 =	sadd.s32 $0x20, s30;
	(erf) = vrcp.f32 v1  }
0x134: {  	s2 =	sand.u32 $0x700, s30;
	s1 =	sand.u32 $0x70, s0  }
0x135: {  	s0 =	sadd.s32 $0x10, s0;
	s1 =	sor.u32 s2, s1  }
0x136: {  	v1 =	vld [tilespmem:s1+$0x5880]  }
0x137: {  	v2 =	vld [tilespmem:s1+$0x5080];
	_ =	sdelay $0x4  }
0x138: {  	v3 =	vpop (erf)  }
0x139: {  	[tilespmem:s29+$0x6880] =	vst v3  }
0x13a: {  	v1 =	vld.idx.msk [tilespmem:v1+s18+$0x0], $0xffff  }
0x13b: {  	v2 =	vld.idx.msk [tilespmem:v2+s3+$0x0], $0xffff;
	_ =	sdelay $0x1  }
0x13c: {  	v3 =	vld [tilespmem:s1+$0x6080];
	_ =	sdelay $0x2  }
0x13d: {  	v1 =	vadd.f32 v1, v2;
	_ =	sdelay $0x1  }
0x13e: {  	v1 =	vmul.f32 v1, v3;
	_ =	sdelay $0x1  }
0x13f: {  	v1 =	vadd.f32 v1, v0;
	_ =	sdelay $0x1  }
0x140: {  	v1 =	vsub.f32 $0.0e+00, v1;
	_ =	sdelay $0x1  }
0x141: {  	v1 =	vmul.f32 $1.442695020e+00, v1;
	_ =	sdelay $0x1  }
0x142: {  	(erf) = vpow2.f32 v1;
	_ =	sdelay $0x8  }
0x143: {  	v1 =	vpop (erf)  }
0x144: {  	v1 =	vadd.f32 $1.000000000e+00, v1;
	_ =	sdelay $0x1  }
0x145: {  	(erf) = vrcp.f32 v1;
	_ =	sdelay $0x8  }
0x146: {  	v1 =	vpop (erf)  }
0x147: {  	s0 =	sadd.s32 s10, s28;
	[tilespmem:s1+$0x6880] =	vst v1  }
0x148: {  	[hbm4b:s0+s3] =	stream.linear.scatter [tilespmem:s23], [sflag:$0x3], $0x80, $0x38;
	[tilespmem:$0x7080] =	vst v63  }
0x149: {  	s31 =	sadd.s32 $0x10, s0  }
0x14a: {  	[hbm4b:s31+s3] =	stream.linear.scatter [tilespmem:s25], [sflag:$0x3], $0x80, $0x38;
	[tilespmem:$0x7080] =	vst v63  }
0x14b: {  	s2 =	sadd.s32 $0x20, s0  }
0x14c: {  	[hbm4b:s2+s3] =	stream.linear.scatter [tilespmem:s11], [sflag:$0x3], $0x80, $0x38;
	[tilespmem:$0x7080] =	vst v63  }
0x14d: {  	s28 =	sadd.s32 $0x30, s0  }
0x14e: {  	[hbm4b:s28+s3] =	stream.linear.scatter [tilespmem:s12], [sflag:$0x3], $0x80, $0x38;
	[tilespmem:$0x7080] =	vst v63  }
0x14f: {  	s29 =	sadd.s32 $0x40, s0  }
0x150: {  	[hbm4b:s29+s3] =	stream.linear.scatter [tilespmem:s13], [sflag:$0x3], $0x80, $0x38;
	[tilespmem:$0x7080] =	vst v63  }
0x151: {  	s15 =	sadd.s32 $0x1, s15;
	s30 =	sadd.s32 $0x50, s0  }
0x152: {  	[hbm4b:s30+s3] =	stream.linear.scatter [tilespmem:s20], [sflag:$0x3], $0x80, $0x38;
	[tilespmem:$0x7080] =	vst v63  }
0x153: {  	p0 =	sne.s32 s15, $0xB;
	s31 =	sadd.s32 $0x60, s0  }
0x154: {  	[hbm4b:s31+s3] =	stream.linear.scatter [tilespmem:s22], [sflag:$0x3], $0x80, $0x38;
	[tilespmem:$0x7080] =	vst v63  }
.Ltmp3:
0x155: {  	s0 =	sadd.s32 $0x70, s0;
	(pc) =	sbr.rel @p0 .LBB2_2-.Ltmp3, $4  }
0x156: {  	[hbm4b:s0+s3] =	stream.linear.scatter [tilespmem:s24], [sflag:$0x3], $0x80, $0x38;
	[tilespmem:$0x7080] =	vst v63  }
0x157: {  	_ =	swait.ge [sflag:s17], $0x400  }
0x158: {  	[sflag:s17] =	ssyncset.done $0x0  }
0x159: {  	[sflag:s17] =	ssyncadd.s32 $0xFFFFFC00  }
0x15a: {  	s1 =	rddreg [dreg:$0xd]  }
0x15b: {  	s0 =	rddreg [dreg:$0x9];
	s1 =	sadd.s32 $0x1, s1  }
0x15c: {  	p0 =	sne.s32 s1, s0  }
.Ltmp4:
0x15d: {  	_ = 	snop;
	(pc) =	sbr.rel @p0 .LBB2_1-.Ltmp4, $1  }
0x15e: {  	_ =	sdelay $0x3  }
0x15f: {  	_ =	sfence.sel $0x180000  }
0x160: {  	[bflag:$0x0] =	sbarrier.arrive $0xFFFF  }
0x161: {  	_ =	strace $0x90000050  }
0x162: {  	s0 =	stileid.u32;
	[bflag:$0x2] =	sbarrier.arrive $0xFFFF  }
0x163: {  	p0 =	sne.s32 s0, $0x0;
	s0 =	rddreg [dreg:$0x2]  }
0x164: {  	s0 =	sadd.s32 @!p0 $0x100000, s0  }
0x165: {  	[sflag:s0] =	ssyncadd.tile.s32 @!p0 $0x1;
	_ =	shalt  }
.Lfunc_end2:
_tile_overlayer_lowered:
.L_overlay_start_2:
0x166: {  	(tag) =	ssettag $0x2  }
0x167: {  	s0 =	rddreg [dreg:$0x0];
	s2 =	stileid.u32  }
0x168: {  	s1 =	rddreg [dreg:$0x1];
	p0 =	sne.s32 s2, $0x0  }
0x169: {  	s3 =	rddreg [dreg:$0x2];
	[bflag:$0x3] =	sbarrier.arrive $0xFFFF;
	s2 =	simm.s32 @!p0 $0x1C03  }
0x16a: {  	[timem:s3], [sflag:s2] =	dma.local @!p0 [hbm:s0], s1  }
0x16b: {  	s0 =	simm.s32 @!p0 $0x3  }
0x16c: {  	_ =	swait.ge @!p0 [sflag:s0], s1  }
0x16d: {  	s1 =	ssub.s32 @!p0 $0x0, s1;
	[sflag:s0] =	ssyncset.done @!p0 $0x0  }
0x16e: {  	[sflag:s0] =	ssyncadd.s32 @!p0 s1  }
0x16f: {  	[bflag:$0x3] =	sbarrier.arrive $0xFFFF  }
0x170: {  	_ =	shalt  }

// kernel: kernel.9.cloned.1.call-start
scs
__scs_entry_jumppad:
0x0: {  	(pc) =	sbr.rel $0x88, $3  }
0x1: {  	(tag) =	ssettag $0x0;
	lr =	simm.s32 $0x1  }
0x2: {  	[smem:$0x3F91] =	sst lr;
	_ =	strace $0xD0000000  }
0x3: {  	_ = 	snop  }
0x4: {  	_ = 	snop  }
0x5: {  	_ = 	snop  }
0x6: {  	_ = 	snop  }
0x7: {  	_ = 	snop  }
__scs_overlays_trampoline_lowered:
0x8: {  	[smem:$0x3FA0] =	sst s0  }
0x9: {  	[smem:$0x3FA1] =	sst s1  }
0xa: {  	[smem:$0x3FA2] =	sst s2  }
0xb: {  	[smem:$0x3FA3] =	sst s3  }
0xc: {  	[smem:$0x3FA4] =	sst s4  }
0xd: {  	[smem:$0x3FA5] =	sst s5  }
0xe: {  	[smem:$0x3FA6] =	sst s6  }
0xf: {  	[smem:$0x3FA7] =	sst s7  }
0x10: {  	[smem:$0x3FA8] =	sst s8  }
0x11: {  	[smem:$0x3FA9] =	sst s9;
	s0 =	simm.s32 @!p0 $0x0  }
0x12: {  	s1 =	sld [smem:$0x3F8F];
	s0 =	simm.s32 @p0 $0x1  }
0x13: {  	[smem:$0x3FAA] =	sst s0;
	s0 =	simm.s32 @!p1 $0x0  }
0x14: {  	s2 =	sld [smem:$0x3F8E];
	s0 =	simm.s32 @p1 $0x1  }
0x15: {  	[smem:$0x3FAB] =	sst s0;
	s0 =	simm.s32 @!p2 $0x0  }
0x16: {  	s3 =	sld [smem:$0x3FDB];
	s0 =	simm.s32 @p2 $0x1  }
0x17: {  	s4 =	simm.s32 $0x1BF5;
	[smem:$0x3FAD] =	sst s0  }
0x18: {  	s0 =	sld [smem:$0x3F90];
	_ =	swait.ge [sflag:s4], $0x0  }
0x19: {  	s7 =	sld [smem:$0x3F91]  }
0x1a: {  	s8 =	sadd.s32 $0xFFFFE003, lr  }
0x1b: {  	s9 =	sadd.s32 $0xFFFFFEF7, lr;
	s5 =	simm.s32 $0xFFFFFFFF;
	p2 =	slt.u32 s8, $0xFFFFF086  }
0x1c: {  	p1 =	slt.u32 s9, $0xF7A;
	s5 =	simm.s32 @!p2 $0x0  }
0x1d: {  	s5 =	simm.s32 @p1 $0x1;
	p0 =	seq.s32 s7, s2  }
0x1e: {  	s7 =	smul.u32 @!p0 $0xF7A, s2;
	p2 =	seq.s32 @!p0 s5, $0x0  }
0x1f: {  	s9 =	smul.u32 $0xF7A, s1;
	s8 =	simm.s32 @!p0 $0x1BF5;
	p2 =	por !p2, p0  }
0x20: {  	[sflag:s8] =	ssyncset.s32 @!p0 $0xFFFFF086;
	s6 =	sadd.s32 @!p0 s3, s7;
	s7 =	simm.s32 @!p0 $0x108  }
0x21: {  	s3 =	sadd.s32 s3, s9;
	s6 =	sadd.s32 @!p0 $0x88, s6;
	s7 =	simm.s32 @p2 $0x1082  }
0x22: {  	[simem:s7], [sflag:s8] =	dma.local @!p0 [hbm:s6], $0xF7A  }
0x23: {  	s9 =	sor.u32 $0xD0000000, s2;
	s6 =	simm.s32 $0x108;
	_ =	swait.ge @!p0 [sflag:s8], $0x0  }
0x24: {  	s3 =	sadd.s32 $0x88, s3;
	s6 =	simm.s32 @!p1 $0x1082;
	[sflag:s4] =	ssyncset.s32 $0xFFFFF086  }
0x25: {  	[simem:s6], [sflag:s4] =	dma.local [hbm:s3], $0xF7A  }
0x26: {  	[smem:$0x3F91] =	sst s1;
	(tag) =	ssettag s2;
	_ =	strace s9  }
0x27: {  	s1 =	sld [smem:$0x3FA1]  }
0x28: {  	s2 =	sld [smem:$0x3FA2]  }
0x29: {  	s4 =	sld [smem:$0x3FA4]  }
0x2a: {  	p0 =	seq.s32 s5, $0x0;
	s5 =	sld [smem:$0x3FA5]  }
0x2b: {  	s6 =	sld [smem:$0x3FA6]  }
0x2c: {  	s7 =	sld [smem:$0x3FA7]  }
0x2d: {  	s3 =	simm.s32 $0x108;
	s8 =	sld [smem:$0x3FA8]  }
0x2e: {  	s3 =	simm.s32 @!p0 $0x1082;
	s9 =	sld [smem:$0x3FA9]  }
0x2f: {  	lr =	sadd.s32 s0, s3;
	s0 =	sld [smem:$0x3FA0]  }
0x30: {  	s3 =	sld [smem:$0x3FA3]  }
0x31: {  	[smem:$0x3FAC] =	sst s10  }
0x32: {  	s10 =	sld [smem:$0x3FAA];
	_ =	sdelay $0x3  }
0x33: {  	p0 =	seq.s32 s10, $0x1;
	s10 =	sld [smem:$0x3FAC];
	_ =	sdelay $0x3  }
0x34: {  	[smem:$0x3FAC] =	sst s10  }
0x35: {  	s10 =	sld [smem:$0x3FAB];
	_ =	sdelay $0x3  }
0x36: {  	p1 =	seq.s32 s10, $0x1;
	s10 =	sld [smem:$0x3FAC];
	_ =	sdelay $0x3  }
0x37: {  	[smem:$0x3FAC] =	sst s10  }
0x38: {  	s10 =	sld [smem:$0x3FAD]  }
0x39: {  	_ = 	snop;
	(pc) =	sbr.ind lr, $3  }
0x3a: {  	_ = 	snop  }
0x3b: {  	_ = 	snop  }
0x3c: {  	p2 =	seq.s32 s10, $0x1;
	s10 =	sld [smem:$0x3FAC]  }
0x3d: {  	_ =	shalt  }
0x3e: {  	_ =	shalt  }
0x3f: {  	_ =	shalt  }
0x40: {  	_ =	shalt  }
0x41: {  	_ =	shalt  }
0x42: {  	_ =	shalt  }
0x43: {  	_ =	shalt  }
0x44: {  	_ =	shalt  }
0x45: {  	_ =	shalt  }
0x46: {  	_ =	shalt  }
0x47: {  	_ =	shalt  }
0x48: {  	_ =	shalt  }
0x49: {  	_ =	shalt  }
0x4a: {  	_ =	shalt  }
0x4b: {  	_ =	shalt  }
0x4c: {  	_ =	shalt  }
0x4d: {  	_ =	shalt  }
0x4e: {  	_ =	shalt  }
0x4f: {  	_ =	shalt  }
0x50: {  	_ =	shalt  }
0x51: {  	_ =	shalt  }
0x52: {  	_ =	shalt  }
0x53: {  	_ =	shalt  }
0x54: {  	_ =	shalt  }
0x55: {  	_ =	shalt  }
0x56: {  	_ =	shalt  }
0x57: {  	_ =	shalt  }
0x58: {  	_ =	shalt  }
0x59: {  	_ =	shalt  }
0x5a: {  	_ =	shalt  }
0x5b: {  	_ =	shalt  }
0x5c: {  	_ =	shalt  }
0x5d: {  	_ =	shalt  }
0x5e: {  	_ =	shalt  }
0x5f: {  	_ =	shalt  }
0x60: {  	_ =	shalt  }
0x61: {  	_ =	shalt  }
0x62: {  	_ =	shalt  }
0x63: {  	_ =	shalt  }
0x64: {  	_ =	shalt  }
0x65: {  	_ =	shalt  }
0x66: {  	_ =	shalt  }
0x67: {  	_ =	shalt  }
0x68: {  	_ =	shalt  }
0x69: {  	_ =	shalt  }
0x6a: {  	_ =	shalt  }
0x6b: {  	_ =	shalt  }
0x6c: {  	_ =	shalt  }
0x6d: {  	_ =	shalt  }
0x6e: {  	_ =	shalt  }
0x6f: {  	_ =	shalt  }
0x70: {  	_ =	shalt  }
0x71: {  	_ =	shalt  }
0x72: {  	_ =	shalt  }
0x73: {  	_ =	shalt  }
0x74: {  	_ =	shalt  }
0x75: {  	_ =	shalt  }
0x76: {  	_ =	shalt  }
0x77: {  	_ =	shalt  }
0x78: {  	_ =	shalt  }
0x79: {  	_ =	shalt  }
0x7a: {  	_ =	shalt  }
0x7b: {  	_ =	shalt  }
0x7c: {  	_ =	shalt  }
0x7d: {  	_ =	shalt  }
0x7e: {  	_ =	shalt  }
0x7f: {  	_ =	shalt  }
0x80: {  	_ =	shalt  }
0x81: {  	_ =	shalt  }
0x82: {  	_ =	shalt  }
0x83: {  	_ =	shalt  }
0x84: {  	_ =	shalt  }
0x85: {  	_ =	shalt  }
0x86: {  	_ =	shalt  }
0x87: {  	_ =	shalt  }
.Lfunc_end0:
.L_simem_size_0:
called_computation_lowered:
.L_overlay_start_0:
0x88: {  	s2 =	sld [smem:$0x3FD9]  }
0x89: {  	s3 =	sld [smem:$0x3FFE];
	_ =	sdelay $0x1  }
0x8a: {  	s1 =	srdreg.scid  }
0x8b: {  	s0 =	sand.u32 $0x1, s1  }
0x8c: {  	s16 =	sshll.u32 s0, $0xA;
	s2 =	sadd.s32 s3, s2  }
0x8d: {  	s2 =	sadd.s32 s2, s16  }
0x8e: {  	[smem:$0x3FB8] =	sst s2  }
0x8f: {  	_ = 	snop  }
0x90: {  	(tm) =	ssettm $0x1  }
0x91: {  	s17 =	sld [smem:$0x3FFB];
	_ =	sdelay $0x3  }
0x92: {  	_ =	strace s17  }
0x93: {  	s2 =	sld [smem:$0x3FFC];
	_ =	sdelay $0x3  }
0x94: {  	_ =	strace s2  }
0x95: {  	s2 =	sld [smem:$0x3FFD];
	_ =	sdelay $0x3  }
0x96: {  	_ =	strace s2  }
0x97: {  	_ =	strace $0x8FFFFFFF  }
0x98: {  	s18 =	sld [smem:$0x3FDB];
	_ =	sdelay $0x1  }
0x99: {  	s19 =	simm.s32 $_scs_section_size  }
0x9a: {  	s4 =	simm.s32 $_size__tile_overlayer_lowered;
	s5 =	simm.s32 $_tile_overlayer_lowered  }
0x9b: {  	s22 =	simm.s32 $0x1BFF;
	s21 =	sshll.u32 s5, $0x1;
	s2 =	sadd.s32 s19, s18  }
0x9c: {  	s6 =	simm.s32 $0x0;
	s20 =	sshll.u32 s4, $0x1;
	s4 =	sadd.s32 s21, s2  }
0x9d: {  	[timem:s6], [sflag:s22] =	dma.local [hbm:s4], s20  }
0x9e: {  	_ =	swait.ge [sflag:s22], s20  }
0x9f: {  	s3 =	ssub.s32 $0x0, s20;
	[sflag:s22] =	ssyncset.done $0x0  }
0xa0: {  	[sflag:s22] =	ssyncadd.s32 s3;
	_ =	sdelay $0x1  }
0xa1: {  	s23 =	simm.s32 $0x1B8B  }
0xa2: {  	_ =	swait.ge [sflag:s23], $0x1  }
0xa3: {  	[sflag:s23] =	ssyncset.done $0x0  }
0xa4: {  	s25 =	simm.s32 $0x1B8E;
	s24 =	sld [smem:$0x3FFE];
	[sflag:s23] =	ssyncadd.s32 $0xFFFFFFFF  }
0xa5: {  	s26 =	simm.s32 $execute0_lowered;
	[smem:$0x3FD2] =	sst s25  }
0xa6: {  	s4 =	sshll.u32 s26, $0x1;
	_ =	strace $0x80000046;
	[dreg:$0x1] =	wrdreg $0xFFFFFFFF  }
0xa7: {  	s28 =	simm.s32 $_size_execute0_lowered;
	s2 =	sadd.s32 s2, s4;
	[dreg:$0x0] =	wrdreg $0x0  }
0xa8: {  	s4 =	sshll.u32 s28, $0x1;
	[dreg:$0x2] =	wrdreg s2  }
0xa9: {  	[dreg:$0x3] =	wrdreg s4  }
0xaa: {  	[dreg:$0x4] =	wrdreg $0xC0  }
0xab: {  	_ =	task [dreg:s6], $0x5FFFF  }
0xac: {  	[dreg:$0x1] =	wrdreg $0xFFFFFFFF  }
0xad: {  	[dreg:$0x0] =	wrdreg $0x60  }
0xae: {  	[dreg:$0x2] =	wrdreg s24  }
0xaf: {  	[dreg:$0x3] =	wrdreg $0x9  }
0xb0: {  	_ =	task.clear_ibuf [dreg:s6], $0x4FFFF;
	_ =	strace $0x90000046  }
0xb1: {  	s29 =	simm.s32 $0x9;
	_ =	strace $0x80000048  }
0xb2: {  	_ =	swait.ge [sflag:s29], $0x1  }
0xb3: {  	[sflag:s29] =	ssyncadd.s32 $0xFFFFFFFF  }
0xb4: {  	_ =	strace $0x90000048  }
0xb5: {  	_ =	sfence  }
0xb6: {  	s30 =	sld [smem:$0x0];
	_ =	sdelay $0x2  }
0xb7: {  	s31 =	sshll.u32 s1, $0xD;
	s1 =	sshrl.u32 s1, $0x2  }
0xb8: {  	s3 =	sand.u32 $0x4000, s31;
	s1 =	sadd.s32 s1, s30  }
0xb9: {  	s0 =	sor.u32 s3, s0;
	s1 =	sshll.u32 s1, $0x11  }
0xba: {  	s0 =	sor.u32 s1, s0  }
0xbb: {  	s0 =	sadd.s32 $0x8F2B, s0  }
0xbc: {  	[sflag:s0] =	ssyncadd.remote.s32 $0x1  }
0xbd: {  	_ =	sfence.sel $0xFFFF  }
0xbe: {  	[dreg:$0x0] =	wrdreg $0xFFFFFFFF;
	(pc) =	sbr.abs _section_cstart, $3  }
0xbf: {  	[dreg:$0x1] =	wrdreg $0xFFFFFFFF  }
0xc0: {  	_ =	task.clear_ibuf [dreg:s6], $0x2FFFF;
	_ =	strace $0x9FFFFFFF  }
0xc1: {  	(tm) =	ssettm $0x7FFFFFFF  }
tec
execute0_lowered:
.L_overlay_start_1:
0x0: {  	(tag) =	ssettag $0x1  }
0x1: {  	s0 =	srdreg.scid;
	s1 =	rddreg [dreg:$0x0]  }
0x2: {  	s10 =	stileid.u32;
	s2 =	simm.s32 $0x0;
	s21 =	simm.s32 $0x1  }
0x3: {  	s22 =	simm.s32 $0x2;
	s23 =	simm.s32 $0x3;
	s24 =	simm.s32 $0x0  }
0x4: {  	s30 =	simm.s32 $0x0;
	s0 =	sand.u32 $0x1, s0;
	s4 =	sand.u32 $0x8, s10  }
0x5: {  	s7 =	sand.u32 $0x7, s10;
	[smem:$0x7FF] =	sst s2;
	s5 =	sadd.s32 $0x16800, s1  }
0x6: {  	s6 =	sadd.s32 $0x20800, s1;
	p2 =	slt.u32 s10, $0x8;
	p3 =	sgt.u32 s10, $0x7  }
0x7: {  	s3 =	sshll.u32 s0, $0x4;
	_ =	strace $0x80000047;
	s28 =	ssub.s32 $0x2, s0  }
0x8: {  	p1 =	seq.s32 s0, $0x0;
	s11 =	smul.u32 $0x1400, s7;
	p4 =	seq.s32 s0, $0x1  }
0x9: {  	s3 =	sor.u32 s4, s3;
	s4 =	sadd.s32 $0xC800, s1;
	s9 =	sshrl.u32 s28, $0x1  }
0xa: {  	p0 =	por !p1, !p2;
	p1 =	por !p1, !p3;
	p2 =	por !p2, !p4  }
0xb: {  	p3 =	por !p3, !p4;
	s3 =	sor.u32 s7, s3;
	s13 =	ssub.s32 s28, s9  }
0xc: {  	s7 =	smul.u32 $0xA000, s7;
	p0 =	por !p0, !p0;
	p1 =	por !p1, !p1  }
0xd: {  	s9 =	sadd.s32 s4, s11;
	p2 =	por !p2, !p2;
	s10 =	sadd.s32 s5, s11  }
0xe: {  	p3 =	por !p3, !p3;
	s8 =	smul.u32 $0x500, s3;
	s31 =	smax.u32 s13, $0x1  }
0xf: {  	s3 =	sadd.s32 $0x2800, s1;
	s12 =	sor.u32 $0x1000, s7;
	[dreg:$0x3] =	wrdreg s31  }
0x10: {  	s1 =	sadd.s32 s8, s1;
	s8 =	sadd.s32 s3, s11;
	s11 =	sadd.s32 s6, s11  }
0x11: {  	s29 =	sadd.s32 $0x2A800, s1;
	s0 =	sadd.s32 @p0 $0x10, s8;
	s16 =	sadd.s32 @p0 $0x20, s8  }
0x12: {  	s17 =	sadd.s32 @p0 $0x30, s8;
	s18 =	sadd.s32 @p0 $0x40, s8;
	[dreg:$0x2] =	wrdreg s29  }
0x13: {  	v0 =	vimm.f32 $0.0e+00;
	v1 =	vimm.f32 $1.000000000e+00;
	s19 =	sadd.s32 @p0 $0x50, s8;
	s20 =	sadd.s32 @p0 $0x60, s8;
	[dreg:$0x4] =	wrdreg s0  }
.LBB2_1:
0x14: {  	s0 =	simm.s32 $0x40;
	s1 =	simm.s32 $0x0  }
.LBB2_2:
0x15: {  	p4 =	sne.s32 s0, $0x9FC0;
	[tilespmem:s1+$0x0] =	vst v0;
	s1 =	smov.u32 s0;
	s0 =	sadd.s32 $0x40, s0  }
.Ltmp0:
0x16: {  	(pc) =	sbr.rel @p4 .LBB2_2-.Ltmp0, $2  }
0x17: {  	_ =	sdelay $0x2  }
0x18: {  	s1 =	sshra.s32 s1, $0x2  }
0x19: {  	[tilespmem:s1+$0x0] =	vst v0;
	s25 =	simm.s32 @p0 $0x0;
	s0 =	simm.s32 @p0 $0x2800  }
0x1a: {  	[tilespmem:s0], [sflag:$0x1] =	stream.linear.gather @p0 [hbm4b:s8+s25], $0x80, $0x38;
	[tilespmem:$0x3800] =	vst v63  }
0x1b: {  	s1 =	rddreg [dreg:$0x4];
	s0 =	simm.s32 @p0 $0x2900  }
0x1c: {  	[tilespmem:s0], [sflag:$0x1] =	stream.linear.gather @p0 [hbm4b:s1+s25], $0x80, $0x38;
	[tilespmem:$0x3800] =	vst v63  }
0x1d: {  	s0 =	simm.s32 @p0 $0x2A00  }
0x1e: {  	[tilespmem:s0], [sflag:$0x1] =	stream.linear.gather @p0 [hbm4b:s16+s25], $0x80, $0x38;
	[tilespmem:$0x3800] =	vst v63  }
0x1f: {  	s0 =	simm.s32 @p0 $0x2B00  }
0x20: {  	[tilespmem:s0], [sflag:$0x1] =	stream.linear.gather @p0 [hbm4b:s17+s25], $0x80, $0x38;
	[tilespmem:$0x3800] =	vst v63  }
0x21: {  	s0 =	simm.s32 @p0 $0x2C00  }
0x22: {  	[tilespmem:s0], [sflag:$0x1] =	stream.linear.gather @p0 [hbm4b:s18+s25], $0x80, $0x38;
	[tilespmem:$0x3800] =	vst v63  }
0x23: {  	s0 =	simm.s32 @p0 $0x2D00  }
0x24: {  	[tilespmem:s0], [sflag:$0x1] =	stream.linear.gather @p0 [hbm4b:s19+s25], $0x80, $0x38;
	[tilespmem:$0x3800] =	vst v63  }
0x25: {  	s0 =	simm.s32 @p0 $0x2E00  }
0x26: {  	[tilespmem:s0], [sflag:$0x1] =	stream.linear.gather @p0 [hbm4b:s20+s25], $0x80, $0x38;
	[tilespmem:$0x3800] =	vst v63  }
0x27: {  	s1 =	simm.s32 @p0 $0x2F00;
	s0 =	sadd.s32 @p0 $0x70, s8  }
0x28: {  	[tilespmem:s1], [sflag:$0x1] =	stream.linear.gather @p0 [hbm4b:s0+s25], $0x80, $0x38;
	[tilespmem:$0x3800] =	vst v63  }
0x29: {  	s0 =	sadd.s32 @p0 $0x80, s8;
	s1 =	simm.s32 @p0 $0x3000  }
0x2a: {  	[tilespmem:s1], [sflag:$0x1] =	stream.linear.gather @p0 [hbm4b:s0+s25], $0x80, $0x38;
	[tilespmem:$0x3800] =	vst v63  }
0x2b: {  	s0 =	sadd.s32 @p0 $0x90, s8;
	s1 =	simm.s32 @p0 $0x3100  }
0x2c: {  	[tilespmem:s1], [sflag:$0x1] =	stream.linear.gather @p0 [hbm4b:s0+s25], $0x80, $0x38;
	[tilespmem:$0x3800] =	vst v63  }
0x2d: {  	s0 =	sadd.s32 @p0 $0xA0, s8;
	s1 =	simm.s32 @p0 $0x3200  }
0x2e: {  	[tilespmem:s1], [sflag:$0x1] =	stream.linear.gather @p0 [hbm4b:s0+s25], $0x80, $0x38;
	[tilespmem:$0x3800] =	vst v63  }
0x2f: {  	s0 =	sadd.s32 @p0 $0xB0, s8;
	s1 =	simm.s32 @p0 $0x3300  }
0x30: {  	[tilespmem:s1], [sflag:$0x1] =	stream.linear.gather @p0 [hbm4b:s0+s25], $0x80, $0x38;
	[tilespmem:$0x3800] =	vst v63  }
0x31: {  	s0 =	sadd.s32 @p0 $0xC0, s8;
	s1 =	simm.s32 @p0 $0x3400  }
0x32: {  	[tilespmem:s1], [sflag:$0x1] =	stream.linear.gather @p0 [hbm4b:s0+s25], $0x80, $0x38;
	[tilespmem:$0x3800] =	vst v63  }
0x33: {  	s0 =	sadd.s32 @p0 $0xD0, s8;
	s1 =	simm.s32 @p0 $0x3500  }
0x34: {  	[tilespmem:s1], [sflag:$0x1] =	stream.linear.gather @p0 [hbm4b:s0+s25], $0x80, $0x38;
	[tilespmem:$0x3800] =	vst v63  }
0x35: {  	s0 =	sadd.s32 @p0 $0xE0, s8;
	s1 =	simm.s32 @p0 $0x3600  }
0x36: {  	[tilespmem:s1], [sflag:$0x1] =	stream.linear.gather @p0 [hbm4b:s0+s25], $0x80, $0x38;
	[tilespmem:$0x3800] =	vst v63  }
0x37: {  	s0 =	sadd.s32 @p0 $0xF0, s8;
	s1 =	simm.s32 @p0 $0x3700  }
0x38: {  	[tilespmem:s1], [sflag:$0x1] =	stream.linear.gather @p0 [hbm4b:s0+s25], $0x80, $0x38;
	[tilespmem:$0x3800] =	vst v63  }
0x39: {  	s26 =	simm.s32 @p1 $0x0;
	s0 =	simm.s32 @p1 $0x2800  }
0x3a: {  	[tilespmem:s0], [sflag:$0x1] =	stream.linear.gather @p1 [hbm4b:s9+s26], $0x80, $0x38;
	[tilespmem:$0x3800] =	vst v63  }
0x3b: {  	s1 =	simm.s32 @p1 $0x2900;
	s0 =	sadd.s32 @p1 $0x10, s9  }
0x3c: {  	[tilespmem:s1], [sflag:$0x1] =	stream.linear.gather @p1 [hbm4b:s0+s26], $0x80, $0x38;
	[tilespmem:$0x3800] =	vst v63  }
0x3d: {  	s0 =	sadd.s32 @p1 $0x20, s9;
	s1 =	simm.s32 @p1 $0x2A00  }
0x3e: {  	[tilespmem:s1], [sflag:$0x1] =	stream.linear.gather @p1 [hbm4b:s0+s26], $0x80, $0x38;
	[tilespmem:$0x3800] =	vst v63  }
0x3f: {  	s0 =	sadd.s32 @p1 $0x30, s9;
	s1 =	simm.s32 @p1 $0x2B00  }
0x40: {  	[tilespmem:s1], [sflag:$0x1] =	stream.linear.gather @p1 [hbm4b:s0+s26], $0x80, $0x38;
	[tilespmem:$0x3800] =	vst v63  }
0x41: {  	s0 =	sadd.s32 @p1 $0x40, s9;
	s1 =	simm.s32 @p1 $0x2C00  }
0x42: {  	[tilespmem:s1], [sflag:$0x1] =	stream.linear.gather @p1 [hbm4b:s0+s26], $0x80, $0x38;
	[tilespmem:$0x3800] =	vst v63  }
0x43: {  	s0 =	sadd.s32 @p1 $0x50, s9;
	s1 =	simm.s32 @p1 $0x2D00  }
0x44: {  	[tilespmem:s1], [sflag:$0x1] =	stream.linear.gather @p1 [hbm4b:s0+s26], $0x80, $0x38;
	[tilespmem:$0x3800] =	vst v63  }
0x45: {  	s0 =	sadd.s32 @p1 $0x60, s9;
	s1 =	simm.s32 @p1 $0x2E00  }
0x46: {  	[tilespmem:s1], [sflag:$0x1] =	stream.linear.gather @p1 [hbm4b:s0+s26], $0x80, $0x38;
	[tilespmem:$0x3800] =	vst v63  }
0x47: {  	s0 =	sadd.s32 @p1 $0x70, s9;
	s1 =	simm.s32 @p1 $0x2F00  }
0x48: {  	[tilespmem:s1], [sflag:$0x1] =	stream.linear.gather @p1 [hbm4b:s0+s26], $0x80, $0x38;
	[tilespmem:$0x3800] =	vst v63  }
0x49: {  	s0 =	sadd.s32 @p1 $0x80, s9;
	s1 =	simm.s32 @p1 $0x3000  }
0x4a: {  	[tilespmem:s1], [sflag:$0x1] =	stream.linear.gather @p1 [hbm4b:s0+s26], $0x80, $0x38;
	[tilespmem:$0x3800] =	vst v63  }
0x4b: {  	s0 =	sadd.s32 @p1 $0x90, s9;
	s1 =	simm.s32 @p1 $0x3100  }
0x4c: {  	[tilespmem:s1], [sflag:$0x1] =	stream.linear.gather @p1 [hbm4b:s0+s26], $0x80, $0x38;
	[tilespmem:$0x3800] =	vst v63  }
0x4d: {  	s0 =	sadd.s32 @p1 $0xA0, s9;
	s1 =	simm.s32 @p1 $0x3200  }
0x4e: {  	[tilespmem:s1], [sflag:$0x1] =	stream.linear.gather @p1 [hbm4b:s0+s26], $0x80, $0x38;
	[tilespmem:$0x3800] =	vst v63  }
0x4f: {  	s0 =	sadd.s32 @p1 $0xB0, s9;
	s1 =	simm.s32 @p1 $0x3300  }
0x50: {  	[tilespmem:s1], [sflag:$0x1] =	stream.linear.gather @p1 [hbm4b:s0+s26], $0x80, $0x38;
	[tilespmem:$0x3800] =	vst v63  }
0x51: {  	s0 =	sadd.s32 @p1 $0xC0, s9;
	s1 =	simm.s32 @p1 $0x3400  }
0x52: {  	[tilespmem:s1], [sflag:$0x1] =	stream.linear.gather @p1 [hbm4b:s0+s26], $0x80, $0x38;
	[tilespmem:$0x3800] =	vst v63  }
0x53: {  	s0 =	sadd.s32 @p1 $0xD0, s9;
	s1 =	simm.s32 @p1 $0x3500  }
0x54: {  	[tilespmem:s1], [sflag:$0x1] =	stream.linear.gather @p1 [hbm4b:s0+s26], $0x80, $0x38;
	[tilespmem:$0x3800] =	vst v63  }
0x55: {  	s0 =	sadd.s32 @p1 $0xE0, s9;
	s1 =	simm.s32 @p1 $0x3600  }
0x56: {  	[tilespmem:s1], [sflag:$0x1] =	stream.linear.gather @p1 [hbm4b:s0+s26], $0x80, $0x38;
	[tilespmem:$0x3800] =	vst v63  }
0x57: {  	s0 =	sadd.s32 @p1 $0xF0, s9;
	s1 =	simm.s32 @p1 $0x3700  }
0x58: {  	[tilespmem:s1], [sflag:$0x1] =	stream.linear.gather @p1 [hbm4b:s0+s26], $0x80, $0x38;
	[tilespmem:$0x3800] =	vst v63  }
0x59: {  	s28 =	simm.s32 @p2 $0x0;
	s0 =	simm.s32 @p2 $0x2800  }
0x5a: {  	[tilespmem:s0], [sflag:$0x1] =	stream.linear.gather @p2 [hbm4b:s10+s28], $0x80, $0x38;
	[tilespmem:$0x3800] =	vst v63  }
0x5b: {  	s1 =	simm.s32 @p2 $0x2900;
	s0 =	sadd.s32 @p2 $0x10, s10  }
0x5c: {  	[tilespmem:s1], [sflag:$0x1] =	stream.linear.gather @p2 [hbm4b:s0+s28], $0x80, $0x38;
	[tilespmem:$0x3800] =	vst v63  }
0x5d: {  	s0 =	sadd.s32 @p2 $0x20, s10;
	s1 =	simm.s32 @p2 $0x2A00  }
0x5e: {  	[tilespmem:s1], [sflag:$0x1] =	stream.linear.gather @p2 [hbm4b:s0+s28], $0x80, $0x38;
	[tilespmem:$0x3800] =	vst v63  }
0x5f: {  	s0 =	sadd.s32 @p2 $0x30, s10;
	s1 =	simm.s32 @p2 $0x2B00  }
0x60: {  	[tilespmem:s1], [sflag:$0x1] =	stream.linear.gather @p2 [hbm4b:s0+s28], $0x80, $0x38;
	[tilespmem:$0x3800] =	vst v63  }
0x61: {  	s0 =	sadd.s32 @p2 $0x40, s10;
	s1 =	simm.s32 @p2 $0x2C00  }
0x62: {  	[tilespmem:s1], [sflag:$0x1] =	stream.linear.gather @p2 [hbm4b:s0+s28], $0x80, $0x38;
	[tilespmem:$0x3800] =	vst v63  }
0x63: {  	s0 =	sadd.s32 @p2 $0x50, s10;
	s1 =	simm.s32 @p2 $0x2D00  }
0x64: {  	[tilespmem:s1], [sflag:$0x1] =	stream.linear.gather @p2 [hbm4b:s0+s28], $0x80, $0x38;
	[tilespmem:$0x3800] =	vst v63  }
0x65: {  	s0 =	sadd.s32 @p2 $0x60, s10;
	s1 =	simm.s32 @p2 $0x2E00  }
0x66: {  	[tilespmem:s1], [sflag:$0x1] =	stream.linear.gather @p2 [hbm4b:s0+s28], $0x80, $0x38;
	[tilespmem:$0x3800] =	vst v63  }
0x67: {  	s0 =	sadd.s32 @p2 $0x70, s10;
	s1 =	simm.s32 @p2 $0x2F00  }
0x68: {  	[tilespmem:s1], [sflag:$0x1] =	stream.linear.gather @p2 [hbm4b:s0+s28], $0x80, $0x38;
	[tilespmem:$0x3800] =	vst v63  }
0x69: {  	s0 =	sadd.s32 @p2 $0x80, s10;
	s1 =	simm.s32 @p2 $0x3000  }
0x6a: {  	[tilespmem:s1], [sflag:$0x1] =	stream.linear.gather @p2 [hbm4b:s0+s28], $0x80, $0x38;
	[tilespmem:$0x3800] =	vst v63  }
0x6b: {  	s0 =	sadd.s32 @p2 $0x90, s10;
	s1 =	simm.s32 @p2 $0x3100  }
0x6c: {  	[tilespmem:s1], [sflag:$0x1] =	stream.linear.gather @p2 [hbm4b:s0+s28], $0x80, $0x38;
	[tilespmem:$0x3800] =	vst v63  }
0x6d: {  	s0 =	sadd.s32 @p2 $0xA0, s10;
	s1 =	simm.s32 @p2 $0x3200  }
0x6e: {  	[tilespmem:s1], [sflag:$0x1] =	stream.linear.gather @p2 [hbm4b:s0+s28], $0x80, $0x38;
	[tilespmem:$0x3800] =	vst v63  }
0x6f: {  	s0 =	sadd.s32 @p2 $0xB0, s10;
	s1 =	simm.s32 @p2 $0x3300  }
0x70: {  	[tilespmem:s1], [sflag:$0x1] =	stream.linear.gather @p2 [hbm4b:s0+s28], $0x80, $0x38;
	[tilespmem:$0x3800] =	vst v63  }
0x71: {  	s0 =	sadd.s32 @p2 $0xC0, s10;
	s1 =	simm.s32 @p2 $0x3400  }
0x72: {  	[tilespmem:s1], [sflag:$0x1] =	stream.linear.gather @p2 [hbm4b:s0+s28], $0x80, $0x38;
	[tilespmem:$0x3800] =	vst v63  }
0x73: {  	s0 =	sadd.s32 @p2 $0xD0, s10;
	s1 =	simm.s32 @p2 $0x3500  }
0x74: {  	[tilespmem:s1], [sflag:$0x1] =	stream.linear.gather @p2 [hbm4b:s0+s28], $0x80, $0x38;
	[tilespmem:$0x3800] =	vst v63  }
0x75: {  	s0 =	sadd.s32 @p2 $0xE0, s10;
	s1 =	simm.s32 @p2 $0x3600  }
0x76: {  	[tilespmem:s1], [sflag:$0x1] =	stream.linear.gather @p2 [hbm4b:s0+s28], $0x80, $0x38;
	[tilespmem:$0x3800] =	vst v63  }
0x77: {  	s0 =	sadd.s32 @p2 $0xF0, s10;
	s1 =	simm.s32 @p2 $0x3700  }
0x78: {  	[tilespmem:s1], [sflag:$0x1] =	stream.linear.gather @p2 [hbm4b:s0+s28], $0x80, $0x38;
	[tilespmem:$0x3800] =	vst v63  }
0x79: {  	s29 =	simm.s32 @p3 $0x0;
	s0 =	simm.s32 @p3 $0x2800  }
0x7a: {  	[tilespmem:s0], [sflag:$0x1] =	stream.linear.gather @p3 [hbm4b:s11+s29], $0x80, $0x38;
	[tilespmem:$0x3800] =	vst v63  }
0x7b: {  	s1 =	simm.s32 @p3 $0x2900;
	s0 =	sadd.s32 @p3 $0x10, s11  }
0x7c: {  	[tilespmem:s1], [sflag:$0x1] =	stream.linear.gather @p3 [hbm4b:s0+s29], $0x80, $0x38;
	[tilespmem:$0x3800] =	vst v63  }
0x7d: {  	s0 =	sadd.s32 @p3 $0x20, s11;
	s1 =	simm.s32 @p3 $0x2A00  }
0x7e: {  	[tilespmem:s1], [sflag:$0x1] =	stream.linear.gather @p3 [hbm4b:s0+s29], $0x80, $0x38;
	[tilespmem:$0x3800] =	vst v63  }
0x7f: {  	s0 =	sadd.s32 @p3 $0x30, s11;
	s1 =	simm.s32 @p3 $0x2B00  }
0x80: {  	[tilespmem:s1], [sflag:$0x1] =	stream.linear.gather @p3 [hbm4b:s0+s29], $0x80, $0x38;
	[tilespmem:$0x3800] =	vst v63  }
0x81: {  	s0 =	sadd.s32 @p3 $0x40, s11;
	s1 =	simm.s32 @p3 $0x2C00  }
0x82: {  	[tilespmem:s1], [sflag:$0x1] =	stream.linear.gather @p3 [hbm4b:s0+s29], $0x80, $0x38;
	[tilespmem:$0x3800] =	vst v63  }
0x83: {  	s0 =	sadd.s32 @p3 $0x50, s11;
	s1 =	simm.s32 @p3 $0x2D00  }
0x84: {  	[tilespmem:s1], [sflag:$0x1] =	stream.linear.gather @p3 [hbm4b:s0+s29], $0x80, $0x38;
	[tilespmem:$0x3800] =	vst v63  }
0x85: {  	s0 =	sadd.s32 @p3 $0x60, s11;
	s1 =	simm.s32 @p3 $0x2E00  }
0x86: {  	[tilespmem:s1], [sflag:$0x1] =	stream.linear.gather @p3 [hbm4b:s0+s29], $0x80, $0x38;
	[tilespmem:$0x3800] =	vst v63  }
0x87: {  	s0 =	sadd.s32 @p3 $0x70, s11;
	s1 =	simm.s32 @p3 $0x2F00  }
0x88: {  	[tilespmem:s1], [sflag:$0x1] =	stream.linear.gather @p3 [hbm4b:s0+s29], $0x80, $0x38;
	[tilespmem:$0x3800] =	vst v63  }
0x89: {  	s0 =	sadd.s32 @p3 $0x80, s11;
	s1 =	simm.s32 @p3 $0x3000  }
0x8a: {  	[tilespmem:s1], [sflag:$0x1] =	stream.linear.gather @p3 [hbm4b:s0+s29], $0x80, $0x38;
	[tilespmem:$0x3800] =	vst v63  }
0x8b: {  	s0 =	sadd.s32 @p3 $0x90, s11;
	s1 =	simm.s32 @p3 $0x3100  }
0x8c: {  	[tilespmem:s1], [sflag:$0x1] =	stream.linear.gather @p3 [hbm4b:s0+s29], $0x80, $0x38;
	[tilespmem:$0x3800] =	vst v63  }
0x8d: {  	s0 =	sadd.s32 @p3 $0xA0, s11;
	s1 =	simm.s32 @p3 $0x3200  }
0x8e: {  	[tilespmem:s1], [sflag:$0x1] =	stream.linear.gather @p3 [hbm4b:s0+s29], $0x80, $0x38;
	[tilespmem:$0x3800] =	vst v63  }
0x8f: {  	s0 =	sadd.s32 @p3 $0xB0, s11;
	s1 =	simm.s32 @p3 $0x3300  }
0x90: {  	[tilespmem:s1], [sflag:$0x1] =	stream.linear.gather @p3 [hbm4b:s0+s29], $0x80, $0x38;
	[tilespmem:$0x3800] =	vst v63  }
0x91: {  	s0 =	sadd.s32 @p3 $0xC0, s11;
	s1 =	simm.s32 @p3 $0x3400  }
0x92: {  	[tilespmem:s1], [sflag:$0x1] =	stream.linear.gather @p3 [hbm4b:s0+s29], $0x80, $0x38;
	[tilespmem:$0x3800] =	vst v63  }
0x93: {  	s0 =	sadd.s32 @p3 $0xD0, s11;
	s1 =	simm.s32 @p3 $0x3500  }
0x94: {  	[tilespmem:s1], [sflag:$0x1] =	stream.linear.gather @p3 [hbm4b:s0+s29], $0x80, $0x38;
	[tilespmem:$0x3800] =	vst v63  }
0x95: {  	s0 =	sadd.s32 @p3 $0xE0, s11;
	s1 =	simm.s32 @p3 $0x3600  }
0x96: {  	[tilespmem:s1], [sflag:$0x1] =	stream.linear.gather @p3 [hbm4b:s0+s29], $0x80, $0x38;
	[tilespmem:$0x3800] =	vst v63  }
0x97: {  	s31 =	simm.s32 $0x0;
	s0 =	sadd.s32 @p3 $0xF0, s11;
	s1 =	simm.s32 @p3 $0x3700  }
0x98: {  	[tilespmem:s1], [sflag:$0x1] =	stream.linear.gather @p3 [hbm4b:s0+s29], $0x80, $0x38;
	[tilespmem:$0x3800] =	vst v63  }
.LBB2_4:
0x99: {  	s0 =	sshll.u32 s31, $0xC  }
0x9a: {  	s1 =	sadd.s32 s0, s7  }
0x9b: {  	_ =	swait.ge [sflag:s21], $0x800;
	s1 =	sadd.s32 $0x800, s1  }
0x9c: {  	[sflag:s21] =	ssyncset.done $0x0;
	s13 =	sshrl.u32 @p0 s1, $0x3  }
0x9d: {  	s14 =	simm.s32 @p0 $0x2880;
	[sflag:s21] =	ssyncadd.s32 $0xFFFFF800;
	s13 =	sadd.s32 @p0 s3, s13  }
0x9e: {  	[tilespmem:s14], [sflag:$0x2] =	stream.linear.gather @p0 [hbm4b:s13+s25], $0x80, $0x38;
	[tilespmem:$0x3800] =	vst v63  }
0x9f: {  	s15 =	simm.s32 @p0 $0x2980;
	s14 =	sadd.s32 @p0 $0x10, s13  }
0xa0: {  	[tilespmem:s15], [sflag:$0x2] =	stream.linear.gather @p0 [hbm4b:s14+s25], $0x80, $0x38;
	[tilespmem:$0x3800] =	vst v63  }
0xa1: {  	s14 =	sadd.s32 @p0 $0x20, s13;
	s15 =	simm.s32 @p0 $0x2A80  }
0xa2: {  	[tilespmem:s15], [sflag:$0x2] =	stream.linear.gather @p0 [hbm4b:s14+s25], $0x80, $0x38;
	[tilespmem:$0x3800] =	vst v63  }
0xa3: {  	s14 =	sadd.s32 @p0 $0x30, s13;
	s15 =	simm.s32 @p0 $0x2B80  }
0xa4: {  	[tilespmem:s15], [sflag:$0x2] =	stream.linear.gather @p0 [hbm4b:s14+s25], $0x80, $0x38;
	[tilespmem:$0x3800] =	vst v63  }
0xa5: {  	s14 =	sadd.s32 @p0 $0x40, s13;
	s15 =	simm.s32 @p0 $0x2C80  }
0xa6: {  	[tilespmem:s15], [sflag:$0x2] =	stream.linear.gather @p0 [hbm4b:s14+s25], $0x80, $0x38;
	[tilespmem:$0x3800] =	vst v63  }
0xa7: {  	s14 =	sadd.s32 @p0 $0x50, s13;
	s15 =	simm.s32 @p0 $0x2D80  }
0xa8: {  	[tilespmem:s15], [sflag:$0x2] =	stream.linear.gather @p0 [hbm4b:s14+s25], $0x80, $0x38;
	[tilespmem:$0x3800] =	vst v63  }
0xa9: {  	s14 =	sadd.s32 @p0 $0x60, s13;
	s15 =	simm.s32 @p0 $0x2E80  }
0xaa: {  	[tilespmem:s15], [sflag:$0x2] =	stream.linear.gather @p0 [hbm4b:s14+s25], $0x80, $0x38;
	[tilespmem:$0x3800] =	vst v63  }
0xab: {  	s14 =	sadd.s32 @p0 $0x70, s13;
	s15 =	simm.s32 @p0 $0x2F80  }
0xac: {  	[tilespmem:s15], [sflag:$0x2] =	stream.linear.gather @p0 [hbm4b:s14+s25], $0x80, $0x38;
	[tilespmem:$0x3800] =	vst v63  }
0xad: {  	s14 =	sadd.s32 @p0 $0x80, s13;
	s15 =	simm.s32 @p0 $0x3080  }
0xae: {  	[tilespmem:s15], [sflag:$0x2] =	stream.linear.gather @p0 [hbm4b:s14+s25], $0x80, $0x38;
	[tilespmem:$0x3800] =	vst v63  }
0xaf: {  	s14 =	sadd.s32 @p0 $0x90, s13;
	s15 =	simm.s32 @p0 $0x3180  }
0xb0: {  	[tilespmem:s15], [sflag:$0x2] =	stream.linear.gather @p0 [hbm4b:s14+s25], $0x80, $0x38;
	[tilespmem:$0x3800] =	vst v63  }
0xb1: {  	s14 =	sadd.s32 @p0 $0xA0, s13;
	s15 =	simm.s32 @p0 $0x3280  }
0xb2: {  	[tilespmem:s15], [sflag:$0x2] =	stream.linear.gather @p0 [hbm4b:s14+s25], $0x80, $0x38;
	[tilespmem:$0x3800] =	vst v63  }
0xb3: {  	s14 =	sadd.s32 @p0 $0xB0, s13;
	s15 =	simm.s32 @p0 $0x3380  }
0xb4: {  	[tilespmem:s15], [sflag:$0x2] =	stream.linear.gather @p0 [hbm4b:s14+s25], $0x80, $0x38;
	[tilespmem:$0x3800] =	vst v63  }
0xb5: {  	s14 =	sadd.s32 @p0 $0xC0, s13;
	s15 =	simm.s32 @p0 $0x3480  }
0xb6: {  	[tilespmem:s15], [sflag:$0x2] =	stream.linear.gather @p0 [hbm4b:s14+s25], $0x80, $0x38;
	[tilespmem:$0x3800] =	vst v63  }
0xb7: {  	s14 =	sadd.s32 @p0 $0xD0, s13;
	s15 =	simm.s32 @p0 $0x3580  }
0xb8: {  	[tilespmem:s15], [sflag:$0x2] =	stream.linear.gather @p0 [hbm4b:s14+s25], $0x80, $0x38;
	[tilespmem:$0x3800] =	vst v63  }
0xb9: {  	s14 =	sadd.s32 @p0 $0xE0, s13;
	s15 =	simm.s32 @p0 $0x3680  }
0xba: {  	[tilespmem:s15], [sflag:$0x2] =	stream.linear.gather @p0 [hbm4b:s14+s25], $0x80, $0x38;
	[tilespmem:$0x3800] =	vst v63  }
0xbb: {  	s13 =	sadd.s32 @p0 $0xF0, s13;
	s14 =	simm.s32 @p0 $0x3780  }
0xbc: {  	[tilespmem:s14], [sflag:$0x2] =	stream.linear.gather @p0 [hbm4b:s13+s25], $0x80, $0x38;
	[tilespmem:$0x3800] =	vst v63  }
0xbd: {  	s13 =	sshrl.u32 @p1 s1, $0x3  }
0xbe: {  	s14 =	simm.s32 @p1 $0x2880;
	s13 =	sadd.s32 @p1 s4, s13  }
0xbf: {  	[tilespmem:s14], [sflag:$0x2] =	stream.linear.gather @p1 [hbm4b:s13+s26], $0x80, $0x38;
	[tilespmem:$0x3800] =	vst v63  }
0xc0: {  	s15 =	simm.s32 @p1 $0x2980;
	s14 =	sadd.s32 @p1 $0x10, s13  }
0xc1: {  	[tilespmem:s15], [sflag:$0x2] =	stream.linear.gather @p1 [hbm4b:s14+s26], $0x80, $0x38;
	[tilespmem:$0x3800] =	vst v63  }
0xc2: {  	s14 =	sadd.s32 @p1 $0x20, s13;
	s15 =	simm.s32 @p1 $0x2A80  }
0xc3: {  	[tilespmem:s15], [sflag:$0x2] =	stream.linear.gather @p1 [hbm4b:s14+s26], $0x80, $0x38;
	[tilespmem:$0x3800] =	vst v63  }
0xc4: {  	s14 =	sadd.s32 @p1 $0x30, s13;
	s15 =	simm.s32 @p1 $0x2B80  }
0xc5: {  	[tilespmem:s15], [sflag:$0x2] =	stream.linear.gather @p1 [hbm4b:s14+s26], $0x80, $0x38;
	[tilespmem:$0x3800] =	vst v63  }
0xc6: {  	s14 =	sadd.s32 @p1 $0x40, s13;
	s15 =	simm.s32 @p1 $0x2C80  }
0xc7: {  	[tilespmem:s15], [sflag:$0x2] =	stream.linear.gather @p1 [hbm4b:s14+s26], $0x80, $0x38;
	[tilespmem:$0x3800] =	vst v63  }
0xc8: {  	s14 =	sadd.s32 @p1 $0x50, s13;
	s15 =	simm.s32 @p1 $0x2D80  }
0xc9: {  	[tilespmem:s15], [sflag:$0x2] =	stream.linear.gather @p1 [hbm4b:s14+s26], $0x80, $0x38;
	[tilespmem:$0x3800] =	vst v63  }
0xca: {  	s14 =	sadd.s32 @p1 $0x60, s13;
	s15 =	simm.s32 @p1 $0x2E80  }
0xcb: {  	[tilespmem:s15], [sflag:$0x2] =	stream.linear.gather @p1 [hbm4b:s14+s26], $0x80, $0x38;
	[tilespmem:$0x3800] =	vst v63  }
0xcc: {  	s14 =	sadd.s32 @p1 $0x70, s13;
	s15 =	simm.s32 @p1 $0x2F80  }
0xcd: {  	[tilespmem:s15], [sflag:$0x2] =	stream.linear.gather @p1 [hbm4b:s14+s26], $0x80, $0x38;
	[tilespmem:$0x3800] =	vst v63  }
0xce: {  	s14 =	sadd.s32 @p1 $0x80, s13;
	s15 =	simm.s32 @p1 $0x3080  }
0xcf: {  	[tilespmem:s15], [sflag:$0x2] =	stream.linear.gather @p1 [hbm4b:s14+s26], $0x80, $0x38;
	[tilespmem:$0x3800] =	vst v63  }
0xd0: {  	s14 =	sadd.s32 @p1 $0x90, s13;
	s15 =	simm.s32 @p1 $0x3180  }
0xd1: {  	[tilespmem:s15], [sflag:$0x2] =	stream.linear.gather @p1 [hbm4b:s14+s26], $0x80, $0x38;
	[tilespmem:$0x3800] =	vst v63  }
0xd2: {  	s14 =	sadd.s32 @p1 $0xA0, s13;
	s15 =	simm.s32 @p1 $0x3280  }
0xd3: {  	[tilespmem:s15], [sflag:$0x2] =	stream.linear.gather @p1 [hbm4b:s14+s26], $0x80, $0x38;
	[tilespmem:$0x3800] =	vst v63  }
0xd4: {  	s14 =	sadd.s32 @p1 $0xB0, s13;
	s15 =	simm.s32 @p1 $0x3380  }
0xd5: {  	[tilespmem:s15], [sflag:$0x2] =	stream.linear.gather @p1 [hbm4b:s14+s26], $0x80, $0x38;
	[tilespmem:$0x3800] =	vst v63  }
0xd6: {  	s14 =	sadd.s32 @p1 $0xC0, s13;
	s15 =	simm.s32 @p1 $0x3480  }
0xd7: {  	[tilespmem:s15], [sflag:$0x2] =	stream.linear.gather @p1 [hbm4b:s14+s26], $0x80, $0x38;
	[tilespmem:$0x3800] =	vst v63  }
0xd8: {  	s14 =	sadd.s32 @p1 $0xD0, s13;
	s15 =	simm.s32 @p1 $0x3580  }
0xd9: {  	[tilespmem:s15], [sflag:$0x2] =	stream.linear.gather @p1 [hbm4b:s14+s26], $0x80, $0x38;
	[tilespmem:$0x3800] =	vst v63  }
0xda: {  	s14 =	sadd.s32 @p1 $0xE0, s13;
	s15 =	simm.s32 @p1 $0x3680  }
0xdb: {  	[tilespmem:s15], [sflag:$0x2] =	stream.linear.gather @p1 [hbm4b:s14+s26], $0x80, $0x38;
	[tilespmem:$0x3800] =	vst v63  }
0xdc: {  	s13 =	sadd.s32 @p1 $0xF0, s13;
	s14 =	simm.s32 @p1 $0x3780  }
0xdd: {  	[tilespmem:s14], [sflag:$0x2] =	stream.linear.gather @p1 [hbm4b:s13+s26], $0x80, $0x38;
	[tilespmem:$0x3800] =	vst v63  }
0xde: {  	s13 =	sshrl.u32 @p2 s1, $0x3  }
0xdf: {  	s14 =	simm.s32 @p2 $0x2880;
	s13 =	sadd.s32 @p2 s5, s13  }
0xe0: {  	[tilespmem:s14], [sflag:$0x2] =	stream.linear.gather @p2 [hbm4b:s13+s28], $0x80, $0x38;
	[tilespmem:$0x3800] =	vst v63  }
0xe1: {  	s15 =	simm.s32 @p2 $0x2980;
	s14 =	sadd.s32 @p2 $0x10, s13  }
0xe2: {  	[tilespmem:s15], [sflag:$0x2] =	stream.linear.gather @p2 [hbm4b:s14+s28], $0x80, $0x38;
	[tilespmem:$0x3800] =	vst v63  }
0xe3: {  	s14 =	sadd.s32 @p2 $0x20, s13;
	s15 =	simm.s32 @p2 $0x2A80  }
0xe4: {  	[tilespmem:s15], [sflag:$0x2] =	stream.linear.gather @p2 [hbm4b:s14+s28], $0x80, $0x38;
	[tilespmem:$0x3800] =	vst v63  }
0xe5: {  	s14 =	sadd.s32 @p2 $0x30, s13;
	s15 =	simm.s32 @p2 $0x2B80  }
0xe6: {  	[tilespmem:s15], [sflag:$0x2] =	stream.linear.gather @p2 [hbm4b:s14+s28], $0x80, $0x38;
	[tilespmem:$0x3800] =	vst v63  }
0xe7: {  	s14 =	sadd.s32 @p2 $0x40, s13;
	s15 =	simm.s32 @p2 $0x2C80  }
0xe8: {  	[tilespmem:s15], [sflag:$0x2] =	stream.linear.gather @p2 [hbm4b:s14+s28], $0x80, $0x38;
	[tilespmem:$0x3800] =	vst v63  }
0xe9: {  	s14 =	sadd.s32 @p2 $0x50, s13;
	s15 =	simm.s32 @p2 $0x2D80  }
0xea: {  	[tilespmem:s15], [sflag:$0x2] =	stream.linear.gather @p2 [hbm4b:s14+s28], $0x80, $0x38;
	[tilespmem:$0x3800] =	vst v63  }
0xeb: {  	s14 =	sadd.s32 @p2 $0x60, s13;
	s15 =	simm.s32 @p2 $0x2E80  }
0xec: {  	[tilespmem:s15], [sflag:$0x2] =	stream.linear.gather @p2 [hbm4b:s14+s28], $0x80, $0x38;
	[tilespmem:$0x3800] =	vst v63  }
0xed: {  	s14 =	sadd.s32 @p2 $0x70, s13;
	s15 =	simm.s32 @p2 $0x2F80  }
0xee: {  	[tilespmem:s15], [sflag:$0x2] =	stream.linear.gather @p2 [hbm4b:s14+s28], $0x80, $0x38;
	[tilespmem:$0x3800] =	vst v63  }
0xef: {  	s14 =	sadd.s32 @p2 $0x80, s13;
	s15 =	simm.s32 @p2 $0x3080  }
0xf0: {  	[tilespmem:s15], [sflag:$0x2] =	stream.linear.gather @p2 [hbm4b:s14+s28], $0x80, $0x38;
	[tilespmem:$0x3800] =	vst v63  }
0xf1: {  	s14 =	sadd.s32 @p2 $0x90, s13;
	s15 =	simm.s32 @p2 $0x3180  }
0xf2: {  	[tilespmem:s15], [sflag:$0x2] =	stream.linear.gather @p2 [hbm4b:s14+s28], $0x80, $0x38;
	[tilespmem:$0x3800] =	vst v63  }
0xf3: {  	s14 =	sadd.s32 @p2 $0xA0, s13;
	s15 =	simm.s32 @p2 $0x3280  }
0xf4: {  	[tilespmem:s15], [sflag:$0x2] =	stream.linear.gather @p2 [hbm4b:s14+s28], $0x80, $0x38;
	[tilespmem:$0x3800] =	vst v63  }
0xf5: {  	s14 =	sadd.s32 @p2 $0xB0, s13;
	s15 =	simm.s32 @p2 $0x3380  }
0xf6: {  	[tilespmem:s15], [sflag:$0x2] =	stream.linear.gather @p2 [hbm4b:s14+s28], $0x80, $0x38;
	[tilespmem:$0x3800] =	vst v63  }
0xf7: {  	s14 =	sadd.s32 @p2 $0xC0, s13;
	s15 =	simm.s32 @p2 $0x3480  }
0xf8: {  	[tilespmem:s15], [sflag:$0x2] =	stream.linear.gather @p2 [hbm4b:s14+s28], $0x80, $0x38;
	[tilespmem:$0x3800] =	vst v63  }
0xf9: {  	s14 =	sadd.s32 @p2 $0xD0, s13;
	s15 =	simm.s32 @p2 $0x3580  }
0xfa: {  	[tilespmem:s15], [sflag:$0x2] =	stream.linear.gather @p2 [hbm4b:s14+s28], $0x80, $0x38;
	[tilespmem:$0x3800] =	vst v63  }
0xfb: {  	s14 =	sadd.s32 @p2 $0xE0, s13;
	s15 =	simm.s32 @p2 $0x3680  }
0xfc: {  	[tilespmem:s15], [sflag:$0x2] =	stream.linear.gather @p2 [hbm4b:s14+s28], $0x80, $0x38;
	[tilespmem:$0x3800] =	vst v63  }
0xfd: {  	s1 =	sshrl.u32 @p3 s1, $0x3;
	s13 =	sadd.s32 @p2 $0xF0, s13;
	s14 =	simm.s32 @p2 $0x3780  }
0xfe: {  	[tilespmem:s14], [sflag:$0x2] =	stream.linear.gather @p2 [hbm4b:s13+s28], $0x80, $0x38;
	[tilespmem:$0x3800] =	vst v63  }
0xff: {  	s1 =	sadd.s32 @p3 s6, s1;
	s13 =	simm.s32 @p3 $0x2880  }
0x100: {  	[tilespmem:s13], [sflag:$0x2] =	stream.linear.gather @p3 [hbm4b:s1+s29], $0x80, $0x38;
	[tilespmem:$0x3800] =	vst v63  }
0x101: {  	s14 =	simm.s32 @p3 $0x2980;
	s13 =	sadd.s32 @p3 $0x10, s1  }
0x102: {  	[tilespmem:s14], [sflag:$0x2] =	stream.linear.gather @p3 [hbm4b:s13+s29], $0x80, $0x38;
	[tilespmem:$0x3800] =	vst v63  }
0x103: {  	s13 =	sadd.s32 @p3 $0x20, s1;
	s14 =	simm.s32 @p3 $0x2A80  }
0x104: {  	[tilespmem:s14], [sflag:$0x2] =	stream.linear.gather @p3 [hbm4b:s13+s29], $0x80, $0x38;
	[tilespmem:$0x3800] =	vst v63  }
0x105: {  	s13 =	sadd.s32 @p3 $0x30, s1;
	s14 =	simm.s32 @p3 $0x2B80  }
0x106: {  	[tilespmem:s14], [sflag:$0x2] =	stream.linear.gather @p3 [hbm4b:s13+s29], $0x80, $0x38;
	[tilespmem:$0x3800] =	vst v63  }
0x107: {  	s13 =	sadd.s32 @p3 $0x40, s1;
	s14 =	simm.s32 @p3 $0x2C80  }
0x108: {  	[tilespmem:s14], [sflag:$0x2] =	stream.linear.gather @p3 [hbm4b:s13+s29], $0x80, $0x38;
	[tilespmem:$0x3800] =	vst v63  }
0x109: {  	s13 =	sadd.s32 @p3 $0x50, s1;
	s14 =	simm.s32 @p3 $0x2D80  }
0x10a: {  	[tilespmem:s14], [sflag:$0x2] =	stream.linear.gather @p3 [hbm4b:s13+s29], $0x80, $0x38;
	[tilespmem:$0x3800] =	vst v63  }
0x10b: {  	s13 =	sadd.s32 @p3 $0x60, s1;
	s14 =	simm.s32 @p3 $0x2E80  }
0x10c: {  	[tilespmem:s14], [sflag:$0x2] =	stream.linear.gather @p3 [hbm4b:s13+s29], $0x80, $0x38;
	[tilespmem:$0x3800] =	vst v63  }
0x10d: {  	s13 =	sadd.s32 @p3 $0x70, s1;
	s14 =	simm.s32 @p3 $0x2F80  }
0x10e: {  	[tilespmem:s14], [sflag:$0x2] =	stream.linear.gather @p3 [hbm4b:s13+s29], $0x80, $0x38;
	[tilespmem:$0x3800] =	vst v63  }
0x10f: {  	s13 =	sadd.s32 @p3 $0x80, s1;
	s14 =	simm.s32 @p3 $0x3080  }
0x110: {  	[tilespmem:s14], [sflag:$0x2] =	stream.linear.gather @p3 [hbm4b:s13+s29], $0x80, $0x38;
	[tilespmem:$0x3800] =	vst v63  }
0x111: {  	s13 =	sadd.s32 @p3 $0x90, s1;
	s14 =	simm.s32 @p3 $0x3180  }
0x112: {  	[tilespmem:s14], [sflag:$0x2] =	stream.linear.gather @p3 [hbm4b:s13+s29], $0x80, $0x38;
	[tilespmem:$0x3800] =	vst v63  }
0x113: {  	s13 =	sadd.s32 @p3 $0xA0, s1;
	s14 =	simm.s32 @p3 $0x3280  }
0x114: {  	[tilespmem:s14], [sflag:$0x2] =	stream.linear.gather @p3 [hbm4b:s13+s29], $0x80, $0x38;
	[tilespmem:$0x3800] =	vst v63  }
0x115: {  	s13 =	sadd.s32 @p3 $0xB0, s1;
	s14 =	simm.s32 @p3 $0x3380  }
0x116: {  	[tilespmem:s14], [sflag:$0x2] =	stream.linear.gather @p3 [hbm4b:s13+s29], $0x80, $0x38;
	[tilespmem:$0x3800] =	vst v63  }
0x117: {  	s13 =	sadd.s32 @p3 $0xC0, s1;
	s14 =	simm.s32 @p3 $0x3480  }
0x118: {  	[tilespmem:s14], [sflag:$0x2] =	stream.linear.gather @p3 [hbm4b:s13+s29], $0x80, $0x38;
	[tilespmem:$0x3800] =	vst v63  }
0x119: {  	s13 =	sadd.s32 @p3 $0xD0, s1;
	s14 =	simm.s32 @p3 $0x3580  }
0x11a: {  	[tilespmem:s14], [sflag:$0x2] =	stream.linear.gather @p3 [hbm4b:s13+s29], $0x80, $0x38;
	[tilespmem:$0x3800] =	vst v63  }
0x11b: {  	s13 =	sadd.s32 @p3 $0xE0, s1;
	s14 =	simm.s32 @p3 $0x3680  }
0x11c: {  	[tilespmem:s14], [sflag:$0x2] =	stream.linear.gather @p3 [hbm4b:s13+s29], $0x80, $0x38;
	[tilespmem:$0x3800] =	vst v63  }
0x11d: {  	s1 =	sadd.s32 @p3 $0xF0, s1;
	s13 =	simm.s32 @p3 $0x3780  }
0x11e: {  	[tilespmem:s13], [sflag:$0x2] =	stream.linear.gather @p3 [hbm4b:s1+s29], $0x80, $0x38;
	[tilespmem:$0x3800] =	vst v63  }
0x11f: {  	s14 =	sand.u32 $0xF00, s30;
	s13 =	sand.u32 $0x70, s30  }
0x120: {  	s13 =	sor.u32 s13, s14  }
0x121: {  	v2 =	vld [tilespmem:s13+$0x2800];
	_ =	sdelay $0x5  }
0x122: {  	s15 =	simm.s32 $0x10;
	s1 =	simm.s32 $0x20  }
0x123: {  	s14 =	sand.u32 $0x70, s15;
	s15 =	sand.u32 $0xF00, s1;
	s13 =	simm.s32 $0x20  }
.LBB2_5:
0x124: {  	p4 =	sne.s32 s13, $0x7F0;
	s14 =	sor.u32 s14, s15;
	[tilespmem:v2+s2+$0x0] =	vst.idx.add.f32.msk $0xffff, v1  }
0x125: {  	v2 =	vld [tilespmem:s14+$0x2800];
	_ =	sdelay $0x2  }
.Ltmp1:
0x126: {  	(pc) =	sbr.rel @p4 .LBB2_5-.Ltmp1, $3  }
0x127: {  	_ =	sdelay $0x1  }
0x128: {  	s1 =	sadd.s32 $0x20, s1  }
0x129: {  	s14 =	sand.u32 $0x70, s13;
	s15 =	sand.u32 $0xF00, s1;
	s13 =	sadd.s32 $0x10, s13  }
0x12a: {  	_ =	sdelay $0x3  }
0x12b: {  	s1 =	sor.u32 s14, s15;
	[tilespmem:v2+s2+$0x0] =	vst.idx.add.f32.msk $0xffff, v1  }
0x12c: {  	v2 =	vld [tilespmem:s1+$0x2800];
	_ =	sdelay $0x5  }
0x12d: {  	p4 =	seq.s32 s31, $0x9  }
.Ltmp2:
0x12e: {  	_ = 	snop;
	(pc) =	sbr.rel @p4 .LBB2_8-.Ltmp2, $4  }
0x12f: {  	[tilespmem:v2+s2+$0x0] =	vst.idx.add.f32.msk $0xffff, v1  }
0x130: {  	_ =	swait.ge [sflag:s22], $0x800  }
0x131: {  	[sflag:s22] =	ssyncset.done $0x0  }
0x132: {  	[sflag:s22] =	ssyncadd.s32 $0xFFFFF800  }
0x133: {  	s0 =	sadd.s32 s0, s12  }
0x134: {  	s1 =	sshrl.u32 @p0 s0, $0x3  }
0x135: {  	s13 =	simm.s32 @p0 $0x0;
	s14 =	simm.s32 @p0 $0x2800;
	s1 =	sadd.s32 @p0 s3, s1  }
0x136: {  	[tilespmem:s14], [sflag:$0x1] =	stream.linear.gather @p0 [hbm4b:s1+s13], $0x80, $0x38;
	[tilespmem:$0x3800] =	vst v63  }
0x137: {  	s15 =	simm.s32 @p0 $0x2900;
	s14 =	sadd.s32 @p0 $0x10, s1  }
0x138: {  	[tilespmem:s15], [sflag:$0x1] =	stream.linear.gather @p0 [hbm4b:s14+s13], $0x80, $0x38;
	[tilespmem:$0x3800] =	vst v63  }
0x139: {  	s14 =	sadd.s32 @p0 $0x20, s1;
	s15 =	simm.s32 @p0 $0x2A00  }
0x13a: {  	[tilespmem:s15], [sflag:$0x1] =	stream.linear.gather @p0 [hbm4b:s14+s13], $0x80, $0x38;
	[tilespmem:$0x3800] =	vst v63  }
0x13b: {  	s14 =	sadd.s32 @p0 $0x30, s1;
	s15 =	simm.s32 @p0 $0x2B00  }
0x13c: {  	[tilespmem:s15], [sflag:$0x1] =	stream.linear.gather @p0 [hbm4b:s14+s13], $0x80, $0x38;
	[tilespmem:$0x3800] =	vst v63  }
0x13d: {  	s14 =	sadd.s32 @p0 $0x40, s1;
	s15 =	simm.s32 @p0 $0x2C00  }
0x13e: {  	[tilespmem:s15], [sflag:$0x1] =	stream.linear.gather @p0 [hbm4b:s14+s13], $0x80, $0x38;
	[tilespmem:$0x3800] =	vst v63  }
0x13f: {  	s14 =	sadd.s32 @p0 $0x50, s1;
	s15 =	simm.s32 @p0 $0x2D00  }
0x140: {  	[tilespmem:s15], [sflag:$0x1] =	stream.linear.gather @p0 [hbm4b:s14+s13], $0x80, $0x38;
	[tilespmem:$0x3800] =	vst v63  }
0x141: {  	s14 =	sadd.s32 @p0 $0x60, s1;
	s15 =	simm.s32 @p0 $0x2E00  }
0x142: {  	[tilespmem:s15], [sflag:$0x1] =	stream.linear.gather @p0 [hbm4b:s14+s13], $0x80, $0x38;
	[tilespmem:$0x3800] =	vst v63  }
0x143: {  	s14 =	sadd.s32 @p0 $0x70, s1;
	s15 =	simm.s32 @p0 $0x2F00  }
0x144: {  	[tilespmem:s15], [sflag:$0x1] =	stream.linear.gather @p0 [hbm4b:s14+s13], $0x80, $0x38;
	[tilespmem:$0x3800] =	vst v63  }
0x145: {  	s14 =	sadd.s32 @p0 $0x80, s1;
	s15 =	simm.s32 @p0 $0x3000  }
0x146: {  	[tilespmem:s15], [sflag:$0x1] =	stream.linear.gather @p0 [hbm4b:s14+s13], $0x80, $0x38;
	[tilespmem:$0x3800] =	vst v63  }
0x147: {  	s14 =	sadd.s32 @p0 $0x90, s1;
	s15 =	simm.s32 @p0 $0x3100  }
0x148: {  	[tilespmem:s15], [sflag:$0x1] =	stream.linear.gather @p0 [hbm4b:s14+s13], $0x80, $0x38;
	[tilespmem:$0x3800] =	vst v63  }
0x149: {  	s14 =	sadd.s32 @p0 $0xA0, s1;
	s15 =	simm.s32 @p0 $0x3200  }
0x14a: {  	[tilespmem:s15], [sflag:$0x1] =	stream.linear.gather @p0 [hbm4b:s14+s13], $0x80, $0x38;
	[tilespmem:$0x3800] =	vst v63  }
0x14b: {  	s14 =	sadd.s32 @p0 $0xB0, s1;
	s15 =	simm.s32 @p0 $0x3300  }
0x14c: {  	[tilespmem:s15], [sflag:$0x1] =	stream.linear.gather @p0 [hbm4b:s14+s13], $0x80, $0x38;
	[tilespmem:$0x3800] =	vst v63  }
0x14d: {  	s14 =	sadd.s32 @p0 $0xC0, s1;
	s15 =	simm.s32 @p0 $0x3400  }
0x14e: {  	[tilespmem:s15], [sflag:$0x1] =	stream.linear.gather @p0 [hbm4b:s14+s13], $0x80, $0x38;
	[tilespmem:$0x3800] =	vst v63  }
0x14f: {  	s14 =	sadd.s32 @p0 $0xD0, s1;
	s15 =	simm.s32 @p0 $0x3500  }
0x150: {  	[tilespmem:s15], [sflag:$0x1] =	stream.linear.gather @p0 [hbm4b:s14+s13], $0x80, $0x38;
	[tilespmem:$0x3800] =	vst v63  }
0x151: {  	s14 =	sadd.s32 @p0 $0xE0, s1;
	s15 =	simm.s32 @p0 $0x3600  }
0x152: {  	[tilespmem:s15], [sflag:$0x1] =	stream.linear.gather @p0 [hbm4b:s14+s13], $0x80, $0x38;
	[tilespmem:$0x3800] =	vst v63  }
0x153: {  	s1 =	sadd.s32 @p0 $0xF0, s1;
	s14 =	simm.s32 @p0 $0x3700  }
0x154: {  	[tilespmem:s14], [sflag:$0x1] =	stream.linear.gather @p0 [hbm4b:s1+s13], $0x80, $0x38;
	[tilespmem:$0x3800] =	vst v63  }
0x155: {  	s1 =	sshrl.u32 @p1 s0, $0x3  }
0x156: {  	s13 =	simm.s32 @p1 $0x0;
	s14 =	simm.s32 @p1 $0x2800;
	s1 =	sadd.s32 @p1 s4, s1  }
0x157: {  	[tilespmem:s14], [sflag:$0x1] =	stream.linear.gather @p1 [hbm4b:s1+s13], $0x80, $0x38;
	[tilespmem:$0x3800] =	vst v63  }
0x158: {  	s15 =	simm.s32 @p1 $0x2900;
	s14 =	sadd.s32 @p1 $0x10, s1  }
0x159: {  	[tilespmem:s15], [sflag:$0x1] =	stream.linear.gather @p1 [hbm4b:s14+s13], $0x80, $0x38;
	[tilespmem:$0x3800] =	vst v63  }
0x15a: {  	s14 =	sadd.s32 @p1 $0x20, s1;
	s15 =	simm.s32 @p1 $0x2A00  }
0x15b: {  	[tilespmem:s15], [sflag:$0x1] =	stream.linear.gather @p1 [hbm4b:s14+s13], $0x80, $0x38;
	[tilespmem:$0x3800] =	vst v63  }
0x15c: {  	s14 =	sadd.s32 @p1 $0x30, s1;
	s15 =	simm.s32 @p1 $0x2B00  }
0x15d: {  	[tilespmem:s15], [sflag:$0x1] =	stream.linear.gather @p1 [hbm4b:s14+s13], $0x80, $0x38;
	[tilespmem:$0x3800] =	vst v63  }
0x15e: {  	s14 =	sadd.s32 @p1 $0x40, s1;
	s15 =	simm.s32 @p1 $0x2C00  }
0x15f: {  	[tilespmem:s15], [sflag:$0x1] =	stream.linear.gather @p1 [hbm4b:s14+s13], $0x80, $0x38;
	[tilespmem:$0x3800] =	vst v63  }
0x160: {  	s14 =	sadd.s32 @p1 $0x50, s1;
	s15 =	simm.s32 @p1 $0x2D00  }
0x161: {  	[tilespmem:s15], [sflag:$0x1] =	stream.linear.gather @p1 [hbm4b:s14+s13], $0x80, $0x38;
	[tilespmem:$0x3800] =	vst v63  }
0x162: {  	s14 =	sadd.s32 @p1 $0x60, s1;
	s15 =	simm.s32 @p1 $0x2E00  }
0x163: {  	[tilespmem:s15], [sflag:$0x1] =	stream.linear.gather @p1 [hbm4b:s14+s13], $0x80, $0x38;
	[tilespmem:$0x3800] =	vst v63  }
0x164: {  	s14 =	sadd.s32 @p1 $0x70, s1;
	s15 =	simm.s32 @p1 $0x2F00  }
0x165: {  	[tilespmem:s15], [sflag:$0x1] =	stream.linear.gather @p1 [hbm4b:s14+s13], $0x80, $0x38;
	[tilespmem:$0x3800] =	vst v63  }
0x166: {  	s14 =	sadd.s32 @p1 $0x80, s1;
	s15 =	simm.s32 @p1 $0x3000  }
0x167: {  	[tilespmem:s15], [sflag:$0x1] =	stream.linear.gather @p1 [hbm4b:s14+s13], $0x80, $0x38;
	[tilespmem:$0x3800] =	vst v63  }
0x168: {  	s14 =	sadd.s32 @p1 $0x90, s1;
	s15 =	simm.s32 @p1 $0x3100  }
0x169: {  	[tilespmem:s15], [sflag:$0x1] =	stream.linear.gather @p1 [hbm4b:s14+s13], $0x80, $0x38;
	[tilespmem:$0x3800] =	vst v63  }
0x16a: {  	s14 =	sadd.s32 @p1 $0xA0, s1;
	s15 =	simm.s32 @p1 $0x3200  }
0x16b: {  	[tilespmem:s15], [sflag:$0x1] =	stream.linear.gather @p1 [hbm4b:s14+s13], $0x80, $0x38;
	[tilespmem:$0x3800] =	vst v63  }
0x16c: {  	s14 =	sadd.s32 @p1 $0xB0, s1;
	s15 =	simm.s32 @p1 $0x3300  }
0x16d: {  	[tilespmem:s15], [sflag:$0x1] =	stream.linear.gather @p1 [hbm4b:s14+s13], $0x80, $0x38;
	[tilespmem:$0x3800] =	vst v63  }
0x16e: {  	s14 =	sadd.s32 @p1 $0xC0, s1;
	s15 =	simm.s32 @p1 $0x3400  }
0x16f: {  	[tilespmem:s15], [sflag:$0x1] =	stream.linear.gather @p1 [hbm4b:s14+s13], $0x80, $0x38;
	[tilespmem:$0x3800] =	vst v63  }
0x170: {  	s14 =	sadd.s32 @p1 $0xD0, s1;
	s15 =	simm.s32 @p1 $0x3500  }
0x171: {  	[tilespmem:s15], [sflag:$0x1] =	stream.linear.gather @p1 [hbm4b:s14+s13], $0x80, $0x38;
	[tilespmem:$0x3800] =	vst v63  }
0x172: {  	s14 =	sadd.s32 @p1 $0xE0, s1;
	s15 =	simm.s32 @p1 $0x3600  }
0x173: {  	[tilespmem:s15], [sflag:$0x1] =	stream.linear.gather @p1 [hbm4b:s14+s13], $0x80, $0x38;
	[tilespmem:$0x3800] =	vst v63  }
0x174: {  	s1 =	sadd.s32 @p1 $0xF0, s1;
	s14 =	simm.s32 @p1 $0x3700  }
0x175: {  	[tilespmem:s14], [sflag:$0x1] =	stream.linear.gather @p1 [hbm4b:s1+s13], $0x80, $0x38;
	[tilespmem:$0x3800] =	vst v63  }
0x176: {  	s1 =	sshrl.u32 @p2 s0, $0x3  }
0x177: {  	s13 =	simm.s32 @p2 $0x0;
	s14 =	simm.s32 @p2 $0x2800;
	s1 =	sadd.s32 @p2 s5, s1  }
0x178: {  	[tilespmem:s14], [sflag:$0x1] =	stream.linear.gather @p2 [hbm4b:s1+s13], $0x80, $0x38;
	[tilespmem:$0x3800] =	vst v63  }
0x179: {  	s15 =	simm.s32 @p2 $0x2900;
	s14 =	sadd.s32 @p2 $0x10, s1  }
0x17a: {  	[tilespmem:s15], [sflag:$0x1] =	stream.linear.gather @p2 [hbm4b:s14+s13], $0x80, $0x38;
	[tilespmem:$0x3800] =	vst v63  }
0x17b: {  	s14 =	sadd.s32 @p2 $0x20, s1;
	s15 =	simm.s32 @p2 $0x2A00  }
0x17c: {  	[tilespmem:s15], [sflag:$0x1] =	stream.linear.gather @p2 [hbm4b:s14+s13], $0x80, $0x38;
	[tilespmem:$0x3800] =	vst v63  }
0x17d: {  	s14 =	sadd.s32 @p2 $0x30, s1;
	s15 =	simm.s32 @p2 $0x2B00  }
0x17e: {  	[tilespmem:s15], [sflag:$0x1] =	stream.linear.gather @p2 [hbm4b:s14+s13], $0x80, $0x38;
	[tilespmem:$0x3800] =	vst v63  }
0x17f: {  	s14 =	sadd.s32 @p2 $0x40, s1;
	s15 =	simm.s32 @p2 $0x2C00  }
0x180: {  	[tilespmem:s15], [sflag:$0x1] =	stream.linear.gather @p2 [hbm4b:s14+s13], $0x80, $0x38;
	[tilespmem:$0x3800] =	vst v63  }
0x181: {  	s14 =	sadd.s32 @p2 $0x50, s1;
	s15 =	simm.s32 @p2 $0x2D00  }
0x182: {  	[tilespmem:s15], [sflag:$0x1] =	stream.linear.gather @p2 [hbm4b:s14+s13], $0x80, $0x38;
	[tilespmem:$0x3800] =	vst v63  }
0x183: {  	s14 =	sadd.s32 @p2 $0x60, s1;
	s15 =	simm.s32 @p2 $0x2E00  }
0x184: {  	[tilespmem:s15], [sflag:$0x1] =	stream.linear.gather @p2 [hbm4b:s14+s13], $0x80, $0x38;
	[tilespmem:$0x3800] =	vst v63  }
0x185: {  	s14 =	sadd.s32 @p2 $0x70, s1;
	s15 =	simm.s32 @p2 $0x2F00  }
0x186: {  	[tilespmem:s15], [sflag:$0x1] =	stream.linear.gather @p2 [hbm4b:s14+s13], $0x80, $0x38;
	[tilespmem:$0x3800] =	vst v63  }
0x187: {  	s14 =	sadd.s32 @p2 $0x80, s1;
	s15 =	simm.s32 @p2 $0x3000  }
0x188: {  	[tilespmem:s15], [sflag:$0x1] =	stream.linear.gather @p2 [hbm4b:s14+s13], $0x80, $0x38;
	[tilespmem:$0x3800] =	vst v63  }
0x189: {  	s14 =	sadd.s32 @p2 $0x90, s1;
	s15 =	simm.s32 @p2 $0x3100  }
0x18a: {  	[tilespmem:s15], [sflag:$0x1] =	stream.linear.gather @p2 [hbm4b:s14+s13], $0x80, $0x38;
	[tilespmem:$0x3800] =	vst v63  }
0x18b: {  	s14 =	sadd.s32 @p2 $0xA0, s1;
	s15 =	simm.s32 @p2 $0x3200  }
0x18c: {  	[tilespmem:s15], [sflag:$0x1] =	stream.linear.gather @p2 [hbm4b:s14+s13], $0x80, $0x38;
	[tilespmem:$0x3800] =	vst v63  }
0x18d: {  	s14 =	sadd.s32 @p2 $0xB0, s1;
	s15 =	simm.s32 @p2 $0x3300  }
0x18e: {  	[tilespmem:s15], [sflag:$0x1] =	stream.linear.gather @p2 [hbm4b:s14+s13], $0x80, $0x38;
	[tilespmem:$0x3800] =	vst v63  }
0x18f: {  	s14 =	sadd.s32 @p2 $0xC0, s1;
	s15 =	simm.s32 @p2 $0x3400  }
0x190: {  	[tilespmem:s15], [sflag:$0x1] =	stream.linear.gather @p2 [hbm4b:s14+s13], $0x80, $0x38;
	[tilespmem:$0x3800] =	vst v63  }
0x191: {  	s14 =	sadd.s32 @p2 $0xD0, s1;
	s15 =	simm.s32 @p2 $0x3500  }
0x192: {  	[tilespmem:s15], [sflag:$0x1] =	stream.linear.gather @p2 [hbm4b:s14+s13], $0x80, $0x38;
	[tilespmem:$0x3800] =	vst v63  }
0x193: {  	s14 =	sadd.s32 @p2 $0xE0, s1;
	s15 =	simm.s32 @p2 $0x3600  }
0x194: {  	[tilespmem:s15], [sflag:$0x1] =	stream.linear.gather @p2 [hbm4b:s14+s13], $0x80, $0x38;
	[tilespmem:$0x3800] =	vst v63  }
0x195: {  	s0 =	sshrl.u32 @p3 s0, $0x3;
	s1 =	sadd.s32 @p2 $0xF0, s1;
	s14 =	simm.s32 @p2 $0x3700  }
0x196: {  	[tilespmem:s14], [sflag:$0x1] =	stream.linear.gather @p2 [hbm4b:s1+s13], $0x80, $0x38;
	[tilespmem:$0x3800] =	vst v63  }
0x197: {  	s0 =	sadd.s32 @p3 s6, s0;
	s1 =	simm.s32 @p3 $0x0;
	s13 =	simm.s32 @p3 $0x2800  }
0x198: {  	[tilespmem:s13], [sflag:$0x1] =	stream.linear.gather @p3 [hbm4b:s0+s1], $0x80, $0x38;
	[tilespmem:$0x3800] =	vst v63  }
0x199: {  	s14 =	simm.s32 @p3 $0x2900;
	s13 =	sadd.s32 @p3 $0x10, s0  }
0x19a: {  	[tilespmem:s14], [sflag:$0x1] =	stream.linear.gather @p3 [hbm4b:s13+s1], $0x80, $0x38;
	[tilespmem:$0x3800] =	vst v63  }
0x19b: {  	s13 =	sadd.s32 @p3 $0x20, s0;
	s14 =	simm.s32 @p3 $0x2A00  }
0x19c: {  	[tilespmem:s14], [sflag:$0x1] =	stream.linear.gather @p3 [hbm4b:s13+s1], $0x80, $0x38;
	[tilespmem:$0x3800] =	vst v63  }
0x19d: {  	s13 =	sadd.s32 @p3 $0x30, s0;
	s14 =	simm.s32 @p3 $0x2B00  }
0x19e: {  	[tilespmem:s14], [sflag:$0x1] =	stream.linear.gather @p3 [hbm4b:s13+s1], $0x80, $0x38;
	[tilespmem:$0x3800] =	vst v63  }
0x19f: {  	s13 =	sadd.s32 @p3 $0x40, s0;
	s14 =	simm.s32 @p3 $0x2C00  }
0x1a0: {  	[tilespmem:s14], [sflag:$0x1] =	stream.linear.gather @p3 [hbm4b:s13+s1], $0x80, $0x38;
	[tilespmem:$0x3800] =	vst v63  }
0x1a1: {  	s13 =	sadd.s32 @p3 $0x50, s0;
	s14 =	simm.s32 @p3 $0x2D00  }
0x1a2: {  	[tilespmem:s14], [sflag:$0x1] =	stream.linear.gather @p3 [hbm4b:s13+s1], $0x80, $0x38;
	[tilespmem:$0x3800] =	vst v63  }
0x1a3: {  	s13 =	sadd.s32 @p3 $0x60, s0;
	s14 =	simm.s32 @p3 $0x2E00  }
0x1a4: {  	[tilespmem:s14], [sflag:$0x1] =	stream.linear.gather @p3 [hbm4b:s13+s1], $0x80, $0x38;
	[tilespmem:$0x3800] =	vst v63  }
0x1a5: {  	s13 =	sadd.s32 @p3 $0x70, s0;
	s14 =	simm.s32 @p3 $0x2F00  }
0x1a6: {  	[tilespmem:s14], [sflag:$0x1] =	stream.linear.gather @p3 [hbm4b:s13+s1], $0x80, $0x38;
	[tilespmem:$0x3800] =	vst v63  }
0x1a7: {  	s13 =	sadd.s32 @p3 $0x80, s0;
	s14 =	simm.s32 @p3 $0x3000  }
0x1a8: {  	[tilespmem:s14], [sflag:$0x1] =	stream.linear.gather @p3 [hbm4b:s13+s1], $0x80, $0x38;
	[tilespmem:$0x3800] =	vst v63  }
0x1a9: {  	s13 =	sadd.s32 @p3 $0x90, s0;
	s14 =	simm.s32 @p3 $0x3100  }
0x1aa: {  	[tilespmem:s14], [sflag:$0x1] =	stream.linear.gather @p3 [hbm4b:s13+s1], $0x80, $0x38;
	[tilespmem:$0x3800] =	vst v63  }
0x1ab: {  	s13 =	sadd.s32 @p3 $0xA0, s0;
	s14 =	simm.s32 @p3 $0x3200  }
0x1ac: {  	[tilespmem:s14], [sflag:$0x1] =	stream.linear.gather @p3 [hbm4b:s13+s1], $0x80, $0x38;
	[tilespmem:$0x3800] =	vst v63  }
0x1ad: {  	s13 =	sadd.s32 @p3 $0xB0, s0;
	s14 =	simm.s32 @p3 $0x3300  }
0x1ae: {  	[tilespmem:s14], [sflag:$0x1] =	stream.linear.gather @p3 [hbm4b:s13+s1], $0x80, $0x38;
	[tilespmem:$0x3800] =	vst v63  }
0x1af: {  	s13 =	sadd.s32 @p3 $0xC0, s0;
	s14 =	simm.s32 @p3 $0x3400  }
0x1b0: {  	[tilespmem:s14], [sflag:$0x1] =	stream.linear.gather @p3 [hbm4b:s13+s1], $0x80, $0x38;
	[tilespmem:$0x3800] =	vst v63  }
0x1b1: {  	s13 =	sadd.s32 @p3 $0xD0, s0;
	s14 =	simm.s32 @p3 $0x3500  }
0x1b2: {  	[tilespmem:s14], [sflag:$0x1] =	stream.linear.gather @p3 [hbm4b:s13+s1], $0x80, $0x38;
	[tilespmem:$0x3800] =	vst v63  }
0x1b3: {  	s13 =	sadd.s32 @p3 $0xE0, s0;
	s14 =	simm.s32 @p3 $0x3600  }
0x1b4: {  	[tilespmem:s14], [sflag:$0x1] =	stream.linear.gather @p3 [hbm4b:s13+s1], $0x80, $0x38;
	[tilespmem:$0x3800] =	vst v63  }
0x1b5: {  	s0 =	sadd.s32 @p3 $0xF0, s0;
	s13 =	simm.s32 @p3 $0x3700  }
0x1b6: {  	[tilespmem:s13], [sflag:$0x1] =	stream.linear.gather @p3 [hbm4b:s0+s1], $0x80, $0x38;
	[tilespmem:$0x3800] =	vst v63  }
.LBB2_8:
0x1b7: {  	s0 =	simm.s32 $0x0  }
0x1b8: {  	s1 =	sand.u32 $0x70, s0;
	s0 =	sand.u32 $0xF00, s0  }
0x1b9: {  	s1 =	sor.u32 s1, s0  }
0x1ba: {  	v2 =	vld [tilespmem:s1+$0x2880];
	_ =	sdelay $0x5  }
0x1bb: {  	s13 =	simm.s32 $0x10;
	s0 =	simm.s32 $0x20  }
0x1bc: {  	s13 =	sand.u32 $0x70, s13;
	s14 =	sand.u32 $0xF00, s0;
	s1 =	simm.s32 $0x20  }
.LBB2_9:
0x1bd: {  	p4 =	sne.s32 s1, $0x7F0;
	s13 =	sor.u32 s13, s14;
	[tilespmem:v2+s2+$0x0] =	vst.idx.add.f32.msk $0xffff, v1  }
0x1be: {  	v2 =	vld [tilespmem:s13+$0x2880];
	_ =	sdelay $0x2  }
.Ltmp3:
0x1bf: {  	(pc) =	sbr.rel @p4 .LBB2_9-.Ltmp3, $3  }
0x1c0: {  	_ =	sdelay $0x1  }
0x1c1: {  	s0 =	sadd.s32 $0x20, s0  }
0x1c2: {  	s13 =	sand.u32 $0x70, s1;
	s14 =	sand.u32 $0xF00, s0;
	s1 =	sadd.s32 $0x10, s1  }
0x1c3: {  	_ =	sdelay $0x3  }
0x1c4: {  	s0 =	sor.u32 s13, s14;
	[tilespmem:v2+s2+$0x0] =	vst.idx.add.f32.msk $0xffff, v1  }
0x1c5: {  	v2 =	vld [tilespmem:s0+$0x2880];
	_ =	sdelay $0x1  }
0x1c6: {  	s31 =	sadd.s32 $0x1, s31  }
0x1c7: {  	p4 =	sne.s32 s31, $0xA  }
.Ltmp4:
0x1c8: {  	_ = 	snop;
	(pc) =	sbr.rel @p4 .LBB2_4-.Ltmp4, $2  }
0x1c9: {  	_ =	sdelay $0x2  }
0x1ca: {  	[tilespmem:v2+s2+$0x0] =	vst.idx.add.f32.msk $0xffff, v1  }
0x1cb: {  	s0 =	rddreg [dreg:$0x2]  }
0x1cc: {  	[hbm4b:s0+s2] =	stream.linear.scatter [tilespmem:s2], [sflag:$0x3], $0x2800, $0x38;
	[tilespmem:$0x3800] =	vst v63  }
0x1cd: {  	_ =	swait.ge [sflag:s23], $0x2800  }
0x1ce: {  	s24 =	sadd.s32 $0x1, s24;
	s31 =	rddreg [dreg:$0x3]  }
0x1cf: {  	p4 =	sne.s32 s24, s31  }
.Ltmp5:
0x1d0: {  	_ = 	snop;
	(pc) =	sbr.rel @p4 .LBB2_1-.Ltmp5, $3  }
0x1d1: {  	_ =	sdelay $0x1  }
0x1d2: {  	[sflag:s23] =	ssyncset.done $0x0  }
0x1d3: {  	[sflag:s23] =	ssyncadd.s32 $0xFFFFD800  }
0x1d4: {  	_ =	sfence.sel $0x180000  }
0x1d5: {  	[bflag:$0x0] =	sbarrier.arrive $0xFFFF  }
0x1d6: {  	_ =	strace $0x90000047  }
0x1d7: {  	s0 =	stileid.u32;
	[bflag:$0x2] =	sbarrier.arrive $0xFFFF  }
0x1d8: {  	p0 =	sne.s32 s0, $0x0;
	s0 =	rddreg [dreg:$0x1]  }
0x1d9: {  	s0 =	sadd.s32 @!p0 $0x100000, s0  }
0x1da: {  	[sflag:s0] =	ssyncadd.tile.s32 @!p0 $0x1;
	_ =	shalt  }
.Lfunc_end2:
_tile_overlayer_lowered:
.L_overlay_start_2:
0x1db: {  	(tag) =	ssettag $0x2  }
0x1dc: {  	s0 =	rddreg [dreg:$0x0];
	s2 =	stileid.u32  }
0x1dd: {  	s1 =	rddreg [dreg:$0x1];
	p0 =	sne.s32 s2, $0x0  }
0x1de: {  	s3 =	rddreg [dreg:$0x2];
	[bflag:$0x3] =	sbarrier.arrive $0xFFFF;
	s2 =	simm.s32 @!p0 $0x1C03  }
0x1df: {  	[timem:s3], [sflag:s2] =	dma.local @!p0 [hbm:s0], s1  }
0x1e0: {  	s0 =	simm.s32 @!p0 $0x3  }
0x1e1: {  	_ =	swait.ge @!p0 [sflag:s0], s1  }
0x1e2: {  	s1 =	ssub.s32 @!p0 $0x0, s1;
	[sflag:s0] =	ssyncset.done @!p0 $0x0  }
0x1e3: {  	[sflag:s0] =	ssyncadd.s32 @!p0 s1  }
0x1e4: {  	[bflag:$0x3] =	sbarrier.arrive $0xFFFF  }
0x1e5: {  	_ =	shalt  }

</sc_bundles>
